<compile_context>
chip_gen: v7x
topology: tpu7x:2x2x1
jax: 0.10.2.dev20260603
libtpu: 0.0.44.dev20260713+nightly
codegen_flags: <defaults>
</compile_context>

<pallas_src>
import functools

import jax
import jax.numpy as jnp
from jax import lax
from jax.experimental import pallas as pl
from jax.experimental.pallas import tpu as pltpu
from jax.experimental.pallas import tpu_sc as plsc

N = 10000
E = 320000
D_IN = 128
D_H = 256
D_OUT = 128
DHALF = D_H // 2

NS = 16
NC = 2
B = 128
CH = 16
NCH = 10
NB = CH * NCH
E_PAD = NS * NB * B
ACC_N = 10240
ROWS_PER_TILE = ACC_N // NS

_mesh = plsc.VectorSubcoreMesh(core_axis_name="c", subcore_axis_name="s")


def _deg_body(dst4, ones128, zeros, out, didx, ones_v, acc, semd):
    c = lax.axis_index("c")
    sid = lax.axis_index("s")
    sl = pl.ds(sid * ROWS_PER_TILE, ROWS_PER_TILE)
    pltpu.sync_copy(zeros, acc.at[sl])
    pltpu.sync_copy(ones128, ones_v)
    plsc.subcore_barrier()

    def chunk(ch, carry):
        pltpu.sync_copy(dst4.at[sid, ch], didx)

        def fire(j, carry2):
            pltpu.async_copy(ones_v, acc.at[didx.at[j]], semd, add=True)
            return carry2

        lax.fori_loop(0, CH, fire, 0)

        def drain(j, carry2):
            pltpu.make_async_copy(ones_v, acc.at[didx.at[0]], semd).wait()
            return carry2

        return lax.fori_loop(0, CH, drain, carry)

    half = NCH // 2
    lax.fori_loop(c * half, (c + 1) * half, chunk, 0)
    plsc.subcore_barrier()
    pltpu.sync_copy(acc.at[sl], out.at[c, sl])


_deg_kernel = pl.kernel(
    _deg_body,
    out_type=jax.ShapeDtypeStruct((NC, ACC_N, DHALF), jnp.float32),
    mesh=_mesh,
    scratch_types=[
        pltpu.VMEM((CH, B), jnp.int32),
        pltpu.VMEM((B, DHALF), jnp.float32),
        pltpu.VMEM_SHARED((ACC_N, DHALF), jnp.float32),
        pltpu.SemaphoreType.DMA,
    ],
)


def _agg_body(
    src4, dst4, hlo, hhi, zeros, out,
    sidx, didx, rows0, rows1, acc, semg0, semg1, sems0, sems1,
):
    c = lax.axis_index("c")
    sid = lax.axis_index("s")
    sl = pl.ds(sid * ROWS_PER_TILE, ROWS_PER_TILE)
    pltpu.sync_copy(zeros, acc.at[sl])
    plsc.subcore_barrier()

    def run(h_ref):
        def g_wait(buf, semg):
            pltpu.make_async_copy(h_ref.at[sidx.at[0]], buf, semg).wait()

        def s_wait(buf, sems):
            pltpu.make_async_copy(buf, acc.at[didx.at[0]], sems).wait()

        def chunk(ch, carry):
            pltpu.sync_copy(src4.at[sid, ch], sidx)
            pltpu.sync_copy(dst4.at[sid, ch], didx)
            pltpu.async_copy(h_ref.at[sidx.at[0]], rows0, semg0)

            def pair(k, carry2):
                j0 = 2 * k
                j1 = j0 + 1
                g_wait(rows0, semg0)
                pltpu.async_copy(rows0, acc.at[didx.at[j0]], sems0, add=True)
                pl.when(k > 0)(lambda: s_wait(rows1, sems1))
                pltpu.async_copy(h_ref.at[sidx.at[j1]], rows1, semg1)
                g_wait(rows1, semg1)
                pltpu.async_copy(rows1, acc.at[didx.at[j1]], sems1, add=True)
                s_wait(rows0, sems0)

                @pl.when(k < CH // 2 - 1)
                def _():
                    pltpu.async_copy(h_ref.at[sidx.at[j0 + 2]], rows0, semg0)

                return carry2

            out_c = lax.fori_loop(0, CH // 2, pair, carry)
            s_wait(rows1, sems1)
            return out_c

        lax.fori_loop(0, NCH, chunk, 0)

    pl.when(c == 0)(lambda: run(hlo))
    pl.when(c == 1)(lambda: run(hhi))
    plsc.subcore_barrier()
    pltpu.sync_copy(acc.at[sl], out.at[c, sl])


_agg_kernel = pl.kernel(
    _agg_body,
    out_type=jax.ShapeDtypeStruct((NC, ACC_N, DHALF), jnp.float32),
    mesh=_mesh,
    scratch_types=[
        pltpu.VMEM((CH, B), jnp.int32),
        pltpu.VMEM((CH, B), jnp.int32),
        pltpu.VMEM((B, DHALF), jnp.float32),
        pltpu.VMEM((B, DHALF), jnp.float32),
        pltpu.VMEM_SHARED((ACC_N, DHALF), jnp.float32),
        pltpu.SemaphoreType.DMA,
        pltpu.SemaphoreType.DMA,
        pltpu.SemaphoreType.DMA,
        pltpu.SemaphoreType.DMA,
    ],
)



RB = 1000
GRID = N // RB


def _tc0_body(x_ref, w_ref, degp_ref, hlo_ref, hhi_ref):
    dinv = lax.rsqrt(1.0 + degp_ref[0, :, 0:1] + degp_ref[1, :, 0:1])
    h = jnp.dot(x_ref[...], w_ref[...], preferred_element_type=jnp.float32) * dinv
    hlo_ref[...] = h[:, :DHALF]
    hhi_ref[...] = h[:, DHALF:]


def _tcmid_body(s_ref, hlo_ref, hhi_ref, degp_ref, b_ref, w_ref, olo_ref, ohi_ref):
    dinv = lax.rsqrt(1.0 + degp_ref[0, :, 0:1] + degp_ref[1, :, 0:1])
    za = jnp.maximum(dinv * (s_ref[0] + hlo_ref[...]) + b_ref[0:1, :DHALF], 0.0)
    zb = jnp.maximum(dinv * (s_ref[1] + hhi_ref[...]) + b_ref[0:1, DHALF:], 0.0)
    z = jnp.concatenate([za, zb], axis=1)
    h = jnp.dot(z, w_ref[...], preferred_element_type=jnp.float32) * dinv
    olo_ref[...] = h[:, :DHALF]
    ohi_ref[...] = h[:, DHALF:]


def _tchead_body(s_ref, hlo_ref, hhi_ref, degp_ref, b_ref, wl_ref, bl_ref, out_ref):
    dinv = lax.rsqrt(1.0 + degp_ref[0, :, 0:1] + degp_ref[1, :, 0:1])
    za = jnp.maximum(dinv * (s_ref[0] + hlo_ref[...]) + b_ref[0:1, :DHALF], 0.0)
    zb = jnp.maximum(dinv * (s_ref[1] + hhi_ref[...]) + b_ref[0:1, DHALF:], 0.0)
    z = jnp.concatenate([za, zb], axis=1)
    out_ref[...] = (
        jnp.dot(z, wl_ref[...], preferred_element_type=jnp.float32) + bl_ref[0:1, :]
    )


def _row_spec(d):
    return pl.BlockSpec((RB, d), lambda i: (i, 0))


_SPEC_S = pl.BlockSpec((NC, RB, DHALF), lambda i: (0, i, 0))
_SPEC_DEG = pl.BlockSpec((NC, RB, DHALF), lambda i: (0, i, 0))


def _tc0(x, w0, degp):
    return pl.pallas_call(
        _tc0_body,
        grid=(GRID,),
        in_specs=[
            _row_spec(D_IN),
            pl.BlockSpec((D_IN, D_H), lambda i: (0, 0)),
            _SPEC_DEG,
        ],
        out_specs=[_row_spec(DHALF), _row_spec(DHALF)],
        out_shape=[
            jax.ShapeDtypeStruct((N, DHALF), jnp.float32),
            jax.ShapeDtypeStruct((N, DHALF), jnp.float32),
        ],
    )(x, w0, degp)


def _tcmid(s, hlo, hhi, degp, b2d, w):
    return pl.pallas_call(
        _tcmid_body,
        grid=(GRID,),
        in_specs=[
            _SPEC_S,
            _row_spec(DHALF),
            _row_spec(DHALF),
            _SPEC_DEG,
            pl.BlockSpec((1, D_H), lambda i: (0, 0)),
            pl.BlockSpec((D_H, D_H), lambda i: (0, 0)),
        ],
        out_specs=[_row_spec(DHALF), _row_spec(DHALF)],
        out_shape=[
            jax.ShapeDtypeStruct((N, DHALF), jnp.float32),
            jax.ShapeDtypeStruct((N, DHALF), jnp.float32),
        ],
    )(s, hlo, hhi, degp, b2d, w)


def _tchead(s, hlo, hhi, degp, b2d, wl, bl2d):
    return pl.pallas_call(
        _tchead_body,
        grid=(GRID,),
        in_specs=[
            _SPEC_S,
            _row_spec(DHALF),
            _row_spec(DHALF),
            _SPEC_DEG,
            pl.BlockSpec((1, D_H), lambda i: (0, 0)),
            pl.BlockSpec((D_H, D_OUT), lambda i: (0, 0)),
            pl.BlockSpec((1, D_OUT), lambda i: (0, 0)),
        ],
        out_specs=_row_spec(D_OUT),
        out_shape=jax.ShapeDtypeStruct((N, D_OUT), jnp.float32),
    )(s, hlo, hhi, degp, b2d, wl, bl2d)


def kernel(x, edge_index, W0, b0, W1, b1, W2, b2, Wl, bl):
    src = edge_index[0].astype(jnp.int32)
    dst = edge_index[1].astype(jnp.int32)
    pad = E_PAD - E
    src3 = jnp.concatenate([src, jnp.zeros((pad,), jnp.int32)]).reshape(
        NS, NCH, CH, B
    )
    dst3 = jnp.concatenate([dst, jnp.full((pad,), N, jnp.int32)]).reshape(
        NS, NCH, CH, B
    )

    zeros128 = jnp.zeros((ROWS_PER_TILE, DHALF), jnp.float32)
    ones128 = jnp.ones((B, DHALF), jnp.float32)

    degp = _deg_kernel(dst3, ones128, zeros128)

    hlo, hhi = _tc0(x, W0, degp)
    s = _agg_kernel(src3, dst3, hlo, hhi, zeros128)
    hlo, hhi = _tcmid(s, hlo, hhi, degp, b0.reshape(1, D_H), W1)
    s = _agg_kernel(src3, dst3, hlo, hhi, zeros128)
    hlo, hhi = _tcmid(s, hlo, hhi, degp, b1.reshape(1, D_H), W2)
    s = _agg_kernel(src3, dst3, hlo, hhi, zeros128)
    return _tchead(s, hlo, hhi, degp, b2.reshape(1, D_H), Wl, bl.reshape(1, D_OUT))

# --- scband reference (transcript-rebuilt; emitter-appended) ---
"""Pipeline reference for scband-gcn-3822520894079 (READ-ONLY COPY).

The authoritative reference and input builder live on the scoring server;
editing this copy changes nothing except your own understanding.
"""

import jax, jax.numpy as jnp
import numpy as np

N = 10000
E = 320000
D_IN = 128
D_H = 256
D_OUT = 128


def setup_inputs(seed: int = 0) -> dict:
    key = jax.random.key(seed)
    ks = jax.random.split(key, 12)
    x = jax.random.normal(ks[0], (N, D_IN), dtype=jnp.float32)
    edge_index = jax.random.randint(ks[1], (2, E), 0, N)
    W0 = jax.random.normal(ks[2], (D_IN, D_H), dtype=jnp.float32) * (1.0 / np.sqrt(D_IN))
    b0 = jnp.zeros((D_H,), dtype=jnp.float32)
    W1 = jax.random.normal(ks[3], (D_H, D_H), dtype=jnp.float32) * (1.0 / np.sqrt(D_H))
    b1 = jnp.zeros((D_H,), dtype=jnp.float32)
    W2 = jax.random.normal(ks[4], (D_H, D_H), dtype=jnp.float32) * (1.0 / np.sqrt(D_H))
    b2 = jnp.zeros((D_H,), dtype=jnp.float32)
    Wl = jax.random.normal(ks[5], (D_H, D_OUT), dtype=jnp.float32) * (1.0 / np.sqrt(D_H))
    bl = jnp.zeros((D_OUT,), dtype=jnp.float32)
    return {"x": x, "edge_index": edge_index, "W0": W0, "b0": b0, "W1": W1, "b1": b1, "W2": W2, "b2": b2, "Wl": Wl, "bl": bl}


def _gcn_conv(x, edge_index, W, b):
    # GCNConv with add_self_loops=True and symmetric normalization:
    # out = D^{-1/2} (A + I) D^{-1/2} (X W) + b
    src = edge_index[0]
    dst = edge_index[1]
    loop = jnp.arange(N, dtype=src.dtype)
    src = jnp.concatenate([src, loop])
    dst = jnp.concatenate([dst, loop])
    deg = jnp.zeros((N,), dtype=x.dtype).at[dst].add(1.0)
    dinv = jnp.where(deg > 0, 1.0 / jnp.sqrt(deg), 0.0)
    norm = dinv[src] * dinv[dst]
    h = x @ W
    msg = h[src] * norm[:, None]
    out = jnp.zeros((N, h.shape[1]), dtype=h.dtype).at[dst].add(msg)
    return out + b


def reference(x, edge_index, W0, b0, W1, b1, W2, b2, Wl, bl):
    # dropout is identity in eval mode (training=False)
    h = jax.nn.relu(_gcn_conv(x, edge_index, W0, b0))
    h = jax.nn.relu(_gcn_conv(h, edge_index, W1, b1))
    h = jax.nn.relu(_gcn_conv(h, edge_index, W2, b2))
    return h @ Wl + bl

if __name__ == "__main__":
    import jax
    _d = setup_inputs()
    print(jax.jit(kernel)(*tuple(_d.values())))

</pallas_src>

<mosaic_0001>
#map = affine_map<(d0, d1) -> (0, 0, 0, 0)>
#map1 = affine_map<(d0, d1) -> (0, 0)>
#map2 = affine_map<(d0, d1) -> (0, 0, 0)>
module attributes {stable_mosaic.version = 14 : i64} {
  func.func @_agg_body(%arg0: i32, %arg1: i32, %arg2: memref<16x10x16x128xi32, #tpu.memory_space<hbm>>, %arg3: memref<16x10x16x128xi32, #tpu.memory_space<hbm>>, %arg4: memref<10000x128xf32, #tpu.memory_space<hbm>>, %arg5: memref<10000x128xf32, #tpu.memory_space<hbm>>, %arg6: memref<640x128xf32, #tpu.memory_space<hbm>>, %arg7: memref<2x10240x128xf32, #tpu.memory_space<hbm>>, %arg8: memref<16x128xi32, #tpu.memory_space<vmem>>, %arg9: memref<16x128xi32, #tpu.memory_space<vmem>>, %arg10: memref<128x128xf32, #tpu.memory_space<vmem>>, %arg11: memref<128x128xf32, #tpu.memory_space<vmem>>, %arg12: memref<10240x128xf32, #tpu.memory_space<vmem_shared>>, %arg13: memref<!tpu.dma_semaphore, #tpu.memory_space<semaphore_mem>>, %arg14: memref<!tpu.dma_semaphore, #tpu.memory_space<semaphore_mem>>, %arg15: memref<!tpu.dma_semaphore, #tpu.memory_space<semaphore_mem>>, %arg16: memref<!tpu.dma_semaphore, #tpu.memory_space<semaphore_mem>>) attributes {dimension_semantics = [#tpu.dimension_semantics<core_parallel>, #tpu.dimension_semantics<subcore_parallel>], iteration_bounds = array<i64: 2, 16>, scalar_prefetch = 0 : i64, scratch_operands = 9 : i64, tpu.core_type = #tpu.core_type<sc_vector_subcore>, window_params = [{transform_indices = #map}, {transform_indices = #map}, {transform_indices = #map1}, {transform_indices = #map1}, {transform_indices = #map1}, {transform_indices = #map2}]} {
    %mul3A = arith.constant 640 : i32
    %mul3A_0 = arith.muli %arg1, %mul3A : i32
    "tpu.region"() ({
      %run_scoped3A = tpu.sem_alloc : memref<!tpu.dma_semaphore, #tpu.memory_space<semaphore_mem>>
      %dma_start3A = arith.constant 0 : i32
      %dma_start3A_9 = tpu.memref_slice %arg12[%mul3A_0, %dma_start3A] : memref<10240x128xf32, #tpu.memory_space<vmem_shared>> -> memref<640x128xf32, #tpu.memory_space<vmem_shared>>
      tpu.enqueue_dma source(%arg6 : memref<640x128xf32, #tpu.memory_space<hbm>>) target(%dma_start3A_9 : memref<640x128xf32, #tpu.memory_space<vmem_shared>>) target_semaphore(%run_scoped3A : memref<!tpu.dma_semaphore, #tpu.memory_space<semaphore_mem>>)
      %dma_wait3A = arith.constant 0 : i32
      %dma_wait3A_10 = tpu.memref_slice %arg12[%mul3A_0, %dma_wait3A] : memref<10240x128xf32, #tpu.memory_space<vmem_shared>> -> memref<640x128xf32, #tpu.memory_space<vmem_shared>>
      tpu.wait_dma2 semaphore(%run_scoped3A : memref<!tpu.dma_semaphore, #tpu.memory_space<semaphore_mem>>) src(%arg6 : memref<640x128xf32, #tpu.memory_space<hbm>>) dst(%dma_wait3A_10 : memref<640x128xf32, #tpu.memory_space<vmem_shared>>)
      tpu.yield
    }) : () -> ()
    %barrier3A = arith.constant 0 : index
    tpu.barrier barrier_id(%barrier3A)
    %eq3A = arith.constant 0 : i32
    %eq3A_1 = arith.cmpi eq, %arg0, %eq3A : i32
    %convert_element_type3A = arith.extui %eq3A_1 : i1 to i32
    %cond3A = arith.constant 0 : i32
    %cond3A_2 = arith.cmpi ne, %convert_element_type3A, %cond3A : i32
    scf.if %cond3A_2 {
      %scan3A = arith.constant 0 : i32
      %scan3A_9 = arith.constant 0 : i32
      %scan3A_10 = arith.constant 10 : i32
      %scan3A_11 = arith.addi %scan3A_9, %scan3A_10 : i32
      %scan3A_12 = arith.constant 1 : i32
      scf.for %scan3A_14 = %scan3A_9 to %scan3A_11 step %scan3A_12  : i32 {
        "tpu.region"() ({
          %run_scoped3A = tpu.sem_alloc : memref<!tpu.dma_semaphore, #tpu.memory_space<semaphore_mem>>
          %dma_start3A_32 = arith.constant 0 : i32
          %dma_start3A_33 = arith.constant 0 : i32
          %dma_start3A_34 = tpu.memref_slice %arg2[%arg1, %scan3A_14, %dma_start3A_32, %dma_start3A_33] : memref<16x10x16x128xi32, #tpu.memory_space<hbm>> -> memref<1x1x16x128xi32, #tpu.memory_space<hbm>>
          %dma_start3A_35 = tpu.memref_squeeze %dma_start3A_34 : memref<1x1x16x128xi32, #tpu.memory_space<hbm>> -> memref<16x128xi32, #tpu.memory_space<hbm>>
          %dma_start3A_36 = arith.constant 0 : i32
          %dma_start3A_37 = arith.constant 0 : i32
          %dma_start3A_38 = tpu.memref_slice %arg2[%arg1, %scan3A_14, %dma_start3A_36, %dma_start3A_37] : memref<16x10x16x128xi32, #tpu.memory_space<hbm>> -> memref<1x1x16x128xi32, #tpu.memory_space<hbm>>
          %dma_start3A_39 = tpu.memref_squeeze %dma_start3A_38 : memref<1x1x16x128xi32, #tpu.memory_space<hbm>> -> memref<16x128xi32, #tpu.memory_space<hbm>>
          tpu.enqueue_dma source(%dma_start3A_39 : memref<16x128xi32, #tpu.memory_space<hbm>>) target(%arg8 : memref<16x128xi32, #tpu.memory_space<vmem>>) target_semaphore(%run_scoped3A : memref<!tpu.dma_semaphore, #tpu.memory_space<semaphore_mem>>)
          %dma_wait3A_40 = arith.constant 0 : i32
          %dma_wait3A_41 = arith.constant 0 : i32
          %dma_wait3A_42 = tpu.memref_slice %arg2[%arg1, %scan3A_14, %dma_wait3A_40, %dma_wait3A_41] : memref<16x10x16x128xi32, #tpu.memory_space<hbm>> -> memref<1x1x16x128xi32, #tpu.memory_space<hbm>>
          %dma_wait3A_43 = tpu.memref_squeeze %dma_wait3A_42 : memref<1x1x16x128xi32, #tpu.memory_space<hbm>> -> memref<16x128xi32, #tpu.memory_space<hbm>>
          %dma_wait3A_44 = arith.constant 0 : i32
          %dma_wait3A_45 = arith.constant 0 : i32
          %dma_wait3A_46 = tpu.memref_slice %arg2[%arg1, %scan3A_14, %dma_wait3A_44, %dma_wait3A_45] : memref<16x10x16x128xi32, #tpu.memory_space<hbm>> -> memref<1x1x16x128xi32, #tpu.memory_space<hbm>>
          %dma_wait3A_47 = tpu.memref_squeeze %dma_wait3A_46 : memref<1x1x16x128xi32, #tpu.memory_space<hbm>> -> memref<16x128xi32, #tpu.memory_space<hbm>>
          tpu.wait_dma2 semaphore(%run_scoped3A : memref<!tpu.dma_semaphore, #tpu.memory_space<semaphore_mem>>) src(%dma_wait3A_47 : memref<16x128xi32, #tpu.memory_space<hbm>>) dst(%arg8 : memref<16x128xi32, #tpu.memory_space<vmem>>)
          tpu.yield
        }) : () -> ()
        "tpu.region"() ({
          %run_scoped3A = tpu.sem_alloc : memref<!tpu.dma_semaphore, #tpu.memory_space<semaphore_mem>>
          %dma_start3A_32 = arith.constant 0 : i32
          %dma_start3A_33 = arith.constant 0 : i32
          %dma_start3A_34 = tpu.memref_slice %arg3[%arg1, %scan3A_14, %dma_start3A_32, %dma_start3A_33] : memref<16x10x16x128xi32, #tpu.memory_space<hbm>> -> memref<1x1x16x128xi32, #tpu.memory_space<hbm>>
          %dma_start3A_35 = tpu.memref_squeeze %dma_start3A_34 : memref<1x1x16x128xi32, #tpu.memory_space<hbm>> -> memref<16x128xi32, #tpu.memory_space<hbm>>
          %dma_start3A_36 = arith.constant 0 : i32
          %dma_start3A_37 = arith.constant 0 : i32
          %dma_start3A_38 = tpu.memref_slice %arg3[%arg1, %scan3A_14, %dma_start3A_36, %dma_start3A_37] : memref<16x10x16x128xi32, #tpu.memory_space<hbm>> -> memref<1x1x16x128xi32, #tpu.memory_space<hbm>>
          %dma_start3A_39 = tpu.memref_squeeze %dma_start3A_38 : memref<1x1x16x128xi32, #tpu.memory_space<hbm>> -> memref<16x128xi32, #tpu.memory_space<hbm>>
          tpu.enqueue_dma source(%dma_start3A_39 : memref<16x128xi32, #tpu.memory_space<hbm>>) target(%arg9 : memref<16x128xi32, #tpu.memory_space<vmem>>) target_semaphore(%run_scoped3A : memref<!tpu.dma_semaphore, #tpu.memory_space<semaphore_mem>>)
          %dma_wait3A_40 = arith.constant 0 : i32
          %dma_wait3A_41 = arith.constant 0 : i32
          %dma_wait3A_42 = tpu.memref_slice %arg3[%arg1, %scan3A_14, %dma_wait3A_40, %dma_wait3A_41] : memref<16x10x16x128xi32, #tpu.memory_space<hbm>> -> memref<1x1x16x128xi32, #tpu.memory_space<hbm>>
          %dma_wait3A_43 = tpu.memref_squeeze %dma_wait3A_42 : memref<1x1x16x128xi32, #tpu.memory_space<hbm>> -> memref<16x128xi32, #tpu.memory_space<hbm>>
          %dma_wait3A_44 = arith.constant 0 : i32
          %dma_wait3A_45 = arith.constant 0 : i32
          %dma_wait3A_46 = tpu.memref_slice %arg3[%arg1, %scan3A_14, %dma_wait3A_44, %dma_wait3A_45] : memref<16x10x16x128xi32, #tpu.memory_space<hbm>> -> memref<1x1x16x128xi32, #tpu.memory_space<hbm>>
          %dma_wait3A_47 = tpu.memref_squeeze %dma_wait3A_46 : memref<1x1x16x128xi32, #tpu.memory_space<hbm>> -> memref<16x128xi32, #tpu.memory_space<hbm>>
          tpu.wait_dma2 semaphore(%run_scoped3A : memref<!tpu.dma_semaphore, #tpu.memory_space<semaphore_mem>>) src(%dma_wait3A_47 : memref<16x128xi32, #tpu.memory_space<hbm>>) dst(%arg9 : memref<16x128xi32, #tpu.memory_space<vmem>>)
          tpu.yield
        }) : () -> ()
        %dma_start3A = arith.constant 0 : i32
        %dma_start3A_15 = arith.constant 0 : i32
        %dma_start3A_16 = tpu.memref_slice %arg8[%dma_start3A, %dma_start3A_15] : memref<16x128xi32, #tpu.memory_space<vmem>> -> memref<1x128xi32, #tpu.memory_space<vmem>>
        %dma_start3A_17 = tpu.memref_squeeze %dma_start3A_16 : memref<1x128xi32, #tpu.memory_space<vmem>> -> memref<128xi32, #tpu.memory_space<vmem>>
        %dma_start3A_18 = arith.constant 0 : i32
        %dma_start3A_19 = arith.constant 0 : i32
        %dma_start3A_20 = tpu.memref_slice %arg4[%dma_start3A_18, %dma_start3A_19] : memref<10000x128xf32, #tpu.memory_space<hbm>> -> memref<10000x128xf32, #tpu.memory_space<hbm>>
        tpu.enqueue_indirect_dma source(%dma_start3A_20 : memref<10000x128xf32, #tpu.memory_space<hbm>>) target(%arg10 : memref<128x128xf32, #tpu.memory_space<vmem>>) offsets(%dma_start3A_17 : memref<128xi32, #tpu.memory_space<vmem>>) semaphore(%arg13 : memref<!tpu.dma_semaphore, #tpu.memory_space<semaphore_mem>>)
        %scan3A_21 = arith.constant 0 : i32
        %scan3A_22 = arith.constant 8 : i32
        %scan3A_23 = arith.addi %scan3A_21, %scan3A_22 : i32
        %scan3A_24 = arith.constant 1 : i32
        scf.for %scan3A_32 = %scan3A_21 to %scan3A_23 step %scan3A_24  : i32 {
          %mul3A_33 = arith.constant 2 : i32
          %mul3A_34 = arith.muli %mul3A_33, %scan3A_32 : i32
          %add3A = arith.constant 1 : i32
          %add3A_35 = arith.addi %mul3A_34, %add3A : i32
          %dma_wait3A_36 = arith.constant 0 : i32
          %dma_wait3A_37 = arith.constant 0 : i32
          %dma_wait3A_38 = tpu.memref_slice %arg8[%dma_wait3A_36, %dma_wait3A_37] : memref<16x128xi32, #tpu.memory_space<vmem>> -> memref<1x128xi32, #tpu.memory_space<vmem>>
          %dma_wait3A_39 = tpu.memref_squeeze %dma_wait3A_38 : memref<1x128xi32, #tpu.memory_space<vmem>> -> memref<128xi32, #tpu.memory_space<vmem>>
          %dma_wait3A_40 = arith.constant 0 : i32
          %dma_wait3A_41 = arith.constant 0 : i32
          %dma_wait3A_42 = tpu.memref_slice %arg4[%dma_wait3A_40, %dma_wait3A_41] : memref<10000x128xf32, #tpu.memory_space<hbm>> -> memref<10000x128xf32, #tpu.memory_space<hbm>>
          tpu.wait_indirect_dma semaphore(%arg13 : memref<!tpu.dma_semaphore, #tpu.memory_space<semaphore_mem>>) src(%dma_wait3A_42 : memref<10000x128xf32, #tpu.memory_space<hbm>>) dst(%arg10 : memref<128x128xf32, #tpu.memory_space<vmem>>)
          %dma_start3A_43 = arith.constant 0 : i32
          %dma_start3A_44 = tpu.memref_slice %arg9[%mul3A_34, %dma_start3A_43] : memref<16x128xi32, #tpu.memory_space<vmem>> -> memref<1x128xi32, #tpu.memory_space<vmem>>
          %dma_start3A_45 = tpu.memref_squeeze %dma_start3A_44 : memref<1x128xi32, #tpu.memory_space<vmem>> -> memref<128xi32, #tpu.memory_space<vmem>>
          %dma_start3A_46 = arith.constant 0 : i32
          %dma_start3A_47 = arith.constant 0 : i32
          %dma_start3A_48 = tpu.memref_slice %arg12[%dma_start3A_46, %dma_start3A_47] : memref<10240x128xf32, #tpu.memory_space<vmem_shared>> -> memref<10240x128xf32, #tpu.memory_space<vmem_shared>>
          tpu.enqueue_indirect_dma source(%arg10 : memref<128x128xf32, #tpu.memory_space<vmem>>) target(%dma_start3A_48 : memref<10240x128xf32, #tpu.memory_space<vmem_shared>>) offsets(%dma_start3A_45 : memref<128xi32, #tpu.memory_space<vmem>>) semaphore(%arg15 : memref<!tpu.dma_semaphore, #tpu.memory_space<semaphore_mem>>) {add = true}
          %gt3A = arith.constant 0 : i32
          %gt3A_49 = arith.cmpi sgt, %scan3A_32, %gt3A : i32
          %convert_element_type3A_50 = arith.extui %gt3A_49 : i1 to i32
          %cond3A_51 = arith.constant 0 : i32
          %cond3A_52 = arith.cmpi ne, %convert_element_type3A_50, %cond3A_51 : i32
          scf.if %cond3A_52 {
            %dma_wait3A_83 = arith.constant 0 : i32
            %dma_wait3A_84 = arith.constant 0 : i32
            %dma_wait3A_85 = tpu.memref_slice %arg9[%dma_wait3A_83, %dma_wait3A_84] : memref<16x128xi32, #tpu.memory_space<vmem>> -> memref<1x128xi32, #tpu.memory_space<vmem>>
            %dma_wait3A_86 = tpu.memref_squeeze %dma_wait3A_85 : memref<1x128xi32, #tpu.memory_space<vmem>> -> memref<128xi32, #tpu.memory_space<vmem>>
            %dma_wait3A_87 = arith.constant 0 : i32
            %dma_wait3A_88 = arith.constant 0 : i32
            %dma_wait3A_89 = tpu.memref_slice %arg12[%dma_wait3A_87, %dma_wait3A_88] : memref<10240x128xf32, #tpu.memory_space<vmem_shared>> -> memref<10240x128xf32, #tpu.memory_space<vmem_shared>>
            tpu.wait_indirect_dma semaphore(%arg16 : memref<!tpu.dma_semaphore, #tpu.memory_space<semaphore_mem>>) src(%arg11 : memref<128x128xf32, #tpu.memory_space<vmem>>) dst(%dma_wait3A_89 : memref<10240x128xf32, #tpu.memory_space<vmem_shared>>)
          } else {
          }
          %dma_start3A_53 = arith.constant 0 : i32
          %dma_start3A_54 = tpu.memref_slice %arg8[%add3A_35, %dma_start3A_53] : memref<16x128xi32, #tpu.memory_space<vmem>> -> memref<1x128xi32, #tpu.memory_space<vmem>>
          %dma_start3A_55 = tpu.memref_squeeze %dma_start3A_54 : memref<1x128xi32, #tpu.memory_space<vmem>> -> memref<128xi32, #tpu.memory_space<vmem>>
          %dma_start3A_56 = arith.constant 0 : i32
          %dma_start3A_57 = arith.constant 0 : i32
          %dma_start3A_58 = tpu.memref_slice %arg4[%dma_start3A_56, %dma_start3A_57] : memref<10000x128xf32, #tpu.memory_space<hbm>> -> memref<10000x128xf32, #tpu.memory_space<hbm>>
          tpu.enqueue_indirect_dma source(%dma_start3A_58 : memref<10000x128xf32, #tpu.memory_space<hbm>>) target(%arg11 : memref<128x128xf32, #tpu.memory_space<vmem>>) offsets(%dma_start3A_55 : memref<128xi32, #tpu.memory_space<vmem>>) semaphore(%arg14 : memref<!tpu.dma_semaphore, #tpu.memory_space<semaphore_mem>>)
          %dma_wait3A_59 = arith.constant 0 : i32
          %dma_wait3A_60 = arith.constant 0 : i32
          %dma_wait3A_61 = tpu.memref_slice %arg8[%dma_wait3A_59, %dma_wait3A_60] : memref<16x128xi32, #tpu.memory_space<vmem>> -> memref<1x128xi32, #tpu.memory_space<vmem>>
          %dma_wait3A_62 = tpu.memref_squeeze %dma_wait3A_61 : memref<1x128xi32, #tpu.memory_space<vmem>> -> memref<128xi32, #tpu.memory_space<vmem>>
          %dma_wait3A_63 = arith.constant 0 : i32
          %dma_wait3A_64 = arith.constant 0 : i32
          %dma_wait3A_65 = tpu.memref_slice %arg4[%dma_wait3A_63, %dma_wait3A_64] : memref<10000x128xf32, #tpu.memory_space<hbm>> -> memref<10000x128xf32, #tpu.memory_space<hbm>>
          tpu.wait_indirect_dma semaphore(%arg14 : memref<!tpu.dma_semaphore, #tpu.memory_space<semaphore_mem>>) src(%dma_wait3A_65 : memref<10000x128xf32, #tpu.memory_space<hbm>>) dst(%arg11 : memref<128x128xf32, #tpu.memory_space<vmem>>)
          %dma_start3A_66 = arith.constant 0 : i32
          %dma_start3A_67 = tpu.memref_slice %arg9[%add3A_35, %dma_start3A_66] : memref<16x128xi32, #tpu.memory_space<vmem>> -> memref<1x128xi32, #tpu.memory_space<vmem>>
          %dma_start3A_68 = tpu.memref_squeeze %dma_start3A_67 : memref<1x128xi32, #tpu.memory_space<vmem>> -> memref<128xi32, #tpu.memory_space<vmem>>
          %dma_start3A_69 = arith.constant 0 : i32
          %dma_start3A_70 = arith.constant 0 : i32
          %dma_start3A_71 = tpu.memref_slice %arg12[%dma_start3A_69, %dma_start3A_70] : memref<10240x128xf32, #tpu.memory_space<vmem_shared>> -> memref<10240x128xf32, #tpu.memory_space<vmem_shared>>
          tpu.enqueue_indirect_dma source(%arg11 : memref<128x128xf32, #tpu.memory_space<vmem>>) target(%dma_start3A_71 : memref<10240x128xf32, #tpu.memory_space<vmem_shared>>) offsets(%dma_start3A_68 : memref<128xi32, #tpu.memory_space<vmem>>) semaphore(%arg16 : memref<!tpu.dma_semaphore, #tpu.memory_space<semaphore_mem>>) {add = true}
          %dma_wait3A_72 = arith.constant 0 : i32
          %dma_wait3A_73 = arith.constant 0 : i32
          %dma_wait3A_74 = tpu.memref_slice %arg9[%dma_wait3A_72, %dma_wait3A_73] : memref<16x128xi32, #tpu.memory_space<vmem>> -> memref<1x128xi32, #tpu.memory_space<vmem>>
          %dma_wait3A_75 = tpu.memref_squeeze %dma_wait3A_74 : memref<1x128xi32, #tpu.memory_space<vmem>> -> memref<128xi32, #tpu.memory_space<vmem>>
          %dma_wait3A_76 = arith.constant 0 : i32
          %dma_wait3A_77 = arith.constant 0 : i32
          %dma_wait3A_78 = tpu.memref_slice %arg12[%dma_wait3A_76, %dma_wait3A_77] : memref<10240x128xf32, #tpu.memory_space<vmem_shared>> -> memref<10240x128xf32, #tpu.memory_space<vmem_shared>>
          tpu.wait_indirect_dma semaphore(%arg15 : memref<!tpu.dma_semaphore, #tpu.memory_space<semaphore_mem>>) src(%arg10 : memref<128x128xf32, #tpu.memory_space<vmem>>) dst(%dma_wait3A_78 : memref<10240x128xf32, #tpu.memory_space<vmem_shared>>)
          %lt3A = arith.constant 7 : i32
          %lt3A_79 = arith.cmpi slt, %scan3A_32, %lt3A : i32
          %convert_element_type3A_80 = arith.extui %lt3A_79 : i1 to i32
          %cond3A_81 = arith.constant 0 : i32
          %cond3A_82 = arith.cmpi ne, %convert_element_type3A_80, %cond3A_81 : i32
          scf.if %cond3A_82 {
            %add3A_83 = arith.constant 2 : i32
            %add3A_84 = arith.addi %mul3A_34, %add3A_83 : i32
            %dma_start3A_85 = arith.constant 0 : i32
            %dma_start3A_86 = tpu.memref_slice %arg8[%add3A_84, %dma_start3A_85] : memref<16x128xi32, #tpu.memory_space<vmem>> -> memref<1x128xi32, #tpu.memory_space<vmem>>
            %dma_start3A_87 = tpu.memref_squeeze %dma_start3A_86 : memref<1x128xi32, #tpu.memory_space<vmem>> -> memref<128xi32, #tpu.memory_space<vmem>>
            %dma_start3A_88 = arith.constant 0 : i32
            %dma_start3A_89 = arith.constant 0 : i32
            %dma_start3A_90 = tpu.memref_slice %arg4[%dma_start3A_88, %dma_start3A_89] : memref<10000x128xf32, #tpu.memory_space<hbm>> -> memref<10000x128xf32, #tpu.memory_space<hbm>>
            tpu.enqueue_indirect_dma source(%dma_start3A_90 : memref<10000x128xf32, #tpu.memory_space<hbm>>) target(%arg10 : memref<128x128xf32, #tpu.memory_space<vmem>>) offsets(%dma_start3A_87 : memref<128xi32, #tpu.memory_space<vmem>>) semaphore(%arg13 : memref<!tpu.dma_semaphore, #tpu.memory_space<semaphore_mem>>)
          } else {
          }
        }
        %scan3A_25 = arith.constant 8 : i32
        %dma_wait3A = arith.constant 0 : i32
        %dma_wait3A_26 = arith.constant 0 : i32
        %dma_wait3A_27 = tpu.memref_slice %arg9[%dma_wait3A, %dma_wait3A_26] : memref<16x128xi32, #tpu.memory_space<vmem>> -> memref<1x128xi32, #tpu.memory_space<vmem>>
        %dma_wait3A_28 = tpu.memref_squeeze %dma_wait3A_27 : memref<1x128xi32, #tpu.memory_space<vmem>> -> memref<128xi32, #tpu.memory_space<vmem>>
        %dma_wait3A_29 = arith.constant 0 : i32
        %dma_wait3A_30 = arith.constant 0 : i32
        %dma_wait3A_31 = tpu.memref_slice %arg12[%dma_wait3A_29, %dma_wait3A_30] : memref<10240x128xf32, #tpu.memory_space<vmem_shared>> -> memref<10240x128xf32, #tpu.memory_space<vmem_shared>>
        tpu.wait_indirect_dma semaphore(%arg16 : memref<!tpu.dma_semaphore, #tpu.memory_space<semaphore_mem>>) src(%arg11 : memref<128x128xf32, #tpu.memory_space<vmem>>) dst(%dma_wait3A_31 : memref<10240x128xf32, #tpu.memory_space<vmem_shared>>)
      }
      %scan3A_13 = arith.constant 10 : i32
    } else {
    }
    %eq3A_3 = arith.constant 1 : i32
    %eq3A_4 = arith.cmpi eq, %arg0, %eq3A_3 : i32
    %convert_element_type3A_5 = arith.extui %eq3A_4 : i1 to i32
    %cond3A_6 = arith.constant 0 : i32
    %cond3A_7 = arith.cmpi ne, %convert_element_type3A_5, %cond3A_6 : i32
    scf.if %cond3A_7 {
      %scan3A = arith.constant 0 : i32
      %scan3A_9 = arith.constant 0 : i32
      %scan3A_10 = arith.constant 10 : i32
      %scan3A_11 = arith.addi %scan3A_9, %scan3A_10 : i32
      %scan3A_12 = arith.constant 1 : i32
      scf.for %scan3A_14 = %scan3A_9 to %scan3A_11 step %scan3A_12  : i32 {
        "tpu.region"() ({
          %run_scoped3A = tpu.sem_alloc : memref<!tpu.dma_semaphore, #tpu.memory_space<semaphore_mem>>
          %dma_start3A_32 = arith.constant 0 : i32
          %dma_start3A_33 = arith.constant 0 : i32
          %dma_start3A_34 = tpu.memref_slice %arg2[%arg1, %scan3A_14, %dma_start3A_32, %dma_start3A_33] : memref<16x10x16x128xi32, #tpu.memory_space<hbm>> -> memref<1x1x16x128xi32, #tpu.memory_space<hbm>>
          %dma_start3A_35 = tpu.memref_squeeze %dma_start3A_34 : memref<1x1x16x128xi32, #tpu.memory_space<hbm>> -> memref<16x128xi32, #tpu.memory_space<hbm>>
          %dma_start3A_36 = arith.constant 0 : i32
          %dma_start3A_37 = arith.constant 0 : i32
          %dma_start3A_38 = tpu.memref_slice %arg2[%arg1, %scan3A_14, %dma_start3A_36, %dma_start3A_37] : memref<16x10x16x128xi32, #tpu.memory_space<hbm>> -> memref<1x1x16x128xi32, #tpu.memory_space<hbm>>
          %dma_start3A_39 = tpu.memref_squeeze %dma_start3A_38 : memref<1x1x16x128xi32, #tpu.memory_space<hbm>> -> memref<16x128xi32, #tpu.memory_space<hbm>>
          tpu.enqueue_dma source(%dma_start3A_39 : memref<16x128xi32, #tpu.memory_space<hbm>>) target(%arg8 : memref<16x128xi32, #tpu.memory_space<vmem>>) target_semaphore(%run_scoped3A : memref<!tpu.dma_semaphore, #tpu.memory_space<semaphore_mem>>)
          %dma_wait3A_40 = arith.constant 0 : i32
          %dma_wait3A_41 = arith.constant 0 : i32
          %dma_wait3A_42 = tpu.memref_slice %arg2[%arg1, %scan3A_14, %dma_wait3A_40, %dma_wait3A_41] : memref<16x10x16x128xi32, #tpu.memory_space<hbm>> -> memref<1x1x16x128xi32, #tpu.memory_space<hbm>>
          %dma_wait3A_43 = tpu.memref_squeeze %dma_wait3A_42 : memref<1x1x16x128xi32, #tpu.memory_space<hbm>> -> memref<16x128xi32, #tpu.memory_space<hbm>>
          %dma_wait3A_44 = arith.constant 0 : i32
          %dma_wait3A_45 = arith.constant 0 : i32
          %dma_wait3A_46 = tpu.memref_slice %arg2[%arg1, %scan3A_14, %dma_wait3A_44, %dma_wait3A_45] : memref<16x10x16x128xi32, #tpu.memory_space<hbm>> -> memref<1x1x16x128xi32, #tpu.memory_space<hbm>>
          %dma_wait3A_47 = tpu.memref_squeeze %dma_wait3A_46 : memref<1x1x16x128xi32, #tpu.memory_space<hbm>> -> memref<16x128xi32, #tpu.memory_space<hbm>>
          tpu.wait_dma2 semaphore(%run_scoped3A : memref<!tpu.dma_semaphore, #tpu.memory_space<semaphore_mem>>) src(%dma_wait3A_47 : memref<16x128xi32, #tpu.memory_space<hbm>>) dst(%arg8 : memref<16x128xi32, #tpu.memory_space<vmem>>)
          tpu.yield
        }) : () -> ()
        "tpu.region"() ({
          %run_scoped3A = tpu.sem_alloc : memref<!tpu.dma_semaphore, #tpu.memory_space<semaphore_mem>>
          %dma_start3A_32 = arith.constant 0 : i32
          %dma_start3A_33 = arith.constant 0 : i32
          %dma_start3A_34 = tpu.memref_slice %arg3[%arg1, %scan3A_14, %dma_start3A_32, %dma_start3A_33] : memref<16x10x16x128xi32, #tpu.memory_space<hbm>> -> memref<1x1x16x128xi32, #tpu.memory_space<hbm>>
          %dma_start3A_35 = tpu.memref_squeeze %dma_start3A_34 : memref<1x1x16x128xi32, #tpu.memory_space<hbm>> -> memref<16x128xi32, #tpu.memory_space<hbm>>
          %dma_start3A_36 = arith.constant 0 : i32
          %dma_start3A_37 = arith.constant 0 : i32
          %dma_start3A_38 = tpu.memref_slice %arg3[%arg1, %scan3A_14, %dma_start3A_36, %dma_start3A_37] : memref<16x10x16x128xi32, #tpu.memory_space<hbm>> -> memref<1x1x16x128xi32, #tpu.memory_space<hbm>>
          %dma_start3A_39 = tpu.memref_squeeze %dma_start3A_38 : memref<1x1x16x128xi32, #tpu.memory_space<hbm>> -> memref<16x128xi32, #tpu.memory_space<hbm>>
          tpu.enqueue_dma source(%dma_start3A_39 : memref<16x128xi32, #tpu.memory_space<hbm>>) target(%arg9 : memref<16x128xi32, #tpu.memory_space<vmem>>) target_semaphore(%run_scoped3A : memref<!tpu.dma_semaphore, #tpu.memory_space<semaphore_mem>>)
          %dma_wait3A_40 = arith.constant 0 : i32
          %dma_wait3A_41 = arith.constant 0 : i32
          %dma_wait3A_42 = tpu.memref_slice %arg3[%arg1, %scan3A_14, %dma_wait3A_40, %dma_wait3A_41] : memref<16x10x16x128xi32, #tpu.memory_space<hbm>> -> memref<1x1x16x128xi32, #tpu.memory_space<hbm>>
          %dma_wait3A_43 = tpu.memref_squeeze %dma_wait3A_42 : memref<1x1x16x128xi32, #tpu.memory_space<hbm>> -> memref<16x128xi32, #tpu.memory_space<hbm>>
          %dma_wait3A_44 = arith.constant 0 : i32
          %dma_wait3A_45 = arith.constant 0 : i32
          %dma_wait3A_46 = tpu.memref_slice %arg3[%arg1, %scan3A_14, %dma_wait3A_44, %dma_wait3A_45] : memref<16x10x16x128xi32, #tpu.memory_space<hbm>> -> memref<1x1x16x128xi32, #tpu.memory_space<hbm>>
          %dma_wait3A_47 = tpu.memref_squeeze %dma_wait3A_46 : memref<1x1x16x128xi32, #tpu.memory_space<hbm>> -> memref<16x128xi32, #tpu.memory_space<hbm>>
          tpu.wait_dma2 semaphore(%run_scoped3A : memref<!tpu.dma_semaphore, #tpu.memory_space<semaphore_mem>>) src(%dma_wait3A_47 : memref<16x128xi32, #tpu.memory_space<hbm>>) dst(%arg9 : memref<16x128xi32, #tpu.memory_space<vmem>>)
          tpu.yield
        }) : () -> ()
        %dma_start3A = arith.constant 0 : i32
        %dma_start3A_15 = arith.constant 0 : i32
        %dma_start3A_16 = tpu.memref_slice %arg8[%dma_start3A, %dma_start3A_15] : memref<16x128xi32, #tpu.memory_space<vmem>> -> memref<1x128xi32, #tpu.memory_space<vmem>>
        %dma_start3A_17 = tpu.memref_squeeze %dma_start3A_16 : memref<1x128xi32, #tpu.memory_space<vmem>> -> memref<128xi32, #tpu.memory_space<vmem>>
        %dma_start3A_18 = arith.constant 0 : i32
        %dma_start3A_19 = arith.constant 0 : i32
        %dma_start3A_20 = tpu.memref_slice %arg5[%dma_start3A_18, %dma_start3A_19] : memref<10000x128xf32, #tpu.memory_space<hbm>> -> memref<10000x128xf32, #tpu.memory_space<hbm>>
        tpu.enqueue_indirect_dma source(%dma_start3A_20 : memref<10000x128xf32, #tpu.memory_space<hbm>>) target(%arg10 : memref<128x128xf32, #tpu.memory_space<vmem>>) offsets(%dma_start3A_17 : memref<128xi32, #tpu.memory_space<vmem>>) semaphore(%arg13 : memref<!tpu.dma_semaphore, #tpu.memory_space<semaphore_mem>>)
        %scan3A_21 = arith.constant 0 : i32
        %scan3A_22 = arith.constant 8 : i32
        %scan3A_23 = arith.addi %scan3A_21, %scan3A_22 : i32
        %scan3A_24 = arith.constant 1 : i32
        scf.for %scan3A_32 = %scan3A_21 to %scan3A_23 step %scan3A_24  : i32 {
          %mul3A_33 = arith.constant 2 : i32
          %mul3A_34 = arith.muli %mul3A_33, %scan3A_32 : i32
          %add3A = arith.constant 1 : i32
          %add3A_35 = arith.addi %mul3A_34, %add3A : i32
          %dma_wait3A_36 = arith.constant 0 : i32
          %dma_wait3A_37 = arith.constant 0 : i32
          %dma_wait3A_38 = tpu.memref_slice %arg8[%dma_wait3A_36, %dma_wait3A_37] : memref<16x128xi32, #tpu.memory_space<vmem>> -> memref<1x128xi32, #tpu.memory_space<vmem>>
          %dma_wait3A_39 = tpu.memref_squeeze %dma_wait3A_38 : memref<1x128xi32, #tpu.memory_space<vmem>> -> memref<128xi32, #tpu.memory_space<vmem>>
          %dma_wait3A_40 = arith.constant 0 : i32
          %dma_wait3A_41 = arith.constant 0 : i32
          %dma_wait3A_42 = tpu.memref_slice %arg5[%dma_wait3A_40, %dma_wait3A_41] : memref<10000x128xf32, #tpu.memory_space<hbm>> -> memref<10000x128xf32, #tpu.memory_space<hbm>>
          tpu.wait_indirect_dma semaphore(%arg13 : memref<!tpu.dma_semaphore, #tpu.memory_space<semaphore_mem>>) src(%dma_wait3A_42 : memref<10000x128xf32, #tpu.memory_space<hbm>>) dst(%arg10 : memref<128x128xf32, #tpu.memory_space<vmem>>)
          %dma_start3A_43 = arith.constant 0 : i32
          %dma_start3A_44 = tpu.memref_slice %arg9[%mul3A_34, %dma_start3A_43] : memref<16x128xi32, #tpu.memory_space<vmem>> -> memref<1x128xi32, #tpu.memory_space<vmem>>
          %dma_start3A_45 = tpu.memref_squeeze %dma_start3A_44 : memref<1x128xi32, #tpu.memory_space<vmem>> -> memref<128xi32, #tpu.memory_space<vmem>>
          %dma_start3A_46 = arith.constant 0 : i32
          %dma_start3A_47 = arith.constant 0 : i32
          %dma_start3A_48 = tpu.memref_slice %arg12[%dma_start3A_46, %dma_start3A_47] : memref<10240x128xf32, #tpu.memory_space<vmem_shared>> -> memref<10240x128xf32, #tpu.memory_space<vmem_shared>>
          tpu.enqueue_indirect_dma source(%arg10 : memref<128x128xf32, #tpu.memory_space<vmem>>) target(%dma_start3A_48 : memref<10240x128xf32, #tpu.memory_space<vmem_shared>>) offsets(%dma_start3A_45 : memref<128xi32, #tpu.memory_space<vmem>>) semaphore(%arg15 : memref<!tpu.dma_semaphore, #tpu.memory_space<semaphore_mem>>) {add = true}
          %gt3A = arith.constant 0 : i32
          %gt3A_49 = arith.cmpi sgt, %scan3A_32, %gt3A : i32
          %convert_element_type3A_50 = arith.extui %gt3A_49 : i1 to i32
          %cond3A_51 = arith.constant 0 : i32
          %cond3A_52 = arith.cmpi ne, %convert_element_type3A_50, %cond3A_51 : i32
          scf.if %cond3A_52 {
            %dma_wait3A_83 = arith.constant 0 : i32
            %dma_wait3A_84 = arith.constant 0 : i32
            %dma_wait3A_85 = tpu.memref_slice %arg9[%dma_wait3A_83, %dma_wait3A_84] : memref<16x128xi32, #tpu.memory_space<vmem>> -> memref<1x128xi32, #tpu.memory_space<vmem>>
            %dma_wait3A_86 = tpu.memref_squeeze %dma_wait3A_85 : memref<1x128xi32, #tpu.memory_space<vmem>> -> memref<128xi32, #tpu.memory_space<vmem>>
            %dma_wait3A_87 = arith.constant 0 : i32
            %dma_wait3A_88 = arith.constant 0 : i32
            %dma_wait3A_89 = tpu.memref_slice %arg12[%dma_wait3A_87, %dma_wait3A_88] : memref<10240x128xf32, #tpu.memory_space<vmem_shared>> -> memref<10240x128xf32, #tpu.memory_space<vmem_shared>>
            tpu.wait_indirect_dma semaphore(%arg16 : memref<!tpu.dma_semaphore, #tpu.memory_space<semaphore_mem>>) src(%arg11 : memref<128x128xf32, #tpu.memory_space<vmem>>) dst(%dma_wait3A_89 : memref<10240x128xf32, #tpu.memory_space<vmem_shared>>)
          } else {
          }
          %dma_start3A_53 = arith.constant 0 : i32
          %dma_start3A_54 = tpu.memref_slice %arg8[%add3A_35, %dma_start3A_53] : memref<16x128xi32, #tpu.memory_space<vmem>> -> memref<1x128xi32, #tpu.memory_space<vmem>>
          %dma_start3A_55 = tpu.memref_squeeze %dma_start3A_54 : memref<1x128xi32, #tpu.memory_space<vmem>> -> memref<128xi32, #tpu.memory_space<vmem>>
          %dma_start3A_56 = arith.constant 0 : i32
          %dma_start3A_57 = arith.constant 0 : i32
          %dma_start3A_58 = tpu.memref_slice %arg5[%dma_start3A_56, %dma_start3A_57] : memref<10000x128xf32, #tpu.memory_space<hbm>> -> memref<10000x128xf32, #tpu.memory_space<hbm>>
          tpu.enqueue_indirect_dma source(%dma_start3A_58 : memref<10000x128xf32, #tpu.memory_space<hbm>>) target(%arg11 : memref<128x128xf32, #tpu.memory_space<vmem>>) offsets(%dma_start3A_55 : memref<128xi32, #tpu.memory_space<vmem>>) semaphore(%arg14 : memref<!tpu.dma_semaphore, #tpu.memory_space<semaphore_mem>>)
          %dma_wait3A_59 = arith.constant 0 : i32
          %dma_wait3A_60 = arith.constant 0 : i32
          %dma_wait3A_61 = tpu.memref_slice %arg8[%dma_wait3A_59, %dma_wait3A_60] : memref<16x128xi32, #tpu.memory_space<vmem>> -> memref<1x128xi32, #tpu.memory_space<vmem>>
          %dma_wait3A_62 = tpu.memref_squeeze %dma_wait3A_61 : memref<1x128xi32, #tpu.memory_space<vmem>> -> memref<128xi32, #tpu.memory_space<vmem>>
          %dma_wait3A_63 = arith.constant 0 : i32
          %dma_wait3A_64 = arith.constant 0 : i32
          %dma_wait3A_65 = tpu.memref_slice %arg5[%dma_wait3A_63, %dma_wait3A_64] : memref<10000x128xf32, #tpu.memory_space<hbm>> -> memref<10000x128xf32, #tpu.memory_space<hbm>>
          tpu.wait_indirect_dma semaphore(%arg14 : memref<!tpu.dma_semaphore, #tpu.memory_space<semaphore_mem>>) src(%dma_wait3A_65 : memref<10000x128xf32, #tpu.memory_space<hbm>>) dst(%arg11 : memref<128x128xf32, #tpu.memory_space<vmem>>)
          %dma_start3A_66 = arith.constant 0 : i32
          %dma_start3A_67 = tpu.memref_slice %arg9[%add3A_35, %dma_start3A_66] : memref<16x128xi32, #tpu.memory_space<vmem>> -> memref<1x128xi32, #tpu.memory_space<vmem>>
          %dma_start3A_68 = tpu.memref_squeeze %dma_start3A_67 : memref<1x128xi32, #tpu.memory_space<vmem>> -> memref<128xi32, #tpu.memory_space<vmem>>
          %dma_start3A_69 = arith.constant 0 : i32
          %dma_start3A_70 = arith.constant 0 : i32
          %dma_start3A_71 = tpu.memref_slice %arg12[%dma_start3A_69, %dma_start3A_70] : memref<10240x128xf32, #tpu.memory_space<vmem_shared>> -> memref<10240x128xf32, #tpu.memory_space<vmem_shared>>
          tpu.enqueue_indirect_dma source(%arg11 : memref<128x128xf32, #tpu.memory_space<vmem>>) target(%dma_start3A_71 : memref<10240x128xf32, #tpu.memory_space<vmem_shared>>) offsets(%dma_start3A_68 : memref<128xi32, #tpu.memory_space<vmem>>) semaphore(%arg16 : memref<!tpu.dma_semaphore, #tpu.memory_space<semaphore_mem>>) {add = true}
          %dma_wait3A_72 = arith.constant 0 : i32
          %dma_wait3A_73 = arith.constant 0 : i32
          %dma_wait3A_74 = tpu.memref_slice %arg9[%dma_wait3A_72, %dma_wait3A_73] : memref<16x128xi32, #tpu.memory_space<vmem>> -> memref<1x128xi32, #tpu.memory_space<vmem>>
          %dma_wait3A_75 = tpu.memref_squeeze %dma_wait3A_74 : memref<1x128xi32, #tpu.memory_space<vmem>> -> memref<128xi32, #tpu.memory_space<vmem>>
          %dma_wait3A_76 = arith.constant 0 : i32
          %dma_wait3A_77 = arith.constant 0 : i32
          %dma_wait3A_78 = tpu.memref_slice %arg12[%dma_wait3A_76, %dma_wait3A_77] : memref<10240x128xf32, #tpu.memory_space<vmem_shared>> -> memref<10240x128xf32, #tpu.memory_space<vmem_shared>>
          tpu.wait_indirect_dma semaphore(%arg15 : memref<!tpu.dma_semaphore, #tpu.memory_space<semaphore_mem>>) src(%arg10 : memref<128x128xf32, #tpu.memory_space<vmem>>) dst(%dma_wait3A_78 : memref<10240x128xf32, #tpu.memory_space<vmem_shared>>)
          %lt3A = arith.constant 7 : i32
          %lt3A_79 = arith.cmpi slt, %scan3A_32, %lt3A : i32
          %convert_element_type3A_80 = arith.extui %lt3A_79 : i1 to i32
          %cond3A_81 = arith.constant 0 : i32
          %cond3A_82 = arith.cmpi ne, %convert_element_type3A_80, %cond3A_81 : i32
          scf.if %cond3A_82 {
            %add3A_83 = arith.constant 2 : i32
            %add3A_84 = arith.addi %mul3A_34, %add3A_83 : i32
            %dma_start3A_85 = arith.constant 0 : i32
            %dma_start3A_86 = tpu.memref_slice %arg8[%add3A_84, %dma_start3A_85] : memref<16x128xi32, #tpu.memory_space<vmem>> -> memref<1x128xi32, #tpu.memory_space<vmem>>
            %dma_start3A_87 = tpu.memref_squeeze %dma_start3A_86 : memref<1x128xi32, #tpu.memory_space<vmem>> -> memref<128xi32, #tpu.memory_space<vmem>>
            %dma_start3A_88 = arith.constant 0 : i32
            %dma_start3A_89 = arith.constant 0 : i32
            %dma_start3A_90 = tpu.memref_slice %arg5[%dma_start3A_88, %dma_start3A_89] : memref<10000x128xf32, #tpu.memory_space<hbm>> -> memref<10000x128xf32, #tpu.memory_space<hbm>>
            tpu.enqueue_indirect_dma source(%dma_start3A_90 : memref<10000x128xf32, #tpu.memory_space<hbm>>) target(%arg10 : memref<128x128xf32, #tpu.memory_space<vmem>>) offsets(%dma_start3A_87 : memref<128xi32, #tpu.memory_space<vmem>>) semaphore(%arg13 : memref<!tpu.dma_semaphore, #tpu.memory_space<semaphore_mem>>)
          } else {
          }
        }
        %scan3A_25 = arith.constant 8 : i32
        %dma_wait3A = arith.constant 0 : i32
        %dma_wait3A_26 = arith.constant 0 : i32
        %dma_wait3A_27 = tpu.memref_slice %arg9[%dma_wait3A, %dma_wait3A_26] : memref<16x128xi32, #tpu.memory_space<vmem>> -> memref<1x128xi32, #tpu.memory_space<vmem>>
        %dma_wait3A_28 = tpu.memref_squeeze %dma_wait3A_27 : memref<1x128xi32, #tpu.memory_space<vmem>> -> memref<128xi32, #tpu.memory_space<vmem>>
        %dma_wait3A_29 = arith.constant 0 : i32
        %dma_wait3A_30 = arith.constant 0 : i32
        %dma_wait3A_31 = tpu.memref_slice %arg12[%dma_wait3A_29, %dma_wait3A_30] : memref<10240x128xf32, #tpu.memory_space<vmem_shared>> -> memref<10240x128xf32, #tpu.memory_space<vmem_shared>>
        tpu.wait_indirect_dma semaphore(%arg16 : memref<!tpu.dma_semaphore, #tpu.memory_space<semaphore_mem>>) src(%arg11 : memref<128x128xf32, #tpu.memory_space<vmem>>) dst(%dma_wait3A_31 : memref<10240x128xf32, #tpu.memory_space<vmem_shared>>)
      }
      %scan3A_13 = arith.constant 10 : i32
    } else {
    }
    %barrier3A_8 = arith.constant 0 : index
    tpu.barrier barrier_id(%barrier3A_8)
    "tpu.region"() ({
      %run_scoped3A = tpu.sem_alloc : memref<!tpu.dma_semaphore, #tpu.memory_space<semaphore_mem>>
      %dma_start3A = arith.constant 0 : i32
      %dma_start3A_9 = tpu.memref_slice %arg7[%arg0, %mul3A_0, %dma_start3A] : memref<2x10240x128xf32, #tpu.memory_space<hbm>> -> memref<1x640x128xf32, #tpu.memory_space<hbm>>
      %dma_start3A_10 = tpu.memref_squeeze %dma_start3A_9 : memref<1x640x128xf32, #tpu.memory_space<hbm>> -> memref<640x128xf32, #tpu.memory_space<hbm>>
      %dma_start3A_11 = arith.constant 0 : i32
      %dma_start3A_12 = tpu.memref_slice %arg12[%mul3A_0, %dma_start3A_11] : memref<10240x128xf32, #tpu.memory_space<vmem_shared>> -> memref<640x128xf32, #tpu.memory_space<vmem_shared>>
      tpu.enqueue_dma source(%dma_start3A_12 : memref<640x128xf32, #tpu.memory_space<vmem_shared>>) target(%dma_start3A_10 : memref<640x128xf32, #tpu.memory_space<hbm>>) target_semaphore(%run_scoped3A : memref<!tpu.dma_semaphore, #tpu.memory_space<semaphore_mem>>)
      %dma_wait3A = arith.constant 0 : i32
      %dma_wait3A_13 = tpu.memref_slice %arg7[%arg0, %mul3A_0, %dma_wait3A] : memref<2x10240x128xf32, #tpu.memory_space<hbm>> -> memref<1x640x128xf32, #tpu.memory_space<hbm>>
      %dma_wait3A_14 = tpu.memref_squeeze %dma_wait3A_13 : memref<1x640x128xf32, #tpu.memory_space<hbm>> -> memref<640x128xf32, #tpu.memory_space<hbm>>
      %dma_wait3A_15 = arith.constant 0 : i32
      %dma_wait3A_16 = tpu.memref_slice %arg12[%mul3A_0, %dma_wait3A_15] : memref<10240x128xf32, #tpu.memory_space<vmem_shared>> -> memref<640x128xf32, #tpu.memory_space<vmem_shared>>
      tpu.wait_dma2 semaphore(%run_scoped3A : memref<!tpu.dma_semaphore, #tpu.memory_space<semaphore_mem>>) src(%dma_wait3A_16 : memref<640x128xf32, #tpu.memory_space<vmem_shared>>) dst(%dma_wait3A_14 : memref<640x128xf32, #tpu.memory_space<hbm>>)
      tpu.yield
    }) : () -> ()
    return
  }
}

#map = affine_map<(d0, d1) -> (0, 0, 0, 0)>
#map1 = affine_map<(d0, d1) -> (0, 0)>
#map2 = affine_map<(d0, d1) -> (0, 0, 0)>
module attributes {stable_mosaic.version = 14 : i64} {
  func.func @_agg_body(%arg0: i32, %arg1: i32, %arg2: memref<16x10x16x128xi32, #tpu.memory_space<hbm>>, %arg3: memref<16x10x16x128xi32, #tpu.memory_space<hbm>>, %arg4: memref<10000x128xf32, #tpu.memory_space<hbm>>, %arg5: memref<10000x128xf32, #tpu.memory_space<hbm>>, %arg6: memref<640x128xf32, #tpu.memory_space<hbm>>, %arg7: memref<2x10240x128xf32, #tpu.memory_space<hbm>>, %arg8: memref<16x128xi32, #tpu.memory_space<vmem>>, %arg9: memref<16x128xi32, #tpu.memory_space<vmem>>, %arg10: memref<128x128xf32, #tpu.memory_space<vmem>>, %arg11: memref<128x128xf32, #tpu.memory_space<vmem>>, %arg12: memref<10240x128xf32, #tpu.memory_space<vmem_shared>>, %arg13: memref<!tpu.dma_semaphore, #tpu.memory_space<semaphore_mem>>, %arg14: memref<!tpu.dma_semaphore, #tpu.memory_space<semaphore_mem>>, %arg15: memref<!tpu.dma_semaphore, #tpu.memory_space<semaphore_mem>>, %arg16: memref<!tpu.dma_semaphore, #tpu.memory_space<semaphore_mem>>) attributes {dimension_semantics = [#tpu.dimension_semantics<core_parallel>, #tpu.dimension_semantics<subcore_parallel>], iteration_bounds = array<i64: 2, 16>, scalar_prefetch = 0 : i64, scratch_operands = 9 : i64, tpu.core_type = #tpu.core_type<sc_vector_subcore>, window_params = [{transform_indices = #map}, {transform_indices = #map}, {transform_indices = #map1}, {transform_indices = #map1}, {transform_indices = #map1}, {transform_indices = #map2}]} {
    %mul3A = arith.constant 640 : i32
    %mul3A_0 = arith.muli %arg1, %mul3A : i32
    "tpu.region"() ({
      %run_scoped3A = tpu.sem_alloc : memref<!tpu.dma_semaphore, #tpu.memory_space<semaphore_mem>>
      %dma_start3A = arith.constant 0 : i32
      %dma_start3A_9 = tpu.memref_slice %arg12[%mul3A_0, %dma_start3A] : memref<10240x128xf32, #tpu.memory_space<vmem_shared>> -> memref<640x128xf32, #tpu.memory_space<vmem_shared>>
      tpu.enqueue_dma source(%arg6 : memref<640x128xf32, #tpu.memory_space<hbm>>) target(%dma_start3A_9 : memref<640x128xf32, #tpu.memory_space<vmem_shared>>) target_semaphore(%run_scoped3A : memref<!tpu.dma_semaphore, #tpu.memory_space<semaphore_mem>>)
      %dma_wait3A = arith.constant 0 : i32
      %dma_wait3A_10 = tpu.memref_slice %arg12[%mul3A_0, %dma_wait3A] : memref<10240x128xf32, #tpu.memory_space<vmem_shared>> -> memref<640x128xf32, #tpu.memory_space<vmem_shared>>
      tpu.wait_dma2 semaphore(%run_scoped3A : memref<!tpu.dma_semaphore, #tpu.memory_space<semaphore_mem>>) src(%arg6 : memref<640x128xf32, #tpu.memory_space<hbm>>) dst(%dma_wait3A_10 : memref<640x128xf32, #tpu.memory_space<vmem_shared>>)
      tpu.yield
    }) : () -> ()
    %barrier3A = arith.constant 0 : index
    tpu.barrier barrier_id(%barrier3A)
    %eq3A = arith.constant 0 : i32
    %eq3A_1 = arith.cmpi eq, %arg0, %eq3A : i32
    %convert_element_type3A = arith.extui %eq3A_1 : i1 to i32
    %cond3A = arith.constant 0 : i32
    %cond3A_2 = arith.cmpi ne, %convert_element_type3A, %cond3A : i32
    scf.if %cond3A_2 {
      %scan3A = arith.constant 0 : i32
      %scan3A_9 = arith.constant 0 : i32
      %scan3A_10 = arith.constant 10 : i32
      %scan3A_11 = arith.addi %scan3A_9, %scan3A_10 : i32
      %scan3A_12 = arith.constant 1 : i32
      scf.for %scan3A_14 = %scan3A_9 to %scan3A_11 step %scan3A_12  : i32 {
        "tpu.region"() ({
          %run_scoped3A = tpu.sem_alloc : memref<!tpu.dma_semaphore, #tpu.memory_space<semaphore_mem>>
          %dma_start3A_32 = arith.constant 0 : i32
          %dma_start3A_33 = arith.constant 0 : i32
          %dma_start3A_34 = tpu.memref_slice %arg2[%arg1, %scan3A_14, %dma_start3A_32, %dma_start3A_33] : memref<16x10x16x128xi32, #tpu.memory_space<hbm>> -> memref<1x1x16x128xi32, #tpu.memory_space<hbm>>
          %dma_start3A_35 = tpu.memref_squeeze %dma_start3A_34 : memref<1x1x16x128xi32, #tpu.memory_space<hbm>> -> memref<16x128xi32, #tpu.memory_space<hbm>>
          %dma_start3A_36 = arith.constant 0 : i32
          %dma_start3A_37 = arith.constant 0 : i32
          %dma_start3A_38 = tpu.memref_slice %arg2[%arg1, %scan3A_14, %dma_start3A_36, %dma_start3A_37] : memref<16x10x16x128xi32, #tpu.memory_space<hbm>> -> memref<1x1x16x128xi32, #tpu.memory_space<hbm>>
          %dma_start3A_39 = tpu.memref_squeeze %dma_start3A_38 : memref<1x1x16x128xi32, #tpu.memory_space<hbm>> -> memref<16x128xi32, #tpu.memory_space<hbm>>
          tpu.enqueue_dma source(%dma_start3A_39 : memref<16x128xi32, #tpu.memory_space<hbm>>) target(%arg8 : memref<16x128xi32, #tpu.memory_space<vmem>>) target_semaphore(%run_scoped3A : memref<!tpu.dma_semaphore, #tpu.memory_space<semaphore_mem>>)
          %dma_wait3A_40 = arith.constant 0 : i32
          %dma_wait3A_41 = arith.constant 0 : i32
          %dma_wait3A_42 = tpu.memref_slice %arg2[%arg1, %scan3A_14, %dma_wait3A_40, %dma_wait3A_41] : memref<16x10x16x128xi32, #tpu.memory_space<hbm>> -> memref<1x1x16x128xi32, #tpu.memory_space<hbm>>
          %dma_wait3A_43 = tpu.memref_squeeze %dma_wait3A_42 : memref<1x1x16x128xi32, #tpu.memory_space<hbm>> -> memref<16x128xi32, #tpu.memory_space<hbm>>
          %dma_wait3A_44 = arith.constant 0 : i32
          %dma_wait3A_45 = arith.constant 0 : i32
          %dma_wait3A_46 = tpu.memref_slice %arg2[%arg1, %scan3A_14, %dma_wait3A_44, %dma_wait3A_45] : memref<16x10x16x128xi32, #tpu.memory_space<hbm>> -> memref<1x1x16x128xi32, #tpu.memory_space<hbm>>
          %dma_wait3A_47 = tpu.memref_squeeze %dma_wait3A_46 : memref<1x1x16x128xi32, #tpu.memory_space<hbm>> -> memref<16x128xi32, #tpu.memory_space<hbm>>
          tpu.wait_dma2 semaphore(%run_scoped3A : memref<!tpu.dma_semaphore, #tpu.memory_space<semaphore_mem>>) src(%dma_wait3A_47 : memref<16x128xi32, #tpu.memory_space<hbm>>) dst(%arg8 : memref<16x128xi32, #tpu.memory_space<vmem>>)
          tpu.yield
        }) : () -> ()
        "tpu.region"() ({
          %run_scoped3A = tpu.sem_alloc : memref<!tpu.dma_semaphore, #tpu.memory_space<semaphore_mem>>
          %dma_start3A_32 = arith.constant 0 : i32
          %dma_start3A_33 = arith.constant 0 : i32
          %dma_start3A_34 = tpu.memref_slice %arg3[%arg1, %scan3A_14, %dma_start3A_32, %dma_start3A_33] : memref<16x10x16x128xi32, #tpu.memory_space<hbm>> -> memref<1x1x16x128xi32, #tpu.memory_space<hbm>>
          %dma_start3A_35 = tpu.memref_squeeze %dma_start3A_34 : memref<1x1x16x128xi32, #tpu.memory_space<hbm>> -> memref<16x128xi32, #tpu.memory_space<hbm>>
          %dma_start3A_36 = arith.constant 0 : i32
          %dma_start3A_37 = arith.constant 0 : i32
          %dma_start3A_38 = tpu.memref_slice %arg3[%arg1, %scan3A_14, %dma_start3A_36, %dma_start3A_37] : memref<16x10x16x128xi32, #tpu.memory_space<hbm>> -> memref<1x1x16x128xi32, #tpu.memory_space<hbm>>
          %dma_start3A_39 = tpu.memref_squeeze %dma_start3A_38 : memref<1x1x16x128xi32, #tpu.memory_space<hbm>> -> memref<16x128xi32, #tpu.memory_space<hbm>>
          tpu.enqueue_dma source(%dma_start3A_39 : memref<16x128xi32, #tpu.memory_space<hbm>>) target(%arg9 : memref<16x128xi32, #tpu.memory_space<vmem>>) target_semaphore(%run_scoped3A : memref<!tpu.dma_semaphore, #tpu.memory_space<semaphore_mem>>)
          %dma_wait3A_40 = arith.constant 0 : i32
          %dma_wait3A_41 = arith.constant 0 : i32
          %dma_wait3A_42 = tpu.memref_slice %arg3[%arg1, %scan3A_14, %dma_wait3A_40, %dma_wait3A_41] : memref<16x10x16x128xi32, #tpu.memory_space<hbm>> -> memref<1x1x16x128xi32, #tpu.memory_space<hbm>>
          %dma_wait3A_43 = tpu.memref_squeeze %dma_wait3A_42 : memref<1x1x16x128xi32, #tpu.memory_space<hbm>> -> memref<16x128xi32, #tpu.memory_space<hbm>>
          %dma_wait3A_44 = arith.constant 0 : i32
          %dma_wait3A_45 = arith.constant 0 : i32
          %dma_wait3A_46 = tpu.memref_slice %arg3[%arg1, %scan3A_14, %dma_wait3A_44, %dma_wait3A_45] : memref<16x10x16x128xi32, #tpu.memory_space<hbm>> -> memref<1x1x16x128xi32, #tpu.memory_space<hbm>>
          %dma_wait3A_47 = tpu.memref_squeeze %dma_wait3A_46 : memref<1x1x16x128xi32, #tpu.memory_space<hbm>> -> memref<16x128xi32, #tpu.memory_space<hbm>>
          tpu.wait_dma2 semaphore(%run_scoped3A : memref<!tpu.dma_semaphore, #tpu.memory_space<semaphore_mem>>) src(%dma_wait3A_47 : memref<16x128xi32, #tpu.memory_space<hbm>>) dst(%arg9 : memref<16x128xi32, #tpu.memory_space<vmem>>)
          tpu.yield
        }) : () -> ()
        %dma_start3A = arith.constant 0 : i32
        %dma_start3A_15 = arith.constant 0 : i32
        %dma_start3A_16 = tpu.memref_slice %arg8[%dma_start3A, %dma_start3A_15] : memref<16x128xi32, #tpu.memory_space<vmem>> -> memref<1x128xi32, #tpu.memory_space<vmem>>
        %dma_start3A_17 = tpu.memref_squeeze %dma_start3A_16 : memref<1x128xi32, #tpu.memory_space<vmem>> -> memref<128xi32, #tpu.memory_space<vmem>>
        %dma_start3A_18 = arith.constant 0 : i32
        %dma_start3A_19 = arith.constant 0 : i32
        %dma_start3A_20 = tpu.memref_slice %arg4[%dma_start3A_18, %dma_start3A_19] : memref<10000x128xf32, #tpu.memory_space<hbm>> -> memref<10000x128xf32, #tpu.memory_space<hbm>>
        tpu.enqueue_indirect_dma source(%dma_start3A_20 : memref<10000x128xf32, #tpu.memory_space<hbm>>) target(%arg10 : memref<128x128xf32, #tpu.memory_space<vmem>>) offsets(%dma_start3A_17 : memref<128xi32, #tpu.memory_space<vmem>>) semaphore(%arg13 : memref<!tpu.dma_semaphore, #tpu.memory_space<semaphore_mem>>)
        %scan3A_21 = arith.constant 0 : i32
        %scan3A_22 = arith.constant 8 : i32
        %scan3A_23 = arith.addi %scan3A_21, %scan3A_22 : i32
        %scan3A_24 = arith.constant 1 : i32
        scf.for %scan3A_32 = %scan3A_21 to %scan3A_23 step %scan3A_24  : i32 {
          %mul3A_33 = arith.constant 2 : i32
          %mul3A_34 = arith.muli %mul3A_33, %scan3A_32 : i32
          %add3A = arith.constant 1 : i32
          %add3A_35 = arith.addi %mul3A_34, %add3A : i32
          %dma_wait3A_36 = arith.constant 0 : i32
          %dma_wait3A_37 = arith.constant 0 : i32
          %dma_wait3A_38 = tpu.memref_slice %arg8[%dma_wait3A_36, %dma_wait3A_37] : memref<16x128xi32, #tpu.memory_space<vmem>> -> memref<1x128xi32, #tpu.memory_space<vmem>>
          %dma_wait3A_39 = tpu.memref_squeeze %dma_wait3A_38 : memref<1x128xi32, #tpu.memory_space<vmem>> -> memref<128xi32, #tpu.memory_space<vmem>>
          %dma_wait3A_40 = arith.constant 0 : i32
          %dma_wait3A_41 = arith.constant 0 : i32
          %dma_wait3A_42 = tpu.memref_slice %arg4[%dma_wait3A_40, %dma_wait3A_41] : memref<10000x128xf32, #tpu.memory_space<hbm>> -> memref<10000x128xf32, #tpu.memory_space<hbm>>
          tpu.wait_indirect_dma semaphore(%arg13 : memref<!tpu.dma_semaphore, #tpu.memory_space<semaphore_mem>>) src(%dma_wait3A_42 : memref<10000x128xf32, #tpu.memory_space<hbm>>) dst(%arg10 : memref<128x128xf32, #tpu.memory_space<vmem>>)
          %dma_start3A_43 = arith.constant 0 : i32
          %dma_start3A_44 = tpu.memref_slice %arg9[%mul3A_34, %dma_start3A_43] : memref<16x128xi32, #tpu.memory_space<vmem>> -> memref<1x128xi32, #tpu.memory_space<vmem>>
          %dma_start3A_45 = tpu.memref_squeeze %dma_start3A_44 : memref<1x128xi32, #tpu.memory_space<vmem>> -> memref<128xi32, #tpu.memory_space<vmem>>
          %dma_start3A_46 = arith.constant 0 : i32
          %dma_start3A_47 = arith.constant 0 : i32
          %dma_start3A_48 = tpu.memref_slice %arg12[%dma_start3A_46, %dma_start3A_47] : memref<10240x128xf32, #tpu.memory_space<vmem_shared>> -> memref<10240x128xf32, #tpu.memory_space<vmem_shared>>
          tpu.enqueue_indirect_dma source(%arg10 : memref<128x128xf32, #tpu.memory_space<vmem>>) target(%dma_start3A_48 : memref<10240x128xf32, #tpu.memory_space<vmem_shared>>) offsets(%dma_start3A_45 : memref<128xi32, #tpu.memory_space<vmem>>) semaphore(%arg15 : memref<!tpu.dma_semaphore, #tpu.memory_space<semaphore_mem>>) {add = true}
          %gt3A = arith.constant 0 : i32
          %gt3A_49 = arith.cmpi sgt, %scan3A_32, %gt3A : i32
          %convert_element_type3A_50 = arith.extui %gt3A_49 : i1 to i32
          %cond3A_51 = arith.constant 0 : i32
          %cond3A_52 = arith.cmpi ne, %convert_element_type3A_50, %cond3A_51 : i32
          scf.if %cond3A_52 {
            %dma_wait3A_83 = arith.constant 0 : i32
            %dma_wait3A_84 = arith.constant 0 : i32
            %dma_wait3A_85 = tpu.memref_slice %arg9[%dma_wait3A_83, %dma_wait3A_84] : memref<16x128xi32, #tpu.memory_space<vmem>> -> memref<1x128xi32, #tpu.memory_space<vmem>>
            %dma_wait3A_86 = tpu.memref_squeeze %dma_wait3A_85 : memref<1x128xi32, #tpu.memory_space<vmem>> -> memref<128xi32, #tpu.memory_space<vmem>>
            %dma_wait3A_87 = arith.constant 0 : i32
            %dma_wait3A_88 = arith.constant 0 : i32
            %dma_wait3A_89 = tpu.memref_slice %arg12[%dma_wait3A_87, %dma_wait3A_88] : memref<10240x128xf32, #tpu.memory_space<vmem_shared>> -> memref<10240x128xf32, #tpu.memory_space<vmem_shared>>
            tpu.wait_indirect_dma semaphore(%arg16 : memref<!tpu.dma_semaphore, #tpu.memory_space<semaphore_mem>>) src(%arg11 : memref<128x128xf32, #tpu.memory_space<vmem>>) dst(%dma_wait3A_89 : memref<10240x128xf32, #tpu.memory_space<vmem_shared>>)
          } else {
          }
          %dma_start3A_53 = arith.constant 0 : i32
          %dma_start3A_54 = tpu.memref_slice %arg8[%add3A_35, %dma_start3A_53] : memref<16x128xi32, #tpu.memory_space<vmem>> -> memref<1x128xi32, #tpu.memory_space<vmem>>
          %dma_start3A_55 = tpu.memref_squeeze %dma_start3A_54 : memref<1x128xi32, #tpu.memory_space<vmem>> -> memref<128xi32, #tpu.memory_space<vmem>>
          %dma_start3A_56 = arith.constant 0 : i32
          %dma_start3A_57 = arith.constant 0 : i32
          %dma_start3A_58 = tpu.memref_slice %arg4[%dma_start3A_56, %dma_start3A_57] : memref<10000x128xf32, #tpu.memory_space<hbm>> -> memref<10000x128xf32, #tpu.memory_space<hbm>>
          tpu.enqueue_indirect_dma source(%dma_start3A_58 : memref<10000x128xf32, #tpu.memory_space<hbm>>) target(%arg11 : memref<128x128xf32, #tpu.memory_space<vmem>>) offsets(%dma_start3A_55 : memref<128xi32, #tpu.memory_space<vmem>>) semaphore(%arg14 : memref<!tpu.dma_semaphore, #tpu.memory_space<semaphore_mem>>)
          %dma_wait3A_59 = arith.constant 0 : i32
          %dma_wait3A_60 = arith.constant 0 : i32
          %dma_wait3A_61 = tpu.memref_slice %arg8[%dma_wait3A_59, %dma_wait3A_60] : memref<16x128xi32, #tpu.memory_space<vmem>> -> memref<1x128xi32, #tpu.memory_space<vmem>>
          %dma_wait3A_62 = tpu.memref_squeeze %dma_wait3A_61 : memref<1x128xi32, #tpu.memory_space<vmem>> -> memref<128xi32, #tpu.memory_space<vmem>>
          %dma_wait3A_63 = arith.constant 0 : i32
          %dma_wait3A_64 = arith.constant 0 : i32
          %dma_wait3A_65 = tpu.memref_slice %arg4[%dma_wait3A_63, %dma_wait3A_64] : memref<10000x128xf32, #tpu.memory_space<hbm>> -> memref<10000x128xf32, #tpu.memory_space<hbm>>
          tpu.wait_indirect_dma semaphore(%arg14 : memref<!tpu.dma_semaphore, #tpu.memory_space<semaphore_mem>>) src(%dma_wait3A_65 : memref<10000x128xf32, #tpu.memory_space<hbm>>) dst(%arg11 : memref<128x128xf32, #tpu.memory_space<vmem>>)
          %dma_start3A_66 = arith.constant 0 : i32
          %dma_start3A_67 = tpu.memref_slice %arg9[%add3A_35, %dma_start3A_66] : memref<16x128xi32, #tpu.memory_space<vmem>> -> memref<1x128xi32, #tpu.memory_space<vmem>>
          %dma_start3A_68 = tpu.memref_squeeze %dma_start3A_67 : memref<1x128xi32, #tpu.memory_space<vmem>> -> memref<128xi32, #tpu.memory_space<vmem>>
          %dma_start3A_69 = arith.constant 0 : i32
          %dma_start3A_70 = arith.constant 0 : i32
          %dma_start3A_71 = tpu.memref_slice %arg12[%dma_start3A_69, %dma_start3A_70] : memref<10240x128xf32, #tpu.memory_space<vmem_shared>> -> memref<10240x128xf32, #tpu.memory_space<vmem_shared>>
          tpu.enqueue_indirect_dma source(%arg11 : memref<128x128xf32, #tpu.memory_space<vmem>>) target(%dma_start3A_71 : memref<10240x128xf32, #tpu.memory_space<vmem_shared>>) offsets(%dma_start3A_68 : memref<128xi32, #tpu.memory_space<vmem>>) semaphore(%arg16 : memref<!tpu.dma_semaphore, #tpu.memory_space<semaphore_mem>>) {add = true}
          %dma_wait3A_72 = arith.constant 0 : i32
          %dma_wait3A_73 = arith.constant 0 : i32
          %dma_wait3A_74 = tpu.memref_slice %arg9[%dma_wait3A_72, %dma_wait3A_73] : memref<16x128xi32, #tpu.memory_space<vmem>> -> memref<1x128xi32, #tpu.memory_space<vmem>>
          %dma_wait3A_75 = tpu.memref_squeeze %dma_wait3A_74 : memref<1x128xi32, #tpu.memory_space<vmem>> -> memref<128xi32, #tpu.memory_space<vmem>>
          %dma_wait3A_76 = arith.constant 0 : i32
          %dma_wait3A_77 = arith.constant 0 : i32
          %dma_wait3A_78 = tpu.memref_slice %arg12[%dma_wait3A_76, %dma_wait3A_77] : memref<10240x128xf32, #tpu.memory_space<vmem_shared>> -> memref<10240x128xf32, #tpu.memory_space<vmem_shared>>
          tpu.wait_indirect_dma semaphore(%arg15 : memref<!tpu.dma_semaphore, #tpu.memory_space<semaphore_mem>>) src(%arg10 : memref<128x128xf32, #tpu.memory_space<vmem>>) dst(%dma_wait3A_78 : memref<10240x128xf32, #tpu.memory_space<vmem_shared>>)
          %lt3A = arith.constant 7 : i32
          %lt3A_79 = arith.cmpi slt, %scan3A_32, %lt3A : i32
          %convert_element_type3A_80 = arith.extui %lt3A_79 : i1 to i32
          %cond3A_81 = arith.constant 0 : i32
          %cond3A_82 = arith.cmpi ne, %convert_element_type3A_80, %cond3A_81 : i32
          scf.if %cond3A_82 {
            %add3A_83 = arith.constant 2 : i32
            %add3A_84 = arith.addi %mul3A_34, %add3A_83 : i32
            %dma_start3A_85 = arith.constant 0 : i32
            %dma_start3A_86 = tpu.memref_slice %arg8[%add3A_84, %dma_start3A_85] : memref<16x128xi32, #tpu.memory_space<vmem>> -> memref<1x128xi32, #tpu.memory_space<vmem>>
            %dma_start3A_87 = tpu.memref_squeeze %dma_start3A_86 : memref<1x128xi32, #tpu.memory_space<vmem>> -> memref<128xi32, #tpu.memory_space<vmem>>
            %dma_start3A_88 = arith.constant 0 : i32
            %dma_start3A_89 = arith.constant 0 : i32
            %dma_start3A_90 = tpu.memref_slice %arg4[%dma_start3A_88, %dma_start3A_89] : memref<10000x128xf32, #tpu.memory_space<hbm>> -> memref<10000x128xf32, #tpu.memory_space<hbm>>
            tpu.enqueue_indirect_dma source(%dma_start3A_90 : memref<10000x128xf32, #tpu.memory_space<hbm>>) target(%arg10 : memref<128x128xf32, #tpu.memory_space<vmem>>) offsets(%dma_start3A_87 : memref<128xi32, #tpu.memory_space<vmem>>) semaphore(%arg13 : memref<!tpu.dma_semaphore, #tpu.memory_space<semaphore_mem>>)
          } else {
          }
        }
        %scan3A_25 = arith.constant 8 : i32
        %dma_wait3A = arith.constant 0 : i32
        %dma_wait3A_26 = arith.constant 0 : i32
        %dma_wait3A_27 = tpu.memref_slice %arg9[%dma_wait3A, %dma_wait3A_26] : memref<16x128xi32, #tpu.memory_space<vmem>> -> memref<1x128xi32, #tpu.memory_space<vmem>>
        %dma_wait3A_28 = tpu.memref_squeeze %dma_wait3A_27 : memref<1x128xi32, #tpu.memory_space<vmem>> -> memref<128xi32, #tpu.memory_space<vmem>>
        %dma_wait3A_29 = arith.constant 0 : i32
        %dma_wait3A_30 = arith.constant 0 : i32
        %dma_wait3A_31 = tpu.memref_slice %arg12[%dma_wait3A_29, %dma_wait3A_30] : memref<10240x128xf32, #tpu.memory_space<vmem_shared>> -> memref<10240x128xf32, #tpu.memory_space<vmem_shared>>
        tpu.wait_indirect_dma semaphore(%arg16 : memref<!tpu.dma_semaphore, #tpu.memory_space<semaphore_mem>>) src(%arg11 : memref<128x128xf32, #tpu.memory_space<vmem>>) dst(%dma_wait3A_31 : memref<10240x128xf32, #tpu.memory_space<vmem_shared>>)
      }
      %scan3A_13 = arith.constant 10 : i32
    } else {
    }
    %eq3A_3 = arith.constant 1 : i32
    %eq3A_4 = arith.cmpi eq, %arg0, %eq3A_3 : i32
    %convert_element_type3A_5 = arith.extui %eq3A_4 : i1 to i32
    %cond3A_6 = arith.constant 0 : i32
    %cond3A_7 = arith.cmpi ne, %convert_element_type3A_5, %cond3A_6 : i32
    scf.if %cond3A_7 {
      %scan3A = arith.constant 0 : i32
      %scan3A_9 = arith.constant 0 : i32
      %scan3A_10 = arith.constant 10 : i32
      %scan3A_11 = arith.addi %scan3A_9, %scan3A_10 : i32
      %scan3A_12 = arith.constant 1 : i32
      scf.for %scan3A_14 = %scan3A_9 to %scan3A_11 step %scan3A_12  : i32 {
        "tpu.region"() ({
          %run_scoped3A = tpu.sem_alloc : memref<!tpu.dma_semaphore, #tpu.memory_space<semaphore_mem>>
          %dma_start3A_32 = arith.constant 0 : i32
          %dma_start3A_33 = arith.constant 0 : i32
          %dma_start3A_34 = tpu.memref_slice %arg2[%arg1, %scan3A_14, %dma_start3A_32, %dma_start3A_33] : memref<16x10x16x128xi32, #tpu.memory_space<hbm>> -> memref<1x1x16x128xi32, #tpu.memory_space<hbm>>
          %dma_start3A_35 = tpu.memref_squeeze %dma_start3A_34 : memref<1x1x16x128xi32, #tpu.memory_space<hbm>> -> memref<16x128xi32, #tpu.memory_space<hbm>>
          %dma_start3A_36 = arith.constant 0 : i32
          %dma_start3A_37 = arith.constant 0 : i32
          %dma_start3A_38 = tpu.memref_slice %arg2[%arg1, %scan3A_14, %dma_start3A_36, %dma_start3A_37] : memref<16x10x16x128xi32, #tpu.memory_space<hbm>> -> memref<1x1x16x128xi32, #tpu.memory_space<hbm>>
          %dma_start3A_39 = tpu.memref_squeeze %dma_start3A_38 : memref<1x1x16x128xi32, #tpu.memory_space<hbm>> -> memref<16x128xi32, #tpu.memory_space<hbm>>
          tpu.enqueue_dma source(%dma_start3A_39 : memref<16x128xi32, #tpu.memory_space<hbm>>) target(%arg8 : memref<16x128xi32, #tpu.memory_space<vmem>>) target_semaphore(%run_scoped3A : memref<!tpu.dma_semaphore, #tpu.memory_space<semaphore_mem>>)
          %dma_wait3A_40 = arith.constant 0 : i32
          %dma_wait3A_41 = arith.constant 0 : i32
          %dma_wait3A_42 = tpu.memref_slice %arg2[%arg1, %scan3A_14, %dma_wait3A_40, %dma_wait3A_41] : memref<16x10x16x128xi32, #tpu.memory_space<hbm>> -> memref<1x1x16x128xi32, #tpu.memory_space<hbm>>
          %dma_wait3A_43 = tpu.memref_squeeze %dma_wait3A_42 : memref<1x1x16x128xi32, #tpu.memory_space<hbm>> -> memref<16x128xi32, #tpu.memory_space<hbm>>
          %dma_wait3A_44 = arith.constant 0 : i32
          %dma_wait3A_45 = arith.constant 0 : i32
          %dma_wait3A_46 = tpu.memref_slice %arg2[%arg1, %scan3A_14, %dma_wait3A_44, %dma_wait3A_45] : memref<16x10x16x128xi32, #tpu.memory_space<hbm>> -> memref<1x1x16x128xi32, #tpu.memory_space<hbm>>
          %dma_wait3A_47 = tpu.memref_squeeze %dma_wait3A_46 : memref<1x1x16x128xi32, #tpu.memory_space<hbm>> -> memref<16x128xi32, #tpu.memory_space<hbm>>
          tpu.wait_dma2 semaphore(%run_scoped3A : memref<!tpu.dma_semaphore, #tpu.memory_space<semaphore_mem>>) src(%dma_wait3A_47 : memref<16x128xi32, #tpu.memory_space<hbm>>) dst(%arg8 : memref<16x128xi32, #tpu.memory_space<vmem>>)
          tpu.yield
        }) : () -> ()
        "tpu.region"() ({
          %run_scoped3A = tpu.sem_alloc : memref<!tpu.dma_semaphore, #tpu.memory_space<semaphore_mem>>
          %dma_start3A_32 = arith.constant 0 : i32
          %dma_start3A_33 = arith.constant 0 : i32
          %dma_start3A_34 = tpu.memref_slice %arg3[%arg1, %scan3A_14, %dma_start3A_32, %dma_start3A_33] : memref<16x10x16x128xi32, #tpu.memory_space<hbm>> -> memref<1x1x16x128xi32, #tpu.memory_space<hbm>>
          %dma_start3A_35 = tpu.memref_squeeze %dma_start3A_34 : memref<1x1x16x128xi32, #tpu.memory_space<hbm>> -> memref<16x128xi32, #tpu.memory_space<hbm>>
          %dma_start3A_36 = arith.constant 0 : i32
          %dma_start3A_37 = arith.constant 0 : i32
          %dma_start3A_38 = tpu.memref_slice %arg3[%arg1, %scan3A_14, %dma_start3A_36, %dma_start3A_37] : memref<16x10x16x128xi32, #tpu.memory_space<hbm>> -> memref<1x1x16x128xi32, #tpu.memory_space<hbm>>
          %dma_start3A_39 = tpu.memref_squeeze %dma_start3A_38 : memref<1x1x16x128xi32, #tpu.memory_space<hbm>> -> memref<16x128xi32, #tpu.memory_space<hbm>>
          tpu.enqueue_dma source(%dma_start3A_39 : memref<16x128xi32, #tpu.memory_space<hbm>>) target(%arg9 : memref<16x128xi32, #tpu.memory_space<vmem>>) target_semaphore(%run_scoped3A : memref<!tpu.dma_semaphore, #tpu.memory_space<semaphore_mem>>)
          %dma_wait3A_40 = arith.constant 0 : i32
          %dma_wait3A_41 = arith.constant 0 : i32
          %dma_wait3A_42 = tpu.memref_slice %arg3[%arg1, %scan3A_14, %dma_wait3A_40, %dma_wait3A_41] : memref<16x10x16x128xi32, #tpu.memory_space<hbm>> -> memref<1x1x16x128xi32, #tpu.memory_space<hbm>>
          %dma_wait3A_43 = tpu.memref_squeeze %dma_wait3A_42 : memref<1x1x16x128xi32, #tpu.memory_space<hbm>> -> memref<16x128xi32, #tpu.memory_space<hbm>>
          %dma_wait3A_44 = arith.constant 0 : i32
          %dma_wait3A_45 = arith.constant 0 : i32
          %dma_wait3A_46 = tpu.memref_slice %arg3[%arg1, %scan3A_14, %dma_wait3A_44, %dma_wait3A_45] : memref<16x10x16x128xi32, #tpu.memory_space<hbm>> -> memref<1x1x16x128xi32, #tpu.memory_space<hbm>>
          %dma_wait3A_47 = tpu.memref_squeeze %dma_wait3A_46 : memref<1x1x16x128xi32, #tpu.memory_space<hbm>> -> memref<16x128xi32, #tpu.memory_space<hbm>>
          tpu.wait_dma2 semaphore(%run_scoped3A : memref<!tpu.dma_semaphore, #tpu.memory_space<semaphore_mem>>) src(%dma_wait3A_47 : memref<16x128xi32, #tpu.memory_space<hbm>>) dst(%arg9 : memref<16x128xi32, #tpu.memory_space<vmem>>)
          tpu.yield
        }) : () -> ()
        %dma_start3A = arith.constant 0 : i32
        %dma_start3A_15 = arith.constant 0 : i32
        %dma_start3A_16 = tpu.memref_slice %arg8[%dma_start3A, %dma_start3A_15] : memref<16x128xi32, #tpu.memory_space<vmem>> -> memref<1x128xi32, #tpu.memory_space<vmem>>
        %dma_start3A_17 = tpu.memref_squeeze %dma_start3A_16 : memref<1x128xi32, #tpu.memory_space<vmem>> -> memref<128xi32, #tpu.memory_space<vmem>>
        %dma_start3A_18 = arith.constant 0 : i32
        %dma_start3A_19 = arith.constant 0 : i32
        %dma_start3A_20 = tpu.memref_slice %arg5[%dma_start3A_18, %dma_start3A_19] : memref<10000x128xf32, #tpu.memory_space<hbm>> -> memref<10000x128xf32, #tpu.memory_space<hbm>>
        tpu.enqueue_indirect_dma source(%dma_start3A_20 : memref<10000x128xf32, #tpu.memory_space<hbm>>) target(%arg10 : memref<128x128xf32, #tpu.memory_space<vmem>>) offsets(%dma_start3A_17 : memref<128xi32, #tpu.memory_space<vmem>>) semaphore(%arg13 : memref<!tpu.dma_semaphore, #tpu.memory_space<semaphore_mem>>)
        %scan3A_21 = arith.constant 0 : i32
        %scan3A_22 = arith.constant 8 : i32
        %scan3A_23 = arith.addi %scan3A_21, %scan3A_22 : i32
        %scan3A_24 = arith.constant 1 : i32
        scf.for %scan3A_32 = %scan3A_21 to %scan3A_23 step %scan3A_24  : i32 {
          %mul3A_33 = arith.constant 2 : i32
          %mul3A_34 = arith.muli %mul3A_33, %scan3A_32 : i32
          %add3A = arith.constant 1 : i32
          %add3A_35 = arith.addi %mul3A_34, %add3A : i32
          %dma_wait3A_36 = arith.constant 0 : i32
          %dma_wait3A_37 = arith.constant 0 : i32
          %dma_wait3A_38 = tpu.memref_slice %arg8[%dma_wait3A_36, %dma_wait3A_37] : memref<16x128xi32, #tpu.memory_space<vmem>> -> memref<1x128xi32, #tpu.memory_space<vmem>>
          %dma_wait3A_39 = tpu.memref_squeeze %dma_wait3A_38 : memref<1x128xi32, #tpu.memory_space<vmem>> -> memref<128xi32, #tpu.memory_space<vmem>>
          %dma_wait3A_40 = arith.constant 0 : i32
          %dma_wait3A_41 = arith.constant 0 : i32
          %dma_wait3A_42 = tpu.memref_slice %arg5[%dma_wait3A_40, %dma_wait3A_41] : memref<10000x128xf32, #tpu.memory_space<hbm>> -> memref<10000x128xf32, #tpu.memory_space<hbm>>
          tpu.wait_indirect_dma semaphore(%arg13 : memref<!tpu.dma_semaphore, #tpu.memory_space<semaphore_mem>>) src(%dma_wait3A_42 : memref<10000x128xf32, #tpu.memory_space<hbm>>) dst(%arg10 : memref<128x128xf32, #tpu.memory_space<vmem>>)
          %dma_start3A_43 = arith.constant 0 : i32
          %dma_start3A_44 = tpu.memref_slice %arg9[%mul3A_34, %dma_start3A_43] : memref<16x128xi32, #tpu.memory_space<vmem>> -> memref<1x128xi32, #tpu.memory_space<vmem>>
          %dma_start3A_45 = tpu.memref_squeeze %dma_start3A_44 : memref<1x128xi32, #tpu.memory_space<vmem>> -> memref<128xi32, #tpu.memory_space<vmem>>
          %dma_start3A_46 = arith.constant 0 : i32
          %dma_start3A_47 = arith.constant 0 : i32
          %dma_start3A_48 = tpu.memref_slice %arg12[%dma_start3A_46, %dma_start3A_47] : memref<10240x128xf32, #tpu.memory_space<vmem_shared>> -> memref<10240x128xf32, #tpu.memory_space<vmem_shared>>
          tpu.enqueue_indirect_dma source(%arg10 : memref<128x128xf32, #tpu.memory_space<vmem>>) target(%dma_start3A_48 : memref<10240x128xf32, #tpu.memory_space<vmem_shared>>) offsets(%dma_start3A_45 : memref<128xi32, #tpu.memory_space<vmem>>) semaphore(%arg15 : memref<!tpu.dma_semaphore, #tpu.memory_space<semaphore_mem>>) {add = true}
          %gt3A = arith.constant 0 : i32
          %gt3A_49 = arith.cmpi sgt, %scan3A_32, %gt3A : i32
          %convert_element_type3A_50 = arith.extui %gt3A_49 : i1 to i32
          %cond3A_51 = arith.constant 0 : i32
          %cond3A_52 = arith.cmpi ne, %convert_element_type3A_50, %cond3A_51 : i32
          scf.if %cond3A_52 {
            %dma_wait3A_83 = arith.constant 0 : i32
            %dma_wait3A_84 = arith.constant 0 : i32
            %dma_wait3A_85 = tpu.memref_slice %arg9[%dma_wait3A_83, %dma_wait3A_84] : memref<16x128xi32, #tpu.memory_space<vmem>> -> memref<1x128xi32, #tpu.memory_space<vmem>>
            %dma_wait3A_86 = tpu.memref_squeeze %dma_wait3A_85 : memref<1x128xi32, #tpu.memory_space<vmem>> -> memref<128xi32, #tpu.memory_space<vmem>>
            %dma_wait3A_87 = arith.constant 0 : i32
            %dma_wait3A_88 = arith.constant 0 : i32
            %dma_wait3A_89 = tpu.memref_slice %arg12[%dma_wait3A_87, %dma_wait3A_88] : memref<10240x128xf32, #tpu.memory_space<vmem_shared>> -> memref<10240x128xf32, #tpu.memory_space<vmem_shared>>
            tpu.wait_indirect_dma semaphore(%arg16 : memref<!tpu.dma_semaphore, #tpu.memory_space<semaphore_mem>>) src(%arg11 : memref<128x128xf32, #tpu.memory_space<vmem>>) dst(%dma_wait3A_89 : memref<10240x128xf32, #tpu.memory_space<vmem_shared>>)
          } else {
          }
          %dma_start3A_53 = arith.constant 0 : i32
          %dma_start3A_54 = tpu.memref_slice %arg8[%add3A_35, %dma_start3A_53] : memref<16x128xi32, #tpu.memory_space<vmem>> -> memref<1x128xi32, #tpu.memory_space<vmem>>
          %dma_start3A_55 = tpu.memref_squeeze %dma_start3A_54 : memref<1x128xi32, #tpu.memory_space<vmem>> -> memref<128xi32, #tpu.memory_space<vmem>>
          %dma_start3A_56 = arith.constant 0 : i32
          %dma_start3A_57 = arith.constant 0 : i32
          %dma_start3A_58 = tpu.memref_slice %arg5[%dma_start3A_56, %dma_start3A_57] : memref<10000x128xf32, #tpu.memory_space<hbm>> -> memref<10000x128xf32, #tpu.memory_space<hbm>>
          tpu.enqueue_indirect_dma source(%dma_start3A_58 : memref<10000x128xf32, #tpu.memory_space<hbm>>) target(%arg11 : memref<128x128xf32, #tpu.memory_space<vmem>>) offsets(%dma_start3A_55 : memref<128xi32, #tpu.memory_space<vmem>>) semaphore(%arg14 : memref<!tpu.dma_semaphore, #tpu.memory_space<semaphore_mem>>)
          %dma_wait3A_59 = arith.constant 0 : i32
          %dma_wait3A_60 = arith.constant 0 : i32
          %dma_wait3A_61 = tpu.memref_slice %arg8[%dma_wait3A_59, %dma_wait3A_60] : memref<16x128xi32, #tpu.memory_space<vmem>> -> memref<1x128xi32, #tpu.memory_space<vmem>>
          %dma_wait3A_62 = tpu.memref_squeeze %dma_wait3A_61 : memref<1x128xi32, #tpu.memory_space<vmem>> -> memref<128xi32, #tpu.memory_space<vmem>>
          %dma_wait3A_63 = arith.constant 0 : i32
          %dma_wait3A_64 = arith.constant 0 : i32
          %dma_wait3A_65 = tpu.memref_slice %arg5[%dma_wait3A_63, %dma_wait3A_64] : memref<10000x128xf32, #tpu.memory_space<hbm>> -> memref<10000x128xf32, #tpu.memory_space<hbm>>
          tpu.wait_indirect_dma semaphore(%arg14 : memref<!tpu.dma_semaphore, #tpu.memory_space<semaphore_mem>>) src(%dma_wait3A_65 : memref<10000x128xf32, #tpu.memory_space<hbm>>) dst(%arg11 : memref<128x128xf32, #tpu.memory_space<vmem>>)
          %dma_start3A_66 = arith.constant 0 : i32
          %dma_start3A_67 = tpu.memref_slice %arg9[%add3A_35, %dma_start3A_66] : memref<16x128xi32, #tpu.memory_space<vmem>> -> memref<1x128xi32, #tpu.memory_space<vmem>>
          %dma_start3A_68 = tpu.memref_squeeze %dma_start3A_67 : memref<1x128xi32, #tpu.memory_space<vmem>> -> memref<128xi32, #tpu.memory_space<vmem>>
          %dma_start3A_69 = arith.constant 0 : i32
          %dma_start3A_70 = arith.constant 0 : i32
          %dma_start3A_71 = tpu.memref_slice %arg12[%dma_start3A_69, %dma_start3A_70] : memref<10240x128xf32, #tpu.memory_space<vmem_shared>> -> memref<10240x128xf32, #tpu.memory_space<vmem_shared>>
          tpu.enqueue_indirect_dma source(%arg11 : memref<128x128xf32, #tpu.memory_space<vmem>>) target(%dma_start3A_71 : memref<10240x128xf32, #tpu.memory_space<vmem_shared>>) offsets(%dma_start3A_68 : memref<128xi32, #tpu.memory_space<vmem>>) semaphore(%arg16 : memref<!tpu.dma_semaphore, #tpu.memory_space<semaphore_mem>>) {add = true}
          %dma_wait3A_72 = arith.constant 0 : i32
          %dma_wait3A_73 = arith.constant 0 : i32
          %dma_wait3A_74 = tpu.memref_slice %arg9[%dma_wait3A_72, %dma_wait3A_73] : memref<16x128xi32, #tpu.memory_space<vmem>> -> memref<1x128xi32, #tpu.memory_space<vmem>>
          %dma_wait3A_75 = tpu.memref_squeeze %dma_wait3A_74 : memref<1x128xi32, #tpu.memory_space<vmem>> -> memref<128xi32, #tpu.memory_space<vmem>>
          %dma_wait3A_76 = arith.constant 0 : i32
          %dma_wait3A_77 = arith.constant 0 : i32
          %dma_wait3A_78 = tpu.memref_slice %arg12[%dma_wait3A_76, %dma_wait3A_77] : memref<10240x128xf32, #tpu.memory_space<vmem_shared>> -> memref<10240x128xf32, #tpu.memory_space<vmem_shared>>
          tpu.wait_indirect_dma semaphore(%arg15 : memref<!tpu.dma_semaphore, #tpu.memory_space<semaphore_mem>>) src(%arg10 : memref<128x128xf32, #tpu.memory_space<vmem>>) dst(%dma_wait3A_78 : memref<10240x128xf32, #tpu.memory_space<vmem_shared>>)
          %lt3A = arith.constant 7 : i32
          %lt3A_79 = arith.cmpi slt, %scan3A_32, %lt3A : i32
          %convert_element_type3A_80 = arith.extui %lt3A_79 : i1 to i32
          %cond3A_81 = arith.constant 0 : i32
          %cond3A_82 = arith.cmpi ne, %convert_element_type3A_80, %cond3A_81 : i32
          scf.if %cond3A_82 {
            %add3A_83 = arith.constant 2 : i32
            %add3A_84 = arith.addi %mul3A_34, %add3A_83 : i32
            %dma_start3A_85 = arith.constant 0 : i32
            %dma_start3A_86 = tpu.memref_slice %arg8[%add3A_84, %dma_start3A_85] : memref<16x128xi32, #tpu.memory_space<vmem>> -> memref<1x128xi32, #tpu.memory_space<vmem>>
            %dma_start3A_87 = tpu.memref_squeeze %dma_start3A_86 : memref<1x128xi32, #tpu.memory_space<vmem>> -> memref<128xi32, #tpu.memory_space<vmem>>
            %dma_start3A_88 = arith.constant 0 : i32
            %dma_start3A_89 = arith.constant 0 : i32
            %dma_start3A_90 = tpu.memref_slice %arg5[%dma_start3A_88, %dma_start3A_89] : memref<10000x128xf32, #tpu.memory_space<hbm>> -> memref<10000x128xf32, #tpu.memory_space<hbm>>
            tpu.enqueue_indirect_dma source(%dma_start3A_90 : memref<10000x128xf32, #tpu.memory_space<hbm>>) target(%arg10 : memref<128x128xf32, #tpu.memory_space<vmem>>) offsets(%dma_start3A_87 : memref<128xi32, #tpu.memory_space<vmem>>) semaphore(%arg13 : memref<!tpu.dma_semaphore, #tpu.memory_space<semaphore_mem>>)
          } else {
          }
        }
        %scan3A_25 = arith.constant 8 : i32
        %dma_wait3A = arith.constant 0 : i32
        %dma_wait3A_26 = arith.constant 0 : i32
        %dma_wait3A_27 = tpu.memref_slice %arg9[%dma_wait3A, %dma_wait3A_26] : memref<16x128xi32, #tpu.memory_space<vmem>> -> memref<1x128xi32, #tpu.memory_space<vmem>>
        %dma_wait3A_28 = tpu.memref_squeeze %dma_wait3A_27 : memref<1x128xi32, #tpu.memory_space<vmem>> -> memref<128xi32, #tpu.memory_space<vmem>>
        %dma_wait3A_29 = arith.constant 0 : i32
        %dma_wait3A_30 = arith.constant 0 : i32
        %dma_wait3A_31 = tpu.memref_slice %arg12[%dma_wait3A_29, %dma_wait3A_30] : memref<10240x128xf32, #tpu.memory_space<vmem_shared>> -> memref<10240x128xf32, #tpu.memory_space<vmem_shared>>
        tpu.wait_indirect_dma semaphore(%arg16 : memref<!tpu.dma_semaphore, #tpu.memory_space<semaphore_mem>>) src(%arg11 : memref<128x128xf32, #tpu.memory_space<vmem>>) dst(%dma_wait3A_31 : memref<10240x128xf32, #tpu.memory_space<vmem_shared>>)
      }
      %scan3A_13 = arith.constant 10 : i32
    } else {
    }
    %barrier3A_8 = arith.constant 0 : index
    tpu.barrier barrier_id(%barrier3A_8)
    "tpu.region"() ({
      %run_scoped3A = tpu.sem_alloc : memref<!tpu.dma_semaphore, #tpu.memory_space<semaphore_mem>>
      %dma_start3A = arith.constant 0 : i32
      %dma_start3A_9 = tpu.memref_slice %arg7[%arg0, %mul3A_0, %dma_start3A] : memref<2x10240x128xf32, #tpu.memory_space<hbm>> -> memref<1x640x128xf32, #tpu.memory_space<hbm>>
      %dma_start3A_10 = tpu.memref_squeeze %dma_start3A_9 : memref<1x640x128xf32, #tpu.memory_space<hbm>> -> memref<640x128xf32, #tpu.memory_space<hbm>>
      %dma_start3A_11 = arith.constant 0 : i32
      %dma_start3A_12 = tpu.memref_slice %arg12[%mul3A_0, %dma_start3A_11] : memref<10240x128xf32, #tpu.memory_space<vmem_shared>> -> memref<640x128xf32, #tpu.memory_space<vmem_shared>>
      tpu.enqueue_dma source(%dma_start3A_12 : memref<640x128xf32, #tpu.memory_space<vmem_shared>>) target(%dma_start3A_10 : memref<640x128xf32, #tpu.memory_space<hbm>>) target_semaphore(%run_scoped3A : memref<!tpu.dma_semaphore, #tpu.memory_space<semaphore_mem>>)
      %dma_wait3A = arith.constant 0 : i32
      %dma_wait3A_13 = tpu.memref_slice %arg7[%arg0, %mul3A_0, %dma_wait3A] : memref<2x10240x128xf32, #tpu.memory_space<hbm>> -> memref<1x640x128xf32, #tpu.memory_space<hbm>>
      %dma_wait3A_14 = tpu.memref_squeeze %dma_wait3A_13 : memref<1x640x128xf32, #tpu.memory_space<hbm>> -> memref<640x128xf32, #tpu.memory_space<hbm>>
      %dma_wait3A_15 = arith.constant 0 : i32
      %dma_wait3A_16 = tpu.memref_slice %arg12[%mul3A_0, %dma_wait3A_15] : memref<10240x128xf32, #tpu.memory_space<vmem_shared>> -> memref<640x128xf32, #tpu.memory_space<vmem_shared>>
      tpu.wait_dma2 semaphore(%run_scoped3A : memref<!tpu.dma_semaphore, #tpu.memory_space<semaphore_mem>>) src(%dma_wait3A_16 : memref<640x128xf32, #tpu.memory_space<vmem_shared>>) dst(%dma_wait3A_14 : memref<640x128xf32, #tpu.memory_space<hbm>>)
      tpu.yield
    }) : () -> ()
    return
  }
}

#map = affine_map<(d0, d1) -> (0, 0, 0, 0)>
#map1 = affine_map<(d0, d1) -> (0, 0)>
#map2 = affine_map<(d0, d1) -> (0, 0, 0)>
module attributes {stable_mosaic.version = 14 : i64} {
  func.func @_deg_body(%arg0: i32, %arg1: i32, %arg2: memref<16x10x16x128xi32, #tpu.memory_space<hbm>>, %arg3: memref<128x128xf32, #tpu.memory_space<hbm>>, %arg4: memref<640x128xf32, #tpu.memory_space<hbm>>, %arg5: memref<2x10240x128xf32, #tpu.memory_space<hbm>>, %arg6: memref<16x128xi32, #tpu.memory_space<vmem>>, %arg7: memref<128x128xf32, #tpu.memory_space<vmem>>, %arg8: memref<10240x128xf32, #tpu.memory_space<vmem_shared>>, %arg9: memref<!tpu.dma_semaphore, #tpu.memory_space<semaphore_mem>>) attributes {dimension_semantics = [#tpu.dimension_semantics<core_parallel>, #tpu.dimension_semantics<subcore_parallel>], iteration_bounds = array<i64: 2, 16>, scalar_prefetch = 0 : i64, scratch_operands = 4 : i64, tpu.core_type = #tpu.core_type<sc_vector_subcore>, window_params = [{transform_indices = #map}, {transform_indices = #map1}, {transform_indices = #map1}, {transform_indices = #map2}]} {
    %mul3A = arith.constant 640 : i32
    %mul3A_0 = arith.muli %arg1, %mul3A : i32
    "tpu.region"() ({
      %run_scoped3A = tpu.sem_alloc : memref<!tpu.dma_semaphore, #tpu.memory_space<semaphore_mem>>
      %dma_start3A = arith.constant 0 : i32
      %dma_start3A_15 = tpu.memref_slice %arg8[%mul3A_0, %dma_start3A] : memref<10240x128xf32, #tpu.memory_space<vmem_shared>> -> memref<640x128xf32, #tpu.memory_space<vmem_shared>>
      tpu.enqueue_dma source(%arg4 : memref<640x128xf32, #tpu.memory_space<hbm>>) target(%dma_start3A_15 : memref<640x128xf32, #tpu.memory_space<vmem_shared>>) target_semaphore(%run_scoped3A : memref<!tpu.dma_semaphore, #tpu.memory_space<semaphore_mem>>)
      %dma_wait3A = arith.constant 0 : i32
      %dma_wait3A_16 = tpu.memref_slice %arg8[%mul3A_0, %dma_wait3A] : memref<10240x128xf32, #tpu.memory_space<vmem_shared>> -> memref<640x128xf32, #tpu.memory_space<vmem_shared>>
      tpu.wait_dma2 semaphore(%run_scoped3A : memref<!tpu.dma_semaphore, #tpu.memory_space<semaphore_mem>>) src(%arg4 : memref<640x128xf32, #tpu.memory_space<hbm>>) dst(%dma_wait3A_16 : memref<640x128xf32, #tpu.memory_space<vmem_shared>>)
      tpu.yield
    }) : () -> ()
    "tpu.region"() ({
      %run_scoped3A = tpu.sem_alloc : memref<!tpu.dma_semaphore, #tpu.memory_space<semaphore_mem>>
      tpu.enqueue_dma source(%arg3 : memref<128x128xf32, #tpu.memory_space<hbm>>) target(%arg7 : memref<128x128xf32, #tpu.memory_space<vmem>>) target_semaphore(%run_scoped3A : memref<!tpu.dma_semaphore, #tpu.memory_space<semaphore_mem>>)
      tpu.wait_dma2 semaphore(%run_scoped3A : memref<!tpu.dma_semaphore, #tpu.memory_space<semaphore_mem>>) src(%arg3 : memref<128x128xf32, #tpu.memory_space<hbm>>) dst(%arg7 : memref<128x128xf32, #tpu.memory_space<vmem>>)
      tpu.yield
    }) : () -> ()
    %barrier3A = arith.constant 0 : index
    tpu.barrier barrier_id(%barrier3A)
    %mul3A_1 = arith.constant 5 : i32
    %mul3A_2 = arith.muli %arg0, %mul3A_1 : i32
    %add3A = arith.constant 1 : i32
    %add3A_3 = arith.addi %arg0, %add3A : i32
    %mul3A_4 = arith.constant 5 : i32
    %mul3A_5 = arith.muli %add3A_3, %mul3A_4 : i32
    %while3A = arith.constant 0 : i32
    %while3A_6 = arith.subi %mul3A_5, %mul3A_2 : i32
    %while3A_7 = arith.addi %mul3A_2, %while3A_6 : i32
    %while3A_8 = arith.constant 1 : i32
    %while3A_9 = arith.divsi %while3A_6, %while3A_8 : i32
    %while3A_10 = arith.muli %while3A_9, %while3A_8 : i32
    %while3A_11 = arith.addi %mul3A_2, %while3A_10 : i32
    %while3A_12 = arith.constant 1 : i32
    scf.for %while3A_15 = %mul3A_2 to %while3A_11 step %while3A_12  : i32 {
      "tpu.region"() ({
        %run_scoped3A = tpu.sem_alloc : memref<!tpu.dma_semaphore, #tpu.memory_space<semaphore_mem>>
        %dma_start3A = arith.constant 0 : i32
        %dma_start3A_26 = arith.constant 0 : i32
        %dma_start3A_27 = tpu.memref_slice %arg2[%arg1, %while3A_15, %dma_start3A, %dma_start3A_26] : memref<16x10x16x128xi32, #tpu.memory_space<hbm>> -> memref<1x1x16x128xi32, #tpu.memory_space<hbm>>
        %dma_start3A_28 = tpu.memref_squeeze %dma_start3A_27 : memref<1x1x16x128xi32, #tpu.memory_space<hbm>> -> memref<16x128xi32, #tpu.memory_space<hbm>>
        %dma_start3A_29 = arith.constant 0 : i32
        %dma_start3A_30 = arith.constant 0 : i32
        %dma_start3A_31 = tpu.memref_slice %arg2[%arg1, %while3A_15, %dma_start3A_29, %dma_start3A_30] : memref<16x10x16x128xi32, #tpu.memory_space<hbm>> -> memref<1x1x16x128xi32, #tpu.memory_space<hbm>>
        %dma_start3A_32 = tpu.memref_squeeze %dma_start3A_31 : memref<1x1x16x128xi32, #tpu.memory_space<hbm>> -> memref<16x128xi32, #tpu.memory_space<hbm>>
        tpu.enqueue_dma source(%dma_start3A_32 : memref<16x128xi32, #tpu.memory_space<hbm>>) target(%arg6 : memref<16x128xi32, #tpu.memory_space<vmem>>) target_semaphore(%run_scoped3A : memref<!tpu.dma_semaphore, #tpu.memory_space<semaphore_mem>>)
        %dma_wait3A = arith.constant 0 : i32
        %dma_wait3A_33 = arith.constant 0 : i32
        %dma_wait3A_34 = tpu.memref_slice %arg2[%arg1, %while3A_15, %dma_wait3A, %dma_wait3A_33] : memref<16x10x16x128xi32, #tpu.memory_space<hbm>> -> memref<1x1x16x128xi32, #tpu.memory_space<hbm>>
        %dma_wait3A_35 = tpu.memref_squeeze %dma_wait3A_34 : memref<1x1x16x128xi32, #tpu.memory_space<hbm>> -> memref<16x128xi32, #tpu.memory_space<hbm>>
        %dma_wait3A_36 = arith.constant 0 : i32
        %dma_wait3A_37 = arith.constant 0 : i32
        %dma_wait3A_38 = tpu.memref_slice %arg2[%arg1, %while3A_15, %dma_wait3A_36, %dma_wait3A_37] : memref<16x10x16x128xi32, #tpu.memory_space<hbm>> -> memref<1x1x16x128xi32, #tpu.memory_space<hbm>>
        %dma_wait3A_39 = tpu.memref_squeeze %dma_wait3A_38 : memref<1x1x16x128xi32, #tpu.memory_space<hbm>> -> memref<16x128xi32, #tpu.memory_space<hbm>>
        tpu.wait_dma2 semaphore(%run_scoped3A : memref<!tpu.dma_semaphore, #tpu.memory_space<semaphore_mem>>) src(%dma_wait3A_39 : memref<16x128xi32, #tpu.memory_space<hbm>>) dst(%arg6 : memref<16x128xi32, #tpu.memory_space<vmem>>)
        tpu.yield
      }) : () -> ()
      %scan3A = arith.constant 0 : i32
      %scan3A_16 = arith.constant 0 : i32
      %scan3A_17 = arith.constant 16 : i32
      %scan3A_18 = arith.addi %scan3A_16, %scan3A_17 : i32
      %scan3A_19 = arith.constant 1 : i32
      scf.for %scan3A_26 = %scan3A_16 to %scan3A_18 step %scan3A_19  : i32 {
        %dma_start3A = arith.constant 0 : i32
        %dma_start3A_27 = tpu.memref_slice %arg6[%scan3A_26, %dma_start3A] : memref<16x128xi32, #tpu.memory_space<vmem>> -> memref<1x128xi32, #tpu.memory_space<vmem>>
        %dma_start3A_28 = tpu.memref_squeeze %dma_start3A_27 : memref<1x128xi32, #tpu.memory_space<vmem>> -> memref<128xi32, #tpu.memory_space<vmem>>
        %dma_start3A_29 = arith.constant 0 : i32
        %dma_start3A_30 = arith.constant 0 : i32
        %dma_start3A_31 = tpu.memref_slice %arg8[%dma_start3A_29, %dma_start3A_30] : memref<10240x128xf32, #tpu.memory_space<vmem_shared>> -> memref<10240x128xf32, #tpu.memory_space<vmem_shared>>
        tpu.enqueue_indirect_dma source(%arg7 : memref<128x128xf32, #tpu.memory_space<vmem>>) target(%dma_start3A_31 : memref<10240x128xf32, #tpu.memory_space<vmem_shared>>) offsets(%dma_start3A_28 : memref<128xi32, #tpu.memory_space<vmem>>) semaphore(%arg9 : memref<!tpu.dma_semaphore, #tpu.memory_space<semaphore_mem>>) {add = true}
      }
      %scan3A_20 = arith.constant 16 : i32
      %scan3A_21 = arith.constant 0 : i32
      %scan3A_22 = arith.constant 16 : i32
      %scan3A_23 = arith.addi %scan3A_21, %scan3A_22 : i32
      %scan3A_24 = arith.constant 1 : i32
      scf.for %scan3A_26 = %scan3A_21 to %scan3A_23 step %scan3A_24  : i32 {
        %dma_wait3A = arith.constant 0 : i32
        %dma_wait3A_27 = arith.constant 0 : i32
        %dma_wait3A_28 = tpu.memref_slice %arg6[%dma_wait3A, %dma_wait3A_27] : memref<16x128xi32, #tpu.memory_space<vmem>> -> memref<1x128xi32, #tpu.memory_space<vmem>>
        %dma_wait3A_29 = tpu.memref_squeeze %dma_wait3A_28 : memref<1x128xi32, #tpu.memory_space<vmem>> -> memref<128xi32, #tpu.memory_space<vmem>>
        %dma_wait3A_30 = arith.constant 0 : i32
        %dma_wait3A_31 = arith.constant 0 : i32
        %dma_wait3A_32 = tpu.memref_slice %arg8[%dma_wait3A_30, %dma_wait3A_31] : memref<10240x128xf32, #tpu.memory_space<vmem_shared>> -> memref<10240x128xf32, #tpu.memory_space<vmem_shared>>
        tpu.wait_indirect_dma semaphore(%arg9 : memref<!tpu.dma_semaphore, #tpu.memory_space<semaphore_mem>>) src(%arg7 : memref<128x128xf32, #tpu.memory_space<vmem>>) dst(%dma_wait3A_32 : memref<10240x128xf32, #tpu.memory_space<vmem_shared>>)
      }
      %scan3A_25 = arith.constant 16 : i32
    }
    %while3A_13 = arith.constant 1 : i32
    scf.for %while3A_15 = %while3A_11 to %while3A_7 step %while3A_13  : i32 {
      "tpu.region"() ({
        %run_scoped3A = tpu.sem_alloc : memref<!tpu.dma_semaphore, #tpu.memory_space<semaphore_mem>>
        %dma_start3A = arith.constant 0 : i32
        %dma_start3A_26 = arith.constant 0 : i32
        %dma_start3A_27 = tpu.memref_slice %arg2[%arg1, %while3A_15, %dma_start3A, %dma_start3A_26] : memref<16x10x16x128xi32, #tpu.memory_space<hbm>> -> memref<1x1x16x128xi32, #tpu.memory_space<hbm>>
        %dma_start3A_28 = tpu.memref_squeeze %dma_start3A_27 : memref<1x1x16x128xi32, #tpu.memory_space<hbm>> -> memref<16x128xi32, #tpu.memory_space<hbm>>
        %dma_start3A_29 = arith.constant 0 : i32
        %dma_start3A_30 = arith.constant 0 : i32
        %dma_start3A_31 = tpu.memref_slice %arg2[%arg1, %while3A_15, %dma_start3A_29, %dma_start3A_30] : memref<16x10x16x128xi32, #tpu.memory_space<hbm>> -> memref<1x1x16x128xi32, #tpu.memory_space<hbm>>
        %dma_start3A_32 = tpu.memref_squeeze %dma_start3A_31 : memref<1x1x16x128xi32, #tpu.memory_space<hbm>> -> memref<16x128xi32, #tpu.memory_space<hbm>>
        tpu.enqueue_dma source(%dma_start3A_32 : memref<16x128xi32, #tpu.memory_space<hbm>>) target(%arg6 : memref<16x128xi32, #tpu.memory_space<vmem>>) target_semaphore(%run_scoped3A : memref<!tpu.dma_semaphore, #tpu.memory_space<semaphore_mem>>)
        %dma_wait3A = arith.constant 0 : i32
        %dma_wait3A_33 = arith.constant 0 : i32
        %dma_wait3A_34 = tpu.memref_slice %arg2[%arg1, %while3A_15, %dma_wait3A, %dma_wait3A_33] : memref<16x10x16x128xi32, #tpu.memory_space<hbm>> -> memref<1x1x16x128xi32, #tpu.memory_space<hbm>>
        %dma_wait3A_35 = tpu.memref_squeeze %dma_wait3A_34 : memref<1x1x16x128xi32, #tpu.memory_space<hbm>> -> memref<16x128xi32, #tpu.memory_space<hbm>>
        %dma_wait3A_36 = arith.constant 0 : i32
        %dma_wait3A_37 = arith.constant 0 : i32
        %dma_wait3A_38 = tpu.memref_slice %arg2[%arg1, %while3A_15, %dma_wait3A_36, %dma_wait3A_37] : memref<16x10x16x128xi32, #tpu.memory_space<hbm>> -> memref<1x1x16x128xi32, #tpu.memory_space<hbm>>
        %dma_wait3A_39 = tpu.memref_squeeze %dma_wait3A_38 : memref<1x1x16x128xi32, #tpu.memory_space<hbm>> -> memref<16x128xi32, #tpu.memory_space<hbm>>
        tpu.wait_dma2 semaphore(%run_scoped3A : memref<!tpu.dma_semaphore, #tpu.memory_space<semaphore_mem>>) src(%dma_wait3A_39 : memref<16x128xi32, #tpu.memory_space<hbm>>) dst(%arg6 : memref<16x128xi32, #tpu.memory_space<vmem>>)
        tpu.yield
      }) : () -> ()
      %scan3A = arith.constant 0 : i32
      %scan3A_16 = arith.constant 0 : i32
      %scan3A_17 = arith.constant 16 : i32
      %scan3A_18 = arith.addi %scan3A_16, %scan3A_17 : i32
      %scan3A_19 = arith.constant 1 : i32
      scf.for %scan3A_26 = %scan3A_16 to %scan3A_18 step %scan3A_19  : i32 {
        %dma_start3A = arith.constant 0 : i32
        %dma_start3A_27 = tpu.memref_slice %arg6[%scan3A_26, %dma_start3A] : memref<16x128xi32, #tpu.memory_space<vmem>> -> memref<1x128xi32, #tpu.memory_space<vmem>>
        %dma_start3A_28 = tpu.memref_squeeze %dma_start3A_27 : memref<1x128xi32, #tpu.memory_space<vmem>> -> memref<128xi32, #tpu.memory_space<vmem>>
        %dma_start3A_29 = arith.constant 0 : i32
        %dma_start3A_30 = arith.constant 0 : i32
        %dma_start3A_31 = tpu.memref_slice %arg8[%dma_start3A_29, %dma_start3A_30] : memref<10240x128xf32, #tpu.memory_space<vmem_shared>> -> memref<10240x128xf32, #tpu.memory_space<vmem_shared>>
        tpu.enqueue_indirect_dma source(%arg7 : memref<128x128xf32, #tpu.memory_space<vmem>>) target(%dma_start3A_31 : memref<10240x128xf32, #tpu.memory_space<vmem_shared>>) offsets(%dma_start3A_28 : memref<128xi32, #tpu.memory_space<vmem>>) semaphore(%arg9 : memref<!tpu.dma_semaphore, #tpu.memory_space<semaphore_mem>>) {add = true}
      }
      %scan3A_20 = arith.constant 16 : i32
      %scan3A_21 = arith.constant 0 : i32
      %scan3A_22 = arith.constant 16 : i32
      %scan3A_23 = arith.addi %scan3A_21, %scan3A_22 : i32
      %scan3A_24 = arith.constant 1 : i32
      scf.for %scan3A_26 = %scan3A_21 to %scan3A_23 step %scan3A_24  : i32 {
        %dma_wait3A = arith.constant 0 : i32
        %dma_wait3A_27 = arith.constant 0 : i32
        %dma_wait3A_28 = tpu.memref_slice %arg6[%dma_wait3A, %dma_wait3A_27] : memref<16x128xi32, #tpu.memory_space<vmem>> -> memref<1x128xi32, #tpu.memory_space<vmem>>
        %dma_wait3A_29 = tpu.memref_squeeze %dma_wait3A_28 : memref<1x128xi32, #tpu.memory_space<vmem>> -> memref<128xi32, #tpu.memory_space<vmem>>
        %dma_wait3A_30 = arith.constant 0 : i32
        %dma_wait3A_31 = arith.constant 0 : i32
        %dma_wait3A_32 = tpu.memref_slice %arg8[%dma_wait3A_30, %dma_wait3A_31] : memref<10240x128xf32, #tpu.memory_space<vmem_shared>> -> memref<10240x128xf32, #tpu.memory_space<vmem_shared>>
        tpu.wait_indirect_dma semaphore(%arg9 : memref<!tpu.dma_semaphore, #tpu.memory_space<semaphore_mem>>) src(%arg7 : memref<128x128xf32, #tpu.memory_space<vmem>>) dst(%dma_wait3A_32 : memref<10240x128xf32, #tpu.memory_space<vmem_shared>>)
      }
      %scan3A_25 = arith.constant 16 : i32
    }
    %barrier3A_14 = arith.constant 0 : index
    tpu.barrier barrier_id(%barrier3A_14)
    "tpu.region"() ({
      %run_scoped3A = tpu.sem_alloc : memref<!tpu.dma_semaphore, #tpu.memory_space<semaphore_mem>>
      %dma_start3A = arith.constant 0 : i32
      %dma_start3A_15 = tpu.memref_slice %arg5[%arg0, %mul3A_0, %dma_start3A] : memref<2x10240x128xf32, #tpu.memory_space<hbm>> -> memref<1x640x128xf32, #tpu.memory_space<hbm>>
      %dma_start3A_16 = tpu.memref_squeeze %dma_start3A_15 : memref<1x640x128xf32, #tpu.memory_space<hbm>> -> memref<640x128xf32, #tpu.memory_space<hbm>>
      %dma_start3A_17 = arith.constant 0 : i32
      %dma_start3A_18 = tpu.memref_slice %arg8[%mul3A_0, %dma_start3A_17] : memref<10240x128xf32, #tpu.memory_space<vmem_shared>> -> memref<640x128xf32, #tpu.memory_space<vmem_shared>>
      tpu.enqueue_dma source(%dma_start3A_18 : memref<640x128xf32, #tpu.memory_space<vmem_shared>>) target(%dma_start3A_16 : memref<640x128xf32, #tpu.memory_space<hbm>>) target_semaphore(%run_scoped3A : memref<!tpu.dma_semaphore, #tpu.memory_space<semaphore_mem>>)
      %dma_wait3A = arith.constant 0 : i32
      %dma_wait3A_19 = tpu.memref_slice %arg5[%arg0, %mul3A_0, %dma_wait3A] : memref<2x10240x128xf32, #tpu.memory_space<hbm>> -> memref<1x640x128xf32, #tpu.memory_space<hbm>>
      %dma_wait3A_20 = tpu.memref_squeeze %dma_wait3A_19 : memref<1x640x128xf32, #tpu.memory_space<hbm>> -> memref<640x128xf32, #tpu.memory_space<hbm>>
      %dma_wait3A_21 = arith.constant 0 : i32
      %dma_wait3A_22 = tpu.memref_slice %arg8[%mul3A_0, %dma_wait3A_21] : memref<10240x128xf32, #tpu.memory_space<vmem_shared>> -> memref<640x128xf32, #tpu.memory_space<vmem_shared>>
      tpu.wait_dma2 semaphore(%run_scoped3A : memref<!tpu.dma_semaphore, #tpu.memory_space<semaphore_mem>>) src(%dma_wait3A_22 : memref<640x128xf32, #tpu.memory_space<vmem_shared>>) dst(%dma_wait3A_20 : memref<640x128xf32, #tpu.memory_space<hbm>>)
      tpu.yield
    }) : () -> ()
    return
  }
}

#map = affine_map<(d0, d1) -> (0, 0, 0, 0)>
#map1 = affine_map<(d0, d1) -> (0, 0)>
#map2 = affine_map<(d0, d1) -> (0, 0, 0)>
module attributes {stable_mosaic.version = 14 : i64} {
  func.func @_agg_body(%arg0: i32, %arg1: i32, %arg2: memref<16x10x16x128xi32, #tpu.memory_space<hbm>>, %arg3: memref<16x10x16x128xi32, #tpu.memory_space<hbm>>, %arg4: memref<10000x128xf32, #tpu.memory_space<hbm>>, %arg5: memref<10000x128xf32, #tpu.memory_space<hbm>>, %arg6: memref<640x128xf32, #tpu.memory_space<hbm>>, %arg7: memref<2x10240x128xf32, #tpu.memory_space<hbm>>, %arg8: memref<16x128xi32, #tpu.memory_space<vmem>>, %arg9: memref<16x128xi32, #tpu.memory_space<vmem>>, %arg10: memref<128x128xf32, #tpu.memory_space<vmem>>, %arg11: memref<128x128xf32, #tpu.memory_space<vmem>>, %arg12: memref<10240x128xf32, #tpu.memory_space<vmem_shared>>, %arg13: memref<!tpu.dma_semaphore, #tpu.memory_space<semaphore_mem>>, %arg14: memref<!tpu.dma_semaphore, #tpu.memory_space<semaphore_mem>>, %arg15: memref<!tpu.dma_semaphore, #tpu.memory_space<semaphore_mem>>, %arg16: memref<!tpu.dma_semaphore, #tpu.memory_space<semaphore_mem>>) attributes {dimension_semantics = [#tpu.dimension_semantics<core_parallel>, #tpu.dimension_semantics<subcore_parallel>], iteration_bounds = array<i64: 2, 16>, scalar_prefetch = 0 : i64, scratch_operands = 9 : i64, tpu.core_type = #tpu.core_type<sc_vector_subcore>, window_params = [{transform_indices = #map}, {transform_indices = #map}, {transform_indices = #map1}, {transform_indices = #map1}, {transform_indices = #map1}, {transform_indices = #map2}]} {
    %mul3A = arith.constant 640 : i32
    %mul3A_0 = arith.muli %arg1, %mul3A : i32
    "tpu.region"() ({
      %run_scoped3A = tpu.sem_alloc : memref<!tpu.dma_semaphore, #tpu.memory_space<semaphore_mem>>
      %dma_start3A = arith.constant 0 : i32
      %dma_start3A_9 = tpu.memref_slice %arg12[%mul3A_0, %dma_start3A] : memref<10240x128xf32, #tpu.memory_space<vmem_shared>> -> memref<640x128xf32, #tpu.memory_space<vmem_shared>>
      tpu.enqueue_dma source(%arg6 : memref<640x128xf32, #tpu.memory_space<hbm>>) target(%dma_start3A_9 : memref<640x128xf32, #tpu.memory_space<vmem_shared>>) target_semaphore(%run_scoped3A : memref<!tpu.dma_semaphore, #tpu.memory_space<semaphore_mem>>)
      %dma_wait3A = arith.constant 0 : i32
      %dma_wait3A_10 = tpu.memref_slice %arg12[%mul3A_0, %dma_wait3A] : memref<10240x128xf32, #tpu.memory_space<vmem_shared>> -> memref<640x128xf32, #tpu.memory_space<vmem_shared>>
      tpu.wait_dma2 semaphore(%run_scoped3A : memref<!tpu.dma_semaphore, #tpu.memory_space<semaphore_mem>>) src(%arg6 : memref<640x128xf32, #tpu.memory_space<hbm>>) dst(%dma_wait3A_10 : memref<640x128xf32, #tpu.memory_space<vmem_shared>>)
      tpu.yield
    }) : () -> ()
    %barrier3A = arith.constant 0 : index
    tpu.barrier barrier_id(%barrier3A)
    %eq3A = arith.constant 0 : i32
    %eq3A_1 = arith.cmpi eq, %arg0, %eq3A : i32
    %convert_element_type3A = arith.extui %eq3A_1 : i1 to i32
    %cond3A = arith.constant 0 : i32
    %cond3A_2 = arith.cmpi ne, %convert_element_type3A, %cond3A : i32
    scf.if %cond3A_2 {
      %scan3A = arith.constant 0 : i32
      %scan3A_9 = arith.constant 0 : i32
      %scan3A_10 = arith.constant 10 : i32
      %scan3A_11 = arith.addi %scan3A_9, %scan3A_10 : i32
      %scan3A_12 = arith.constant 1 : i32
      scf.for %scan3A_14 = %scan3A_9 to %scan3A_11 step %scan3A_12  : i32 {
        "tpu.region"() ({
          %run_scoped3A = tpu.sem_alloc : memref<!tpu.dma_semaphore, #tpu.memory_space<semaphore_mem>>
          %dma_start3A_32 = arith.constant 0 : i32
          %dma_start3A_33 = arith.constant 0 : i32
          %dma_start3A_34 = tpu.memref_slice %arg2[%arg1, %scan3A_14, %dma_start3A_32, %dma_start3A_33] : memref<16x10x16x128xi32, #tpu.memory_space<hbm>> -> memref<1x1x16x128xi32, #tpu.memory_space<hbm>>
          %dma_start3A_35 = tpu.memref_squeeze %dma_start3A_34 : memref<1x1x16x128xi32, #tpu.memory_space<hbm>> -> memref<16x128xi32, #tpu.memory_space<hbm>>
          %dma_start3A_36 = arith.constant 0 : i32
          %dma_start3A_37 = arith.constant 0 : i32
          %dma_start3A_38 = tpu.memref_slice %arg2[%arg1, %scan3A_14, %dma_start3A_36, %dma_start3A_37] : memref<16x10x16x128xi32, #tpu.memory_space<hbm>> -> memref<1x1x16x128xi32, #tpu.memory_space<hbm>>
          %dma_start3A_39 = tpu.memref_squeeze %dma_start3A_38 : memref<1x1x16x128xi32, #tpu.memory_space<hbm>> -> memref<16x128xi32, #tpu.memory_space<hbm>>
          tpu.enqueue_dma source(%dma_start3A_39 : memref<16x128xi32, #tpu.memory_space<hbm>>) target(%arg8 : memref<16x128xi32, #tpu.memory_space<vmem>>) target_semaphore(%run_scoped3A : memref<!tpu.dma_semaphore, #tpu.memory_space<semaphore_mem>>)
          %dma_wait3A_40 = arith.constant 0 : i32
          %dma_wait3A_41 = arith.constant 0 : i32
          %dma_wait3A_42 = tpu.memref_slice %arg2[%arg1, %scan3A_14, %dma_wait3A_40, %dma_wait3A_41] : memref<16x10x16x128xi32, #tpu.memory_space<hbm>> -> memref<1x1x16x128xi32, #tpu.memory_space<hbm>>
          %dma_wait3A_43 = tpu.memref_squeeze %dma_wait3A_42 : memref<1x1x16x128xi32, #tpu.memory_space<hbm>> -> memref<16x128xi32, #tpu.memory_space<hbm>>
          %dma_wait3A_44 = arith.constant 0 : i32
          %dma_wait3A_45 = arith.constant 0 : i32
          %dma_wait3A_46 = tpu.memref_slice %arg2[%arg1, %scan3A_14, %dma_wait3A_44, %dma_wait3A_45] : memref<16x10x16x128xi32, #tpu.memory_space<hbm>> -> memref<1x1x16x128xi32, #tpu.memory_space<hbm>>
          %dma_wait3A_47 = tpu.memref_squeeze %dma_wait3A_46 : memref<1x1x16x128xi32, #tpu.memory_space<hbm>> -> memref<16x128xi32, #tpu.memory_space<hbm>>
          tpu.wait_dma2 semaphore(%run_scoped3A : memref<!tpu.dma_semaphore, #tpu.memory_space<semaphore_mem>>) src(%dma_wait3A_47 : memref<16x128xi32, #tpu.memory_space<hbm>>) dst(%arg8 : memref<16x128xi32, #tpu.memory_space<vmem>>)
          tpu.yield
        }) : () -> ()
        "tpu.region"() ({
          %run_scoped3A = tpu.sem_alloc : memref<!tpu.dma_semaphore, #tpu.memory_space<semaphore_mem>>
          %dma_start3A_32 = arith.constant 0 : i32
          %dma_start3A_33 = arith.constant 0 : i32
          %dma_start3A_34 = tpu.memref_slice %arg3[%arg1, %scan3A_14, %dma_start3A_32, %dma_start3A_33] : memref<16x10x16x128xi32, #tpu.memory_space<hbm>> -> memref<1x1x16x128xi32, #tpu.memory_space<hbm>>
          %dma_start3A_35 = tpu.memref_squeeze %dma_start3A_34 : memref<1x1x16x128xi32, #tpu.memory_space<hbm>> -> memref<16x128xi32, #tpu.memory_space<hbm>>
          %dma_start3A_36 = arith.constant 0 : i32
          %dma_start3A_37 = arith.constant 0 : i32
          %dma_start3A_38 = tpu.memref_slice %arg3[%arg1, %scan3A_14, %dma_start3A_36, %dma_start3A_37] : memref<16x10x16x128xi32, #tpu.memory_space<hbm>> -> memref<1x1x16x128xi32, #tpu.memory_space<hbm>>
          %dma_start3A_39 = tpu.memref_squeeze %dma_start3A_38 : memref<1x1x16x128xi32, #tpu.memory_space<hbm>> -> memref<16x128xi32, #tpu.memory_space<hbm>>
          tpu.enqueue_dma source(%dma_start3A_39 : memref<16x128xi32, #tpu.memory_space<hbm>>) target(%arg9 : memref<16x128xi32, #tpu.memory_space<vmem>>) target_semaphore(%run_scoped3A : memref<!tpu.dma_semaphore, #tpu.memory_space<semaphore_mem>>)
          %dma_wait3A_40 = arith.constant 0 : i32
          %dma_wait3A_41 = arith.constant 0 : i32
          %dma_wait3A_42 = tpu.memref_slice %arg3[%arg1, %scan3A_14, %dma_wait3A_40, %dma_wait3A_41] : memref<16x10x16x128xi32, #tpu.memory_space<hbm>> -> memref<1x1x16x128xi32, #tpu.memory_space<hbm>>
          %dma_wait3A_43 = tpu.memref_squeeze %dma_wait3A_42 : memref<1x1x16x128xi32, #tpu.memory_space<hbm>> -> memref<16x128xi32, #tpu.memory_space<hbm>>
          %dma_wait3A_44 = arith.constant 0 : i32
          %dma_wait3A_45 = arith.constant 0 : i32
          %dma_wait3A_46 = tpu.memref_slice %arg3[%arg1, %scan3A_14, %dma_wait3A_44, %dma_wait3A_45] : memref<16x10x16x128xi32, #tpu.memory_space<hbm>> -> memref<1x1x16x128xi32, #tpu.memory_space<hbm>>
          %dma_wait3A_47 = tpu.memref_squeeze %dma_wait3A_46 : memref<1x1x16x128xi32, #tpu.memory_space<hbm>> -> memref<16x128xi32, #tpu.memory_space<hbm>>
          tpu.wait_dma2 semaphore(%run_scoped3A : memref<!tpu.dma_semaphore, #tpu.memory_space<semaphore_mem>>) src(%dma_wait3A_47 : memref<16x128xi32, #tpu.memory_space<hbm>>) dst(%arg9 : memref<16x128xi32, #tpu.memory_space<vmem>>)
          tpu.yield
        }) : () -> ()
        %dma_start3A = arith.constant 0 : i32
        %dma_start3A_15 = arith.constant 0 : i32
        %dma_start3A_16 = tpu.memref_slice %arg8[%dma_start3A, %dma_start3A_15] : memref<16x128xi32, #tpu.memory_space<vmem>> -> memref<1x128xi32, #tpu.memory_space<vmem>>
        %dma_start3A_17 = tpu.memref_squeeze %dma_start3A_16 : memref<1x128xi32, #tpu.memory_space<vmem>> -> memref<128xi32, #tpu.memory_space<vmem>>
        %dma_start3A_18 = arith.constant 0 : i32
        %dma_start3A_19 = arith.constant 0 : i32
        %dma_start3A_20 = tpu.memref_slice %arg4[%dma_start3A_18, %dma_start3A_19] : memref<10000x128xf32, #tpu.memory_space<hbm>> -> memref<10000x128xf32, #tpu.memory_space<hbm>>
        tpu.enqueue_indirect_dma source(%dma_start3A_20 : memref<10000x128xf32, #tpu.memory_space<hbm>>) target(%arg10 : memref<128x128xf32, #tpu.memory_space<vmem>>) offsets(%dma_start3A_17 : memref<128xi32, #tpu.memory_space<vmem>>) semaphore(%arg13 : memref<!tpu.dma_semaphore, #tpu.memory_space<semaphore_mem>>)
        %scan3A_21 = arith.constant 0 : i32
        %scan3A_22 = arith.constant 8 : i32
        %scan3A_23 = arith.addi %scan3A_21, %scan3A_22 : i32
        %scan3A_24 = arith.constant 1 : i32
        scf.for %scan3A_32 = %scan3A_21 to %scan3A_23 step %scan3A_24  : i32 {
          %mul3A_33 = arith.constant 2 : i32
          %mul3A_34 = arith.muli %mul3A_33, %scan3A_32 : i32
          %add3A = arith.constant 1 : i32
          %add3A_35 = arith.addi %mul3A_34, %add3A : i32
          %dma_wait3A_36 = arith.constant 0 : i32
          %dma_wait3A_37 = arith.constant 0 : i32
          %dma_wait3A_38 = tpu.memref_slice %arg8[%dma_wait3A_36, %dma_wait3A_37] : memref<16x128xi32, #tpu.memory_space<vmem>> -> memref<1x128xi32, #tpu.memory_space<vmem>>
          %dma_wait3A_39 = tpu.memref_squeeze %dma_wait3A_38 : memref<1x128xi32, #tpu.memory_space<vmem>> -> memref<128xi32, #tpu.memory_space<vmem>>
          %dma_wait3A_40 = arith.constant 0 : i32
          %dma_wait3A_41 = arith.constant 0 : i32
          %dma_wait3A_42 = tpu.memref_slice %arg4[%dma_wait3A_40, %dma_wait3A_41] : memref<10000x128xf32, #tpu.memory_space<hbm>> -> memref<10000x128xf32, #tpu.memory_space<hbm>>
          tpu.wait_indirect_dma semaphore(%arg13 : memref<!tpu.dma_semaphore, #tpu.memory_space<semaphore_mem>>) src(%dma_wait3A_42 : memref<10000x128xf32, #tpu.memory_space<hbm>>) dst(%arg10 : memref<128x128xf32, #tpu.memory_space<vmem>>)
          %dma_start3A_43 = arith.constant 0 : i32
          %dma_start3A_44 = tpu.memref_slice %arg9[%mul3A_34, %dma_start3A_43] : memref<16x128xi32, #tpu.memory_space<vmem>> -> memref<1x128xi32, #tpu.memory_space<vmem>>
          %dma_start3A_45 = tpu.memref_squeeze %dma_start3A_44 : memref<1x128xi32, #tpu.memory_space<vmem>> -> memref<128xi32, #tpu.memory_space<vmem>>
          %dma_start3A_46 = arith.constant 0 : i32
          %dma_start3A_47 = arith.constant 0 : i32
          %dma_start3A_48 = tpu.memref_slice %arg12[%dma_start3A_46, %dma_start3A_47] : memref<10240x128xf32, #tpu.memory_space<vmem_shared>> -> memref<10240x128xf32, #tpu.memory_space<vmem_shared>>
          tpu.enqueue_indirect_dma source(%arg10 : memref<128x128xf32, #tpu.memory_space<vmem>>) target(%dma_start3A_48 : memref<10240x128xf32, #tpu.memory_space<vmem_shared>>) offsets(%dma_start3A_45 : memref<128xi32, #tpu.memory_space<vmem>>) semaphore(%arg15 : memref<!tpu.dma_semaphore, #tpu.memory_space<semaphore_mem>>) {add = true}
          %gt3A = arith.constant 0 : i32
          %gt3A_49 = arith.cmpi sgt, %scan3A_32, %gt3A : i32
          %convert_element_type3A_50 = arith.extui %gt3A_49 : i1 to i32
          %cond3A_51 = arith.constant 0 : i32
          %cond3A_52 = arith.cmpi ne, %convert_element_type3A_50, %cond3A_51 : i32
          scf.if %cond3A_52 {
            %dma_wait3A_83 = arith.constant 0 : i32
            %dma_wait3A_84 = arith.constant 0 : i32
            %dma_wait3A_85 = tpu.memref_slice %arg9[%dma_wait3A_83, %dma_wait3A_84] : memref<16x128xi32, #tpu.memory_space<vmem>> -> memref<1x128xi32, #tpu.memory_space<vmem>>
            %dma_wait3A_86 = tpu.memref_squeeze %dma_wait3A_85 : memref<1x128xi32, #tpu.memory_space<vmem>> -> memref<128xi32, #tpu.memory_space<vmem>>
            %dma_wait3A_87 = arith.constant 0 : i32
            %dma_wait3A_88 = arith.constant 0 : i32
            %dma_wait3A_89 = tpu.memref_slice %arg12[%dma_wait3A_87, %dma_wait3A_88] : memref<10240x128xf32, #tpu.memory_space<vmem_shared>> -> memref<10240x128xf32, #tpu.memory_space<vmem_shared>>
            tpu.wait_indirect_dma semaphore(%arg16 : memref<!tpu.dma_semaphore, #tpu.memory_space<semaphore_mem>>) src(%arg11 : memref<128x128xf32, #tpu.memory_space<vmem>>) dst(%dma_wait3A_89 : memref<10240x128xf32, #tpu.memory_space<vmem_shared>>)
          } else {
          }
          %dma_start3A_53 = arith.constant 0 : i32
          %dma_start3A_54 = tpu.memref_slice %arg8[%add3A_35, %dma_start3A_53] : memref<16x128xi32, #tpu.memory_space<vmem>> -> memref<1x128xi32, #tpu.memory_space<vmem>>
          %dma_start3A_55 = tpu.memref_squeeze %dma_start3A_54 : memref<1x128xi32, #tpu.memory_space<vmem>> -> memref<128xi32, #tpu.memory_space<vmem>>
          %dma_start3A_56 = arith.constant 0 : i32
          %dma_start3A_57 = arith.constant 0 : i32
          %dma_start3A_58 = tpu.memref_slice %arg4[%dma_start3A_56, %dma_start3A_57] : memref<10000x128xf32, #tpu.memory_space<hbm>> -> memref<10000x128xf32, #tpu.memory_space<hbm>>
          tpu.enqueue_indirect_dma source(%dma_start3A_58 : memref<10000x128xf32, #tpu.memory_space<hbm>>) target(%arg11 : memref<128x128xf32, #tpu.memory_space<vmem>>) offsets(%dma_start3A_55 : memref<128xi32, #tpu.memory_space<vmem>>) semaphore(%arg14 : memref<!tpu.dma_semaphore, #tpu.memory_space<semaphore_mem>>)
          %dma_wait3A_59 = arith.constant 0 : i32
          %dma_wait3A_60 = arith.constant 0 : i32
          %dma_wait3A_61 = tpu.memref_slice %arg8[%dma_wait3A_59, %dma_wait3A_60] : memref<16x128xi32, #tpu.memory_space<vmem>> -> memref<1x128xi32, #tpu.memory_space<vmem>>
          %dma_wait3A_62 = tpu.memref_squeeze %dma_wait3A_61 : memref<1x128xi32, #tpu.memory_space<vmem>> -> memref<128xi32, #tpu.memory_space<vmem>>
          %dma_wait3A_63 = arith.constant 0 : i32
          %dma_wait3A_64 = arith.constant 0 : i32
          %dma_wait3A_65 = tpu.memref_slice %arg4[%dma_wait3A_63, %dma_wait3A_64] : memref<10000x128xf32, #tpu.memory_space<hbm>> -> memref<10000x128xf32, #tpu.memory_space<hbm>>
          tpu.wait_indirect_dma semaphore(%arg14 : memref<!tpu.dma_semaphore, #tpu.memory_space<semaphore_mem>>) src(%dma_wait3A_65 : memref<10000x128xf32, #tpu.memory_space<hbm>>) dst(%arg11 : memref<128x128xf32, #tpu.memory_space<vmem>>)
          %dma_start3A_66 = arith.constant 0 : i32
          %dma_start3A_67 = tpu.memref_slice %arg9[%add3A_35, %dma_start3A_66] : memref<16x128xi32, #tpu.memory_space<vmem>> -> memref<1x128xi32, #tpu.memory_space<vmem>>
          %dma_start3A_68 = tpu.memref_squeeze %dma_start3A_67 : memref<1x128xi32, #tpu.memory_space<vmem>> -> memref<128xi32, #tpu.memory_space<vmem>>
          %dma_start3A_69 = arith.constant 0 : i32
          %dma_start3A_70 = arith.constant 0 : i32
          %dma_start3A_71 = tpu.memref_slice %arg12[%dma_start3A_69, %dma_start3A_70] : memref<10240x128xf32, #tpu.memory_space<vmem_shared>> -> memref<10240x128xf32, #tpu.memory_space<vmem_shared>>
          tpu.enqueue_indirect_dma source(%arg11 : memref<128x128xf32, #tpu.memory_space<vmem>>) target(%dma_start3A_71 : memref<10240x128xf32, #tpu.memory_space<vmem_shared>>) offsets(%dma_start3A_68 : memref<128xi32, #tpu.memory_space<vmem>>) semaphore(%arg16 : memref<!tpu.dma_semaphore, #tpu.memory_space<semaphore_mem>>) {add = true}
          %dma_wait3A_72 = arith.constant 0 : i32
          %dma_wait3A_73 = arith.constant 0 : i32
          %dma_wait3A_74 = tpu.memref_slice %arg9[%dma_wait3A_72, %dma_wait3A_73] : memref<16x128xi32, #tpu.memory_space<vmem>> -> memref<1x128xi32, #tpu.memory_space<vmem>>
          %dma_wait3A_75 = tpu.memref_squeeze %dma_wait3A_74 : memref<1x128xi32, #tpu.memory_space<vmem>> -> memref<128xi32, #tpu.memory_space<vmem>>
          %dma_wait3A_76 = arith.constant 0 : i32
          %dma_wait3A_77 = arith.constant 0 : i32
          %dma_wait3A_78 = tpu.memref_slice %arg12[%dma_wait3A_76, %dma_wait3A_77] : memref<10240x128xf32, #tpu.memory_space<vmem_shared>> -> memref<10240x128xf32, #tpu.memory_space<vmem_shared>>
          tpu.wait_indirect_dma semaphore(%arg15 : memref<!tpu.dma_semaphore, #tpu.memory_space<semaphore_mem>>) src(%arg10 : memref<128x128xf32, #tpu.memory_space<vmem>>) dst(%dma_wait3A_78 : memref<10240x128xf32, #tpu.memory_space<vmem_shared>>)
          %lt3A = arith.constant 7 : i32
          %lt3A_79 = arith.cmpi slt, %scan3A_32, %lt3A : i32
          %convert_element_type3A_80 = arith.extui %lt3A_79 : i1 to i32
          %cond3A_81 = arith.constant 0 : i32
          %cond3A_82 = arith.cmpi ne, %convert_element_type3A_80, %cond3A_81 : i32
          scf.if %cond3A_82 {
            %add3A_83 = arith.constant 2 : i32
            %add3A_84 = arith.addi %mul3A_34, %add3A_83 : i32
            %dma_start3A_85 = arith.constant 0 : i32
            %dma_start3A_86 = tpu.memref_slice %arg8[%add3A_84, %dma_start3A_85] : memref<16x128xi32, #tpu.memory_space<vmem>> -> memref<1x128xi32, #tpu.memory_space<vmem>>
            %dma_start3A_87 = tpu.memref_squeeze %dma_start3A_86 : memref<1x128xi32, #tpu.memory_space<vmem>> -> memref<128xi32, #tpu.memory_space<vmem>>
            %dma_start3A_88 = arith.constant 0 : i32
            %dma_start3A_89 = arith.constant 0 : i32
            %dma_start3A_90 = tpu.memref_slice %arg4[%dma_start3A_88, %dma_start3A_89] : memref<10000x128xf32, #tpu.memory_space<hbm>> -> memref<10000x128xf32, #tpu.memory_space<hbm>>
            tpu.enqueue_indirect_dma source(%dma_start3A_90 : memref<10000x128xf32, #tpu.memory_space<hbm>>) target(%arg10 : memref<128x128xf32, #tpu.memory_space<vmem>>) offsets(%dma_start3A_87 : memref<128xi32, #tpu.memory_space<vmem>>) semaphore(%arg13 : memref<!tpu.dma_semaphore, #tpu.memory_space<semaphore_mem>>)
          } else {
          }
        }
        %scan3A_25 = arith.constant 8 : i32
        %dma_wait3A = arith.constant 0 : i32
        %dma_wait3A_26 = arith.constant 0 : i32
        %dma_wait3A_27 = tpu.memref_slice %arg9[%dma_wait3A, %dma_wait3A_26] : memref<16x128xi32, #tpu.memory_space<vmem>> -> memref<1x128xi32, #tpu.memory_space<vmem>>
        %dma_wait3A_28 = tpu.memref_squeeze %dma_wait3A_27 : memref<1x128xi32, #tpu.memory_space<vmem>> -> memref<128xi32, #tpu.memory_space<vmem>>
        %dma_wait3A_29 = arith.constant 0 : i32
        %dma_wait3A_30 = arith.constant 0 : i32
        %dma_wait3A_31 = tpu.memref_slice %arg12[%dma_wait3A_29, %dma_wait3A_30] : memref<10240x128xf32, #tpu.memory_space<vmem_shared>> -> memref<10240x128xf32, #tpu.memory_space<vmem_shared>>
        tpu.wait_indirect_dma semaphore(%arg16 : memref<!tpu.dma_semaphore, #tpu.memory_space<semaphore_mem>>) src(%arg11 : memref<128x128xf32, #tpu.memory_space<vmem>>) dst(%dma_wait3A_31 : memref<10240x128xf32, #tpu.memory_space<vmem_shared>>)
      }
      %scan3A_13 = arith.constant 10 : i32
    } else {
    }
    %eq3A_3 = arith.constant 1 : i32
    %eq3A_4 = arith.cmpi eq, %arg0, %eq3A_3 : i32
    %convert_element_type3A_5 = arith.extui %eq3A_4 : i1 to i32
    %cond3A_6 = arith.constant 0 : i32
    %cond3A_7 = arith.cmpi ne, %convert_element_type3A_5, %cond3A_6 : i32
    scf.if %cond3A_7 {
      %scan3A = arith.constant 0 : i32
      %scan3A_9 = arith.constant 0 : i32
      %scan3A_10 = arith.constant 10 : i32
      %scan3A_11 = arith.addi %scan3A_9, %scan3A_10 : i32
      %scan3A_12 = arith.constant 1 : i32
      scf.for %scan3A_14 = %scan3A_9 to %scan3A_11 step %scan3A_12  : i32 {
        "tpu.region"() ({
          %run_scoped3A = tpu.sem_alloc : memref<!tpu.dma_semaphore, #tpu.memory_space<semaphore_mem>>
          %dma_start3A_32 = arith.constant 0 : i32
          %dma_start3A_33 = arith.constant 0 : i32
          %dma_start3A_34 = tpu.memref_slice %arg2[%arg1, %scan3A_14, %dma_start3A_32, %dma_start3A_33] : memref<16x10x16x128xi32, #tpu.memory_space<hbm>> -> memref<1x1x16x128xi32, #tpu.memory_space<hbm>>
          %dma_start3A_35 = tpu.memref_squeeze %dma_start3A_34 : memref<1x1x16x128xi32, #tpu.memory_space<hbm>> -> memref<16x128xi32, #tpu.memory_space<hbm>>
          %dma_start3A_36 = arith.constant 0 : i32
          %dma_start3A_37 = arith.constant 0 : i32
          %dma_start3A_38 = tpu.memref_slice %arg2[%arg1, %scan3A_14, %dma_start3A_36, %dma_start3A_37] : memref<16x10x16x128xi32, #tpu.memory_space<hbm>> -> memref<1x1x16x128xi32, #tpu.memory_space<hbm>>
          %dma_start3A_39 = tpu.memref_squeeze %dma_start3A_38 : memref<1x1x16x128xi32, #tpu.memory_space<hbm>> -> memref<16x128xi32, #tpu.memory_space<hbm>>
          tpu.enqueue_dma source(%dma_start3A_39 : memref<16x128xi32, #tpu.memory_space<hbm>>) target(%arg8 : memref<16x128xi32, #tpu.memory_space<vmem>>) target_semaphore(%run_scoped3A : memref<!tpu.dma_semaphore, #tpu.memory_space<semaphore_mem>>)
          %dma_wait3A_40 = arith.constant 0 : i32
          %dma_wait3A_41 = arith.constant 0 : i32
          %dma_wait3A_42 = tpu.memref_slice %arg2[%arg1, %scan3A_14, %dma_wait3A_40, %dma_wait3A_41] : memref<16x10x16x128xi32, #tpu.memory_space<hbm>> -> memref<1x1x16x128xi32, #tpu.memory_space<hbm>>
          %dma_wait3A_43 = tpu.memref_squeeze %dma_wait3A_42 : memref<1x1x16x128xi32, #tpu.memory_space<hbm>> -> memref<16x128xi32, #tpu.memory_space<hbm>>
          %dma_wait3A_44 = arith.constant 0 : i32
          %dma_wait3A_45 = arith.constant 0 : i32
          %dma_wait3A_46 = tpu.memref_slice %arg2[%arg1, %scan3A_14, %dma_wait3A_44, %dma_wait3A_45] : memref<16x10x16x128xi32, #tpu.memory_space<hbm>> -> memref<1x1x16x128xi32, #tpu.memory_space<hbm>>
          %dma_wait3A_47 = tpu.memref_squeeze %dma_wait3A_46 : memref<1x1x16x128xi32, #tpu.memory_space<hbm>> -> memref<16x128xi32, #tpu.memory_space<hbm>>
          tpu.wait_dma2 semaphore(%run_scoped3A : memref<!tpu.dma_semaphore, #tpu.memory_space<semaphore_mem>>) src(%dma_wait3A_47 : memref<16x128xi32, #tpu.memory_space<hbm>>) dst(%arg8 : memref<16x128xi32, #tpu.memory_space<vmem>>)
          tpu.yield
        }) : () -> ()
        "tpu.region"() ({
          %run_scoped3A = tpu.sem_alloc : memref<!tpu.dma_semaphore, #tpu.memory_space<semaphore_mem>>
          %dma_start3A_32 = arith.constant 0 : i32
          %dma_start3A_33 = arith.constant 0 : i32
          %dma_start3A_34 = tpu.memref_slice %arg3[%arg1, %scan3A_14, %dma_start3A_32, %dma_start3A_33] : memref<16x10x16x128xi32, #tpu.memory_space<hbm>> -> memref<1x1x16x128xi32, #tpu.memory_space<hbm>>
          %dma_start3A_35 = tpu.memref_squeeze %dma_start3A_34 : memref<1x1x16x128xi32, #tpu.memory_space<hbm>> -> memref<16x128xi32, #tpu.memory_space<hbm>>
          %dma_start3A_36 = arith.constant 0 : i32
          %dma_start3A_37 = arith.constant 0 : i32
          %dma_start3A_38 = tpu.memref_slice %arg3[%arg1, %scan3A_14, %dma_start3A_36, %dma_start3A_37] : memref<16x10x16x128xi32, #tpu.memory_space<hbm>> -> memref<1x1x16x128xi32, #tpu.memory_space<hbm>>
          %dma_start3A_39 = tpu.memref_squeeze %dma_start3A_38 : memref<1x1x16x128xi32, #tpu.memory_space<hbm>> -> memref<16x128xi32, #tpu.memory_space<hbm>>
          tpu.enqueue_dma source(%dma_start3A_39 : memref<16x128xi32, #tpu.memory_space<hbm>>) target(%arg9 : memref<16x128xi32, #tpu.memory_space<vmem>>) target_semaphore(%run_scoped3A : memref<!tpu.dma_semaphore, #tpu.memory_space<semaphore_mem>>)
          %dma_wait3A_40 = arith.constant 0 : i32
          %dma_wait3A_41 = arith.constant 0 : i32
          %dma_wait3A_42 = tpu.memref_slice %arg3[%arg1, %scan3A_14, %dma_wait3A_40, %dma_wait3A_41] : memref<16x10x16x128xi32, #tpu.memory_space<hbm>> -> memref<1x1x16x128xi32, #tpu.memory_space<hbm>>
          %dma_wait3A_43 = tpu.memref_squeeze %dma_wait3A_42 : memref<1x1x16x128xi32, #tpu.memory_space<hbm>> -> memref<16x128xi32, #tpu.memory_space<hbm>>
          %dma_wait3A_44 = arith.constant 0 : i32
          %dma_wait3A_45 = arith.constant 0 : i32
          %dma_wait3A_46 = tpu.memref_slice %arg3[%arg1, %scan3A_14, %dma_wait3A_44, %dma_wait3A_45] : memref<16x10x16x128xi32, #tpu.memory_space<hbm>> -> memref<1x1x16x128xi32, #tpu.memory_space<hbm>>
          %dma_wait3A_47 = tpu.memref_squeeze %dma_wait3A_46 : memref<1x1x16x128xi32, #tpu.memory_space<hbm>> -> memref<16x128xi32, #tpu.memory_space<hbm>>
          tpu.wait_dma2 semaphore(%run_scoped3A : memref<!tpu.dma_semaphore, #tpu.memory_space<semaphore_mem>>) src(%dma_wait3A_47 : memref<16x128xi32, #tpu.memory_space<hbm>>) dst(%arg9 : memref<16x128xi32, #tpu.memory_space<vmem>>)
          tpu.yield
        }) : () -> ()
        %dma_start3A = arith.constant 0 : i32
        %dma_start3A_15 = arith.constant 0 : i32
        %dma_start3A_16 = tpu.memref_slice %arg8[%dma_start3A, %dma_start3A_15] : memref<16x128xi32, #tpu.memory_space<vmem>> -> memref<1x128xi32, #tpu.memory_space<vmem>>
        %dma_start3A_17 = tpu.memref_squeeze %dma_start3A_16 : memref<1x128xi32, #tpu.memory_space<vmem>> -> memref<128xi32, #tpu.memory_space<vmem>>
        %dma_start3A_18 = arith.constant 0 : i32
        %dma_start3A_19 = arith.constant 0 : i32
        %dma_start3A_20 = tpu.memref_slice %arg5[%dma_start3A_18, %dma_start3A_19] : memref<10000x128xf32, #tpu.memory_space<hbm>> -> memref<10000x128xf32, #tpu.memory_space<hbm>>
        tpu.enqueue_indirect_dma source(%dma_start3A_20 : memref<10000x128xf32, #tpu.memory_space<hbm>>) target(%arg10 : memref<128x128xf32, #tpu.memory_space<vmem>>) offsets(%dma_start3A_17 : memref<128xi32, #tpu.memory_space<vmem>>) semaphore(%arg13 : memref<!tpu.dma_semaphore, #tpu.memory_space<semaphore_mem>>)
        %scan3A_21 = arith.constant 0 : i32
        %scan3A_22 = arith.constant 8 : i32
        %scan3A_23 = arith.addi %scan3A_21, %scan3A_22 : i32
        %scan3A_24 = arith.constant 1 : i32
        scf.for %scan3A_32 = %scan3A_21 to %scan3A_23 step %scan3A_24  : i32 {
          %mul3A_33 = arith.constant 2 : i32
          %mul3A_34 = arith.muli %mul3A_33, %scan3A_32 : i32
          %add3A = arith.constant 1 : i32
          %add3A_35 = arith.addi %mul3A_34, %add3A : i32
          %dma_wait3A_36 = arith.constant 0 : i32
          %dma_wait3A_37 = arith.constant 0 : i32
          %dma_wait3A_38 = tpu.memref_slice %arg8[%dma_wait3A_36, %dma_wait3A_37] : memref<16x128xi32, #tpu.memory_space<vmem>> -> memref<1x128xi32, #tpu.memory_space<vmem>>
          %dma_wait3A_39 = tpu.memref_squeeze %dma_wait3A_38 : memref<1x128xi32, #tpu.memory_space<vmem>> -> memref<128xi32, #tpu.memory_space<vmem>>
          %dma_wait3A_40 = arith.constant 0 : i32
          %dma_wait3A_41 = arith.constant 0 : i32
          %dma_wait3A_42 = tpu.memref_slice %arg5[%dma_wait3A_40, %dma_wait3A_41] : memref<10000x128xf32, #tpu.memory_space<hbm>> -> memref<10000x128xf32, #tpu.memory_space<hbm>>
          tpu.wait_indirect_dma semaphore(%arg13 : memref<!tpu.dma_semaphore, #tpu.memory_space<semaphore_mem>>) src(%dma_wait3A_42 : memref<10000x128xf32, #tpu.memory_space<hbm>>) dst(%arg10 : memref<128x128xf32, #tpu.memory_space<vmem>>)
          %dma_start3A_43 = arith.constant 0 : i32
          %dma_start3A_44 = tpu.memref_slice %arg9[%mul3A_34, %dma_start3A_43] : memref<16x128xi32, #tpu.memory_space<vmem>> -> memref<1x128xi32, #tpu.memory_space<vmem>>
          %dma_start3A_45 = tpu.memref_squeeze %dma_start3A_44 : memref<1x128xi32, #tpu.memory_space<vmem>> -> memref<128xi32, #tpu.memory_space<vmem>>
          %dma_start3A_46 = arith.constant 0 : i32
          %dma_start3A_47 = arith.constant 0 : i32
          %dma_start3A_48 = tpu.memref_slice %arg12[%dma_start3A_46, %dma_start3A_47] : memref<10240x128xf32, #tpu.memory_space<vmem_shared>> -> memref<10240x128xf32, #tpu.memory_space<vmem_shared>>
          tpu.enqueue_indirect_dma source(%arg10 : memref<128x128xf32, #tpu.memory_space<vmem>>) target(%dma_start3A_48 : memref<10240x128xf32, #tpu.memory_space<vmem_shared>>) offsets(%dma_start3A_45 : memref<128xi32, #tpu.memory_space<vmem>>) semaphore(%arg15 : memref<!tpu.dma_semaphore, #tpu.memory_space<semaphore_mem>>) {add = true}
          %gt3A = arith.constant 0 : i32
          %gt3A_49 = arith.cmpi sgt, %scan3A_32, %gt3A : i32
          %convert_element_type3A_50 = arith.extui %gt3A_49 : i1 to i32
          %cond3A_51 = arith.constant 0 : i32
          %cond3A_52 = arith.cmpi ne, %convert_element_type3A_50, %cond3A_51 : i32
          scf.if %cond3A_52 {
            %dma_wait3A_83 = arith.constant 0 : i32
            %dma_wait3A_84 = arith.constant 0 : i32
            %dma_wait3A_85 = tpu.memref_slice %arg9[%dma_wait3A_83, %dma_wait3A_84] : memref<16x128xi32, #tpu.memory_space<vmem>> -> memref<1x128xi32, #tpu.memory_space<vmem>>
            %dma_wait3A_86 = tpu.memref_squeeze %dma_wait3A_85 : memref<1x128xi32, #tpu.memory_space<vmem>> -> memref<128xi32, #tpu.memory_space<vmem>>
            %dma_wait3A_87 = arith.constant 0 : i32
            %dma_wait3A_88 = arith.constant 0 : i32
            %dma_wait3A_89 = tpu.memref_slice %arg12[%dma_wait3A_87, %dma_wait3A_88] : memref<10240x128xf32, #tpu.memory_space<vmem_shared>> -> memref<10240x128xf32, #tpu.memory_space<vmem_shared>>
            tpu.wait_indirect_dma semaphore(%arg16 : memref<!tpu.dma_semaphore, #tpu.memory_space<semaphore_mem>>) src(%arg11 : memref<128x128xf32, #tpu.memory_space<vmem>>) dst(%dma_wait3A_89 : memref<10240x128xf32, #tpu.memory_space<vmem_shared>>)
          } else {
          }
          %dma_start3A_53 = arith.constant 0 : i32
          %dma_start3A_54 = tpu.memref_slice %arg8[%add3A_35, %dma_start3A_53] : memref<16x128xi32, #tpu.memory_space<vmem>> -> memref<1x128xi32, #tpu.memory_space<vmem>>
          %dma_start3A_55 = tpu.memref_squeeze %dma_start3A_54 : memref<1x128xi32, #tpu.memory_space<vmem>> -> memref<128xi32, #tpu.memory_space<vmem>>
          %dma_start3A_56 = arith.constant 0 : i32
          %dma_start3A_57 = arith.constant 0 : i32
          %dma_start3A_58 = tpu.memref_slice %arg5[%dma_start3A_56, %dma_start3A_57] : memref<10000x128xf32, #tpu.memory_space<hbm>> -> memref<10000x128xf32, #tpu.memory_space<hbm>>
          tpu.enqueue_indirect_dma source(%dma_start3A_58 : memref<10000x128xf32, #tpu.memory_space<hbm>>) target(%arg11 : memref<128x128xf32, #tpu.memory_space<vmem>>) offsets(%dma_start3A_55 : memref<128xi32, #tpu.memory_space<vmem>>) semaphore(%arg14 : memref<!tpu.dma_semaphore, #tpu.memory_space<semaphore_mem>>)
          %dma_wait3A_59 = arith.constant 0 : i32
          %dma_wait3A_60 = arith.constant 0 : i32
          %dma_wait3A_61 = tpu.memref_slice %arg8[%dma_wait3A_59, %dma_wait3A_60] : memref<16x128xi32, #tpu.memory_space<vmem>> -> memref<1x128xi32, #tpu.memory_space<vmem>>
          %dma_wait3A_62 = tpu.memref_squeeze %dma_wait3A_61 : memref<1x128xi32, #tpu.memory_space<vmem>> -> memref<128xi32, #tpu.memory_space<vmem>>
          %dma_wait3A_63 = arith.constant 0 : i32
          %dma_wait3A_64 = arith.constant 0 : i32
          %dma_wait3A_65 = tpu.memref_slice %arg5[%dma_wait3A_63, %dma_wait3A_64] : memref<10000x128xf32, #tpu.memory_space<hbm>> -> memref<10000x128xf32, #tpu.memory_space<hbm>>
          tpu.wait_indirect_dma semaphore(%arg14 : memref<!tpu.dma_semaphore, #tpu.memory_space<semaphore_mem>>) src(%dma_wait3A_65 : memref<10000x128xf32, #tpu.memory_space<hbm>>) dst(%arg11 : memref<128x128xf32, #tpu.memory_space<vmem>>)
          %dma_start3A_66 = arith.constant 0 : i32
          %dma_start3A_67 = tpu.memref_slice %arg9[%add3A_35, %dma_start3A_66] : memref<16x128xi32, #tpu.memory_space<vmem>> -> memref<1x128xi32, #tpu.memory_space<vmem>>
          %dma_start3A_68 = tpu.memref_squeeze %dma_start3A_67 : memref<1x128xi32, #tpu.memory_space<vmem>> -> memref<128xi32, #tpu.memory_space<vmem>>
          %dma_start3A_69 = arith.constant 0 : i32
          %dma_start3A_70 = arith.constant 0 : i32
          %dma_start3A_71 = tpu.memref_slice %arg12[%dma_start3A_69, %dma_start3A_70] : memref<10240x128xf32, #tpu.memory_space<vmem_shared>> -> memref<10240x128xf32, #tpu.memory_space<vmem_shared>>
          tpu.enqueue_indirect_dma source(%arg11 : memref<128x128xf32, #tpu.memory_space<vmem>>) target(%dma_start3A_71 : memref<10240x128xf32, #tpu.memory_space<vmem_shared>>) offsets(%dma_start3A_68 : memref<128xi32, #tpu.memory_space<vmem>>) semaphore(%arg16 : memref<!tpu.dma_semaphore, #tpu.memory_space<semaphore_mem>>) {add = true}
          %dma_wait3A_72 = arith.constant 0 : i32
          %dma_wait3A_73 = arith.constant 0 : i32
          %dma_wait3A_74 = tpu.memref_slice %arg9[%dma_wait3A_72, %dma_wait3A_73] : memref<16x128xi32, #tpu.memory_space<vmem>> -> memref<1x128xi32, #tpu.memory_space<vmem>>
          %dma_wait3A_75 = tpu.memref_squeeze %dma_wait3A_74 : memref<1x128xi32, #tpu.memory_space<vmem>> -> memref<128xi32, #tpu.memory_space<vmem>>
          %dma_wait3A_76 = arith.constant 0 : i32
          %dma_wait3A_77 = arith.constant 0 : i32
          %dma_wait3A_78 = tpu.memref_slice %arg12[%dma_wait3A_76, %dma_wait3A_77] : memref<10240x128xf32, #tpu.memory_space<vmem_shared>> -> memref<10240x128xf32, #tpu.memory_space<vmem_shared>>
          tpu.wait_indirect_dma semaphore(%arg15 : memref<!tpu.dma_semaphore, #tpu.memory_space<semaphore_mem>>) src(%arg10 : memref<128x128xf32, #tpu.memory_space<vmem>>) dst(%dma_wait3A_78 : memref<10240x128xf32, #tpu.memory_space<vmem_shared>>)
          %lt3A = arith.constant 7 : i32
          %lt3A_79 = arith.cmpi slt, %scan3A_32, %lt3A : i32
          %convert_element_type3A_80 = arith.extui %lt3A_79 : i1 to i32
          %cond3A_81 = arith.constant 0 : i32
          %cond3A_82 = arith.cmpi ne, %convert_element_type3A_80, %cond3A_81 : i32
          scf.if %cond3A_82 {
            %add3A_83 = arith.constant 2 : i32
            %add3A_84 = arith.addi %mul3A_34, %add3A_83 : i32
            %dma_start3A_85 = arith.constant 0 : i32
            %dma_start3A_86 = tpu.memref_slice %arg8[%add3A_84, %dma_start3A_85] : memref<16x128xi32, #tpu.memory_space<vmem>> -> memref<1x128xi32, #tpu.memory_space<vmem>>
            %dma_start3A_87 = tpu.memref_squeeze %dma_start3A_86 : memref<1x128xi32, #tpu.memory_space<vmem>> -> memref<128xi32, #tpu.memory_space<vmem>>
            %dma_start3A_88 = arith.constant 0 : i32
            %dma_start3A_89 = arith.constant 0 : i32
            %dma_start3A_90 = tpu.memref_slice %arg5[%dma_start3A_88, %dma_start3A_89] : memref<10000x128xf32, #tpu.memory_space<hbm>> -> memref<10000x128xf32, #tpu.memory_space<hbm>>
            tpu.enqueue_indirect_dma source(%dma_start3A_90 : memref<10000x128xf32, #tpu.memory_space<hbm>>) target(%arg10 : memref<128x128xf32, #tpu.memory_space<vmem>>) offsets(%dma_start3A_87 : memref<128xi32, #tpu.memory_space<vmem>>) semaphore(%arg13 : memref<!tpu.dma_semaphore, #tpu.memory_space<semaphore_mem>>)
          } else {
          }
        }
        %scan3A_25 = arith.constant 8 : i32
        %dma_wait3A = arith.constant 0 : i32
        %dma_wait3A_26 = arith.constant 0 : i32
        %dma_wait3A_27 = tpu.memref_slice %arg9[%dma_wait3A, %dma_wait3A_26] : memref<16x128xi32, #tpu.memory_space<vmem>> -> memref<1x128xi32, #tpu.memory_space<vmem>>
        %dma_wait3A_28 = tpu.memref_squeeze %dma_wait3A_27 : memref<1x128xi32, #tpu.memory_space<vmem>> -> memref<128xi32, #tpu.memory_space<vmem>>
        %dma_wait3A_29 = arith.constant 0 : i32
        %dma_wait3A_30 = arith.constant 0 : i32
        %dma_wait3A_31 = tpu.memref_slice %arg12[%dma_wait3A_29, %dma_wait3A_30] : memref<10240x128xf32, #tpu.memory_space<vmem_shared>> -> memref<10240x128xf32, #tpu.memory_space<vmem_shared>>
        tpu.wait_indirect_dma semaphore(%arg16 : memref<!tpu.dma_semaphore, #tpu.memory_space<semaphore_mem>>) src(%arg11 : memref<128x128xf32, #tpu.memory_space<vmem>>) dst(%dma_wait3A_31 : memref<10240x128xf32, #tpu.memory_space<vmem_shared>>)
      }
      %scan3A_13 = arith.constant 10 : i32
    } else {
    }
    %barrier3A_8 = arith.constant 0 : index
    tpu.barrier barrier_id(%barrier3A_8)
    "tpu.region"() ({
      %run_scoped3A = tpu.sem_alloc : memref<!tpu.dma_semaphore, #tpu.memory_space<semaphore_mem>>
      %dma_start3A = arith.constant 0 : i32
      %dma_start3A_9 = tpu.memref_slice %arg7[%arg0, %mul3A_0, %dma_start3A] : memref<2x10240x128xf32, #tpu.memory_space<hbm>> -> memref<1x640x128xf32, #tpu.memory_space<hbm>>
      %dma_start3A_10 = tpu.memref_squeeze %dma_start3A_9 : memref<1x640x128xf32, #tpu.memory_space<hbm>> -> memref<640x128xf32, #tpu.memory_space<hbm>>
      %dma_start3A_11 = arith.constant 0 : i32
      %dma_start3A_12 = tpu.memref_slice %arg12[%mul3A_0, %dma_start3A_11] : memref<10240x128xf32, #tpu.memory_space<vmem_shared>> -> memref<640x128xf32, #tpu.memory_space<vmem_shared>>
      tpu.enqueue_dma source(%dma_start3A_12 : memref<640x128xf32, #tpu.memory_space<vmem_shared>>) target(%dma_start3A_10 : memref<640x128xf32, #tpu.memory_space<hbm>>) target_semaphore(%run_scoped3A : memref<!tpu.dma_semaphore, #tpu.memory_space<semaphore_mem>>)
      %dma_wait3A = arith.constant 0 : i32
      %dma_wait3A_13 = tpu.memref_slice %arg7[%arg0, %mul3A_0, %dma_wait3A] : memref<2x10240x128xf32, #tpu.memory_space<hbm>> -> memref<1x640x128xf32, #tpu.memory_space<hbm>>
      %dma_wait3A_14 = tpu.memref_squeeze %dma_wait3A_13 : memref<1x640x128xf32, #tpu.memory_space<hbm>> -> memref<640x128xf32, #tpu.memory_space<hbm>>
      %dma_wait3A_15 = arith.constant 0 : i32
      %dma_wait3A_16 = tpu.memref_slice %arg12[%mul3A_0, %dma_wait3A_15] : memref<10240x128xf32, #tpu.memory_space<vmem_shared>> -> memref<640x128xf32, #tpu.memory_space<vmem_shared>>
      tpu.wait_dma2 semaphore(%run_scoped3A : memref<!tpu.dma_semaphore, #tpu.memory_space<semaphore_mem>>) src(%dma_wait3A_16 : memref<640x128xf32, #tpu.memory_space<vmem_shared>>) dst(%dma_wait3A_14 : memref<640x128xf32, #tpu.memory_space<hbm>>)
      tpu.yield
    }) : () -> ()
    return
  }
}

module attributes {stable_mosaic.version = 14 : i64} {
  func.func @_tcmid_body(%arg0: i32, %arg1: memref<2x1000x128xf32, #tpu.memory_space<vmem>>, %arg2: memref<1000x128xf32, #tpu.memory_space<vmem>>, %arg3: memref<1000x128xf32, #tpu.memory_space<vmem>>, %arg4: memref<2x1000x128xf32, #tpu.memory_space<vmem>>, %arg5: memref<1x256xf32, #tpu.memory_space<vmem>>, %arg6: memref<256x256xf32, #tpu.memory_space<vmem>>, %arg7: memref<1000x128xf32, #tpu.memory_space<vmem>>, %arg8: memref<1000x128xf32, #tpu.memory_space<vmem>>) attributes {dimension_semantics = [#tpu.dimension_semantics<arbitrary>], iteration_bounds = array<i64: 10>, scalar_prefetch = 0 : i64, scratch_operands = 0 : i64, tpu.core_type = #tpu.core_type<tc>, window_params = [{transform_indices = @transform_0, window_bounds = array<i64: 2, 1000, 128>}, {transform_indices = @transform_1, window_bounds = array<i64: 1000, 128>}, {transform_indices = @transform_2, window_bounds = array<i64: 1000, 128>}, {transform_indices = @transform_3, window_bounds = array<i64: 2, 1000, 128>}, {pipeline_mode = #tpu.pipeline_mode<synchronous>, transform_indices = @transform_4, window_bounds = array<i64: 1, 256>}, {pipeline_mode = #tpu.pipeline_mode<synchronous>, transform_indices = @transform_5, window_bounds = array<i64: 256, 256>}, {transform_indices = @transform_6, window_bounds = array<i64: 1000, 128>}, {transform_indices = @transform_7, window_bounds = array<i64: 1000, 128>}]} {
    %get3A = arith.constant 0 : index
    %get3A_0 = arith.constant 0 : index
    %get3A_1 = arith.constant 0 : index
    %get3A_2 = vector.load %arg4[%get3A, %get3A_0, %get3A_1] : memref<2x1000x128xf32, #tpu.memory_space<vmem>>, vector<1x1000x1xf32>
    %get3A_3 = vector.shape_cast %get3A_2 : vector<1x1000x1xf32> to vector<1000x1xf32>
    %add3A = arith.constant 1.000000e+00 : f32
    %add3A_4 = vector.broadcast %add3A : f32 to vector<1000x1xf32>
    %add3A_5 = arith.addf %add3A_4, %get3A_3 : vector<1000x1xf32>
    %get3A_6 = arith.constant 1 : index
    %get3A_7 = arith.constant 0 : index
    %get3A_8 = arith.constant 0 : index
    %get3A_9 = vector.load %arg4[%get3A_6, %get3A_7, %get3A_8] : memref<2x1000x128xf32, #tpu.memory_space<vmem>>, vector<1x1000x1xf32>
    %get3A_10 = vector.shape_cast %get3A_9 : vector<1x1000x1xf32> to vector<1000x1xf32>
    %add3A_11 = arith.addf %add3A_5, %get3A_10 : vector<1000x1xf32>
    %rsqrt3A = math.rsqrt %add3A_11 : vector<1000x1xf32>
    %get3A_12 = arith.constant 0 : index
    %get3A_13 = arith.constant 0 : index
    %get3A_14 = arith.constant 0 : index
    %get3A_15 = vector.load %arg1[%get3A_12, %get3A_13, %get3A_14] : memref<2x1000x128xf32, #tpu.memory_space<vmem>>, vector<1x1000x128xf32>
    %get3A_16 = vector.shape_cast %get3A_15 : vector<1x1000x128xf32> to vector<1000x128xf32>
    %get3A_17 = arith.constant 0 : index
    %get3A_18 = arith.constant 0 : index
    %get3A_19 = vector.load %arg2[%get3A_17, %get3A_18] : memref<1000x128xf32, #tpu.memory_space<vmem>>, vector<1000x128xf32>
    %add3A_20 = arith.addf %get3A_16, %get3A_19 : vector<1000x128xf32>
    %mul3A = vector.broadcast %rsqrt3A : vector<1000x1xf32> to vector<1000x128xf32>
    %mul3A_21 = arith.mulf %mul3A, %add3A_20 : vector<1000x128xf32>
    %get3A_22 = arith.constant 0 : index
    %get3A_23 = arith.constant 0 : index
    %get3A_24 = vector.load %arg5[%get3A_22, %get3A_23] : memref<1x256xf32, #tpu.memory_space<vmem>>, vector<1x128xf32>
    %add3A_25 = vector.broadcast %get3A_24 : vector<1x128xf32> to vector<1000x128xf32>
    %add3A_26 = arith.addf %mul3A_21, %add3A_25 : vector<1000x128xf32>
    %max3A = arith.constant 0.000000e+00 : f32
    %max3A_27 = vector.broadcast %max3A : f32 to vector<1000x128xf32>
    %max3A_28 = arith.maximumf %add3A_26, %max3A_27 : vector<1000x128xf32>
    %get3A_29 = arith.constant 1 : index
    %get3A_30 = arith.constant 0 : index
    %get3A_31 = arith.constant 0 : index
    %get3A_32 = vector.load %arg1[%get3A_29, %get3A_30, %get3A_31] : memref<2x1000x128xf32, #tpu.memory_space<vmem>>, vector<1x1000x128xf32>
    %get3A_33 = vector.shape_cast %get3A_32 : vector<1x1000x128xf32> to vector<1000x128xf32>
    %get3A_34 = arith.constant 0 : index
    %get3A_35 = arith.constant 0 : index
    %get3A_36 = vector.load %arg3[%get3A_34, %get3A_35] : memref<1000x128xf32, #tpu.memory_space<vmem>>, vector<1000x128xf32>
    %add3A_37 = arith.addf %get3A_33, %get3A_36 : vector<1000x128xf32>
    %mul3A_38 = vector.broadcast %rsqrt3A : vector<1000x1xf32> to vector<1000x128xf32>
    %mul3A_39 = arith.mulf %mul3A_38, %add3A_37 : vector<1000x128xf32>
    %get3A_40 = arith.constant 0 : index
    %get3A_41 = arith.constant 128 : index
    %get3A_42 = vector.load %arg5[%get3A_40, %get3A_41] : memref<1x256xf32, #tpu.memory_space<vmem>>, vector<1x128xf32>
    %add3A_43 = vector.broadcast %get3A_42 : vector<1x128xf32> to vector<1000x128xf32>
    %add3A_44 = arith.addf %mul3A_39, %add3A_43 : vector<1000x128xf32>
    %max3A_45 = arith.constant 0.000000e+00 : f32
    %max3A_46 = vector.broadcast %max3A_45 : f32 to vector<1000x128xf32>
    %max3A_47 = arith.maximumf %add3A_44, %max3A_46 : vector<1000x128xf32>
    %concatenate3A = tpu.concatenate %max3A_28, %max3A_47 in 1 : vector<1000x128xf32>, vector<1000x128xf32> -> vector<1000x256xf32>
    %get3A_48 = arith.constant 0 : index
    %get3A_49 = arith.constant 0 : index
    %get3A_50 = vector.load %arg6[%get3A_48, %get3A_49] : memref<256x256xf32, #tpu.memory_space<vmem>>, vector<256x256xf32>
    %dot_general3A = arith.constant dense<0.000000e+00> : vector<1000x256xf32>
    %dot_general3A_51 = tpu.matmul %concatenate3A, %get3A_50, %dot_general3A {dimension_numbers = #tpu.dot_dimension_numbers<[1], [0], [0], [1], [0, 0, 1, 1], [], []>, transpose_lhs_hint = false} : vector<1000x256xf32>, vector<256x256xf32>, vector<1000x256xf32> -> vector<1000x256xf32>
    %mul3A_52 = vector.broadcast %rsqrt3A : vector<1000x1xf32> to vector<1000x256xf32>
    %mul3A_53 = arith.mulf %dot_general3A_51, %mul3A_52 : vector<1000x256xf32>
    %slice3A = vector.extract_strided_slice %mul3A_53 {offsets = [0, 0], sizes = [1000, 128], strides = [1, 1]} : vector<1000x256xf32> to vector<1000x128xf32>
    %swap3A = arith.constant 0 : index
    %swap3A_54 = arith.constant 0 : index
    %swap3A_55 = vector.load %arg7[%swap3A, %swap3A_54] : memref<1000x128xf32, #tpu.memory_space<vmem>>, vector<1000x128xf32>
    tpu.vector_store %arg7[%swap3A, %swap3A_54], %slice3A {strides = array<i32>} : memref<1000x128xf32, #tpu.memory_space<vmem>>, vector<1000x128xf32>,
    %slice3A_56 = vector.extract_strided_slice %mul3A_53 {offsets = [0, 128], sizes = [1000, 128], strides = [1, 1]} : vector<1000x256xf32> to vector<1000x128xf32>
    %swap3A_57 = arith.constant 0 : index
    %swap3A_58 = arith.constant 0 : index
    %swap3A_59 = vector.load %arg8[%swap3A_57, %swap3A_58] : memref<1000x128xf32, #tpu.memory_space<vmem>>, vector<1000x128xf32>
    tpu.vector_store %arg8[%swap3A_57, %swap3A_58], %slice3A_56 {strides = array<i32>} : memref<1000x128xf32, #tpu.memory_space<vmem>>, vector<1000x128xf32>,
    return
  }
  func.func @transform_0(%arg0: i32) -> (i32, i32, i32) {
    %c0_i32 = arith.constant 0 : i32
    %c0_i32_0 = arith.constant 0 : i32
    %c0_i32_1 = arith.constant 0 : i32
    return %c0_i32, %arg0, %c0_i32_0 : i32, i32, i32
  }
  func.func @transform_1(%arg0: i32) -> (i32, i32) {
    %c0_i32 = arith.constant 0 : i32
    %c0_i32_0 = arith.constant 0 : i32
    return %arg0, %c0_i32 : i32, i32
  }
  func.func @transform_2(%arg0: i32) -> (i32, i32) {
    %c0_i32 = arith.constant 0 : i32
    %c0_i32_0 = arith.constant 0 : i32
    return %arg0, %c0_i32 : i32, i32
  }
  func.func @transform_3(%arg0: i32) -> (i32, i32, i32) {
    %c0_i32 = arith.constant 0 : i32
    %c0_i32_0 = arith.constant 0 : i32
    %c0_i32_1 = arith.constant 0 : i32
    return %c0_i32, %arg0, %c0_i32_0 : i32, i32, i32
  }
  func.func @transform_4(%arg0: i32) -> (i32, i32) {
    %c0_i32 = arith.constant 0 : i32
    %c0_i32_0 = arith.constant 0 : i32
    %c0_i32_1 = arith.constant 0 : i32
    return %c0_i32, %c0_i32_0 : i32, i32
  }
  func.func @transform_5(%arg0: i32) -> (i32, i32) {
    %c0_i32 = arith.constant 0 : i32
    %c0_i32_0 = arith.constant 0 : i32
    %c0_i32_1 = arith.constant 0 : i32
    return %c0_i32, %c0_i32_0 : i32, i32
  }
  func.func @transform_6(%arg0: i32) -> (i32, i32) {
    %c0_i32 = arith.constant 0 : i32
    %c0_i32_0 = arith.constant 0 : i32
    return %arg0, %c0_i32 : i32, i32
  }
  func.func @transform_7(%arg0: i32) -> (i32, i32) {
    %c0_i32 = arith.constant 0 : i32
    %c0_i32_0 = arith.constant 0 : i32
    return %arg0, %c0_i32 : i32, i32
  }
}

module attributes {stable_mosaic.version = 14 : i64} {
  func.func @_tc0_body(%arg0: i32, %arg1: memref<1000x128xf32, #tpu.memory_space<vmem>>, %arg2: memref<128x256xf32, #tpu.memory_space<vmem>>, %arg3: memref<2x1000x128xf32, #tpu.memory_space<vmem>>, %arg4: memref<1000x128xf32, #tpu.memory_space<vmem>>, %arg5: memref<1000x128xf32, #tpu.memory_space<vmem>>) attributes {dimension_semantics = [#tpu.dimension_semantics<arbitrary>], iteration_bounds = array<i64: 10>, scalar_prefetch = 0 : i64, scratch_operands = 0 : i64, tpu.core_type = #tpu.core_type<tc>, window_params = [{transform_indices = @transform_0, window_bounds = array<i64: 1000, 128>}, {pipeline_mode = #tpu.pipeline_mode<synchronous>, transform_indices = @transform_1, window_bounds = array<i64: 128, 256>}, {transform_indices = @transform_2, window_bounds = array<i64: 2, 1000, 128>}, {transform_indices = @transform_3, window_bounds = array<i64: 1000, 128>}, {transform_indices = @transform_4, window_bounds = array<i64: 1000, 128>}]} {
    %get3A = arith.constant 0 : index
    %get3A_0 = arith.constant 0 : index
    %get3A_1 = arith.constant 0 : index
    %get3A_2 = vector.load %arg3[%get3A, %get3A_0, %get3A_1] : memref<2x1000x128xf32, #tpu.memory_space<vmem>>, vector<1x1000x1xf32>
    %get3A_3 = vector.shape_cast %get3A_2 : vector<1x1000x1xf32> to vector<1000x1xf32>
    %add3A = arith.constant 1.000000e+00 : f32
    %add3A_4 = vector.broadcast %add3A : f32 to vector<1000x1xf32>
    %add3A_5 = arith.addf %add3A_4, %get3A_3 : vector<1000x1xf32>
    %get3A_6 = arith.constant 1 : index
    %get3A_7 = arith.constant 0 : index
    %get3A_8 = arith.constant 0 : index
    %get3A_9 = vector.load %arg3[%get3A_6, %get3A_7, %get3A_8] : memref<2x1000x128xf32, #tpu.memory_space<vmem>>, vector<1x1000x1xf32>
    %get3A_10 = vector.shape_cast %get3A_9 : vector<1x1000x1xf32> to vector<1000x1xf32>
    %add3A_11 = arith.addf %add3A_5, %get3A_10 : vector<1000x1xf32>
    %rsqrt3A = math.rsqrt %add3A_11 : vector<1000x1xf32>
    %get3A_12 = arith.constant 0 : index
    %get3A_13 = arith.constant 0 : index
    %get3A_14 = vector.load %arg1[%get3A_12, %get3A_13] : memref<1000x128xf32, #tpu.memory_space<vmem>>, vector<1000x128xf32>
    %get3A_15 = arith.constant 0 : index
    %get3A_16 = arith.constant 0 : index
    %get3A_17 = vector.load %arg2[%get3A_15, %get3A_16] : memref<128x256xf32, #tpu.memory_space<vmem>>, vector<128x256xf32>
    %dot_general3A = arith.constant dense<0.000000e+00> : vector<1000x256xf32>
    %dot_general3A_18 = tpu.matmul %get3A_14, %get3A_17, %dot_general3A {dimension_numbers = #tpu.dot_dimension_numbers<[1], [0], [0], [1], [0, 0, 1, 1], [], []>, transpose_lhs_hint = false} : vector<1000x128xf32>, vector<128x256xf32>, vector<1000x256xf32> -> vector<1000x256xf32>
    %mul3A = vector.broadcast %rsqrt3A : vector<1000x1xf32> to vector<1000x256xf32>
    %mul3A_19 = arith.mulf %dot_general3A_18, %mul3A : vector<1000x256xf32>
    %slice3A = vector.extract_strided_slice %mul3A_19 {offsets = [0, 0], sizes = [1000, 128], strides = [1, 1]} : vector<1000x256xf32> to vector<1000x128xf32>
    %swap3A = arith.constant 0 : index
    %swap3A_20 = arith.constant 0 : index
    %swap3A_21 = vector.load %arg4[%swap3A, %swap3A_20] : memref<1000x128xf32, #tpu.memory_space<vmem>>, vector<1000x128xf32>
    tpu.vector_store %arg4[%swap3A, %swap3A_20], %slice3A {strides = array<i32>} : memref<1000x128xf32, #tpu.memory_space<vmem>>, vector<1000x128xf32>,
    %slice3A_22 = vector.extract_strided_slice %mul3A_19 {offsets = [0, 128], sizes = [1000, 128], strides = [1, 1]} : vector<1000x256xf32> to vector<1000x128xf32>
    %swap3A_23 = arith.constant 0 : index
    %swap3A_24 = arith.constant 0 : index
    %swap3A_25 = vector.load %arg5[%swap3A_23, %swap3A_24] : memref<1000x128xf32, #tpu.memory_space<vmem>>, vector<1000x128xf32>
    tpu.vector_store %arg5[%swap3A_23, %swap3A_24], %slice3A_22 {strides = array<i32>} : memref<1000x128xf32, #tpu.memory_space<vmem>>, vector<1000x128xf32>,
    return
  }
  func.func @transform_0(%arg0: i32) -> (i32, i32) {
    %c0_i32 = arith.constant 0 : i32
    %c0_i32_0 = arith.constant 0 : i32
    return %arg0, %c0_i32 : i32, i32
  }
  func.func @transform_1(%arg0: i32) -> (i32, i32) {
    %c0_i32 = arith.constant 0 : i32
    %c0_i32_0 = arith.constant 0 : i32
    %c0_i32_1 = arith.constant 0 : i32
    return %c0_i32, %c0_i32_0 : i32, i32
  }
  func.func @transform_2(%arg0: i32) -> (i32, i32, i32) {
    %c0_i32 = arith.constant 0 : i32
    %c0_i32_0 = arith.constant 0 : i32
    %c0_i32_1 = arith.constant 0 : i32
    return %c0_i32, %arg0, %c0_i32_0 : i32, i32, i32
  }
  func.func @transform_3(%arg0: i32) -> (i32, i32) {
    %c0_i32 = arith.constant 0 : i32
    %c0_i32_0 = arith.constant 0 : i32
    return %arg0, %c0_i32 : i32, i32
  }
  func.func @transform_4(%arg0: i32) -> (i32, i32) {
    %c0_i32 = arith.constant 0 : i32
    %c0_i32_0 = arith.constant 0 : i32
    return %arg0, %c0_i32 : i32, i32
  }
}

module attributes {stable_mosaic.version = 14 : i64} {
  func.func @_tchead_body(%arg0: i32, %arg1: memref<2x1000x128xf32, #tpu.memory_space<vmem>>, %arg2: memref<1000x128xf32, #tpu.memory_space<vmem>>, %arg3: memref<1000x128xf32, #tpu.memory_space<vmem>>, %arg4: memref<2x1000x128xf32, #tpu.memory_space<vmem>>, %arg5: memref<1x256xf32, #tpu.memory_space<vmem>>, %arg6: memref<256x128xf32, #tpu.memory_space<vmem>>, %arg7: memref<1x128xf32, #tpu.memory_space<vmem>>, %arg8: memref<1000x128xf32, #tpu.memory_space<vmem>>) attributes {dimension_semantics = [#tpu.dimension_semantics<arbitrary>], iteration_bounds = array<i64: 10>, scalar_prefetch = 0 : i64, scratch_operands = 0 : i64, tpu.core_type = #tpu.core_type<tc>, window_params = [{transform_indices = @transform_0, window_bounds = array<i64: 2, 1000, 128>}, {transform_indices = @transform_1, window_bounds = array<i64: 1000, 128>}, {transform_indices = @transform_2, window_bounds = array<i64: 1000, 128>}, {transform_indices = @transform_3, window_bounds = array<i64: 2, 1000, 128>}, {pipeline_mode = #tpu.pipeline_mode<synchronous>, transform_indices = @transform_4, window_bounds = array<i64: 1, 256>}, {pipeline_mode = #tpu.pipeline_mode<synchronous>, transform_indices = @transform_5, window_bounds = array<i64: 256, 128>}, {pipeline_mode = #tpu.pipeline_mode<synchronous>, transform_indices = @transform_6, window_bounds = array<i64: 1, 128>}, {transform_indices = @transform_7, window_bounds = array<i64: 1000, 128>}]} {
    %get3A = arith.constant 0 : index
    %get3A_0 = arith.constant 0 : index
    %get3A_1 = arith.constant 0 : index
    %get3A_2 = vector.load %arg4[%get3A, %get3A_0, %get3A_1] : memref<2x1000x128xf32, #tpu.memory_space<vmem>>, vector<1x1000x1xf32>
    %get3A_3 = vector.shape_cast %get3A_2 : vector<1x1000x1xf32> to vector<1000x1xf32>
    %add3A = arith.constant 1.000000e+00 : f32
    %add3A_4 = vector.broadcast %add3A : f32 to vector<1000x1xf32>
    %add3A_5 = arith.addf %add3A_4, %get3A_3 : vector<1000x1xf32>
    %get3A_6 = arith.constant 1 : index
    %get3A_7 = arith.constant 0 : index
    %get3A_8 = arith.constant 0 : index
    %get3A_9 = vector.load %arg4[%get3A_6, %get3A_7, %get3A_8] : memref<2x1000x128xf32, #tpu.memory_space<vmem>>, vector<1x1000x1xf32>
    %get3A_10 = vector.shape_cast %get3A_9 : vector<1x1000x1xf32> to vector<1000x1xf32>
    %add3A_11 = arith.addf %add3A_5, %get3A_10 : vector<1000x1xf32>
    %rsqrt3A = math.rsqrt %add3A_11 : vector<1000x1xf32>
    %get3A_12 = arith.constant 0 : index
    %get3A_13 = arith.constant 0 : index
    %get3A_14 = arith.constant 0 : index
    %get3A_15 = vector.load %arg1[%get3A_12, %get3A_13, %get3A_14] : memref<2x1000x128xf32, #tpu.memory_space<vmem>>, vector<1x1000x128xf32>
    %get3A_16 = vector.shape_cast %get3A_15 : vector<1x1000x128xf32> to vector<1000x128xf32>
    %get3A_17 = arith.constant 0 : index
    %get3A_18 = arith.constant 0 : index
    %get3A_19 = vector.load %arg2[%get3A_17, %get3A_18] : memref<1000x128xf32, #tpu.memory_space<vmem>>, vector<1000x128xf32>
    %add3A_20 = arith.addf %get3A_16, %get3A_19 : vector<1000x128xf32>
    %mul3A = vector.broadcast %rsqrt3A : vector<1000x1xf32> to vector<1000x128xf32>
    %mul3A_21 = arith.mulf %mul3A, %add3A_20 : vector<1000x128xf32>
    %get3A_22 = arith.constant 0 : index
    %get3A_23 = arith.constant 0 : index
    %get3A_24 = vector.load %arg5[%get3A_22, %get3A_23] : memref<1x256xf32, #tpu.memory_space<vmem>>, vector<1x128xf32>
    %add3A_25 = vector.broadcast %get3A_24 : vector<1x128xf32> to vector<1000x128xf32>
    %add3A_26 = arith.addf %mul3A_21, %add3A_25 : vector<1000x128xf32>
    %max3A = arith.constant 0.000000e+00 : f32
    %max3A_27 = vector.broadcast %max3A : f32 to vector<1000x128xf32>
    %max3A_28 = arith.maximumf %add3A_26, %max3A_27 : vector<1000x128xf32>
    %get3A_29 = arith.constant 1 : index
    %get3A_30 = arith.constant 0 : index
    %get3A_31 = arith.constant 0 : index
    %get3A_32 = vector.load %arg1[%get3A_29, %get3A_30, %get3A_31] : memref<2x1000x128xf32, #tpu.memory_space<vmem>>, vector<1x1000x128xf32>
    %get3A_33 = vector.shape_cast %get3A_32 : vector<1x1000x128xf32> to vector<1000x128xf32>
    %get3A_34 = arith.constant 0 : index
    %get3A_35 = arith.constant 0 : index
    %get3A_36 = vector.load %arg3[%get3A_34, %get3A_35] : memref<1000x128xf32, #tpu.memory_space<vmem>>, vector<1000x128xf32>
    %add3A_37 = arith.addf %get3A_33, %get3A_36 : vector<1000x128xf32>
    %mul3A_38 = vector.broadcast %rsqrt3A : vector<1000x1xf32> to vector<1000x128xf32>
    %mul3A_39 = arith.mulf %mul3A_38, %add3A_37 : vector<1000x128xf32>
    %get3A_40 = arith.constant 0 : index
    %get3A_41 = arith.constant 128 : index
    %get3A_42 = vector.load %arg5[%get3A_40, %get3A_41] : memref<1x256xf32, #tpu.memory_space<vmem>>, vector<1x128xf32>
    %add3A_43 = vector.broadcast %get3A_42 : vector<1x128xf32> to vector<1000x128xf32>
    %add3A_44 = arith.addf %mul3A_39, %add3A_43 : vector<1000x128xf32>
    %max3A_45 = arith.constant 0.000000e+00 : f32
    %max3A_46 = vector.broadcast %max3A_45 : f32 to vector<1000x128xf32>
    %max3A_47 = arith.maximumf %add3A_44, %max3A_46 : vector<1000x128xf32>
    %concatenate3A = tpu.concatenate %max3A_28, %max3A_47 in 1 : vector<1000x128xf32>, vector<1000x128xf32> -> vector<1000x256xf32>
    %get3A_48 = arith.constant 0 : index
    %get3A_49 = arith.constant 0 : index
    %get3A_50 = vector.load %arg6[%get3A_48, %get3A_49] : memref<256x128xf32, #tpu.memory_space<vmem>>, vector<256x128xf32>
    %dot_general3A = arith.constant dense<0.000000e+00> : vector<1000x128xf32>
    %dot_general3A_51 = tpu.matmul %concatenate3A, %get3A_50, %dot_general3A {dimension_numbers = #tpu.dot_dimension_numbers<[1], [0], [0], [1], [0, 0, 1, 1], [], []>, transpose_lhs_hint = false} : vector<1000x256xf32>, vector<256x128xf32>, vector<1000x128xf32> -> vector<1000x128xf32>
    %get3A_52 = arith.constant 0 : index
    %get3A_53 = arith.constant 0 : index
    %get3A_54 = vector.load %arg7[%get3A_52, %get3A_53] : memref<1x128xf32, #tpu.memory_space<vmem>>, vector<1x128xf32>
    %add3A_55 = vector.broadcast %get3A_54 : vector<1x128xf32> to vector<1000x128xf32>
    %add3A_56 = arith.addf %dot_general3A_51, %add3A_55 : vector<1000x128xf32>
    %swap3A = arith.constant 0 : index
    %swap3A_57 = arith.constant 0 : index
    %swap3A_58 = vector.load %arg8[%swap3A, %swap3A_57] : memref<1000x128xf32, #tpu.memory_space<vmem>>, vector<1000x128xf32>
    tpu.vector_store %arg8[%swap3A, %swap3A_57], %add3A_56 {strides = array<i32>} : memref<1000x128xf32, #tpu.memory_space<vmem>>, vector<1000x128xf32>,
    return
  }
  func.func @transform_0(%arg0: i32) -> (i32, i32, i32) {
    %c0_i32 = arith.constant 0 : i32
    %c0_i32_0 = arith.constant 0 : i32
    %c0_i32_1 = arith.constant 0 : i32
    return %c0_i32, %arg0, %c0_i32_0 : i32, i32, i32
  }
  func.func @transform_1(%arg0: i32) -> (i32, i32) {
    %c0_i32 = arith.constant 0 : i32
    %c0_i32_0 = arith.constant 0 : i32
    return %arg0, %c0_i32 : i32, i32
  }
  func.func @transform_2(%arg0: i32) -> (i32, i32) {
    %c0_i32 = arith.constant 0 : i32
    %c0_i32_0 = arith.constant 0 : i32
    return %arg0, %c0_i32 : i32, i32
  }
  func.func @transform_3(%arg0: i32) -> (i32, i32, i32) {
    %c0_i32 = arith.constant 0 : i32
    %c0_i32_0 = arith.constant 0 : i32
    %c0_i32_1 = arith.constant 0 : i32
    return %c0_i32, %arg0, %c0_i32_0 : i32, i32, i32
  }
  func.func @transform_4(%arg0: i32) -> (i32, i32) {
    %c0_i32 = arith.constant 0 : i32
    %c0_i32_0 = arith.constant 0 : i32
    %c0_i32_1 = arith.constant 0 : i32
    return %c0_i32, %c0_i32_0 : i32, i32
  }
  func.func @transform_5(%arg0: i32) -> (i32, i32) {
    %c0_i32 = arith.constant 0 : i32
    %c0_i32_0 = arith.constant 0 : i32
    %c0_i32_1 = arith.constant 0 : i32
    return %c0_i32, %c0_i32_0 : i32, i32
  }
  func.func @transform_6(%arg0: i32) -> (i32, i32) {
    %c0_i32 = arith.constant 0 : i32
    %c0_i32_0 = arith.constant 0 : i32
    %c0_i32_1 = arith.constant 0 : i32
    return %c0_i32, %c0_i32_0 : i32, i32
  }
  func.func @transform_7(%arg0: i32) -> (i32, i32) {
    %c0_i32 = arith.constant 0 : i32
    %c0_i32_0 = arith.constant 0 : i32
    return %arg0, %c0_i32 : i32, i32
  }
}

</mosaic_0001>

<sc_bundles>
// kernel: kernel.10.cloned.1.call-start
scs
__scs_entry_jumppad:
0x0: {  	(pc) =	sbr.rel $0x88, $3  }
0x1: {  	(tag) =	ssettag $0x0;
	lr =	simm.s32 $0x1  }
0x2: {  	[smem:$0x3F97] =	sst lr;
	_ =	strace $0xD0000000  }
0x3: {  	_ = 	snop  }
0x4: {  	_ = 	snop  }
0x5: {  	_ = 	snop  }
0x6: {  	_ = 	snop  }
0x7: {  	_ = 	snop  }
__scs_overlays_trampoline_lowered:
0x8: {  	[smem:$0x3FA6] =	sst s0  }
0x9: {  	[smem:$0x3FA7] =	sst s1  }
0xa: {  	[smem:$0x3FA8] =	sst s2  }
0xb: {  	[smem:$0x3FA9] =	sst s3  }
0xc: {  	[smem:$0x3FAA] =	sst s4  }
0xd: {  	[smem:$0x3FAB] =	sst s5  }
0xe: {  	[smem:$0x3FAC] =	sst s6  }
0xf: {  	[smem:$0x3FAD] =	sst s7  }
0x10: {  	[smem:$0x3FAE] =	sst s8  }
0x11: {  	[smem:$0x3FAF] =	sst s9;
	s0 =	simm.s32 @!p0 $0x0  }
0x12: {  	s1 =	sld [smem:$0x3F95];
	s0 =	simm.s32 @p0 $0x1  }
0x13: {  	[smem:$0x3FB0] =	sst s0;
	s0 =	simm.s32 @!p1 $0x0  }
0x14: {  	s2 =	sld [smem:$0x3F94];
	s0 =	simm.s32 @p1 $0x1  }
0x15: {  	[smem:$0x3FB1] =	sst s0;
	s0 =	simm.s32 @!p2 $0x0  }
0x16: {  	s3 =	sld [smem:$0x3FDB];
	s0 =	simm.s32 @p2 $0x1  }
0x17: {  	s4 =	simm.s32 $0x1BF5;
	[smem:$0x3FB3] =	sst s0  }
0x18: {  	s0 =	sld [smem:$0x3F96];
	_ =	swait.ge [sflag:s4], $0x0  }
0x19: {  	s7 =	sld [smem:$0x3F97]  }
0x1a: {  	s8 =	sadd.s32 $0xFFFFE003, lr  }
0x1b: {  	s9 =	sadd.s32 $0xFFFFFEF7, lr;
	s5 =	simm.s32 $0xFFFFFFFF;
	p2 =	slt.u32 s8, $0xFFFFF086  }
0x1c: {  	p1 =	slt.u32 s9, $0xF7A;
	s5 =	simm.s32 @!p2 $0x0  }
0x1d: {  	s5 =	simm.s32 @p1 $0x1;
	p0 =	seq.s32 s7, s2  }
0x1e: {  	s7 =	smul.u32 @!p0 $0xF7A, s2;
	p2 =	seq.s32 @!p0 s5, $0x0  }
0x1f: {  	s9 =	smul.u32 $0xF7A, s1;
	s8 =	simm.s32 @!p0 $0x1BF5;
	p2 =	por !p2, p0  }
0x20: {  	[sflag:s8] =	ssyncset.s32 @!p0 $0xFFFFF086;
	s6 =	sadd.s32 @!p0 s3, s7;
	s7 =	simm.s32 @!p0 $0x108  }
0x21: {  	s3 =	sadd.s32 s3, s9;
	s6 =	sadd.s32 @!p0 $0x88, s6;
	s7 =	simm.s32 @p2 $0x1082  }
0x22: {  	[simem:s7], [sflag:s8] =	dma.local @!p0 [hbm:s6], $0xF7A  }
0x23: {  	s9 =	sor.u32 $0xD0000000, s2;
	s6 =	simm.s32 $0x108;
	_ =	swait.ge @!p0 [sflag:s8], $0x0  }
0x24: {  	s3 =	sadd.s32 $0x88, s3;
	s6 =	simm.s32 @!p1 $0x1082;
	[sflag:s4] =	ssyncset.s32 $0xFFFFF086  }
0x25: {  	[simem:s6], [sflag:s4] =	dma.local [hbm:s3], $0xF7A  }
0x26: {  	[smem:$0x3F97] =	sst s1;
	(tag) =	ssettag s2;
	_ =	strace s9  }
0x27: {  	s1 =	sld [smem:$0x3FA7]  }
0x28: {  	s2 =	sld [smem:$0x3FA8]  }
0x29: {  	s4 =	sld [smem:$0x3FAA]  }
0x2a: {  	p0 =	seq.s32 s5, $0x0;
	s5 =	sld [smem:$0x3FAB]  }
0x2b: {  	s6 =	sld [smem:$0x3FAC]  }
0x2c: {  	s7 =	sld [smem:$0x3FAD]  }
0x2d: {  	s3 =	simm.s32 $0x108;
	s8 =	sld [smem:$0x3FAE]  }
0x2e: {  	s3 =	simm.s32 @!p0 $0x1082;
	s9 =	sld [smem:$0x3FAF]  }
0x2f: {  	lr =	sadd.s32 s0, s3;
	s0 =	sld [smem:$0x3FA6]  }
0x30: {  	s3 =	sld [smem:$0x3FA9]  }
0x31: {  	[smem:$0x3FB2] =	sst s10  }
0x32: {  	s10 =	sld [smem:$0x3FB0];
	_ =	sdelay $0x3  }
0x33: {  	p0 =	seq.s32 s10, $0x1;
	s10 =	sld [smem:$0x3FB2];
	_ =	sdelay $0x3  }
0x34: {  	[smem:$0x3FB2] =	sst s10  }
0x35: {  	s10 =	sld [smem:$0x3FB1];
	_ =	sdelay $0x3  }
0x36: {  	p1 =	seq.s32 s10, $0x1;
	s10 =	sld [smem:$0x3FB2];
	_ =	sdelay $0x3  }
0x37: {  	[smem:$0x3FB2] =	sst s10  }
0x38: {  	s10 =	sld [smem:$0x3FB3]  }
0x39: {  	_ = 	snop;
	(pc) =	sbr.ind lr, $3  }
0x3a: {  	_ = 	snop  }
0x3b: {  	_ = 	snop  }
0x3c: {  	p2 =	seq.s32 s10, $0x1;
	s10 =	sld [smem:$0x3FB2]  }
0x3d: {  	_ =	shalt  }
0x3e: {  	_ =	shalt  }
0x3f: {  	_ =	shalt  }
0x40: {  	_ =	shalt  }
0x41: {  	_ =	shalt  }
0x42: {  	_ =	shalt  }
0x43: {  	_ =	shalt  }
0x44: {  	_ =	shalt  }
0x45: {  	_ =	shalt  }
0x46: {  	_ =	shalt  }
0x47: {  	_ =	shalt  }
0x48: {  	_ =	shalt  }
0x49: {  	_ =	shalt  }
0x4a: {  	_ =	shalt  }
0x4b: {  	_ =	shalt  }
0x4c: {  	_ =	shalt  }
0x4d: {  	_ =	shalt  }
0x4e: {  	_ =	shalt  }
0x4f: {  	_ =	shalt  }
0x50: {  	_ =	shalt  }
0x51: {  	_ =	shalt  }
0x52: {  	_ =	shalt  }
0x53: {  	_ =	shalt  }
0x54: {  	_ =	shalt  }
0x55: {  	_ =	shalt  }
0x56: {  	_ =	shalt  }
0x57: {  	_ =	shalt  }
0x58: {  	_ =	shalt  }
0x59: {  	_ =	shalt  }
0x5a: {  	_ =	shalt  }
0x5b: {  	_ =	shalt  }
0x5c: {  	_ =	shalt  }
0x5d: {  	_ =	shalt  }
0x5e: {  	_ =	shalt  }
0x5f: {  	_ =	shalt  }
0x60: {  	_ =	shalt  }
0x61: {  	_ =	shalt  }
0x62: {  	_ =	shalt  }
0x63: {  	_ =	shalt  }
0x64: {  	_ =	shalt  }
0x65: {  	_ =	shalt  }
0x66: {  	_ =	shalt  }
0x67: {  	_ =	shalt  }
0x68: {  	_ =	shalt  }
0x69: {  	_ =	shalt  }
0x6a: {  	_ =	shalt  }
0x6b: {  	_ =	shalt  }
0x6c: {  	_ =	shalt  }
0x6d: {  	_ =	shalt  }
0x6e: {  	_ =	shalt  }
0x6f: {  	_ =	shalt  }
0x70: {  	_ =	shalt  }
0x71: {  	_ =	shalt  }
0x72: {  	_ =	shalt  }
0x73: {  	_ =	shalt  }
0x74: {  	_ =	shalt  }
0x75: {  	_ =	shalt  }
0x76: {  	_ =	shalt  }
0x77: {  	_ =	shalt  }
0x78: {  	_ =	shalt  }
0x79: {  	_ =	shalt  }
0x7a: {  	_ =	shalt  }
0x7b: {  	_ =	shalt  }
0x7c: {  	_ =	shalt  }
0x7d: {  	_ =	shalt  }
0x7e: {  	_ =	shalt  }
0x7f: {  	_ =	shalt  }
0x80: {  	_ =	shalt  }
0x81: {  	_ =	shalt  }
0x82: {  	_ =	shalt  }
0x83: {  	_ =	shalt  }
0x84: {  	_ =	shalt  }
0x85: {  	_ =	shalt  }
0x86: {  	_ =	shalt  }
0x87: {  	_ =	shalt  }
.Lfunc_end0:
.L_simem_size_0:
called_computation_lowered:
.L_overlay_start_0:
0x88: {  	s2 =	sld [smem:$0x3FD9]  }
0x89: {  	s3 =	sld [smem:$0x3FFE];
	_ =	sdelay $0x1  }
0x8a: {  	s1 =	srdreg.scid  }
0x8b: {  	s0 =	sand.u32 $0x1, s1  }
0x8c: {  	s17 =	sshll.u32 s0, $0xA;
	s2 =	sadd.s32 s3, s2  }
0x8d: {  	s2 =	sadd.s32 s2, s17  }
0x8e: {  	[smem:$0x3FBE] =	sst s2  }
0x8f: {  	_ = 	snop  }
0x90: {  	s2 =	sld [smem:$0x3FD0];
	(tm) =	ssettm $0x1  }
0x91: {  	s18 =	sld [smem:$0x3FFB];
	_ =	sdelay $0x3  }
0x92: {  	_ =	strace s18  }
0x93: {  	s3 =	sld [smem:$0x3FFC];
	_ =	sdelay $0x3  }
0x94: {  	_ =	strace s3  }
0x95: {  	s3 =	sld [smem:$0x3FFD];
	_ =	sdelay $0x3  }
0x96: {  	_ =	strace s3  }
0x97: {  	_ =	strace $0x8FFFFFFF  }
0x98: {  	s19 =	sld [smem:$0x3FDB];
	_ =	sdelay $0x1  }
0x99: {  	s4 =	simm.s32 $_scs_section_size  }
0x9a: {  	s5 =	simm.s32 $_size__tile_overlayer_lowered;
	s6 =	simm.s32 $_tile_overlayer_lowered  }
0x9b: {  	s22 =	simm.s32 $0x1BFF;
	s21 =	sshll.u32 s6, $0x1;
	s3 =	sadd.s32 s4, s19  }
0x9c: {  	s7 =	simm.s32 $0x0;
	s20 =	sshll.u32 s5, $0x1;
	s5 =	sadd.s32 s21, s3  }
0x9d: {  	[timem:s7], [sflag:s22] =	dma.local [hbm:s5], s20  }
0x9e: {  	_ =	swait.ge [sflag:s22], s20  }
0x9f: {  	s4 =	ssub.s32 $0x0, s20;
	[sflag:s22] =	ssyncset.done $0x0  }
0xa0: {  	[sflag:s22] =	ssyncadd.s32 s4;
	_ =	sdelay $0x1  }
0xa1: {  	s23 =	simm.s32 $0x1B8B  }
0xa2: {  	_ =	swait.ge [sflag:s23], $0x1  }
0xa3: {  	[sflag:s23] =	ssyncset.done $0x0  }
0xa4: {  	s25 =	simm.s32 $0x1B8E;
	s24 =	sld [smem:$0x3FFE];
	[sflag:s23] =	ssyncadd.s32 $0xFFFFFFFF  }
0xa5: {  	s26 =	simm.s32 $execute0_lowered;
	[smem:$0x3FD2] =	sst s25  }
0xa6: {  	s5 =	sshll.u32 s26, $0x1;
	_ =	strace $0x80000046;
	[dreg:$0x1] =	wrdreg $0xFFFFFFFF  }
0xa7: {  	s28 =	simm.s32 $_size_execute0_lowered;
	s3 =	sadd.s32 s3, s5;
	[dreg:$0x0] =	wrdreg $0x0  }
0xa8: {  	s5 =	sshll.u32 s28, $0x1;
	[dreg:$0x2] =	wrdreg s3  }
0xa9: {  	[dreg:$0x3] =	wrdreg s5  }
0xaa: {  	[dreg:$0x4] =	wrdreg $0xC0  }
0xab: {  	_ =	task [dreg:s7], $0x5FFFF  }
0xac: {  	[dreg:$0x1] =	wrdreg $0xFFFFFFFF  }
0xad: {  	[dreg:$0x0] =	wrdreg $0x60  }
0xae: {  	[dreg:$0x2] =	wrdreg s24  }
0xaf: {  	[dreg:$0x3] =	wrdreg s2  }
0xb0: {  	[dreg:$0x4] =	wrdreg $0x48000  }
0xb1: {  	[dreg:$0x5] =	wrdreg $0x9  }
0xb2: {  	_ =	task.clear_ibuf [dreg:s7], $0x6FFFF;
	_ =	strace $0x90000046  }
0xb3: {  	s29 =	simm.s32 $0x9;
	_ =	strace $0x80000048  }
0xb4: {  	_ =	swait.ge [sflag:s29], $0x1  }
0xb5: {  	[sflag:s29] =	ssyncadd.s32 $0xFFFFFFFF  }
0xb6: {  	_ =	strace $0x90000048  }
0xb7: {  	_ =	sfence  }
0xb8: {  	s30 =	sld [smem:$0x0];
	_ =	sdelay $0x2  }
0xb9: {  	s31 =	sshll.u32 s1, $0xD;
	s1 =	sshrl.u32 s1, $0x2  }
0xba: {  	s3 =	sand.u32 $0x4000, s31;
	s1 =	sadd.s32 s1, s30  }
0xbb: {  	s0 =	sor.u32 s3, s0;
	s1 =	sshll.u32 s1, $0x11  }
0xbc: {  	s0 =	sor.u32 s1, s0  }
0xbd: {  	s0 =	sadd.s32 $0x8F2B, s0  }
0xbe: {  	[sflag:s0] =	ssyncadd.remote.s32 $0x1  }
0xbf: {  	_ =	sfence.sel $0xFFFF  }
0xc0: {  	[dreg:$0x0] =	wrdreg $0xFFFFFFFF;
	(pc) =	sbr.abs _section_cstart, $3  }
0xc1: {  	[dreg:$0x1] =	wrdreg $0xFFFFFFFF  }
0xc2: {  	_ =	task.clear_ibuf [dreg:s7], $0x2FFFF;
	_ =	strace $0x9FFFFFFF  }
0xc3: {  	(tm) =	ssettm $0x7FFFFFFF  }
tec
execute0_lowered:
.L_overlay_start_1:
0x0: {  	(tag) =	ssettag $0x1  }
0x1: {  	s0 =	rddreg [dreg:$0x0];
	s1 =	srdreg.scid  }
0x2: {  	s2 =	stileid.u32;
	s3 =	rddreg [dreg:$0x2];
	s4 =	simm.s32 $0x0  }
0x3: {  	s11 =	simm.s32 $0x2;
	s12 =	simm.s32 $0x800;
	s13 =	simm.s32 $0x80  }
0x4: {  	s14 =	simm.s32 $0x100;
	s15 =	simm.s32 $0x180;
	s16 =	simm.s32 $0x200  }
0x5: {  	s17 =	simm.s32 $0x280;
	s18 =	simm.s32 $0x300;
	s19 =	simm.s32 $0x380  }
0x6: {  	s20 =	simm.s32 $0x400;
	s21 =	simm.s32 $0x480;
	s5 =	smul.u32 $0x5000, s2  }
0x7: {  	s22 =	simm.s32 $0x500;
	s23 =	simm.s32 $0x580;
	s24 =	smul.u32 $0x14000, s2  }
0x8: {  	s28 =	simm.s32 $0x780;
	s1 =	sand.u32 $0x1, s1;
	s25 =	smul.u32 $0x50000, s2  }
0x9: {  	s29 =	simm.s32 $0x1;
	s30 =	simm.s32 $0x0;
	s6 =	smul.u32 $0x2800, s1  }
0xa: {  	[smem:$0x7FF] =	sst s4;
	s7 =	smul.u32 $0x140000, s1;
	s1 =	ssub.s32 $0x2, s1  }
0xb: {  	s31 =	sshll.u32 s2, $0x6;
	_ =	strace $0x80000047;
	s26 =	sshrl.u32 s1, $0x1  }
0xc: {  	s5 =	sadd.s32 s6, s5;
	s6 =	sadd.s32 s24, s7;
	s7 =	sshrl.u32 s25, $0x2  }
0xd: {  	s1 =	ssub.s32 s1, s26;
	s24 =	simm.s32 $0x600;
	s25 =	simm.s32 $0x680  }
0xe: {  	s26 =	simm.s32 $0x700;
	s5 =	sshrl.u32 s5, $0x3;
	s6 =	sshrl.u32 s6, $0x3  }
0xf: {  	s10 =	sadd.s32 s7, s3;
	s8 =	smax.u32 s1, $0x1;
	s9 =	sadd.s32 s5, s0  }
0x10: {  	s5 =	sadd.s32 $0xE000, s0;
	s0 =	sadd.s32 s6, s0;
	s6 =	sor.u32 $0x1C02, s31  }
0x11: {  	s10 =	sshrl.u32 s10, $0x3;
	s7 =	sadd.s32 $0x10800, s0;
	s9 =	sadd.s32 $0x4000, s9  }
.LBB2_1:
0x12: {  	[spmem:s10], [sflag:s6] =	dma.local [hbm:s5], $0x2800  }
0x13: {  	_ =	swait.ge [sflag:s11], $0x2800  }
0x14: {  	[sflag:s11] =	ssyncset.done $0x0  }
0x15: {  	[sflag:s11] =	ssyncadd.s32 $0xFFFFD800  }
0x16: {  	s0 =	rddreg [dreg:$0x1]  }
0x17: {  	[tilespmem:s12], [sflag:$0x2] =	stream.linear.gather [hbm4b:s0+s4], $0x4000, $0x38;
	[tilespmem:$0x18800] =	vst v63  }
0x18: {  	_ =	swait.ge [sflag:s11], $0x4000  }
0x19: {  	[sflag:s11] =	ssyncset.done $0x0  }
0x1a: {  	[sflag:s11] =	ssyncadd.s32 $0xFFFFC000  }
0x1b: {  	s2 =	sadd.s32 $0x0, s9;
	[bflag:$0x0] =	sbarrier.arrive $0xFFFF  }
0x1c: {  	[tilespmem:s4], [sflag:$0x2] =	stream.linear.gather [hbm4b:s2+s4], $0x800, $0x38;
	[tilespmem:$0x18800] =	vst v63  }
0x1d: {  	_ =	swait.ge [sflag:s11], $0x800  }
0x1e: {  	[sflag:s11] =	ssyncset.done $0x0  }
0x1f: {  	[sflag:s11] =	ssyncadd.s32 $0xFFFFF800  }
0x20: {  	[spmem:s3] =	stream.indirect.scatter.add.f32 [tilespmem:s12], [sflag:$0x1], $0x80, s4, s13, $0xb8;
	[tilespmem:$0x18800] =	vst v63  }
0x21: {  	_ = 	snop  }
0x22: {  	[spmem:s3] =	stream.indirect.scatter.add.f32 [tilespmem:s12], [sflag:$0x1], $0x80, s13, s13, $0xb8;
	[tilespmem:$0x18800] =	vst v63  }
0x23: {  	_ = 	snop  }
0x24: {  	[spmem:s3] =	stream.indirect.scatter.add.f32 [tilespmem:s12], [sflag:$0x1], $0x80, s14, s13, $0xb8;
	[tilespmem:$0x18800] =	vst v63  }
0x25: {  	_ = 	snop  }
0x26: {  	[spmem:s3] =	stream.indirect.scatter.add.f32 [tilespmem:s12], [sflag:$0x1], $0x80, s15, s13, $0xb8;
	[tilespmem:$0x18800] =	vst v63  }
0x27: {  	_ = 	snop  }
0x28: {  	[spmem:s3] =	stream.indirect.scatter.add.f32 [tilespmem:s12], [sflag:$0x1], $0x80, s16, s13, $0xb8;
	[tilespmem:$0x18800] =	vst v63  }
0x29: {  	_ = 	snop  }
0x2a: {  	[spmem:s3] =	stream.indirect.scatter.add.f32 [tilespmem:s12], [sflag:$0x1], $0x80, s17, s13, $0xb8;
	[tilespmem:$0x18800] =	vst v63  }
0x2b: {  	_ = 	snop  }
0x2c: {  	[spmem:s3] =	stream.indirect.scatter.add.f32 [tilespmem:s12], [sflag:$0x1], $0x80, s18, s13, $0xb8;
	[tilespmem:$0x18800] =	vst v63  }
0x2d: {  	_ = 	snop  }
0x2e: {  	[spmem:s3] =	stream.indirect.scatter.add.f32 [tilespmem:s12], [sflag:$0x1], $0x80, s19, s13, $0xb8;
	[tilespmem:$0x18800] =	vst v63  }
0x2f: {  	_ = 	snop  }
0x30: {  	[spmem:s3] =	stream.indirect.scatter.add.f32 [tilespmem:s12], [sflag:$0x1], $0x80, s20, s13, $0xb8;
	[tilespmem:$0x18800] =	vst v63  }
0x31: {  	_ = 	snop  }
0x32: {  	[spmem:s3] =	stream.indirect.scatter.add.f32 [tilespmem:s12], [sflag:$0x1], $0x80, s21, s13, $0xb8;
	[tilespmem:$0x18800] =	vst v63  }
0x33: {  	_ = 	snop  }
0x34: {  	[spmem:s3] =	stream.indirect.scatter.add.f32 [tilespmem:s12], [sflag:$0x1], $0x80, s22, s13, $0xb8;
	[tilespmem:$0x18800] =	vst v63  }
0x35: {  	_ = 	snop  }
0x36: {  	[spmem:s3] =	stream.indirect.scatter.add.f32 [tilespmem:s12], [sflag:$0x1], $0x80, s23, s13, $0xb8;
	[tilespmem:$0x18800] =	vst v63  }
0x37: {  	_ = 	snop  }
0x38: {  	[spmem:s3] =	stream.indirect.scatter.add.f32 [tilespmem:s12], [sflag:$0x1], $0x80, s24, s13, $0xb8;
	[tilespmem:$0x18800] =	vst v63  }
0x39: {  	_ = 	snop  }
0x3a: {  	[spmem:s3] =	stream.indirect.scatter.add.f32 [tilespmem:s12], [sflag:$0x1], $0x80, s25, s13, $0xb8;
	[tilespmem:$0x18800] =	vst v63  }
0x3b: {  	_ = 	snop  }
0x3c: {  	[spmem:s3] =	stream.indirect.scatter.add.f32 [tilespmem:s12], [sflag:$0x1], $0x80, s26, s13, $0xb8;
	[tilespmem:$0x18800] =	vst v63  }
0x3d: {  	_ = 	snop  }
0x3e: {  	[spmem:s3] =	stream.indirect.scatter.add.f32 [tilespmem:s12], [sflag:$0x1], $0x80, s28, s13, $0xb8;
	[tilespmem:$0x18800] =	vst v63  }
0x3f: {  	_ =	swait.ge [sflag:s29], $0x4000  }
0x40: {  	[sflag:s29] =	ssyncset.done $0x0  }
0x41: {  	[sflag:s29] =	ssyncadd.s32 $0xFFFFC000  }
0x42: {  	_ =	swait.ge [sflag:s29], $0x4000  }
0x43: {  	[sflag:s29] =	ssyncset.done $0x0  }
0x44: {  	[sflag:s29] =	ssyncadd.s32 $0xFFFFC000  }
0x45: {  	_ =	swait.ge [sflag:s29], $0x4000  }
0x46: {  	[sflag:s29] =	ssyncset.done $0x0  }
0x47: {  	[sflag:s29] =	ssyncadd.s32 $0xFFFFC000  }
0x48: {  	_ =	swait.ge [sflag:s29], $0x4000  }
0x49: {  	[sflag:s29] =	ssyncset.done $0x0  }
0x4a: {  	[sflag:s29] =	ssyncadd.s32 $0xFFFFC000  }
0x4b: {  	_ =	swait.ge [sflag:s29], $0x4000  }
0x4c: {  	[sflag:s29] =	ssyncset.done $0x0  }
0x4d: {  	[sflag:s29] =	ssyncadd.s32 $0xFFFFC000  }
0x4e: {  	_ =	swait.ge [sflag:s29], $0x4000  }
0x4f: {  	[sflag:s29] =	ssyncset.done $0x0  }
0x50: {  	[sflag:s29] =	ssyncadd.s32 $0xFFFFC000  }
0x51: {  	_ =	swait.ge [sflag:s29], $0x4000  }
0x52: {  	[sflag:s29] =	ssyncset.done $0x0  }
0x53: {  	[sflag:s29] =	ssyncadd.s32 $0xFFFFC000  }
0x54: {  	_ =	swait.ge [sflag:s29], $0x4000  }
0x55: {  	[sflag:s29] =	ssyncset.done $0x0  }
0x56: {  	[sflag:s29] =	ssyncadd.s32 $0xFFFFC000  }
0x57: {  	_ =	swait.ge [sflag:s29], $0x4000  }
0x58: {  	[sflag:s29] =	ssyncset.done $0x0  }
0x59: {  	[sflag:s29] =	ssyncadd.s32 $0xFFFFC000  }
0x5a: {  	_ =	swait.ge [sflag:s29], $0x4000  }
0x5b: {  	[sflag:s29] =	ssyncset.done $0x0  }
0x5c: {  	[sflag:s29] =	ssyncadd.s32 $0xFFFFC000  }
0x5d: {  	_ =	swait.ge [sflag:s29], $0x4000  }
0x5e: {  	[sflag:s29] =	ssyncset.done $0x0  }
0x5f: {  	[sflag:s29] =	ssyncadd.s32 $0xFFFFC000  }
0x60: {  	_ =	swait.ge [sflag:s29], $0x4000  }
0x61: {  	[sflag:s29] =	ssyncset.done $0x0  }
0x62: {  	[sflag:s29] =	ssyncadd.s32 $0xFFFFC000  }
0x63: {  	_ =	swait.ge [sflag:s29], $0x4000  }
0x64: {  	[sflag:s29] =	ssyncset.done $0x0  }
0x65: {  	[sflag:s29] =	ssyncadd.s32 $0xFFFFC000  }
0x66: {  	_ =	swait.ge [sflag:s29], $0x4000  }
0x67: {  	[sflag:s29] =	ssyncset.done $0x0  }
0x68: {  	[sflag:s29] =	ssyncadd.s32 $0xFFFFC000  }
0x69: {  	_ =	swait.ge [sflag:s29], $0x4000  }
0x6a: {  	[sflag:s29] =	ssyncset.done $0x0  }
0x6b: {  	[sflag:s29] =	ssyncadd.s32 $0xFFFFC000  }
0x6c: {  	_ =	swait.ge [sflag:s29], $0x4000  }
0x6d: {  	s31 =	simm.s32 $0x100;
	s1 =	simm.s32 $0x200;
	[sflag:s29] =	ssyncset.done $0x0  }
.LBB2_2:
0x6e: {  	s2 =	sadd.s32 s31, s9  }
0x6f: {  	[sflag:s29] =	ssyncadd.s32 $0xFFFFC000;
	s31 =	smov.u32 s1;
	s0 =	sadd.s32 $0x100, s1  }
0x70: {  	[tilespmem:s4], [sflag:$0x2] =	stream.linear.gather [hbm4b:s2+s4], $0x800, $0x38;
	[tilespmem:$0x18800] =	vst v63  }
0x71: {  	p0 =	sne.s32 s1, $0x400;
	_ =	swait.ge [sflag:s11], $0x800  }
0x72: {  	[sflag:s11] =	ssyncset.done $0x0  }
0x73: {  	[sflag:s11] =	ssyncadd.s32 $0xFFFFF800  }
0x74: {  	[spmem:s3] =	stream.indirect.scatter.add.f32 [tilespmem:s12], [sflag:$0x1], $0x80, s4, s13, $0xb8;
	[tilespmem:$0x18800] =	vst v63  }
0x75: {  	_ = 	snop  }
0x76: {  	[spmem:s3] =	stream.indirect.scatter.add.f32 [tilespmem:s12], [sflag:$0x1], $0x80, s13, s13, $0xb8;
	[tilespmem:$0x18800] =	vst v63  }
0x77: {  	_ = 	snop  }
0x78: {  	[spmem:s3] =	stream.indirect.scatter.add.f32 [tilespmem:s12], [sflag:$0x1], $0x80, s14, s13, $0xb8;
	[tilespmem:$0x18800] =	vst v63  }
0x79: {  	_ = 	snop  }
0x7a: {  	[spmem:s3] =	stream.indirect.scatter.add.f32 [tilespmem:s12], [sflag:$0x1], $0x80, s15, s13, $0xb8;
	[tilespmem:$0x18800] =	vst v63  }
0x7b: {  	_ = 	snop  }
0x7c: {  	[spmem:s3] =	stream.indirect.scatter.add.f32 [tilespmem:s12], [sflag:$0x1], $0x80, s16, s13, $0xb8;
	[tilespmem:$0x18800] =	vst v63  }
0x7d: {  	_ = 	snop  }
0x7e: {  	[spmem:s3] =	stream.indirect.scatter.add.f32 [tilespmem:s12], [sflag:$0x1], $0x80, s17, s13, $0xb8;
	[tilespmem:$0x18800] =	vst v63  }
0x7f: {  	_ = 	snop  }
0x80: {  	[spmem:s3] =	stream.indirect.scatter.add.f32 [tilespmem:s12], [sflag:$0x1], $0x80, s18, s13, $0xb8;
	[tilespmem:$0x18800] =	vst v63  }
0x81: {  	_ = 	snop  }
0x82: {  	[spmem:s3] =	stream.indirect.scatter.add.f32 [tilespmem:s12], [sflag:$0x1], $0x80, s19, s13, $0xb8;
	[tilespmem:$0x18800] =	vst v63  }
0x83: {  	_ = 	snop  }
0x84: {  	[spmem:s3] =	stream.indirect.scatter.add.f32 [tilespmem:s12], [sflag:$0x1], $0x80, s20, s13, $0xb8;
	[tilespmem:$0x18800] =	vst v63  }
0x85: {  	_ = 	snop  }
0x86: {  	[spmem:s3] =	stream.indirect.scatter.add.f32 [tilespmem:s12], [sflag:$0x1], $0x80, s21, s13, $0xb8;
	[tilespmem:$0x18800] =	vst v63  }
0x87: {  	_ = 	snop  }
0x88: {  	[spmem:s3] =	stream.indirect.scatter.add.f32 [tilespmem:s12], [sflag:$0x1], $0x80, s22, s13, $0xb8;
	[tilespmem:$0x18800] =	vst v63  }
0x89: {  	_ = 	snop  }
0x8a: {  	[spmem:s3] =	stream.indirect.scatter.add.f32 [tilespmem:s12], [sflag:$0x1], $0x80, s23, s13, $0xb8;
	[tilespmem:$0x18800] =	vst v63  }
0x8b: {  	_ = 	snop  }
0x8c: {  	[spmem:s3] =	stream.indirect.scatter.add.f32 [tilespmem:s12], [sflag:$0x1], $0x80, s24, s13, $0xb8;
	[tilespmem:$0x18800] =	vst v63  }
0x8d: {  	_ = 	snop  }
0x8e: {  	[spmem:s3] =	stream.indirect.scatter.add.f32 [tilespmem:s12], [sflag:$0x1], $0x80, s25, s13, $0xb8;
	[tilespmem:$0x18800] =	vst v63  }
0x8f: {  	_ = 	snop  }
0x90: {  	[spmem:s3] =	stream.indirect.scatter.add.f32 [tilespmem:s12], [sflag:$0x1], $0x80, s26, s13, $0xb8;
	[tilespmem:$0x18800] =	vst v63  }
0x91: {  	_ = 	snop  }
0x92: {  	[spmem:s3] =	stream.indirect.scatter.add.f32 [tilespmem:s12], [sflag:$0x1], $0x80, s28, s13, $0xb8;
	[tilespmem:$0x18800] =	vst v63  }
0x93: {  	_ =	swait.ge [sflag:s29], $0x4000  }
0x94: {  	[sflag:s29] =	ssyncset.done $0x0  }
0x95: {  	[sflag:s29] =	ssyncadd.s32 $0xFFFFC000  }
0x96: {  	_ =	swait.ge [sflag:s29], $0x4000  }
0x97: {  	[sflag:s29] =	ssyncset.done $0x0  }
0x98: {  	[sflag:s29] =	ssyncadd.s32 $0xFFFFC000  }
0x99: {  	_ =	swait.ge [sflag:s29], $0x4000  }
0x9a: {  	[sflag:s29] =	ssyncset.done $0x0  }
0x9b: {  	[sflag:s29] =	ssyncadd.s32 $0xFFFFC000  }
0x9c: {  	_ =	swait.ge [sflag:s29], $0x4000  }
0x9d: {  	[sflag:s29] =	ssyncset.done $0x0  }
0x9e: {  	[sflag:s29] =	ssyncadd.s32 $0xFFFFC000  }
0x9f: {  	_ =	swait.ge [sflag:s29], $0x4000  }
0xa0: {  	[sflag:s29] =	ssyncset.done $0x0  }
0xa1: {  	[sflag:s29] =	ssyncadd.s32 $0xFFFFC000  }
0xa2: {  	_ =	swait.ge [sflag:s29], $0x4000  }
0xa3: {  	[sflag:s29] =	ssyncset.done $0x0  }
0xa4: {  	[sflag:s29] =	ssyncadd.s32 $0xFFFFC000  }
0xa5: {  	_ =	swait.ge [sflag:s29], $0x4000  }
0xa6: {  	[sflag:s29] =	ssyncset.done $0x0  }
0xa7: {  	[sflag:s29] =	ssyncadd.s32 $0xFFFFC000  }
0xa8: {  	_ =	swait.ge [sflag:s29], $0x4000  }
0xa9: {  	[sflag:s29] =	ssyncset.done $0x0  }
0xaa: {  	[sflag:s29] =	ssyncadd.s32 $0xFFFFC000  }
0xab: {  	_ =	swait.ge [sflag:s29], $0x4000  }
0xac: {  	[sflag:s29] =	ssyncset.done $0x0  }
0xad: {  	[sflag:s29] =	ssyncadd.s32 $0xFFFFC000  }
0xae: {  	_ =	swait.ge [sflag:s29], $0x4000  }
0xaf: {  	[sflag:s29] =	ssyncset.done $0x0  }
0xb0: {  	[sflag:s29] =	ssyncadd.s32 $0xFFFFC000  }
0xb1: {  	_ =	swait.ge [sflag:s29], $0x4000  }
0xb2: {  	[sflag:s29] =	ssyncset.done $0x0  }
0xb3: {  	[sflag:s29] =	ssyncadd.s32 $0xFFFFC000  }
0xb4: {  	_ =	swait.ge [sflag:s29], $0x4000  }
0xb5: {  	[sflag:s29] =	ssyncset.done $0x0  }
0xb6: {  	[sflag:s29] =	ssyncadd.s32 $0xFFFFC000  }
0xb7: {  	_ =	swait.ge [sflag:s29], $0x4000  }
0xb8: {  	[sflag:s29] =	ssyncset.done $0x0  }
0xb9: {  	[sflag:s29] =	ssyncadd.s32 $0xFFFFC000  }
0xba: {  	_ =	swait.ge [sflag:s29], $0x4000  }
0xbb: {  	[sflag:s29] =	ssyncset.done $0x0  }
0xbc: {  	[sflag:s29] =	ssyncadd.s32 $0xFFFFC000  }
.Ltmp0:
0xbd: {  	_ =	swait.ge [sflag:s29], $0x4000;
	(pc) =	sbr.rel @p0 .LBB2_2-.Ltmp0, $4  }
0xbe: {  	[sflag:s29] =	ssyncset.done $0x0  }
0xbf: {  	[sflag:s29] =	ssyncadd.s32 $0xFFFFC000  }
0xc0: {  	_ =	swait.ge [sflag:s29], $0x4000  }
0xc1: {  	s1 =	smov.u32 s0;
	[sflag:s29] =	ssyncset.done $0x0  }
0xc2: {  	s0 =	sadd.s32 s31, s9;
	[sflag:s29] =	ssyncadd.s32 $0xFFFFC000  }
0xc3: {  	[tilespmem:s4], [sflag:$0x2] =	stream.linear.gather [hbm4b:s0+s4], $0x800, $0x38;
	[tilespmem:$0x18800] =	vst v63  }
0xc4: {  	_ =	swait.ge [sflag:s11], $0x800  }
0xc5: {  	[sflag:s11] =	ssyncset.done $0x0  }
0xc6: {  	[sflag:s11] =	ssyncadd.s32 $0xFFFFF800  }
0xc7: {  	[spmem:s3] =	stream.indirect.scatter.add.f32 [tilespmem:s12], [sflag:$0x1], $0x80, s4, s13, $0xb8;
	[tilespmem:$0x18800] =	vst v63  }
0xc8: {  	_ = 	snop  }
0xc9: {  	[spmem:s3] =	stream.indirect.scatter.add.f32 [tilespmem:s12], [sflag:$0x1], $0x80, s13, s13, $0xb8;
	[tilespmem:$0x18800] =	vst v63  }
0xca: {  	_ = 	snop  }
0xcb: {  	[spmem:s3] =	stream.indirect.scatter.add.f32 [tilespmem:s12], [sflag:$0x1], $0x80, s14, s13, $0xb8;
	[tilespmem:$0x18800] =	vst v63  }
0xcc: {  	_ = 	snop  }
0xcd: {  	[spmem:s3] =	stream.indirect.scatter.add.f32 [tilespmem:s12], [sflag:$0x1], $0x80, s15, s13, $0xb8;
	[tilespmem:$0x18800] =	vst v63  }
0xce: {  	_ = 	snop  }
0xcf: {  	[spmem:s3] =	stream.indirect.scatter.add.f32 [tilespmem:s12], [sflag:$0x1], $0x80, s16, s13, $0xb8;
	[tilespmem:$0x18800] =	vst v63  }
0xd0: {  	_ = 	snop  }
0xd1: {  	[spmem:s3] =	stream.indirect.scatter.add.f32 [tilespmem:s12], [sflag:$0x1], $0x80, s17, s13, $0xb8;
	[tilespmem:$0x18800] =	vst v63  }
0xd2: {  	_ = 	snop  }
0xd3: {  	[spmem:s3] =	stream.indirect.scatter.add.f32 [tilespmem:s12], [sflag:$0x1], $0x80, s18, s13, $0xb8;
	[tilespmem:$0x18800] =	vst v63  }
0xd4: {  	_ = 	snop  }
0xd5: {  	[spmem:s3] =	stream.indirect.scatter.add.f32 [tilespmem:s12], [sflag:$0x1], $0x80, s19, s13, $0xb8;
	[tilespmem:$0x18800] =	vst v63  }
0xd6: {  	_ = 	snop  }
0xd7: {  	[spmem:s3] =	stream.indirect.scatter.add.f32 [tilespmem:s12], [sflag:$0x1], $0x80, s20, s13, $0xb8;
	[tilespmem:$0x18800] =	vst v63  }
0xd8: {  	_ = 	snop  }
0xd9: {  	[spmem:s3] =	stream.indirect.scatter.add.f32 [tilespmem:s12], [sflag:$0x1], $0x80, s21, s13, $0xb8;
	[tilespmem:$0x18800] =	vst v63  }
0xda: {  	_ = 	snop  }
0xdb: {  	[spmem:s3] =	stream.indirect.scatter.add.f32 [tilespmem:s12], [sflag:$0x1], $0x80, s22, s13, $0xb8;
	[tilespmem:$0x18800] =	vst v63  }
0xdc: {  	_ = 	snop  }
0xdd: {  	[spmem:s3] =	stream.indirect.scatter.add.f32 [tilespmem:s12], [sflag:$0x1], $0x80, s23, s13, $0xb8;
	[tilespmem:$0x18800] =	vst v63  }
0xde: {  	_ = 	snop  }
0xdf: {  	[spmem:s3] =	stream.indirect.scatter.add.f32 [tilespmem:s12], [sflag:$0x1], $0x80, s24, s13, $0xb8;
	[tilespmem:$0x18800] =	vst v63  }
0xe0: {  	_ = 	snop  }
0xe1: {  	[spmem:s3] =	stream.indirect.scatter.add.f32 [tilespmem:s12], [sflag:$0x1], $0x80, s25, s13, $0xb8;
	[tilespmem:$0x18800] =	vst v63  }
0xe2: {  	_ = 	snop  }
0xe3: {  	[spmem:s3] =	stream.indirect.scatter.add.f32 [tilespmem:s12], [sflag:$0x1], $0x80, s26, s13, $0xb8;
	[tilespmem:$0x18800] =	vst v63  }
0xe4: {  	_ = 	snop  }
0xe5: {  	[spmem:s3] =	stream.indirect.scatter.add.f32 [tilespmem:s12], [sflag:$0x1], $0x80, s28, s13, $0xb8;
	[tilespmem:$0x18800] =	vst v63  }
0xe6: {  	_ =	swait.ge [sflag:s29], $0x4000  }
0xe7: {  	[sflag:s29] =	ssyncset.done $0x0  }
0xe8: {  	[sflag:s29] =	ssyncadd.s32 $0xFFFFC000  }
0xe9: {  	_ =	swait.ge [sflag:s29], $0x4000  }
0xea: {  	[sflag:s29] =	ssyncset.done $0x0  }
0xeb: {  	[sflag:s29] =	ssyncadd.s32 $0xFFFFC000  }
0xec: {  	_ =	swait.ge [sflag:s29], $0x4000  }
0xed: {  	[sflag:s29] =	ssyncset.done $0x0  }
0xee: {  	[sflag:s29] =	ssyncadd.s32 $0xFFFFC000  }
0xef: {  	_ =	swait.ge [sflag:s29], $0x4000  }
0xf0: {  	[sflag:s29] =	ssyncset.done $0x0  }
0xf1: {  	[sflag:s29] =	ssyncadd.s32 $0xFFFFC000  }
0xf2: {  	_ =	swait.ge [sflag:s29], $0x4000  }
0xf3: {  	[sflag:s29] =	ssyncset.done $0x0  }
0xf4: {  	[sflag:s29] =	ssyncadd.s32 $0xFFFFC000  }
0xf5: {  	_ =	swait.ge [sflag:s29], $0x4000  }
0xf6: {  	[sflag:s29] =	ssyncset.done $0x0  }
0xf7: {  	[sflag:s29] =	ssyncadd.s32 $0xFFFFC000  }
0xf8: {  	_ =	swait.ge [sflag:s29], $0x4000  }
0xf9: {  	[sflag:s29] =	ssyncset.done $0x0  }
0xfa: {  	[sflag:s29] =	ssyncadd.s32 $0xFFFFC000  }
0xfb: {  	_ =	swait.ge [sflag:s29], $0x4000  }
0xfc: {  	[sflag:s29] =	ssyncset.done $0x0  }
0xfd: {  	[sflag:s29] =	ssyncadd.s32 $0xFFFFC000  }
0xfe: {  	_ =	swait.ge [sflag:s29], $0x4000  }
0xff: {  	[sflag:s29] =	ssyncset.done $0x0  }
0x100: {  	[sflag:s29] =	ssyncadd.s32 $0xFFFFC000  }
0x101: {  	_ =	swait.ge [sflag:s29], $0x4000  }
0x102: {  	[sflag:s29] =	ssyncset.done $0x0  }
0x103: {  	[sflag:s29] =	ssyncadd.s32 $0xFFFFC000  }
0x104: {  	_ =	swait.ge [sflag:s29], $0x4000  }
0x105: {  	[sflag:s29] =	ssyncset.done $0x0  }
0x106: {  	[sflag:s29] =	ssyncadd.s32 $0xFFFFC000  }
0x107: {  	_ =	swait.ge [sflag:s29], $0x4000  }
0x108: {  	[sflag:s29] =	ssyncset.done $0x0  }
0x109: {  	[sflag:s29] =	ssyncadd.s32 $0xFFFFC000  }
0x10a: {  	_ =	swait.ge [sflag:s29], $0x4000  }
0x10b: {  	[sflag:s29] =	ssyncset.done $0x0  }
0x10c: {  	[sflag:s29] =	ssyncadd.s32 $0xFFFFC000  }
0x10d: {  	_ =	swait.ge [sflag:s29], $0x4000  }
0x10e: {  	[sflag:s29] =	ssyncset.done $0x0  }
0x10f: {  	[sflag:s29] =	ssyncadd.s32 $0xFFFFC000  }
0x110: {  	_ =	swait.ge [sflag:s29], $0x4000  }
0x111: {  	[sflag:s29] =	ssyncset.done $0x0  }
0x112: {  	[sflag:s29] =	ssyncadd.s32 $0xFFFFC000  }
0x113: {  	_ =	swait.ge [sflag:s29], $0x4000  }
0x114: {  	s30 =	sadd.s32 $0x1, s30;
	[sflag:s29] =	ssyncset.done $0x0  }
0x115: {  	p0 =	sne.s32 s30, s8;
	[sflag:s29] =	ssyncadd.s32 $0xFFFFC000  }
.Ltmp1:
0x116: {  	[bflag:$0x0] =	sbarrier.arrive $0xFFFF;
	(pc) =	sbr.rel @p0 .LBB2_1-.Ltmp1, $4  }
0x117: {  	[hbm:s7], [sflag:s6] =	dma.local [spmem:s10], $0x2800  }
0x118: {  	_ =	swait.ge [sflag:s11], $0x2800  }
0x119: {  	[sflag:s11] =	ssyncset.done $0x0  }
0x11a: {  	[sflag:s11] =	ssyncadd.s32 $0xFFFFD800  }
0x11b: {  	_ =	sfence.sel $0x180000  }
0x11c: {  	[bflag:$0x0] =	sbarrier.arrive $0xFFFF  }
0x11d: {  	_ =	strace $0x90000047  }
0x11e: {  	s0 =	stileid.u32;
	[bflag:$0x2] =	sbarrier.arrive $0xFFFF  }
0x11f: {  	p0 =	sne.s32 s0, $0x0;
	s0 =	rddreg [dreg:$0x3]  }
0x120: {  	s0 =	sadd.s32 @!p0 $0x100000, s0  }
0x121: {  	[sflag:s0] =	ssyncadd.tile.s32 @!p0 $0x1;
	_ =	shalt  }
.Lfunc_end2:
_tile_overlayer_lowered:
.L_overlay_start_2:
0x122: {  	(tag) =	ssettag $0x2  }
0x123: {  	s0 =	rddreg [dreg:$0x0];
	s2 =	stileid.u32  }
0x124: {  	s1 =	rddreg [dreg:$0x1];
	p0 =	sne.s32 s2, $0x0  }
0x125: {  	s3 =	rddreg [dreg:$0x2];
	[bflag:$0x3] =	sbarrier.arrive $0xFFFF;
	s2 =	simm.s32 @!p0 $0x1C02  }
0x126: {  	[timem:s3], [sflag:s2] =	dma.local @!p0 [hbm:s0], s1  }
0x127: {  	s0 =	simm.s32 @!p0 $0x2  }
0x128: {  	_ =	swait.ge @!p0 [sflag:s0], s1  }
0x129: {  	s1 =	ssub.s32 @!p0 $0x0, s1;
	[sflag:s0] =	ssyncset.done @!p0 $0x0  }
0x12a: {  	[sflag:s0] =	ssyncadd.s32 @!p0 s1  }
0x12b: {  	[bflag:$0x3] =	sbarrier.arrive $0xFFFF  }
0x12c: {  	_ =	shalt  }

// kernel: kernel.13.cloned.1.call-start
scs
__scs_entry_jumppad:
0x0: {  	(pc) =	sbr.rel $0x88, $3  }
0x1: {  	(tag) =	ssettag $0x0;
	lr =	simm.s32 $0x1  }
0x2: {  	[smem:$0x3F97] =	sst lr;
	_ =	strace $0xD0000000  }
0x3: {  	_ = 	snop  }
0x4: {  	_ = 	snop  }
0x5: {  	_ = 	snop  }
0x6: {  	_ = 	snop  }
0x7: {  	_ = 	snop  }
__scs_overlays_trampoline_lowered:
0x8: {  	[smem:$0x3FA6] =	sst s0  }
0x9: {  	[smem:$0x3FA7] =	sst s1  }
0xa: {  	[smem:$0x3FA8] =	sst s2  }
0xb: {  	[smem:$0x3FA9] =	sst s3  }
0xc: {  	[smem:$0x3FAA] =	sst s4  }
0xd: {  	[smem:$0x3FAB] =	sst s5  }
0xe: {  	[smem:$0x3FAC] =	sst s6  }
0xf: {  	[smem:$0x3FAD] =	sst s7  }
0x10: {  	[smem:$0x3FAE] =	sst s8  }
0x11: {  	[smem:$0x3FAF] =	sst s9;
	s0 =	simm.s32 @!p0 $0x0  }
0x12: {  	s1 =	sld [smem:$0x3F95];
	s0 =	simm.s32 @p0 $0x1  }
0x13: {  	[smem:$0x3FB0] =	sst s0;
	s0 =	simm.s32 @!p1 $0x0  }
0x14: {  	s2 =	sld [smem:$0x3F94];
	s0 =	simm.s32 @p1 $0x1  }
0x15: {  	[smem:$0x3FB1] =	sst s0;
	s0 =	simm.s32 @!p2 $0x0  }
0x16: {  	s3 =	sld [smem:$0x3FDB];
	s0 =	simm.s32 @p2 $0x1  }
0x17: {  	s4 =	simm.s32 $0x1BF5;
	[smem:$0x3FB3] =	sst s0  }
0x18: {  	s0 =	sld [smem:$0x3F96];
	_ =	swait.ge [sflag:s4], $0x0  }
0x19: {  	s7 =	sld [smem:$0x3F97]  }
0x1a: {  	s8 =	sadd.s32 $0xFFFFE003, lr  }
0x1b: {  	s9 =	sadd.s32 $0xFFFFFEF7, lr;
	s5 =	simm.s32 $0xFFFFFFFF;
	p2 =	slt.u32 s8, $0xFFFFF086  }
0x1c: {  	p1 =	slt.u32 s9, $0xF7A;
	s5 =	simm.s32 @!p2 $0x0  }
0x1d: {  	s5 =	simm.s32 @p1 $0x1;
	p0 =	seq.s32 s7, s2  }
0x1e: {  	s7 =	smul.u32 @!p0 $0xF7A, s2;
	p2 =	seq.s32 @!p0 s5, $0x0  }
0x1f: {  	s9 =	smul.u32 $0xF7A, s1;
	s8 =	simm.s32 @!p0 $0x1BF5;
	p2 =	por !p2, p0  }
0x20: {  	[sflag:s8] =	ssyncset.s32 @!p0 $0xFFFFF086;
	s6 =	sadd.s32 @!p0 s3, s7;
	s7 =	simm.s32 @!p0 $0x108  }
0x21: {  	s3 =	sadd.s32 s3, s9;
	s6 =	sadd.s32 @!p0 $0x88, s6;
	s7 =	simm.s32 @p2 $0x1082  }
0x22: {  	[simem:s7], [sflag:s8] =	dma.local @!p0 [hbm:s6], $0xF7A  }
0x23: {  	s9 =	sor.u32 $0xD0000000, s2;
	s6 =	simm.s32 $0x108;
	_ =	swait.ge @!p0 [sflag:s8], $0x0  }
0x24: {  	s3 =	sadd.s32 $0x88, s3;
	s6 =	simm.s32 @!p1 $0x1082;
	[sflag:s4] =	ssyncset.s32 $0xFFFFF086  }
0x25: {  	[simem:s6], [sflag:s4] =	dma.local [hbm:s3], $0xF7A  }
0x26: {  	[smem:$0x3F97] =	sst s1;
	(tag) =	ssettag s2;
	_ =	strace s9  }
0x27: {  	s1 =	sld [smem:$0x3FA7]  }
0x28: {  	s2 =	sld [smem:$0x3FA8]  }
0x29: {  	s4 =	sld [smem:$0x3FAA]  }
0x2a: {  	p0 =	seq.s32 s5, $0x0;
	s5 =	sld [smem:$0x3FAB]  }
0x2b: {  	s6 =	sld [smem:$0x3FAC]  }
0x2c: {  	s7 =	sld [smem:$0x3FAD]  }
0x2d: {  	s3 =	simm.s32 $0x108;
	s8 =	sld [smem:$0x3FAE]  }
0x2e: {  	s3 =	simm.s32 @!p0 $0x1082;
	s9 =	sld [smem:$0x3FAF]  }
0x2f: {  	lr =	sadd.s32 s0, s3;
	s0 =	sld [smem:$0x3FA6]  }
0x30: {  	s3 =	sld [smem:$0x3FA9]  }
0x31: {  	[smem:$0x3FB2] =	sst s10  }
0x32: {  	s10 =	sld [smem:$0x3FB0];
	_ =	sdelay $0x3  }
0x33: {  	p0 =	seq.s32 s10, $0x1;
	s10 =	sld [smem:$0x3FB2];
	_ =	sdelay $0x3  }
0x34: {  	[smem:$0x3FB2] =	sst s10  }
0x35: {  	s10 =	sld [smem:$0x3FB1];
	_ =	sdelay $0x3  }
0x36: {  	p1 =	seq.s32 s10, $0x1;
	s10 =	sld [smem:$0x3FB2];
	_ =	sdelay $0x3  }
0x37: {  	[smem:$0x3FB2] =	sst s10  }
0x38: {  	s10 =	sld [smem:$0x3FB3]  }
0x39: {  	_ = 	snop;
	(pc) =	sbr.ind lr, $3  }
0x3a: {  	_ = 	snop  }
0x3b: {  	_ = 	snop  }
0x3c: {  	p2 =	seq.s32 s10, $0x1;
	s10 =	sld [smem:$0x3FB2]  }
0x3d: {  	_ =	shalt  }
0x3e: {  	_ =	shalt  }
0x3f: {  	_ =	shalt  }
0x40: {  	_ =	shalt  }
0x41: {  	_ =	shalt  }
0x42: {  	_ =	shalt  }
0x43: {  	_ =	shalt  }
0x44: {  	_ =	shalt  }
0x45: {  	_ =	shalt  }
0x46: {  	_ =	shalt  }
0x47: {  	_ =	shalt  }
0x48: {  	_ =	shalt  }
0x49: {  	_ =	shalt  }
0x4a: {  	_ =	shalt  }
0x4b: {  	_ =	shalt  }
0x4c: {  	_ =	shalt  }
0x4d: {  	_ =	shalt  }
0x4e: {  	_ =	shalt  }
0x4f: {  	_ =	shalt  }
0x50: {  	_ =	shalt  }
0x51: {  	_ =	shalt  }
0x52: {  	_ =	shalt  }
0x53: {  	_ =	shalt  }
0x54: {  	_ =	shalt  }
0x55: {  	_ =	shalt  }
0x56: {  	_ =	shalt  }
0x57: {  	_ =	shalt  }
0x58: {  	_ =	shalt  }
0x59: {  	_ =	shalt  }
0x5a: {  	_ =	shalt  }
0x5b: {  	_ =	shalt  }
0x5c: {  	_ =	shalt  }
0x5d: {  	_ =	shalt  }
0x5e: {  	_ =	shalt  }
0x5f: {  	_ =	shalt  }
0x60: {  	_ =	shalt  }
0x61: {  	_ =	shalt  }
0x62: {  	_ =	shalt  }
0x63: {  	_ =	shalt  }
0x64: {  	_ =	shalt  }
0x65: {  	_ =	shalt  }
0x66: {  	_ =	shalt  }
0x67: {  	_ =	shalt  }
0x68: {  	_ =	shalt  }
0x69: {  	_ =	shalt  }
0x6a: {  	_ =	shalt  }
0x6b: {  	_ =	shalt  }
0x6c: {  	_ =	shalt  }
0x6d: {  	_ =	shalt  }
0x6e: {  	_ =	shalt  }
0x6f: {  	_ =	shalt  }
0x70: {  	_ =	shalt  }
0x71: {  	_ =	shalt  }
0x72: {  	_ =	shalt  }
0x73: {  	_ =	shalt  }
0x74: {  	_ =	shalt  }
0x75: {  	_ =	shalt  }
0x76: {  	_ =	shalt  }
0x77: {  	_ =	shalt  }
0x78: {  	_ =	shalt  }
0x79: {  	_ =	shalt  }
0x7a: {  	_ =	shalt  }
0x7b: {  	_ =	shalt  }
0x7c: {  	_ =	shalt  }
0x7d: {  	_ =	shalt  }
0x7e: {  	_ =	shalt  }
0x7f: {  	_ =	shalt  }
0x80: {  	_ =	shalt  }
0x81: {  	_ =	shalt  }
0x82: {  	_ =	shalt  }
0x83: {  	_ =	shalt  }
0x84: {  	_ =	shalt  }
0x85: {  	_ =	shalt  }
0x86: {  	_ =	shalt  }
0x87: {  	_ =	shalt  }
.Lfunc_end0:
.L_simem_size_0:
called_computation.1_lowered:
.L_overlay_start_0:
0x88: {  	s2 =	sld [smem:$0x3FD9]  }
0x89: {  	s3 =	sld [smem:$0x3FFE];
	_ =	sdelay $0x1  }
0x8a: {  	s1 =	srdreg.scid  }
0x8b: {  	s0 =	sand.u32 $0x1, s1  }
0x8c: {  	s17 =	sshll.u32 s0, $0xA;
	s2 =	sadd.s32 s3, s2  }
0x8d: {  	s2 =	sadd.s32 s2, s17  }
0x8e: {  	[smem:$0x3FBE] =	sst s2  }
0x8f: {  	_ = 	snop  }
0x90: {  	s2 =	sld [smem:$0x3FD0];
	(tm) =	ssettm $0x1  }
0x91: {  	s18 =	sld [smem:$0x3FFB];
	_ =	sdelay $0x3  }
0x92: {  	_ =	strace s18  }
0x93: {  	s3 =	sld [smem:$0x3FFC];
	_ =	sdelay $0x3  }
0x94: {  	_ =	strace s3  }
0x95: {  	s3 =	sld [smem:$0x3FFD];
	_ =	sdelay $0x3  }
0x96: {  	_ =	strace s3  }
0x97: {  	_ =	strace $0x8FFFFFFF  }
0x98: {  	s19 =	sld [smem:$0x3FDB];
	_ =	sdelay $0x1  }
0x99: {  	s4 =	simm.s32 $_scs_section_size  }
0x9a: {  	s5 =	simm.s32 $_size__tile_overlayer_lowered;
	s6 =	simm.s32 $_tile_overlayer_lowered  }
0x9b: {  	s22 =	simm.s32 $0x1BFF;
	s21 =	sshll.u32 s6, $0x1;
	s3 =	sadd.s32 s4, s19  }
0x9c: {  	s7 =	simm.s32 $0x0;
	s20 =	sshll.u32 s5, $0x1;
	s5 =	sadd.s32 s21, s3  }
0x9d: {  	[timem:s7], [sflag:s22] =	dma.local [hbm:s5], s20  }
0x9e: {  	_ =	swait.ge [sflag:s22], s20  }
0x9f: {  	s4 =	ssub.s32 $0x0, s20;
	[sflag:s22] =	ssyncset.done $0x0  }
0xa0: {  	[sflag:s22] =	ssyncadd.s32 s4;
	_ =	sdelay $0x1  }
0xa1: {  	s23 =	simm.s32 $0x1B8B  }
0xa2: {  	_ =	swait.ge [sflag:s23], $0x1  }
0xa3: {  	[sflag:s23] =	ssyncset.done $0x0  }
0xa4: {  	s25 =	simm.s32 $0x1B8E;
	s24 =	sld [smem:$0x3FFE];
	[sflag:s23] =	ssyncadd.s32 $0xFFFFFFFF  }
0xa5: {  	s26 =	simm.s32 $execute0_lowered;
	[smem:$0x3FD2] =	sst s25  }
0xa6: {  	s5 =	sshll.u32 s26, $0x1;
	_ =	strace $0x80000049;
	[dreg:$0x1] =	wrdreg $0xFFFFFFFF  }
0xa7: {  	s28 =	simm.s32 $_size_execute0_lowered;
	s3 =	sadd.s32 s3, s5;
	[dreg:$0x0] =	wrdreg $0x0  }
0xa8: {  	s5 =	sshll.u32 s28, $0x1;
	[dreg:$0x2] =	wrdreg s3  }
0xa9: {  	[dreg:$0x3] =	wrdreg s5  }
0xaa: {  	[dreg:$0x4] =	wrdreg $0xC0  }
0xab: {  	_ =	task [dreg:s7], $0x5FFFF  }
0xac: {  	[dreg:$0x1] =	wrdreg $0xFFFFFFFF  }
0xad: {  	[dreg:$0x0] =	wrdreg $0x60  }
0xae: {  	[dreg:$0x2] =	wrdreg s24  }
0xaf: {  	[dreg:$0x3] =	wrdreg s2  }
0xb0: {  	[dreg:$0x4] =	wrdreg $0x90000  }
0xb1: {  	[dreg:$0x5] =	wrdreg $0x9  }
0xb2: {  	_ =	task.clear_ibuf [dreg:s7], $0x6FFFF;
	_ =	strace $0x90000049  }
0xb3: {  	s29 =	simm.s32 $0x9;
	_ =	strace $0x8000004B  }
0xb4: {  	_ =	swait.ge [sflag:s29], $0x1  }
0xb5: {  	[sflag:s29] =	ssyncadd.s32 $0xFFFFFFFF  }
0xb6: {  	_ =	strace $0x9000004B  }
0xb7: {  	_ =	sfence  }
0xb8: {  	s30 =	sld [smem:$0x0];
	_ =	sdelay $0x2  }
0xb9: {  	s31 =	sshll.u32 s1, $0xD;
	s1 =	sshrl.u32 s1, $0x2  }
0xba: {  	s3 =	sand.u32 $0x4000, s31;
	s1 =	sadd.s32 s1, s30  }
0xbb: {  	s0 =	sor.u32 s3, s0;
	s1 =	sshll.u32 s1, $0x11  }
0xbc: {  	s0 =	sor.u32 s1, s0  }
0xbd: {  	s0 =	sadd.s32 $0x8F2B, s0  }
0xbe: {  	[sflag:s0] =	ssyncadd.remote.s32 $0x1  }
0xbf: {  	_ =	sfence.sel $0xFFFF  }
0xc0: {  	[dreg:$0x0] =	wrdreg $0xFFFFFFFF;
	(pc) =	sbr.abs _section_cstart, $3  }
0xc1: {  	[dreg:$0x1] =	wrdreg $0xFFFFFFFF  }
0xc2: {  	_ =	task.clear_ibuf [dreg:s7], $0x2FFFF;
	_ =	strace $0x9FFFFFFF  }
0xc3: {  	(tm) =	ssettm $0x7FFFFFFF  }
tec
execute0_lowered:
.L_overlay_start_1:
0x0: {  	(tag) =	ssettag $0x1  }
0x1: {  	s0 =	rddreg [dreg:$0x0]  }
0x2: {  	s10 =	stileid.u32;
	s2 =	rddreg [dreg:$0x1]  }
0x3: {  	s1 =	srdreg.scid;
	s3 =	rddreg [dreg:$0x2]  }
0x4: {  	s4 =	simm.s32 $0x0;
	s13 =	simm.s32 $0x5;
	s14 =	simm.s32 $0x800  }
0x5: {  	s15 =	simm.s32 $0x80;
	s16 =	simm.s32 $0x1000;
	s17 =	simm.s32 $0x1  }
0x6: {  	s18 =	simm.s32 $0x5000;
	s19 =	simm.s32 $0x2;
	s20 =	simm.s32 $0x880  }
0x7: {  	s21 =	simm.s32 $0x3;
	s22 =	simm.s32 $0x100;
	s5 =	smul.u32 $0xA00, s10  }
0x8: {  	s24 =	simm.s32 $0x4;
	s1 =	sand.u32 $0x1, s1;
	s7 =	smul.u32 $0x14000, s10  }
0x9: {  	[smem:$0x7FF] =	sst s4;
	s28 =	smul.u32 $0x50000, s10;
	s9 =	sadd.s32 $0xE000, s0  }
0xa: {  	s10 =	sshll.u32 s10, $0x6;
	s6 =	smul.u32 $0x140000, s1;
	_ =	strace $0x8000004A  }
0xb: {  	[dreg:$0x4] =	wrdreg s9;
	s29 =	ssub.s32 $0x2, s1;
	s9 =	sor.u32 $0x1C05, s10  }
0xc: {  	p0 =	seq.s32 s1, $0x1;
	s8 =	sadd.s32 s5, s0;
	s5 =	sadd.s32 $0x6A800, s0  }
0xd: {  	s30 =	sshrl.u32 s29, $0x1;
	s6 =	sadd.s32 s7, s6;
	s7 =	sshrl.u32 s28, $0x2  }
.Ltmp0:
0xe: {  	s6 =	sshrl.u32 s6, $0x3;
	s7 =	sadd.s32 s7, s3;
	(pc) =	sbr.rel .LBB2_1-.Ltmp0, $4  }
0xf: {  	[dreg:$0x5] =	wrdreg s9;
	s0 =	sadd.s32 s6, s0;
	s12 =	sshrl.u32 s7, $0x3  }
0x10: {  	s6 =	ssub.s32 s29, s30;
	s0 =	sadd.s32 $0x91A00, s0;
	[dreg:$0x8] =	wrdreg s12  }
0x11: {  	s10 =	sadd.s32 $0x4000, s8;
	s31 =	smax.u32 s6, $0x1;
	[dreg:$0x6] =	wrdreg s0  }
0x12: {  	s11 =	sadd.s32 $0x60800, s8;
	[dreg:$0x7] =	wrdreg s31;
	s0 =	simm.s32 $0x0  }
.LBB2_7:
0x13: {  	s7 =	sadd.s32 s9, s11;
	[sflag:s24] =	ssyncadd.s32 $0xFFFFC000  }
0x14: {  	[tilespmem:s4], [sflag:$0x5] =	stream.linear.gather [hbm4b:s7+s4], $0x800, $0x38;
	[tilespmem:$0x1D000] =	vst v63  }
0x15: {  	_ =	swait.ge [sflag:s13], $0x800  }
0x16: {  	[sflag:s13] =	ssyncset.done $0x0  }
0x17: {  	s12 =	sadd.s32 s9, s10;
	[sflag:s13] =	ssyncadd.s32 $0xFFFFF800  }
0x18: {  	[tilespmem:s14], [sflag:$0x5] =	stream.linear.gather [hbm4b:s12+s4], $0x800, $0x38;
	[tilespmem:$0x1D000] =	vst v63  }
0x19: {  	_ =	swait.ge [sflag:s13], $0x800  }
0x1a: {  	[sflag:s13] =	ssyncset.done $0x0  }
0x1b: {  	[sflag:s13] =	ssyncadd.s32 $0xFFFFF800  }
0x1c: {  	[tilespmem:s16], [sflag:$0x1] =	stream.indirect.gather [hbm4b:s5+s15], $0x80, s4, s15, $0xb8;
	[tilespmem:$0x1D000] =	vst v63  }
0x1d: {  	_ =	swait.ge [sflag:s17], $0x4000  }
0x1e: {  	[sflag:s17] =	ssyncset.done $0x0  }
0x1f: {  	[sflag:s17] =	ssyncadd.s32 $0xFFFFC000  }
0x20: {  	[spmem:s3] =	stream.indirect.scatter.add.f32 [tilespmem:s16], [sflag:$0x3], $0x80, s14, s15, $0xb8;
	[tilespmem:$0x1D000] =	vst v63  }
0x21: {  	_ = 	snop  }
0x22: {  	[tilespmem:s18], [sflag:$0x2] =	stream.indirect.gather [hbm4b:s5+s15], $0x80, s15, s15, $0xb8;
	[tilespmem:$0x1D000] =	vst v63  }
0x23: {  	_ =	swait.ge [sflag:s19], $0x4000  }
0x24: {  	[sflag:s19] =	ssyncset.done $0x0  }
0x25: {  	[sflag:s19] =	ssyncadd.s32 $0xFFFFC000  }
0x26: {  	[spmem:s3] =	stream.indirect.scatter.add.f32 [tilespmem:s18], [sflag:$0x4], $0x80, s20, s15, $0xb8;
	[tilespmem:$0x1D000] =	vst v63  }
0x27: {  	_ =	swait.ge [sflag:s21], $0x4000  }
0x28: {  	[sflag:s21] =	ssyncset.done $0x0  }
0x29: {  	[sflag:s21] =	ssyncadd.s32 $0xFFFFC000  }
0x2a: {  	[tilespmem:s16], [sflag:$0x1] =	stream.indirect.gather [hbm4b:s5+s15], $0x80, s22, s15, $0xb8;
	[tilespmem:$0x1D000] =	vst v63  }
0x2b: {  	_ =	swait.ge [sflag:s17], $0x4000  }
0x2c: {  	[sflag:s17] =	ssyncset.done $0x0  }
0x2d: {  	[sflag:s17] =	ssyncadd.s32 $0xFFFFC000  }
0x2e: {  	[spmem:s3] =	stream.indirect.scatter.add.f32 [tilespmem:s16], [sflag:$0x3], $0x80, s23, s15, $0xb8;
	[tilespmem:$0x1D000] =	vst v63  }
0x2f: {  	_ =	swait.ge [sflag:s24], $0x4000  }
0x30: {  	[sflag:s24] =	ssyncset.done $0x0  }
0x31: {  	[sflag:s24] =	ssyncadd.s32 $0xFFFFC000  }
0x32: {  	[tilespmem:s18], [sflag:$0x2] =	stream.indirect.gather [hbm4b:s5+s15], $0x80, s25, s15, $0xb8;
	[tilespmem:$0x1D000] =	vst v63  }
0x33: {  	_ =	swait.ge [sflag:s19], $0x4000  }
0x34: {  	[sflag:s19] =	ssyncset.done $0x0  }
0x35: {  	[sflag:s19] =	ssyncadd.s32 $0xFFFFC000  }
0x36: {  	[spmem:s3] =	stream.indirect.scatter.add.f32 [tilespmem:s18], [sflag:$0x4], $0x80, s26, s15, $0xb8;
	[tilespmem:$0x1D000] =	vst v63  }
0x37: {  	_ =	swait.ge [sflag:s21], $0x4000  }
0x38: {  	[sflag:s21] =	ssyncset.done $0x0  }
0x39: {  	[sflag:s21] =	ssyncadd.s32 $0xFFFFC000  }
0x3a: {  	[tilespmem:s16], [sflag:$0x1] =	stream.indirect.gather [hbm4b:s5+s15], $0x80, s28, s15, $0xb8;
	[tilespmem:$0x1D000] =	vst v63  }
0x3b: {  	_ =	swait.ge [sflag:s17], $0x4000  }
0x3c: {  	[sflag:s17] =	ssyncset.done $0x0  }
0x3d: {  	[sflag:s17] =	ssyncadd.s32 $0xFFFFC000  }
0x3e: {  	[spmem:s3] =	stream.indirect.scatter.add.f32 [tilespmem:s16], [sflag:$0x3], $0x80, s29, s15, $0xb8;
	[tilespmem:$0x1D000] =	vst v63  }
0x3f: {  	_ =	swait.ge [sflag:s24], $0x4000  }
0x40: {  	[sflag:s24] =	ssyncset.done $0x0  }
0x41: {  	[sflag:s24] =	ssyncadd.s32 $0xFFFFC000  }
0x42: {  	[tilespmem:s18], [sflag:$0x2] =	stream.indirect.gather [hbm4b:s5+s15], $0x80, s30, s15, $0xb8;
	[tilespmem:$0x1D000] =	vst v63  }
0x43: {  	_ =	swait.ge [sflag:s19], $0x4000  }
0x44: {  	[sflag:s19] =	ssyncset.done $0x0  }
0x45: {  	[sflag:s19] =	ssyncadd.s32 $0xFFFFC000  }
0x46: {  	[spmem:s3] =	stream.indirect.scatter.add.f32 [tilespmem:s18], [sflag:$0x4], $0x80, s31, s15, $0xb8;
	[tilespmem:$0x1D000] =	vst v63  }
0x47: {  	_ =	swait.ge [sflag:s21], $0x4000  }
0x48: {  	[sflag:s21] =	ssyncset.done $0x0  }
0x49: {  	[sflag:s21] =	ssyncadd.s32 $0xFFFFC000  }
0x4a: {  	[tilespmem:s16], [sflag:$0x1] =	stream.indirect.gather [hbm4b:s5+s15], $0x80, s1, s15, $0xb8;
	[tilespmem:$0x1D000] =	vst v63  }
0x4b: {  	_ =	swait.ge [sflag:s17], $0x4000  }
0x4c: {  	[sflag:s17] =	ssyncset.done $0x0  }
0x4d: {  	[sflag:s17] =	ssyncadd.s32 $0xFFFFC000  }
0x4e: {  	[spmem:s3] =	stream.indirect.scatter.add.f32 [tilespmem:s16], [sflag:$0x3], $0x80, s0, s15, $0xb8;
	[tilespmem:$0x1D000] =	vst v63  }
0x4f: {  	_ =	swait.ge [sflag:s24], $0x4000  }
0x50: {  	[sflag:s24] =	ssyncset.done $0x0  }
0x51: {  	[sflag:s24] =	ssyncadd.s32 $0xFFFFC000  }
0x52: {  	[tilespmem:s18], [sflag:$0x2] =	stream.indirect.gather [hbm4b:s5+s15], $0x80, s6, s15, $0xb8;
	[tilespmem:$0x1D000] =	vst v63  }
0x53: {  	_ =	swait.ge [sflag:s19], $0x4000  }
0x54: {  	[sflag:s19] =	ssyncset.done $0x0  }
0x55: {  	[sflag:s19] =	ssyncadd.s32 $0xFFFFC000  }
0x56: {  	[spmem:s3] =	stream.indirect.scatter.add.f32 [tilespmem:s18], [sflag:$0x4], $0x80, s8, s15, $0xb8;
	[tilespmem:$0x1D000] =	vst v63  }
0x57: {  	_ =	swait.ge [sflag:s21], $0x4000  }
0x58: {  	[sflag:s21] =	ssyncset.done $0x0  }
0x59: {  	s29 =	simm.s32 $0x400;
	[sflag:s21] =	ssyncadd.s32 $0xFFFFC000  }
0x5a: {  	[tilespmem:s16], [sflag:$0x1] =	stream.indirect.gather [hbm4b:s5+s15], $0x80, s29, s15, $0xb8;
	[tilespmem:$0x1D000] =	vst v63  }
0x5b: {  	_ =	swait.ge [sflag:s17], $0x4000  }
0x5c: {  	[sflag:s17] =	ssyncset.done $0x0  }
0x5d: {  	s30 =	simm.s32 $0xC00;
	[sflag:s17] =	ssyncadd.s32 $0xFFFFC000  }
0x5e: {  	[spmem:s3] =	stream.indirect.scatter.add.f32 [tilespmem:s16], [sflag:$0x3], $0x80, s30, s15, $0xb8;
	[tilespmem:$0x1D000] =	vst v63  }
0x5f: {  	_ =	swait.ge [sflag:s24], $0x4000  }
0x60: {  	[sflag:s24] =	ssyncset.done $0x0  }
0x61: {  	s31 =	simm.s32 $0x480;
	[sflag:s24] =	ssyncadd.s32 $0xFFFFC000  }
0x62: {  	[tilespmem:s18], [sflag:$0x2] =	stream.indirect.gather [hbm4b:s5+s15], $0x80, s31, s15, $0xb8;
	[tilespmem:$0x1D000] =	vst v63  }
0x63: {  	_ =	swait.ge [sflag:s19], $0x4000  }
0x64: {  	[sflag:s19] =	ssyncset.done $0x0  }
0x65: {  	s1 =	simm.s32 $0xC80;
	[sflag:s19] =	ssyncadd.s32 $0xFFFFC000  }
0x66: {  	[spmem:s3] =	stream.indirect.scatter.add.f32 [tilespmem:s18], [sflag:$0x4], $0x80, s1, s15, $0xb8;
	[tilespmem:$0x1D000] =	vst v63  }
0x67: {  	_ =	swait.ge [sflag:s21], $0x4000  }
0x68: {  	[sflag:s21] =	ssyncset.done $0x0  }
0x69: {  	s6 =	simm.s32 $0x500;
	[sflag:s21] =	ssyncadd.s32 $0xFFFFC000  }
0x6a: {  	[tilespmem:s16], [sflag:$0x1] =	stream.indirect.gather [hbm4b:s5+s15], $0x80, s6, s15, $0xb8;
	[tilespmem:$0x1D000] =	vst v63  }
0x6b: {  	_ =	swait.ge [sflag:s17], $0x4000  }
0x6c: {  	[sflag:s17] =	ssyncset.done $0x0  }
0x6d: {  	s7 =	simm.s32 $0xD00;
	[sflag:s17] =	ssyncadd.s32 $0xFFFFC000  }
0x6e: {  	[spmem:s3] =	stream.indirect.scatter.add.f32 [tilespmem:s16], [sflag:$0x3], $0x80, s7, s15, $0xb8;
	[tilespmem:$0x1D000] =	vst v63  }
0x6f: {  	_ =	swait.ge [sflag:s24], $0x4000  }
0x70: {  	[sflag:s24] =	ssyncset.done $0x0  }
0x71: {  	s8 =	simm.s32 $0x580;
	[sflag:s24] =	ssyncadd.s32 $0xFFFFC000  }
0x72: {  	[tilespmem:s18], [sflag:$0x2] =	stream.indirect.gather [hbm4b:s5+s15], $0x80, s8, s15, $0xb8;
	[tilespmem:$0x1D000] =	vst v63  }
0x73: {  	_ =	swait.ge [sflag:s19], $0x4000  }
0x74: {  	[sflag:s19] =	ssyncset.done $0x0  }
0x75: {  	s9 =	simm.s32 $0xD80;
	[sflag:s19] =	ssyncadd.s32 $0xFFFFC000  }
0x76: {  	[spmem:s3] =	stream.indirect.scatter.add.f32 [tilespmem:s18], [sflag:$0x4], $0x80, s9, s15, $0xb8;
	[tilespmem:$0x1D000] =	vst v63  }
0x77: {  	_ =	swait.ge [sflag:s21], $0x4000  }
0x78: {  	[sflag:s21] =	ssyncset.done $0x0  }
0x79: {  	s12 =	simm.s32 $0x600;
	[sflag:s21] =	ssyncadd.s32 $0xFFFFC000  }
0x7a: {  	[tilespmem:s16], [sflag:$0x1] =	stream.indirect.gather [hbm4b:s5+s15], $0x80, s12, s15, $0xb8;
	[tilespmem:$0x1D000] =	vst v63  }
0x7b: {  	_ =	swait.ge [sflag:s17], $0x4000  }
0x7c: {  	[sflag:s17] =	ssyncset.done $0x0  }
0x7d: {  	s23 =	simm.s32 $0xE00;
	[sflag:s17] =	ssyncadd.s32 $0xFFFFC000  }
0x7e: {  	[spmem:s3] =	stream.indirect.scatter.add.f32 [tilespmem:s16], [sflag:$0x3], $0x80, s23, s15, $0xb8;
	[tilespmem:$0x1D000] =	vst v63  }
0x7f: {  	_ =	swait.ge [sflag:s24], $0x4000  }
0x80: {  	[sflag:s24] =	ssyncset.done $0x0  }
0x81: {  	s25 =	simm.s32 $0x680;
	[sflag:s24] =	ssyncadd.s32 $0xFFFFC000  }
0x82: {  	[tilespmem:s18], [sflag:$0x2] =	stream.indirect.gather [hbm4b:s5+s15], $0x80, s25, s15, $0xb8;
	[tilespmem:$0x1D000] =	vst v63  }
0x83: {  	_ =	swait.ge [sflag:s19], $0x4000  }
0x84: {  	[sflag:s19] =	ssyncset.done $0x0  }
0x85: {  	s26 =	simm.s32 $0xE80;
	[sflag:s19] =	ssyncadd.s32 $0xFFFFC000  }
0x86: {  	[spmem:s3] =	stream.indirect.scatter.add.f32 [tilespmem:s18], [sflag:$0x4], $0x80, s26, s15, $0xb8;
	[tilespmem:$0x1D000] =	vst v63  }
0x87: {  	_ =	swait.ge [sflag:s21], $0x4000  }
0x88: {  	[sflag:s21] =	ssyncset.done $0x0  }
0x89: {  	s28 =	simm.s32 $0x700;
	[sflag:s21] =	ssyncadd.s32 $0xFFFFC000  }
0x8a: {  	[tilespmem:s16], [sflag:$0x1] =	stream.indirect.gather [hbm4b:s5+s15], $0x80, s28, s15, $0xb8;
	[tilespmem:$0x1D000] =	vst v63  }
0x8b: {  	_ =	swait.ge [sflag:s17], $0x4000  }
0x8c: {  	[sflag:s17] =	ssyncset.done $0x0  }
0x8d: {  	s29 =	simm.s32 $0xF00;
	[sflag:s17] =	ssyncadd.s32 $0xFFFFC000  }
0x8e: {  	[spmem:s3] =	stream.indirect.scatter.add.f32 [tilespmem:s16], [sflag:$0x3], $0x80, s29, s15, $0xb8;
	[tilespmem:$0x1D000] =	vst v63  }
0x8f: {  	_ =	swait.ge [sflag:s24], $0x4000  }
0x90: {  	[sflag:s24] =	ssyncset.done $0x0  }
0x91: {  	s30 =	simm.s32 $0x780;
	[sflag:s24] =	ssyncadd.s32 $0xFFFFC000  }
0x92: {  	[tilespmem:s18], [sflag:$0x2] =	stream.indirect.gather [hbm4b:s5+s15], $0x80, s30, s15, $0xb8;
	[tilespmem:$0x1D000] =	vst v63  }
0x93: {  	_ =	swait.ge [sflag:s19], $0x4000  }
0x94: {  	[sflag:s19] =	ssyncset.done $0x0  }
0x95: {  	s31 =	simm.s32 $0xF80;
	[sflag:s19] =	ssyncadd.s32 $0xFFFFC000  }
0x96: {  	[spmem:s3] =	stream.indirect.scatter.add.f32 [tilespmem:s18], [sflag:$0x4], $0x80, s31, s15, $0xb8;
	[tilespmem:$0x1D000] =	vst v63  }
0x97: {  	_ =	swait.ge [sflag:s21], $0x4000  }
0x98: {  	[sflag:s21] =	ssyncset.done $0x0  }
0x99: {  	[sflag:s21] =	ssyncadd.s32 $0xFFFFC000  }
0x9a: {  	_ =	swait.ge [sflag:s24], $0x4000  }
0x9b: {  	[sflag:s24] =	ssyncset.done $0x0  }
0x9c: {  	s0 =	rddreg [dreg:$0x9];
	[sflag:s24] =	ssyncadd.s32 $0xFFFFC000  }
.LBB2_8:
0x9d: {  	[bflag:$0x0] =	sbarrier.arrive $0xFFFF  }
0x9e: {  	s9 =	rddreg [dreg:$0x5]  }
0x9f: {  	s7 =	rddreg [dreg:$0x6]  }
0xa0: {  	s12 =	rddreg [dreg:$0x8]  }
0xa1: {  	[hbm:s7], [sflag:s9] =	dma.local [spmem:s12], $0x2800  }
0xa2: {  	_ =	swait.ge [sflag:s13], $0x2800  }
0xa3: {  	s0 =	sadd.s32 $0x1, s0;
	s31 =	rddreg [dreg:$0x7]  }
0xa4: {  	p1 =	sne.s32 s0, s31  }
.Ltmp1:
0xa5: {  	_ = 	snop;
	(pc) =	sbr.rel @!p1 .LBB2_9-.Ltmp1, $3  }
0xa6: {  	_ =	sdelay $0x1  }
0xa7: {  	[sflag:s13] =	ssyncset.done $0x0  }
0xa8: {  	[sflag:s13] =	ssyncadd.s32 $0xFFFFD800  }
.LBB2_1:
0xa9: {  	[dreg:$0x9] =	wrdreg s0  }
0xaa: {  	s7 =	rddreg [dreg:$0x4]  }
0xab: {  	[spmem:s12], [sflag:s9] =	dma.local [hbm:s7], $0x2800  }
.Ltmp2:
0xac: {  	_ =	swait.ge [sflag:s13], $0x2800;
	(pc) =	sbr.rel @!p0 .LBB2_2-.Ltmp2, $4  }
0xad: {  	[sflag:s13] =	ssyncset.done $0x0  }
0xae: {  	[sflag:s13] =	ssyncadd.s32 $0xFFFFD800  }
0xaf: {  	[bflag:$0x0] =	sbarrier.arrive $0xFFFF  }
0xb0: {  	s7 =	sadd.s32 $0x0, s11  }
0xb1: {  	[tilespmem:s4], [sflag:$0x5] =	stream.linear.gather [hbm4b:s7+s4], $0x800, $0x38;
	[tilespmem:$0x1D000] =	vst v63  }
0xb2: {  	_ =	swait.ge [sflag:s13], $0x800  }
0xb3: {  	[sflag:s13] =	ssyncset.done $0x0  }
0xb4: {  	s8 =	sadd.s32 $0x0, s10;
	[sflag:s13] =	ssyncadd.s32 $0xFFFFF800  }
0xb5: {  	[tilespmem:s14], [sflag:$0x5] =	stream.linear.gather [hbm4b:s8+s4], $0x800, $0x38;
	[tilespmem:$0x1D000] =	vst v63  }
0xb6: {  	_ =	swait.ge [sflag:s13], $0x800  }
0xb7: {  	[sflag:s13] =	ssyncset.done $0x0  }
0xb8: {  	[sflag:s13] =	ssyncadd.s32 $0xFFFFF800  }
0xb9: {  	[tilespmem:s16], [sflag:$0x1] =	stream.indirect.gather [hbm4b:s5+s15], $0x80, s4, s15, $0xb8;
	[tilespmem:$0x1D000] =	vst v63  }
0xba: {  	_ =	swait.ge [sflag:s17], $0x4000  }
0xbb: {  	[sflag:s17] =	ssyncset.done $0x0  }
0xbc: {  	[sflag:s17] =	ssyncadd.s32 $0xFFFFC000  }
0xbd: {  	[spmem:s3] =	stream.indirect.scatter.add.f32 [tilespmem:s16], [sflag:$0x3], $0x80, s14, s15, $0xb8;
	[tilespmem:$0x1D000] =	vst v63  }
0xbe: {  	_ = 	snop  }
0xbf: {  	[tilespmem:s18], [sflag:$0x2] =	stream.indirect.gather [hbm4b:s5+s15], $0x80, s15, s15, $0xb8;
	[tilespmem:$0x1D000] =	vst v63  }
0xc0: {  	_ =	swait.ge [sflag:s19], $0x4000  }
0xc1: {  	[sflag:s19] =	ssyncset.done $0x0  }
0xc2: {  	[sflag:s19] =	ssyncadd.s32 $0xFFFFC000  }
0xc3: {  	[spmem:s3] =	stream.indirect.scatter.add.f32 [tilespmem:s18], [sflag:$0x4], $0x80, s20, s15, $0xb8;
	[tilespmem:$0x1D000] =	vst v63  }
0xc4: {  	_ =	swait.ge [sflag:s21], $0x4000  }
0xc5: {  	[sflag:s21] =	ssyncset.done $0x0  }
0xc6: {  	[sflag:s21] =	ssyncadd.s32 $0xFFFFC000  }
0xc7: {  	[tilespmem:s16], [sflag:$0x1] =	stream.indirect.gather [hbm4b:s5+s15], $0x80, s22, s15, $0xb8;
	[tilespmem:$0x1D000] =	vst v63  }
0xc8: {  	_ =	swait.ge [sflag:s17], $0x4000  }
0xc9: {  	[sflag:s17] =	ssyncset.done $0x0  }
0xca: {  	s23 =	simm.s32 $0x900;
	[sflag:s17] =	ssyncadd.s32 $0xFFFFC000  }
0xcb: {  	[spmem:s3] =	stream.indirect.scatter.add.f32 [tilespmem:s16], [sflag:$0x3], $0x80, s23, s15, $0xb8;
	[tilespmem:$0x1D000] =	vst v63  }
0xcc: {  	_ =	swait.ge [sflag:s24], $0x4000  }
0xcd: {  	[sflag:s24] =	ssyncset.done $0x0  }
0xce: {  	s25 =	simm.s32 $0x180;
	[sflag:s24] =	ssyncadd.s32 $0xFFFFC000  }
0xcf: {  	[tilespmem:s18], [sflag:$0x2] =	stream.indirect.gather [hbm4b:s5+s15], $0x80, s25, s15, $0xb8;
	[tilespmem:$0x1D000] =	vst v63  }
0xd0: {  	_ =	swait.ge [sflag:s19], $0x4000  }
0xd1: {  	[sflag:s19] =	ssyncset.done $0x0  }
0xd2: {  	s26 =	simm.s32 $0x980;
	[sflag:s19] =	ssyncadd.s32 $0xFFFFC000  }
0xd3: {  	[spmem:s3] =	stream.indirect.scatter.add.f32 [tilespmem:s18], [sflag:$0x4], $0x80, s26, s15, $0xb8;
	[tilespmem:$0x1D000] =	vst v63  }
0xd4: {  	_ =	swait.ge [sflag:s21], $0x4000  }
0xd5: {  	[sflag:s21] =	ssyncset.done $0x0  }
0xd6: {  	s28 =	simm.s32 $0x200;
	[sflag:s21] =	ssyncadd.s32 $0xFFFFC000  }
0xd7: {  	[tilespmem:s16], [sflag:$0x1] =	stream.indirect.gather [hbm4b:s5+s15], $0x80, s28, s15, $0xb8;
	[tilespmem:$0x1D000] =	vst v63  }
0xd8: {  	_ =	swait.ge [sflag:s17], $0x4000  }
0xd9: {  	[sflag:s17] =	ssyncset.done $0x0  }
0xda: {  	s29 =	simm.s32 $0xA00;
	[sflag:s17] =	ssyncadd.s32 $0xFFFFC000  }
0xdb: {  	[spmem:s3] =	stream.indirect.scatter.add.f32 [tilespmem:s16], [sflag:$0x3], $0x80, s29, s15, $0xb8;
	[tilespmem:$0x1D000] =	vst v63  }
0xdc: {  	_ =	swait.ge [sflag:s24], $0x4000  }
0xdd: {  	[sflag:s24] =	ssyncset.done $0x0  }
0xde: {  	s30 =	simm.s32 $0x280;
	[sflag:s24] =	ssyncadd.s32 $0xFFFFC000  }
0xdf: {  	[tilespmem:s18], [sflag:$0x2] =	stream.indirect.gather [hbm4b:s5+s15], $0x80, s30, s15, $0xb8;
	[tilespmem:$0x1D000] =	vst v63  }
0xe0: {  	_ =	swait.ge [sflag:s19], $0x4000  }
0xe1: {  	[sflag:s19] =	ssyncset.done $0x0  }
0xe2: {  	s31 =	simm.s32 $0xA80;
	[sflag:s19] =	ssyncadd.s32 $0xFFFFC000  }
0xe3: {  	[spmem:s3] =	stream.indirect.scatter.add.f32 [tilespmem:s18], [sflag:$0x4], $0x80, s31, s15, $0xb8;
	[tilespmem:$0x1D000] =	vst v63  }
0xe4: {  	_ =	swait.ge [sflag:s21], $0x4000  }
0xe5: {  	[sflag:s21] =	ssyncset.done $0x0  }
0xe6: {  	s1 =	simm.s32 $0x300;
	[sflag:s21] =	ssyncadd.s32 $0xFFFFC000  }
0xe7: {  	[tilespmem:s16], [sflag:$0x1] =	stream.indirect.gather [hbm4b:s5+s15], $0x80, s1, s15, $0xb8;
	[tilespmem:$0x1D000] =	vst v63  }
0xe8: {  	_ =	swait.ge [sflag:s17], $0x4000  }
0xe9: {  	[sflag:s17] =	ssyncset.done $0x0  }
0xea: {  	s0 =	simm.s32 $0xB00;
	[sflag:s17] =	ssyncadd.s32 $0xFFFFC000  }
0xeb: {  	[spmem:s3] =	stream.indirect.scatter.add.f32 [tilespmem:s16], [sflag:$0x3], $0x80, s0, s15, $0xb8;
	[tilespmem:$0x1D000] =	vst v63  }
0xec: {  	_ =	swait.ge [sflag:s24], $0x4000  }
0xed: {  	[sflag:s24] =	ssyncset.done $0x0  }
0xee: {  	s6 =	simm.s32 $0x380;
	[sflag:s24] =	ssyncadd.s32 $0xFFFFC000  }
0xef: {  	[tilespmem:s18], [sflag:$0x2] =	stream.indirect.gather [hbm4b:s5+s15], $0x80, s6, s15, $0xb8;
	[tilespmem:$0x1D000] =	vst v63  }
0xf0: {  	_ =	swait.ge [sflag:s19], $0x4000  }
0xf1: {  	[sflag:s19] =	ssyncset.done $0x0  }
0xf2: {  	s8 =	simm.s32 $0xB80;
	[sflag:s19] =	ssyncadd.s32 $0xFFFFC000  }
0xf3: {  	[spmem:s3] =	stream.indirect.scatter.add.f32 [tilespmem:s18], [sflag:$0x4], $0x80, s8, s15, $0xb8;
	[tilespmem:$0x1D000] =	vst v63  }
0xf4: {  	_ =	swait.ge [sflag:s21], $0x4000  }
0xf5: {  	[sflag:s21] =	ssyncset.done $0x0  }
0xf6: {  	s9 =	simm.s32 $0x400;
	[sflag:s21] =	ssyncadd.s32 $0xFFFFC000  }
0xf7: {  	[tilespmem:s16], [sflag:$0x1] =	stream.indirect.gather [hbm4b:s5+s15], $0x80, s9, s15, $0xb8;
	[tilespmem:$0x1D000] =	vst v63  }
0xf8: {  	_ =	swait.ge [sflag:s17], $0x4000  }
0xf9: {  	[sflag:s17] =	ssyncset.done $0x0  }
0xfa: {  	s12 =	simm.s32 $0xC00;
	[sflag:s17] =	ssyncadd.s32 $0xFFFFC000  }
0xfb: {  	[spmem:s3] =	stream.indirect.scatter.add.f32 [tilespmem:s16], [sflag:$0x3], $0x80, s12, s15, $0xb8;
	[tilespmem:$0x1D000] =	vst v63  }
0xfc: {  	_ =	swait.ge [sflag:s24], $0x4000  }
0xfd: {  	[sflag:s24] =	ssyncset.done $0x0  }
0xfe: {  	s20 =	simm.s32 $0x480;
	[sflag:s24] =	ssyncadd.s32 $0xFFFFC000  }
0xff: {  	[tilespmem:s18], [sflag:$0x2] =	stream.indirect.gather [hbm4b:s5+s15], $0x80, s20, s15, $0xb8;
	[tilespmem:$0x1D000] =	vst v63  }
0x100: {  	_ =	swait.ge [sflag:s19], $0x4000  }
0x101: {  	[sflag:s19] =	ssyncset.done $0x0  }
0x102: {  	s22 =	simm.s32 $0xC80;
	[sflag:s19] =	ssyncadd.s32 $0xFFFFC000  }
0x103: {  	[spmem:s3] =	stream.indirect.scatter.add.f32 [tilespmem:s18], [sflag:$0x4], $0x80, s22, s15, $0xb8;
	[tilespmem:$0x1D000] =	vst v63  }
0x104: {  	_ =	swait.ge [sflag:s21], $0x4000  }
0x105: {  	[sflag:s21] =	ssyncset.done $0x0  }
0x106: {  	s9 =	simm.s32 $0x500;
	[sflag:s21] =	ssyncadd.s32 $0xFFFFC000  }
0x107: {  	[tilespmem:s16], [sflag:$0x1] =	stream.indirect.gather [hbm4b:s5+s15], $0x80, s9, s15, $0xb8;
	[tilespmem:$0x1D000] =	vst v63  }
0x108: {  	_ =	swait.ge [sflag:s17], $0x4000  }
0x109: {  	[sflag:s17] =	ssyncset.done $0x0  }
0x10a: {  	s12 =	simm.s32 $0xD00;
	[sflag:s17] =	ssyncadd.s32 $0xFFFFC000  }
0x10b: {  	[spmem:s3] =	stream.indirect.scatter.add.f32 [tilespmem:s16], [sflag:$0x3], $0x80, s12, s15, $0xb8;
	[tilespmem:$0x1D000] =	vst v63  }
0x10c: {  	_ =	swait.ge [sflag:s24], $0x4000  }
0x10d: {  	[sflag:s24] =	ssyncset.done $0x0  }
0x10e: {  	s20 =	simm.s32 $0x580;
	[sflag:s24] =	ssyncadd.s32 $0xFFFFC000  }
0x10f: {  	[tilespmem:s18], [sflag:$0x2] =	stream.indirect.gather [hbm4b:s5+s15], $0x80, s20, s15, $0xb8;
	[tilespmem:$0x1D000] =	vst v63  }
0x110: {  	_ =	swait.ge [sflag:s19], $0x4000  }
0x111: {  	[sflag:s19] =	ssyncset.done $0x0  }
0x112: {  	s22 =	simm.s32 $0xD80;
	[sflag:s19] =	ssyncadd.s32 $0xFFFFC000  }
0x113: {  	[spmem:s3] =	stream.indirect.scatter.add.f32 [tilespmem:s18], [sflag:$0x4], $0x80, s22, s15, $0xb8;
	[tilespmem:$0x1D000] =	vst v63  }
0x114: {  	_ =	swait.ge [sflag:s21], $0x4000  }
0x115: {  	[sflag:s21] =	ssyncset.done $0x0  }
0x116: {  	s9 =	simm.s32 $0x600;
	[sflag:s21] =	ssyncadd.s32 $0xFFFFC000  }
0x117: {  	[tilespmem:s16], [sflag:$0x1] =	stream.indirect.gather [hbm4b:s5+s15], $0x80, s9, s15, $0xb8;
	[tilespmem:$0x1D000] =	vst v63  }
0x118: {  	_ =	swait.ge [sflag:s17], $0x4000  }
0x119: {  	[sflag:s17] =	ssyncset.done $0x0  }
0x11a: {  	s12 =	simm.s32 $0xE00;
	[sflag:s17] =	ssyncadd.s32 $0xFFFFC000  }
0x11b: {  	[spmem:s3] =	stream.indirect.scatter.add.f32 [tilespmem:s16], [sflag:$0x3], $0x80, s12, s15, $0xb8;
	[tilespmem:$0x1D000] =	vst v63  }
0x11c: {  	_ =	swait.ge [sflag:s24], $0x4000  }
0x11d: {  	[sflag:s24] =	ssyncset.done $0x0  }
0x11e: {  	s20 =	simm.s32 $0x680;
	[sflag:s24] =	ssyncadd.s32 $0xFFFFC000  }
0x11f: {  	[tilespmem:s18], [sflag:$0x2] =	stream.indirect.gather [hbm4b:s5+s15], $0x80, s20, s15, $0xb8;
	[tilespmem:$0x1D000] =	vst v63  }
0x120: {  	_ =	swait.ge [sflag:s19], $0x4000  }
0x121: {  	[sflag:s19] =	ssyncset.done $0x0  }
0x122: {  	s22 =	simm.s32 $0xE80;
	[sflag:s19] =	ssyncadd.s32 $0xFFFFC000  }
0x123: {  	[spmem:s3] =	stream.indirect.scatter.add.f32 [tilespmem:s18], [sflag:$0x4], $0x80, s22, s15, $0xb8;
	[tilespmem:$0x1D000] =	vst v63  }
0x124: {  	_ =	swait.ge [sflag:s21], $0x4000  }
0x125: {  	[sflag:s21] =	ssyncset.done $0x0  }
0x126: {  	s9 =	simm.s32 $0x700;
	[sflag:s21] =	ssyncadd.s32 $0xFFFFC000  }
0x127: {  	[tilespmem:s16], [sflag:$0x1] =	stream.indirect.gather [hbm4b:s5+s15], $0x80, s9, s15, $0xb8;
	[tilespmem:$0x1D000] =	vst v63  }
0x128: {  	_ =	swait.ge [sflag:s17], $0x4000  }
0x129: {  	[sflag:s17] =	ssyncset.done $0x0  }
0x12a: {  	s12 =	simm.s32 $0xF00;
	[sflag:s17] =	ssyncadd.s32 $0xFFFFC000  }
0x12b: {  	[spmem:s3] =	stream.indirect.scatter.add.f32 [tilespmem:s16], [sflag:$0x3], $0x80, s12, s15, $0xb8;
	[tilespmem:$0x1D000] =	vst v63  }
0x12c: {  	_ =	swait.ge [sflag:s24], $0x4000  }
0x12d: {  	[sflag:s24] =	ssyncset.done $0x0  }
0x12e: {  	s20 =	simm.s32 $0x780;
	[sflag:s24] =	ssyncadd.s32 $0xFFFFC000  }
0x12f: {  	[tilespmem:s18], [sflag:$0x2] =	stream.indirect.gather [hbm4b:s5+s15], $0x80, s20, s15, $0xb8;
	[tilespmem:$0x1D000] =	vst v63  }
0x130: {  	_ =	swait.ge [sflag:s19], $0x4000  }
0x131: {  	[sflag:s19] =	ssyncset.done $0x0  }
0x132: {  	s22 =	simm.s32 $0xF80;
	[sflag:s19] =	ssyncadd.s32 $0xFFFFC000  }
0x133: {  	[spmem:s3] =	stream.indirect.scatter.add.f32 [tilespmem:s18], [sflag:$0x4], $0x80, s22, s15, $0xb8;
	[tilespmem:$0x1D000] =	vst v63  }
0x134: {  	_ =	swait.ge [sflag:s21], $0x4000  }
0x135: {  	[sflag:s21] =	ssyncset.done $0x0  }
0x136: {  	[sflag:s21] =	ssyncadd.s32 $0xFFFFC000  }
0x137: {  	_ =	swait.ge [sflag:s24], $0x4000  }
0x138: {  	s9 =	simm.s32 $0x100;
	s12 =	simm.s32 $0x200;
	[sflag:s24] =	ssyncset.done $0x0  }
.LBB2_6:
0x139: {  	s20 =	sadd.s32 s9, s11  }
0x13a: {  	[sflag:s24] =	ssyncadd.s32 $0xFFFFC000;
	s22 =	smov.u32 s12;
	s7 =	sadd.s32 $0x100, s12  }
0x13b: {  	[tilespmem:s4], [sflag:$0x5] =	stream.linear.gather [hbm4b:s20+s4], $0x800, $0x38;
	[tilespmem:$0x1D000] =	vst v63  }
0x13c: {  	s20 =	simm.s32 $0x880  }
0x13d: {  	p1 =	sne.s32 s12, $0x900;
	_ =	swait.ge [sflag:s13], $0x800  }
0x13e: {  	s12 =	sadd.s32 s9, s10;
	[sflag:s13] =	ssyncset.done $0x0  }
0x13f: {  	s9 =	smov.u32 s22;
	s22 =	simm.s32 $0x100;
	[sflag:s13] =	ssyncadd.s32 $0xFFFFF800  }
0x140: {  	[tilespmem:s14], [sflag:$0x5] =	stream.linear.gather [hbm4b:s12+s4], $0x800, $0x38;
	[tilespmem:$0x1D000] =	vst v63  }
0x141: {  	_ =	swait.ge [sflag:s13], $0x800  }
0x142: {  	[sflag:s13] =	ssyncset.done $0x0  }
0x143: {  	[sflag:s13] =	ssyncadd.s32 $0xFFFFF800  }
0x144: {  	[tilespmem:s16], [sflag:$0x1] =	stream.indirect.gather [hbm4b:s5+s15], $0x80, s4, s15, $0xb8;
	[tilespmem:$0x1D000] =	vst v63  }
0x145: {  	_ =	swait.ge [sflag:s17], $0x4000  }
0x146: {  	[sflag:s17] =	ssyncset.done $0x0  }
0x147: {  	[sflag:s17] =	ssyncadd.s32 $0xFFFFC000  }
0x148: {  	[spmem:s3] =	stream.indirect.scatter.add.f32 [tilespmem:s16], [sflag:$0x3], $0x80, s14, s15, $0xb8;
	[tilespmem:$0x1D000] =	vst v63  }
0x149: {  	_ = 	snop  }
0x14a: {  	[tilespmem:s18], [sflag:$0x2] =	stream.indirect.gather [hbm4b:s5+s15], $0x80, s15, s15, $0xb8;
	[tilespmem:$0x1D000] =	vst v63  }
0x14b: {  	_ =	swait.ge [sflag:s19], $0x4000  }
0x14c: {  	[sflag:s19] =	ssyncset.done $0x0  }
0x14d: {  	[sflag:s19] =	ssyncadd.s32 $0xFFFFC000  }
0x14e: {  	[spmem:s3] =	stream.indirect.scatter.add.f32 [tilespmem:s18], [sflag:$0x4], $0x80, s20, s15, $0xb8;
	[tilespmem:$0x1D000] =	vst v63  }
0x14f: {  	_ =	swait.ge [sflag:s21], $0x4000  }
0x150: {  	[sflag:s21] =	ssyncset.done $0x0  }
0x151: {  	[sflag:s21] =	ssyncadd.s32 $0xFFFFC000  }
0x152: {  	[tilespmem:s16], [sflag:$0x1] =	stream.indirect.gather [hbm4b:s5+s15], $0x80, s22, s15, $0xb8;
	[tilespmem:$0x1D000] =	vst v63  }
0x153: {  	_ =	swait.ge [sflag:s17], $0x4000  }
0x154: {  	[sflag:s17] =	ssyncset.done $0x0  }
0x155: {  	[sflag:s17] =	ssyncadd.s32 $0xFFFFC000  }
0x156: {  	[spmem:s3] =	stream.indirect.scatter.add.f32 [tilespmem:s16], [sflag:$0x3], $0x80, s23, s15, $0xb8;
	[tilespmem:$0x1D000] =	vst v63  }
0x157: {  	_ =	swait.ge [sflag:s24], $0x4000  }
0x158: {  	[sflag:s24] =	ssyncset.done $0x0  }
0x159: {  	[sflag:s24] =	ssyncadd.s32 $0xFFFFC000  }
0x15a: {  	[tilespmem:s18], [sflag:$0x2] =	stream.indirect.gather [hbm4b:s5+s15], $0x80, s25, s15, $0xb8;
	[tilespmem:$0x1D000] =	vst v63  }
0x15b: {  	_ =	swait.ge [sflag:s19], $0x4000  }
0x15c: {  	[sflag:s19] =	ssyncset.done $0x0  }
0x15d: {  	[sflag:s19] =	ssyncadd.s32 $0xFFFFC000  }
0x15e: {  	[spmem:s3] =	stream.indirect.scatter.add.f32 [tilespmem:s18], [sflag:$0x4], $0x80, s26, s15, $0xb8;
	[tilespmem:$0x1D000] =	vst v63  }
0x15f: {  	_ =	swait.ge [sflag:s21], $0x4000  }
0x160: {  	[sflag:s21] =	ssyncset.done $0x0  }
0x161: {  	[sflag:s21] =	ssyncadd.s32 $0xFFFFC000  }
0x162: {  	[tilespmem:s16], [sflag:$0x1] =	stream.indirect.gather [hbm4b:s5+s15], $0x80, s28, s15, $0xb8;
	[tilespmem:$0x1D000] =	vst v63  }
0x163: {  	_ =	swait.ge [sflag:s17], $0x4000  }
0x164: {  	[sflag:s17] =	ssyncset.done $0x0  }
0x165: {  	[sflag:s17] =	ssyncadd.s32 $0xFFFFC000  }
0x166: {  	[spmem:s3] =	stream.indirect.scatter.add.f32 [tilespmem:s16], [sflag:$0x3], $0x80, s29, s15, $0xb8;
	[tilespmem:$0x1D000] =	vst v63  }
0x167: {  	_ =	swait.ge [sflag:s24], $0x4000  }
0x168: {  	[sflag:s24] =	ssyncset.done $0x0  }
0x169: {  	[sflag:s24] =	ssyncadd.s32 $0xFFFFC000  }
0x16a: {  	[tilespmem:s18], [sflag:$0x2] =	stream.indirect.gather [hbm4b:s5+s15], $0x80, s30, s15, $0xb8;
	[tilespmem:$0x1D000] =	vst v63  }
0x16b: {  	_ =	swait.ge [sflag:s19], $0x4000  }
0x16c: {  	[sflag:s19] =	ssyncset.done $0x0  }
0x16d: {  	[sflag:s19] =	ssyncadd.s32 $0xFFFFC000  }
0x16e: {  	[spmem:s3] =	stream.indirect.scatter.add.f32 [tilespmem:s18], [sflag:$0x4], $0x80, s31, s15, $0xb8;
	[tilespmem:$0x1D000] =	vst v63  }
0x16f: {  	_ =	swait.ge [sflag:s21], $0x4000  }
0x170: {  	[sflag:s21] =	ssyncset.done $0x0  }
0x171: {  	[sflag:s21] =	ssyncadd.s32 $0xFFFFC000  }
0x172: {  	[tilespmem:s16], [sflag:$0x1] =	stream.indirect.gather [hbm4b:s5+s15], $0x80, s1, s15, $0xb8;
	[tilespmem:$0x1D000] =	vst v63  }
0x173: {  	_ =	swait.ge [sflag:s17], $0x4000  }
0x174: {  	[sflag:s17] =	ssyncset.done $0x0  }
0x175: {  	[sflag:s17] =	ssyncadd.s32 $0xFFFFC000  }
0x176: {  	[spmem:s3] =	stream.indirect.scatter.add.f32 [tilespmem:s16], [sflag:$0x3], $0x80, s0, s15, $0xb8;
	[tilespmem:$0x1D000] =	vst v63  }
0x177: {  	_ =	swait.ge [sflag:s24], $0x4000  }
0x178: {  	[sflag:s24] =	ssyncset.done $0x0  }
0x179: {  	[sflag:s24] =	ssyncadd.s32 $0xFFFFC000  }
0x17a: {  	[tilespmem:s18], [sflag:$0x2] =	stream.indirect.gather [hbm4b:s5+s15], $0x80, s6, s15, $0xb8;
	[tilespmem:$0x1D000] =	vst v63  }
0x17b: {  	_ =	swait.ge [sflag:s19], $0x4000  }
0x17c: {  	[sflag:s19] =	ssyncset.done $0x0  }
0x17d: {  	[sflag:s19] =	ssyncadd.s32 $0xFFFFC000  }
0x17e: {  	[spmem:s3] =	stream.indirect.scatter.add.f32 [tilespmem:s18], [sflag:$0x4], $0x80, s8, s15, $0xb8;
	[tilespmem:$0x1D000] =	vst v63  }
0x17f: {  	_ =	swait.ge [sflag:s21], $0x4000  }
0x180: {  	[sflag:s21] =	ssyncset.done $0x0  }
0x181: {  	s12 =	simm.s32 $0x400;
	[sflag:s21] =	ssyncadd.s32 $0xFFFFC000  }
0x182: {  	[tilespmem:s16], [sflag:$0x1] =	stream.indirect.gather [hbm4b:s5+s15], $0x80, s12, s15, $0xb8;
	[tilespmem:$0x1D000] =	vst v63  }
0x183: {  	_ =	swait.ge [sflag:s17], $0x4000  }
0x184: {  	[sflag:s17] =	ssyncset.done $0x0  }
0x185: {  	s12 =	simm.s32 $0xC00;
	[sflag:s17] =	ssyncadd.s32 $0xFFFFC000  }
0x186: {  	[spmem:s3] =	stream.indirect.scatter.add.f32 [tilespmem:s16], [sflag:$0x3], $0x80, s12, s15, $0xb8;
	[tilespmem:$0x1D000] =	vst v63  }
0x187: {  	_ =	swait.ge [sflag:s24], $0x4000  }
0x188: {  	[sflag:s24] =	ssyncset.done $0x0  }
0x189: {  	s12 =	simm.s32 $0x480;
	[sflag:s24] =	ssyncadd.s32 $0xFFFFC000  }
0x18a: {  	[tilespmem:s18], [sflag:$0x2] =	stream.indirect.gather [hbm4b:s5+s15], $0x80, s12, s15, $0xb8;
	[tilespmem:$0x1D000] =	vst v63  }
0x18b: {  	_ =	swait.ge [sflag:s19], $0x4000  }
0x18c: {  	[sflag:s19] =	ssyncset.done $0x0  }
0x18d: {  	s12 =	simm.s32 $0xC80;
	[sflag:s19] =	ssyncadd.s32 $0xFFFFC000  }
0x18e: {  	[spmem:s3] =	stream.indirect.scatter.add.f32 [tilespmem:s18], [sflag:$0x4], $0x80, s12, s15, $0xb8;
	[tilespmem:$0x1D000] =	vst v63  }
0x18f: {  	_ =	swait.ge [sflag:s21], $0x4000  }
0x190: {  	[sflag:s21] =	ssyncset.done $0x0  }
0x191: {  	s12 =	simm.s32 $0x500;
	[sflag:s21] =	ssyncadd.s32 $0xFFFFC000  }
0x192: {  	[tilespmem:s16], [sflag:$0x1] =	stream.indirect.gather [hbm4b:s5+s15], $0x80, s12, s15, $0xb8;
	[tilespmem:$0x1D000] =	vst v63  }
0x193: {  	_ =	swait.ge [sflag:s17], $0x4000  }
0x194: {  	[sflag:s17] =	ssyncset.done $0x0  }
0x195: {  	s12 =	simm.s32 $0xD00;
	[sflag:s17] =	ssyncadd.s32 $0xFFFFC000  }
0x196: {  	[spmem:s3] =	stream.indirect.scatter.add.f32 [tilespmem:s16], [sflag:$0x3], $0x80, s12, s15, $0xb8;
	[tilespmem:$0x1D000] =	vst v63  }
0x197: {  	_ =	swait.ge [sflag:s24], $0x4000  }
0x198: {  	[sflag:s24] =	ssyncset.done $0x0  }
0x199: {  	s12 =	simm.s32 $0x580;
	[sflag:s24] =	ssyncadd.s32 $0xFFFFC000  }
0x19a: {  	[tilespmem:s18], [sflag:$0x2] =	stream.indirect.gather [hbm4b:s5+s15], $0x80, s12, s15, $0xb8;
	[tilespmem:$0x1D000] =	vst v63  }
0x19b: {  	_ =	swait.ge [sflag:s19], $0x4000  }
0x19c: {  	[sflag:s19] =	ssyncset.done $0x0  }
0x19d: {  	s12 =	simm.s32 $0xD80;
	[sflag:s19] =	ssyncadd.s32 $0xFFFFC000  }
0x19e: {  	[spmem:s3] =	stream.indirect.scatter.add.f32 [tilespmem:s18], [sflag:$0x4], $0x80, s12, s15, $0xb8;
	[tilespmem:$0x1D000] =	vst v63  }
0x19f: {  	_ =	swait.ge [sflag:s21], $0x4000  }
0x1a0: {  	[sflag:s21] =	ssyncset.done $0x0  }
0x1a1: {  	s12 =	simm.s32 $0x600;
	[sflag:s21] =	ssyncadd.s32 $0xFFFFC000  }
0x1a2: {  	[tilespmem:s16], [sflag:$0x1] =	stream.indirect.gather [hbm4b:s5+s15], $0x80, s12, s15, $0xb8;
	[tilespmem:$0x1D000] =	vst v63  }
0x1a3: {  	_ =	swait.ge [sflag:s17], $0x4000  }
0x1a4: {  	[sflag:s17] =	ssyncset.done $0x0  }
0x1a5: {  	s12 =	simm.s32 $0xE00;
	[sflag:s17] =	ssyncadd.s32 $0xFFFFC000  }
0x1a6: {  	[spmem:s3] =	stream.indirect.scatter.add.f32 [tilespmem:s16], [sflag:$0x3], $0x80, s12, s15, $0xb8;
	[tilespmem:$0x1D000] =	vst v63  }
0x1a7: {  	_ =	swait.ge [sflag:s24], $0x4000  }
0x1a8: {  	[sflag:s24] =	ssyncset.done $0x0  }
0x1a9: {  	s12 =	simm.s32 $0x680;
	[sflag:s24] =	ssyncadd.s32 $0xFFFFC000  }
0x1aa: {  	[tilespmem:s18], [sflag:$0x2] =	stream.indirect.gather [hbm4b:s5+s15], $0x80, s12, s15, $0xb8;
	[tilespmem:$0x1D000] =	vst v63  }
0x1ab: {  	_ =	swait.ge [sflag:s19], $0x4000  }
0x1ac: {  	[sflag:s19] =	ssyncset.done $0x0  }
0x1ad: {  	s12 =	simm.s32 $0xE80;
	[sflag:s19] =	ssyncadd.s32 $0xFFFFC000  }
0x1ae: {  	[spmem:s3] =	stream.indirect.scatter.add.f32 [tilespmem:s18], [sflag:$0x4], $0x80, s12, s15, $0xb8;
	[tilespmem:$0x1D000] =	vst v63  }
0x1af: {  	_ =	swait.ge [sflag:s21], $0x4000  }
0x1b0: {  	[sflag:s21] =	ssyncset.done $0x0  }
0x1b1: {  	s12 =	simm.s32 $0x700;
	[sflag:s21] =	ssyncadd.s32 $0xFFFFC000  }
0x1b2: {  	[tilespmem:s16], [sflag:$0x1] =	stream.indirect.gather [hbm4b:s5+s15], $0x80, s12, s15, $0xb8;
	[tilespmem:$0x1D000] =	vst v63  }
0x1b3: {  	_ =	swait.ge [sflag:s17], $0x4000  }
0x1b4: {  	[sflag:s17] =	ssyncset.done $0x0  }
0x1b5: {  	s12 =	simm.s32 $0xF00;
	[sflag:s17] =	ssyncadd.s32 $0xFFFFC000  }
0x1b6: {  	[spmem:s3] =	stream.indirect.scatter.add.f32 [tilespmem:s16], [sflag:$0x3], $0x80, s12, s15, $0xb8;
	[tilespmem:$0x1D000] =	vst v63  }
0x1b7: {  	_ =	swait.ge [sflag:s24], $0x4000  }
0x1b8: {  	[sflag:s24] =	ssyncset.done $0x0  }
0x1b9: {  	s12 =	simm.s32 $0x780;
	[sflag:s24] =	ssyncadd.s32 $0xFFFFC000  }
0x1ba: {  	[tilespmem:s18], [sflag:$0x2] =	stream.indirect.gather [hbm4b:s5+s15], $0x80, s12, s15, $0xb8;
	[tilespmem:$0x1D000] =	vst v63  }
0x1bb: {  	_ =	swait.ge [sflag:s19], $0x4000  }
0x1bc: {  	[sflag:s19] =	ssyncset.done $0x0  }
0x1bd: {  	s12 =	simm.s32 $0xF80;
	[sflag:s19] =	ssyncadd.s32 $0xFFFFC000  }
0x1be: {  	[spmem:s3] =	stream.indirect.scatter.add.f32 [tilespmem:s18], [sflag:$0x4], $0x80, s12, s15, $0xb8;
	[tilespmem:$0x1D000] =	vst v63  }
.Ltmp3:
0x1bf: {  	_ =	swait.ge [sflag:s21], $0x4000;
	(pc) =	sbr.rel @p1 .LBB2_6-.Ltmp3, $4  }
0x1c0: {  	[sflag:s21] =	ssyncset.done $0x0  }
0x1c1: {  	[sflag:s21] =	ssyncadd.s32 $0xFFFFC000  }
0x1c2: {  	_ =	swait.ge [sflag:s24], $0x4000  }
0x1c3: {  	s12 =	smov.u32 s7;
	[sflag:s24] =	ssyncset.done $0x0  }
.Ltmp4:
0x1c4: {  	_ = 	snop;
	(pc) =	sbr.rel .LBB2_7-.Ltmp4, $1  }
0x1c5: {  	_ =	sdelay $0x3  }
.LBB2_2:
0x1c6: {  	[tilespmem:s4], [sflag:$0x5] =	stream.linear.gather [hbm4b:s7+s4], $0x800, $0x38;
	[tilespmem:$0x1D000] =	vst v63  }
0x1c7: {  	_ =	swait.ge [sflag:s13], $0x800  }
0x1c8: {  	[sflag:s13] =	ssyncset.done $0x0  }
0x1c9: {  	s8 =	sadd.s32 $0x0, s10;
	[sflag:s13] =	ssyncadd.s32 $0xFFFFF800  }
0x1ca: {  	[tilespmem:s14], [sflag:$0x5] =	stream.linear.gather [hbm4b:s8+s4], $0x800, $0x38;
	[tilespmem:$0x1D000] =	vst v63  }
0x1cb: {  	_ =	swait.ge [sflag:s13], $0x800  }
0x1cc: {  	[sflag:s13] =	ssyncset.done $0x0  }
0x1cd: {  	[sflag:s13] =	ssyncadd.s32 $0xFFFFF800  }
0x1ce: {  	[tilespmem:s16], [sflag:$0x1] =	stream.indirect.gather [hbm4b:s2+s15], $0x80, s4, s15, $0xb8;
	[tilespmem:$0x1D000] =	vst v63  }
0x1cf: {  	_ =	swait.ge [sflag:s17], $0x4000  }
0x1d0: {  	[sflag:s17] =	ssyncset.done $0x0  }
0x1d1: {  	[sflag:s17] =	ssyncadd.s32 $0xFFFFC000  }
0x1d2: {  	[spmem:s3] =	stream.indirect.scatter.add.f32 [tilespmem:s16], [sflag:$0x3], $0x80, s14, s15, $0xb8;
	[tilespmem:$0x1D000] =	vst v63  }
0x1d3: {  	_ = 	snop  }
0x1d4: {  	[tilespmem:s18], [sflag:$0x2] =	stream.indirect.gather [hbm4b:s2+s15], $0x80, s15, s15, $0xb8;
	[tilespmem:$0x1D000] =	vst v63  }
0x1d5: {  	_ =	swait.ge [sflag:s19], $0x4000  }
0x1d6: {  	[sflag:s19] =	ssyncset.done $0x0  }
0x1d7: {  	[sflag:s19] =	ssyncadd.s32 $0xFFFFC000  }
0x1d8: {  	[spmem:s3] =	stream.indirect.scatter.add.f32 [tilespmem:s18], [sflag:$0x4], $0x80, s20, s15, $0xb8;
	[tilespmem:$0x1D000] =	vst v63  }
0x1d9: {  	_ =	swait.ge [sflag:s21], $0x4000  }
0x1da: {  	[sflag:s21] =	ssyncset.done $0x0  }
0x1db: {  	[sflag:s21] =	ssyncadd.s32 $0xFFFFC000  }
0x1dc: {  	[tilespmem:s16], [sflag:$0x1] =	stream.indirect.gather [hbm4b:s2+s15], $0x80, s22, s15, $0xb8;
	[tilespmem:$0x1D000] =	vst v63  }
0x1dd: {  	_ =	swait.ge [sflag:s17], $0x4000  }
0x1de: {  	[sflag:s17] =	ssyncset.done $0x0  }
0x1df: {  	s23 =	simm.s32 $0x900;
	[sflag:s17] =	ssyncadd.s32 $0xFFFFC000  }
0x1e0: {  	[spmem:s3] =	stream.indirect.scatter.add.f32 [tilespmem:s16], [sflag:$0x3], $0x80, s23, s15, $0xb8;
	[tilespmem:$0x1D000] =	vst v63  }
0x1e1: {  	_ =	swait.ge [sflag:s24], $0x4000  }
0x1e2: {  	[sflag:s24] =	ssyncset.done $0x0  }
0x1e3: {  	s25 =	simm.s32 $0x180;
	[sflag:s24] =	ssyncadd.s32 $0xFFFFC000  }
0x1e4: {  	[tilespmem:s18], [sflag:$0x2] =	stream.indirect.gather [hbm4b:s2+s15], $0x80, s25, s15, $0xb8;
	[tilespmem:$0x1D000] =	vst v63  }
0x1e5: {  	_ =	swait.ge [sflag:s19], $0x4000  }
0x1e6: {  	[sflag:s19] =	ssyncset.done $0x0  }
0x1e7: {  	s26 =	simm.s32 $0x980;
	[sflag:s19] =	ssyncadd.s32 $0xFFFFC000  }
0x1e8: {  	[spmem:s3] =	stream.indirect.scatter.add.f32 [tilespmem:s18], [sflag:$0x4], $0x80, s26, s15, $0xb8;
	[tilespmem:$0x1D000] =	vst v63  }
0x1e9: {  	_ =	swait.ge [sflag:s21], $0x4000  }
0x1ea: {  	[sflag:s21] =	ssyncset.done $0x0  }
0x1eb: {  	s28 =	simm.s32 $0x200;
	[sflag:s21] =	ssyncadd.s32 $0xFFFFC000  }
0x1ec: {  	[tilespmem:s16], [sflag:$0x1] =	stream.indirect.gather [hbm4b:s2+s15], $0x80, s28, s15, $0xb8;
	[tilespmem:$0x1D000] =	vst v63  }
0x1ed: {  	_ =	swait.ge [sflag:s17], $0x4000  }
0x1ee: {  	[sflag:s17] =	ssyncset.done $0x0  }
0x1ef: {  	s29 =	simm.s32 $0xA00;
	[sflag:s17] =	ssyncadd.s32 $0xFFFFC000  }
0x1f0: {  	[spmem:s3] =	stream.indirect.scatter.add.f32 [tilespmem:s16], [sflag:$0x3], $0x80, s29, s15, $0xb8;
	[tilespmem:$0x1D000] =	vst v63  }
0x1f1: {  	_ =	swait.ge [sflag:s24], $0x4000  }
0x1f2: {  	[sflag:s24] =	ssyncset.done $0x0  }
0x1f3: {  	s30 =	simm.s32 $0x280;
	[sflag:s24] =	ssyncadd.s32 $0xFFFFC000  }
0x1f4: {  	[tilespmem:s18], [sflag:$0x2] =	stream.indirect.gather [hbm4b:s2+s15], $0x80, s30, s15, $0xb8;
	[tilespmem:$0x1D000] =	vst v63  }
0x1f5: {  	_ =	swait.ge [sflag:s19], $0x4000  }
0x1f6: {  	[sflag:s19] =	ssyncset.done $0x0  }
0x1f7: {  	s31 =	simm.s32 $0xA80;
	[sflag:s19] =	ssyncadd.s32 $0xFFFFC000  }
0x1f8: {  	[spmem:s3] =	stream.indirect.scatter.add.f32 [tilespmem:s18], [sflag:$0x4], $0x80, s31, s15, $0xb8;
	[tilespmem:$0x1D000] =	vst v63  }
0x1f9: {  	_ =	swait.ge [sflag:s21], $0x4000  }
0x1fa: {  	[sflag:s21] =	ssyncset.done $0x0  }
0x1fb: {  	s1 =	simm.s32 $0x300;
	[sflag:s21] =	ssyncadd.s32 $0xFFFFC000  }
0x1fc: {  	[tilespmem:s16], [sflag:$0x1] =	stream.indirect.gather [hbm4b:s2+s15], $0x80, s1, s15, $0xb8;
	[tilespmem:$0x1D000] =	vst v63  }
0x1fd: {  	_ =	swait.ge [sflag:s17], $0x4000  }
0x1fe: {  	[sflag:s17] =	ssyncset.done $0x0  }
0x1ff: {  	s0 =	simm.s32 $0xB00;
	[sflag:s17] =	ssyncadd.s32 $0xFFFFC000  }
0x200: {  	[spmem:s3] =	stream.indirect.scatter.add.f32 [tilespmem:s16], [sflag:$0x3], $0x80, s0, s15, $0xb8;
	[tilespmem:$0x1D000] =	vst v63  }
0x201: {  	_ =	swait.ge [sflag:s24], $0x4000  }
0x202: {  	[sflag:s24] =	ssyncset.done $0x0  }
0x203: {  	s6 =	simm.s32 $0x380;
	[sflag:s24] =	ssyncadd.s32 $0xFFFFC000  }
0x204: {  	[tilespmem:s18], [sflag:$0x2] =	stream.indirect.gather [hbm4b:s2+s15], $0x80, s6, s15, $0xb8;
	[tilespmem:$0x1D000] =	vst v63  }
0x205: {  	_ =	swait.ge [sflag:s19], $0x4000  }
0x206: {  	[sflag:s19] =	ssyncset.done $0x0  }
0x207: {  	s8 =	simm.s32 $0xB80;
	[sflag:s19] =	ssyncadd.s32 $0xFFFFC000  }
0x208: {  	[spmem:s3] =	stream.indirect.scatter.add.f32 [tilespmem:s18], [sflag:$0x4], $0x80, s8, s15, $0xb8;
	[tilespmem:$0x1D000] =	vst v63  }
0x209: {  	_ =	swait.ge [sflag:s21], $0x4000  }
0x20a: {  	[sflag:s21] =	ssyncset.done $0x0  }
0x20b: {  	s9 =	simm.s32 $0x400;
	[sflag:s21] =	ssyncadd.s32 $0xFFFFC000  }
0x20c: {  	[tilespmem:s16], [sflag:$0x1] =	stream.indirect.gather [hbm4b:s2+s15], $0x80, s9, s15, $0xb8;
	[tilespmem:$0x1D000] =	vst v63  }
0x20d: {  	_ =	swait.ge [sflag:s17], $0x4000  }
0x20e: {  	[sflag:s17] =	ssyncset.done $0x0  }
0x20f: {  	s12 =	simm.s32 $0xC00;
	[sflag:s17] =	ssyncadd.s32 $0xFFFFC000  }
0x210: {  	[spmem:s3] =	stream.indirect.scatter.add.f32 [tilespmem:s16], [sflag:$0x3], $0x80, s12, s15, $0xb8;
	[tilespmem:$0x1D000] =	vst v63  }
0x211: {  	_ =	swait.ge [sflag:s24], $0x4000  }
0x212: {  	[sflag:s24] =	ssyncset.done $0x0  }
0x213: {  	s20 =	simm.s32 $0x480;
	[sflag:s24] =	ssyncadd.s32 $0xFFFFC000  }
0x214: {  	[tilespmem:s18], [sflag:$0x2] =	stream.indirect.gather [hbm4b:s2+s15], $0x80, s20, s15, $0xb8;
	[tilespmem:$0x1D000] =	vst v63  }
0x215: {  	_ =	swait.ge [sflag:s19], $0x4000  }
0x216: {  	[sflag:s19] =	ssyncset.done $0x0  }
0x217: {  	s22 =	simm.s32 $0xC80;
	[sflag:s19] =	ssyncadd.s32 $0xFFFFC000  }
0x218: {  	[spmem:s3] =	stream.indirect.scatter.add.f32 [tilespmem:s18], [sflag:$0x4], $0x80, s22, s15, $0xb8;
	[tilespmem:$0x1D000] =	vst v63  }
0x219: {  	_ =	swait.ge [sflag:s21], $0x4000  }
0x21a: {  	[sflag:s21] =	ssyncset.done $0x0  }
0x21b: {  	s9 =	simm.s32 $0x500;
	[sflag:s21] =	ssyncadd.s32 $0xFFFFC000  }
0x21c: {  	[tilespmem:s16], [sflag:$0x1] =	stream.indirect.gather [hbm4b:s2+s15], $0x80, s9, s15, $0xb8;
	[tilespmem:$0x1D000] =	vst v63  }
0x21d: {  	_ =	swait.ge [sflag:s17], $0x4000  }
0x21e: {  	[sflag:s17] =	ssyncset.done $0x0  }
0x21f: {  	s12 =	simm.s32 $0xD00;
	[sflag:s17] =	ssyncadd.s32 $0xFFFFC000  }
0x220: {  	[spmem:s3] =	stream.indirect.scatter.add.f32 [tilespmem:s16], [sflag:$0x3], $0x80, s12, s15, $0xb8;
	[tilespmem:$0x1D000] =	vst v63  }
0x221: {  	_ =	swait.ge [sflag:s24], $0x4000  }
0x222: {  	[sflag:s24] =	ssyncset.done $0x0  }
0x223: {  	s20 =	simm.s32 $0x580;
	[sflag:s24] =	ssyncadd.s32 $0xFFFFC000  }
0x224: {  	[tilespmem:s18], [sflag:$0x2] =	stream.indirect.gather [hbm4b:s2+s15], $0x80, s20, s15, $0xb8;
	[tilespmem:$0x1D000] =	vst v63  }
0x225: {  	_ =	swait.ge [sflag:s19], $0x4000  }
0x226: {  	[sflag:s19] =	ssyncset.done $0x0  }
0x227: {  	s22 =	simm.s32 $0xD80;
	[sflag:s19] =	ssyncadd.s32 $0xFFFFC000  }
0x228: {  	[spmem:s3] =	stream.indirect.scatter.add.f32 [tilespmem:s18], [sflag:$0x4], $0x80, s22, s15, $0xb8;
	[tilespmem:$0x1D000] =	vst v63  }
0x229: {  	_ =	swait.ge [sflag:s21], $0x4000  }
0x22a: {  	[sflag:s21] =	ssyncset.done $0x0  }
0x22b: {  	s9 =	simm.s32 $0x600;
	[sflag:s21] =	ssyncadd.s32 $0xFFFFC000  }
0x22c: {  	[tilespmem:s16], [sflag:$0x1] =	stream.indirect.gather [hbm4b:s2+s15], $0x80, s9, s15, $0xb8;
	[tilespmem:$0x1D000] =	vst v63  }
0x22d: {  	_ =	swait.ge [sflag:s17], $0x4000  }
0x22e: {  	[sflag:s17] =	ssyncset.done $0x0  }
0x22f: {  	s12 =	simm.s32 $0xE00;
	[sflag:s17] =	ssyncadd.s32 $0xFFFFC000  }
0x230: {  	[spmem:s3] =	stream.indirect.scatter.add.f32 [tilespmem:s16], [sflag:$0x3], $0x80, s12, s15, $0xb8;
	[tilespmem:$0x1D000] =	vst v63  }
0x231: {  	_ =	swait.ge [sflag:s24], $0x4000  }
0x232: {  	[sflag:s24] =	ssyncset.done $0x0  }
0x233: {  	s20 =	simm.s32 $0x680;
	[sflag:s24] =	ssyncadd.s32 $0xFFFFC000  }
0x234: {  	[tilespmem:s18], [sflag:$0x2] =	stream.indirect.gather [hbm4b:s2+s15], $0x80, s20, s15, $0xb8;
	[tilespmem:$0x1D000] =	vst v63  }
0x235: {  	_ =	swait.ge [sflag:s19], $0x4000  }
0x236: {  	[sflag:s19] =	ssyncset.done $0x0  }
0x237: {  	s22 =	simm.s32 $0xE80;
	[sflag:s19] =	ssyncadd.s32 $0xFFFFC000  }
0x238: {  	[spmem:s3] =	stream.indirect.scatter.add.f32 [tilespmem:s18], [sflag:$0x4], $0x80, s22, s15, $0xb8;
	[tilespmem:$0x1D000] =	vst v63  }
0x239: {  	_ =	swait.ge [sflag:s21], $0x4000  }
0x23a: {  	[sflag:s21] =	ssyncset.done $0x0  }
0x23b: {  	s9 =	simm.s32 $0x700;
	[sflag:s21] =	ssyncadd.s32 $0xFFFFC000  }
0x23c: {  	[tilespmem:s16], [sflag:$0x1] =	stream.indirect.gather [hbm4b:s2+s15], $0x80, s9, s15, $0xb8;
	[tilespmem:$0x1D000] =	vst v63  }
0x23d: {  	_ =	swait.ge [sflag:s17], $0x4000  }
0x23e: {  	[sflag:s17] =	ssyncset.done $0x0  }
0x23f: {  	s12 =	simm.s32 $0xF00;
	[sflag:s17] =	ssyncadd.s32 $0xFFFFC000  }
0x240: {  	[spmem:s3] =	stream.indirect.scatter.add.f32 [tilespmem:s16], [sflag:$0x3], $0x80, s12, s15, $0xb8;
	[tilespmem:$0x1D000] =	vst v63  }
0x241: {  	_ =	swait.ge [sflag:s24], $0x4000  }
0x242: {  	[sflag:s24] =	ssyncset.done $0x0  }
0x243: {  	s20 =	simm.s32 $0x780;
	[sflag:s24] =	ssyncadd.s32 $0xFFFFC000  }
0x244: {  	[tilespmem:s18], [sflag:$0x2] =	stream.indirect.gather [hbm4b:s2+s15], $0x80, s20, s15, $0xb8;
	[tilespmem:$0x1D000] =	vst v63  }
0x245: {  	_ =	swait.ge [sflag:s19], $0x4000  }
0x246: {  	[sflag:s19] =	ssyncset.done $0x0  }
0x247: {  	s22 =	simm.s32 $0xF80;
	[sflag:s19] =	ssyncadd.s32 $0xFFFFC000  }
0x248: {  	[spmem:s3] =	stream.indirect.scatter.add.f32 [tilespmem:s18], [sflag:$0x4], $0x80, s22, s15, $0xb8;
	[tilespmem:$0x1D000] =	vst v63  }
0x249: {  	_ =	swait.ge [sflag:s21], $0x4000  }
0x24a: {  	[sflag:s21] =	ssyncset.done $0x0  }
0x24b: {  	[sflag:s21] =	ssyncadd.s32 $0xFFFFC000  }
0x24c: {  	_ =	swait.ge [sflag:s24], $0x4000  }
0x24d: {  	s7 =	simm.s32 $0x200;
	s9 =	simm.s32 $0x100;
	[sflag:s24] =	ssyncset.done $0x0  }
.LBB2_3:
0x24e: {  	s20 =	sadd.s32 s9, s11  }
0x24f: {  	[sflag:s24] =	ssyncadd.s32 $0xFFFFC000;
	s22 =	smov.u32 s7;
	s12 =	sadd.s32 $0x100, s7  }
0x250: {  	[tilespmem:s4], [sflag:$0x5] =	stream.linear.gather [hbm4b:s20+s4], $0x800, $0x38;
	[tilespmem:$0x1D000] =	vst v63  }
0x251: {  	s20 =	simm.s32 $0x880  }
0x252: {  	p1 =	seq.s32 s7, $0x900;
	_ =	swait.ge [sflag:s13], $0x800  }
0x253: {  	s7 =	sadd.s32 s9, s10;
	[sflag:s13] =	ssyncset.done $0x0  }
0x254: {  	s9 =	smov.u32 s22;
	s22 =	simm.s32 $0x100;
	[sflag:s13] =	ssyncadd.s32 $0xFFFFF800  }
0x255: {  	[tilespmem:s14], [sflag:$0x5] =	stream.linear.gather [hbm4b:s7+s4], $0x800, $0x38;
	[tilespmem:$0x1D000] =	vst v63  }
0x256: {  	_ =	swait.ge [sflag:s13], $0x800  }
0x257: {  	[sflag:s13] =	ssyncset.done $0x0  }
0x258: {  	[sflag:s13] =	ssyncadd.s32 $0xFFFFF800  }
0x259: {  	[tilespmem:s16], [sflag:$0x1] =	stream.indirect.gather [hbm4b:s2+s15], $0x80, s4, s15, $0xb8;
	[tilespmem:$0x1D000] =	vst v63  }
0x25a: {  	_ =	swait.ge [sflag:s17], $0x4000  }
0x25b: {  	[sflag:s17] =	ssyncset.done $0x0  }
0x25c: {  	[sflag:s17] =	ssyncadd.s32 $0xFFFFC000  }
0x25d: {  	[spmem:s3] =	stream.indirect.scatter.add.f32 [tilespmem:s16], [sflag:$0x3], $0x80, s14, s15, $0xb8;
	[tilespmem:$0x1D000] =	vst v63  }
0x25e: {  	_ = 	snop  }
0x25f: {  	[tilespmem:s18], [sflag:$0x2] =	stream.indirect.gather [hbm4b:s2+s15], $0x80, s15, s15, $0xb8;
	[tilespmem:$0x1D000] =	vst v63  }
0x260: {  	_ =	swait.ge [sflag:s19], $0x4000  }
0x261: {  	[sflag:s19] =	ssyncset.done $0x0  }
0x262: {  	[sflag:s19] =	ssyncadd.s32 $0xFFFFC000  }
0x263: {  	[spmem:s3] =	stream.indirect.scatter.add.f32 [tilespmem:s18], [sflag:$0x4], $0x80, s20, s15, $0xb8;
	[tilespmem:$0x1D000] =	vst v63  }
0x264: {  	_ =	swait.ge [sflag:s21], $0x4000  }
0x265: {  	[sflag:s21] =	ssyncset.done $0x0  }
0x266: {  	[sflag:s21] =	ssyncadd.s32 $0xFFFFC000  }
0x267: {  	[tilespmem:s16], [sflag:$0x1] =	stream.indirect.gather [hbm4b:s2+s15], $0x80, s22, s15, $0xb8;
	[tilespmem:$0x1D000] =	vst v63  }
0x268: {  	_ =	swait.ge [sflag:s17], $0x4000  }
0x269: {  	[sflag:s17] =	ssyncset.done $0x0  }
0x26a: {  	[sflag:s17] =	ssyncadd.s32 $0xFFFFC000  }
0x26b: {  	[spmem:s3] =	stream.indirect.scatter.add.f32 [tilespmem:s16], [sflag:$0x3], $0x80, s23, s15, $0xb8;
	[tilespmem:$0x1D000] =	vst v63  }
0x26c: {  	_ =	swait.ge [sflag:s24], $0x4000  }
0x26d: {  	[sflag:s24] =	ssyncset.done $0x0  }
0x26e: {  	[sflag:s24] =	ssyncadd.s32 $0xFFFFC000  }
0x26f: {  	[tilespmem:s18], [sflag:$0x2] =	stream.indirect.gather [hbm4b:s2+s15], $0x80, s25, s15, $0xb8;
	[tilespmem:$0x1D000] =	vst v63  }
0x270: {  	_ =	swait.ge [sflag:s19], $0x4000  }
0x271: {  	[sflag:s19] =	ssyncset.done $0x0  }
0x272: {  	[sflag:s19] =	ssyncadd.s32 $0xFFFFC000  }
0x273: {  	[spmem:s3] =	stream.indirect.scatter.add.f32 [tilespmem:s18], [sflag:$0x4], $0x80, s26, s15, $0xb8;
	[tilespmem:$0x1D000] =	vst v63  }
0x274: {  	_ =	swait.ge [sflag:s21], $0x4000  }
0x275: {  	[sflag:s21] =	ssyncset.done $0x0  }
0x276: {  	[sflag:s21] =	ssyncadd.s32 $0xFFFFC000  }
0x277: {  	[tilespmem:s16], [sflag:$0x1] =	stream.indirect.gather [hbm4b:s2+s15], $0x80, s28, s15, $0xb8;
	[tilespmem:$0x1D000] =	vst v63  }
0x278: {  	_ =	swait.ge [sflag:s17], $0x4000  }
0x279: {  	[sflag:s17] =	ssyncset.done $0x0  }
0x27a: {  	[sflag:s17] =	ssyncadd.s32 $0xFFFFC000  }
0x27b: {  	[spmem:s3] =	stream.indirect.scatter.add.f32 [tilespmem:s16], [sflag:$0x3], $0x80, s29, s15, $0xb8;
	[tilespmem:$0x1D000] =	vst v63  }
0x27c: {  	_ =	swait.ge [sflag:s24], $0x4000  }
0x27d: {  	[sflag:s24] =	ssyncset.done $0x0  }
0x27e: {  	[sflag:s24] =	ssyncadd.s32 $0xFFFFC000  }
0x27f: {  	[tilespmem:s18], [sflag:$0x2] =	stream.indirect.gather [hbm4b:s2+s15], $0x80, s30, s15, $0xb8;
	[tilespmem:$0x1D000] =	vst v63  }
0x280: {  	_ =	swait.ge [sflag:s19], $0x4000  }
0x281: {  	[sflag:s19] =	ssyncset.done $0x0  }
0x282: {  	[sflag:s19] =	ssyncadd.s32 $0xFFFFC000  }
0x283: {  	[spmem:s3] =	stream.indirect.scatter.add.f32 [tilespmem:s18], [sflag:$0x4], $0x80, s31, s15, $0xb8;
	[tilespmem:$0x1D000] =	vst v63  }
0x284: {  	_ =	swait.ge [sflag:s21], $0x4000  }
0x285: {  	[sflag:s21] =	ssyncset.done $0x0  }
0x286: {  	[sflag:s21] =	ssyncadd.s32 $0xFFFFC000  }
0x287: {  	[tilespmem:s16], [sflag:$0x1] =	stream.indirect.gather [hbm4b:s2+s15], $0x80, s1, s15, $0xb8;
	[tilespmem:$0x1D000] =	vst v63  }
0x288: {  	_ =	swait.ge [sflag:s17], $0x4000  }
0x289: {  	[sflag:s17] =	ssyncset.done $0x0  }
0x28a: {  	[sflag:s17] =	ssyncadd.s32 $0xFFFFC000  }
0x28b: {  	[spmem:s3] =	stream.indirect.scatter.add.f32 [tilespmem:s16], [sflag:$0x3], $0x80, s0, s15, $0xb8;
	[tilespmem:$0x1D000] =	vst v63  }
0x28c: {  	_ =	swait.ge [sflag:s24], $0x4000  }
0x28d: {  	[sflag:s24] =	ssyncset.done $0x0  }
0x28e: {  	[sflag:s24] =	ssyncadd.s32 $0xFFFFC000  }
0x28f: {  	[tilespmem:s18], [sflag:$0x2] =	stream.indirect.gather [hbm4b:s2+s15], $0x80, s6, s15, $0xb8;
	[tilespmem:$0x1D000] =	vst v63  }
0x290: {  	_ =	swait.ge [sflag:s19], $0x4000  }
0x291: {  	[sflag:s19] =	ssyncset.done $0x0  }
0x292: {  	[sflag:s19] =	ssyncadd.s32 $0xFFFFC000  }
0x293: {  	[spmem:s3] =	stream.indirect.scatter.add.f32 [tilespmem:s18], [sflag:$0x4], $0x80, s8, s15, $0xb8;
	[tilespmem:$0x1D000] =	vst v63  }
0x294: {  	_ =	swait.ge [sflag:s21], $0x4000  }
0x295: {  	[sflag:s21] =	ssyncset.done $0x0  }
0x296: {  	s7 =	simm.s32 $0x400;
	[sflag:s21] =	ssyncadd.s32 $0xFFFFC000  }
0x297: {  	[tilespmem:s16], [sflag:$0x1] =	stream.indirect.gather [hbm4b:s2+s15], $0x80, s7, s15, $0xb8;
	[tilespmem:$0x1D000] =	vst v63  }
0x298: {  	_ =	swait.ge [sflag:s17], $0x4000  }
0x299: {  	[sflag:s17] =	ssyncset.done $0x0  }
0x29a: {  	s7 =	simm.s32 $0xC00;
	[sflag:s17] =	ssyncadd.s32 $0xFFFFC000  }
0x29b: {  	[spmem:s3] =	stream.indirect.scatter.add.f32 [tilespmem:s16], [sflag:$0x3], $0x80, s7, s15, $0xb8;
	[tilespmem:$0x1D000] =	vst v63  }
0x29c: {  	_ =	swait.ge [sflag:s24], $0x4000  }
0x29d: {  	[sflag:s24] =	ssyncset.done $0x0  }
0x29e: {  	s7 =	simm.s32 $0x480;
	[sflag:s24] =	ssyncadd.s32 $0xFFFFC000  }
0x29f: {  	[tilespmem:s18], [sflag:$0x2] =	stream.indirect.gather [hbm4b:s2+s15], $0x80, s7, s15, $0xb8;
	[tilespmem:$0x1D000] =	vst v63  }
0x2a0: {  	_ =	swait.ge [sflag:s19], $0x4000  }
0x2a1: {  	[sflag:s19] =	ssyncset.done $0x0  }
0x2a2: {  	s7 =	simm.s32 $0xC80;
	[sflag:s19] =	ssyncadd.s32 $0xFFFFC000  }
0x2a3: {  	[spmem:s3] =	stream.indirect.scatter.add.f32 [tilespmem:s18], [sflag:$0x4], $0x80, s7, s15, $0xb8;
	[tilespmem:$0x1D000] =	vst v63  }
0x2a4: {  	_ =	swait.ge [sflag:s21], $0x4000  }
0x2a5: {  	[sflag:s21] =	ssyncset.done $0x0  }
0x2a6: {  	s7 =	simm.s32 $0x500;
	[sflag:s21] =	ssyncadd.s32 $0xFFFFC000  }
0x2a7: {  	[tilespmem:s16], [sflag:$0x1] =	stream.indirect.gather [hbm4b:s2+s15], $0x80, s7, s15, $0xb8;
	[tilespmem:$0x1D000] =	vst v63  }
0x2a8: {  	_ =	swait.ge [sflag:s17], $0x4000  }
0x2a9: {  	[sflag:s17] =	ssyncset.done $0x0  }
0x2aa: {  	s7 =	simm.s32 $0xD00;
	[sflag:s17] =	ssyncadd.s32 $0xFFFFC000  }
0x2ab: {  	[spmem:s3] =	stream.indirect.scatter.add.f32 [tilespmem:s16], [sflag:$0x3], $0x80, s7, s15, $0xb8;
	[tilespmem:$0x1D000] =	vst v63  }
0x2ac: {  	_ =	swait.ge [sflag:s24], $0x4000  }
0x2ad: {  	[sflag:s24] =	ssyncset.done $0x0  }
0x2ae: {  	s7 =	simm.s32 $0x580;
	[sflag:s24] =	ssyncadd.s32 $0xFFFFC000  }
0x2af: {  	[tilespmem:s18], [sflag:$0x2] =	stream.indirect.gather [hbm4b:s2+s15], $0x80, s7, s15, $0xb8;
	[tilespmem:$0x1D000] =	vst v63  }
0x2b0: {  	_ =	swait.ge [sflag:s19], $0x4000  }
0x2b1: {  	[sflag:s19] =	ssyncset.done $0x0  }
0x2b2: {  	s7 =	simm.s32 $0xD80;
	[sflag:s19] =	ssyncadd.s32 $0xFFFFC000  }
0x2b3: {  	[spmem:s3] =	stream.indirect.scatter.add.f32 [tilespmem:s18], [sflag:$0x4], $0x80, s7, s15, $0xb8;
	[tilespmem:$0x1D000] =	vst v63  }
0x2b4: {  	_ =	swait.ge [sflag:s21], $0x4000  }
0x2b5: {  	[sflag:s21] =	ssyncset.done $0x0  }
0x2b6: {  	s7 =	simm.s32 $0x600;
	[sflag:s21] =	ssyncadd.s32 $0xFFFFC000  }
0x2b7: {  	[tilespmem:s16], [sflag:$0x1] =	stream.indirect.gather [hbm4b:s2+s15], $0x80, s7, s15, $0xb8;
	[tilespmem:$0x1D000] =	vst v63  }
0x2b8: {  	_ =	swait.ge [sflag:s17], $0x4000  }
0x2b9: {  	[sflag:s17] =	ssyncset.done $0x0  }
0x2ba: {  	s7 =	simm.s32 $0xE00;
	[sflag:s17] =	ssyncadd.s32 $0xFFFFC000  }
0x2bb: {  	[spmem:s3] =	stream.indirect.scatter.add.f32 [tilespmem:s16], [sflag:$0x3], $0x80, s7, s15, $0xb8;
	[tilespmem:$0x1D000] =	vst v63  }
0x2bc: {  	_ =	swait.ge [sflag:s24], $0x4000  }
0x2bd: {  	[sflag:s24] =	ssyncset.done $0x0  }
0x2be: {  	s7 =	simm.s32 $0x680;
	[sflag:s24] =	ssyncadd.s32 $0xFFFFC000  }
0x2bf: {  	[tilespmem:s18], [sflag:$0x2] =	stream.indirect.gather [hbm4b:s2+s15], $0x80, s7, s15, $0xb8;
	[tilespmem:$0x1D000] =	vst v63  }
0x2c0: {  	_ =	swait.ge [sflag:s19], $0x4000  }
0x2c1: {  	[sflag:s19] =	ssyncset.done $0x0  }
0x2c2: {  	s7 =	simm.s32 $0xE80;
	[sflag:s19] =	ssyncadd.s32 $0xFFFFC000  }
0x2c3: {  	[spmem:s3] =	stream.indirect.scatter.add.f32 [tilespmem:s18], [sflag:$0x4], $0x80, s7, s15, $0xb8;
	[tilespmem:$0x1D000] =	vst v63  }
0x2c4: {  	_ =	swait.ge [sflag:s21], $0x4000  }
0x2c5: {  	[sflag:s21] =	ssyncset.done $0x0  }
0x2c6: {  	s7 =	simm.s32 $0x700;
	[sflag:s21] =	ssyncadd.s32 $0xFFFFC000  }
0x2c7: {  	[tilespmem:s16], [sflag:$0x1] =	stream.indirect.gather [hbm4b:s2+s15], $0x80, s7, s15, $0xb8;
	[tilespmem:$0x1D000] =	vst v63  }
0x2c8: {  	_ =	swait.ge [sflag:s17], $0x4000  }
0x2c9: {  	[sflag:s17] =	ssyncset.done $0x0  }
0x2ca: {  	s7 =	simm.s32 $0xF00;
	[sflag:s17] =	ssyncadd.s32 $0xFFFFC000  }
0x2cb: {  	[spmem:s3] =	stream.indirect.scatter.add.f32 [tilespmem:s16], [sflag:$0x3], $0x80, s7, s15, $0xb8;
	[tilespmem:$0x1D000] =	vst v63  }
0x2cc: {  	_ =	swait.ge [sflag:s24], $0x4000  }
0x2cd: {  	[sflag:s24] =	ssyncset.done $0x0  }
0x2ce: {  	s7 =	simm.s32 $0x780;
	[sflag:s24] =	ssyncadd.s32 $0xFFFFC000  }
0x2cf: {  	[tilespmem:s18], [sflag:$0x2] =	stream.indirect.gather [hbm4b:s2+s15], $0x80, s7, s15, $0xb8;
	[tilespmem:$0x1D000] =	vst v63  }
0x2d0: {  	_ =	swait.ge [sflag:s19], $0x4000  }
0x2d1: {  	[sflag:s19] =	ssyncset.done $0x0  }
0x2d2: {  	s7 =	simm.s32 $0xF80;
	[sflag:s19] =	ssyncadd.s32 $0xFFFFC000  }
0x2d3: {  	[spmem:s3] =	stream.indirect.scatter.add.f32 [tilespmem:s18], [sflag:$0x4], $0x80, s7, s15, $0xb8;
	[tilespmem:$0x1D000] =	vst v63  }
.Ltmp5:
0x2d4: {  	_ =	swait.ge [sflag:s21], $0x4000;
	(pc) =	sbr.rel @!p1 .LBB2_3-.Ltmp5, $4  }
0x2d5: {  	[sflag:s21] =	ssyncset.done $0x0  }
0x2d6: {  	[sflag:s21] =	ssyncadd.s32 $0xFFFFC000  }
0x2d7: {  	_ =	swait.ge [sflag:s24], $0x4000  }
0x2d8: {  	s7 =	smov.u32 s12;
	[sflag:s24] =	ssyncset.done $0x0  }
0x2d9: {  	s7 =	sadd.s32 s9, s11;
	[sflag:s24] =	ssyncadd.s32 $0xFFFFC000  }
0x2da: {  	[tilespmem:s4], [sflag:$0x5] =	stream.linear.gather [hbm4b:s7+s4], $0x800, $0x38;
	[tilespmem:$0x1D000] =	vst v63  }
0x2db: {  	_ =	swait.ge [sflag:s13], $0x800  }
0x2dc: {  	[sflag:s13] =	ssyncset.done $0x0  }
0x2dd: {  	s12 =	sadd.s32 s9, s10;
	[sflag:s13] =	ssyncadd.s32 $0xFFFFF800  }
0x2de: {  	[tilespmem:s14], [sflag:$0x5] =	stream.linear.gather [hbm4b:s12+s4], $0x800, $0x38;
	[tilespmem:$0x1D000] =	vst v63  }
0x2df: {  	_ =	swait.ge [sflag:s13], $0x800  }
0x2e0: {  	[sflag:s13] =	ssyncset.done $0x0  }
0x2e1: {  	[sflag:s13] =	ssyncadd.s32 $0xFFFFF800  }
0x2e2: {  	[tilespmem:s16], [sflag:$0x1] =	stream.indirect.gather [hbm4b:s2+s15], $0x80, s4, s15, $0xb8;
	[tilespmem:$0x1D000] =	vst v63  }
0x2e3: {  	_ =	swait.ge [sflag:s17], $0x4000  }
0x2e4: {  	[sflag:s17] =	ssyncset.done $0x0  }
0x2e5: {  	[sflag:s17] =	ssyncadd.s32 $0xFFFFC000  }
0x2e6: {  	[spmem:s3] =	stream.indirect.scatter.add.f32 [tilespmem:s16], [sflag:$0x3], $0x80, s14, s15, $0xb8;
	[tilespmem:$0x1D000] =	vst v63  }
0x2e7: {  	_ = 	snop  }
0x2e8: {  	[tilespmem:s18], [sflag:$0x2] =	stream.indirect.gather [hbm4b:s2+s15], $0x80, s15, s15, $0xb8;
	[tilespmem:$0x1D000] =	vst v63  }
0x2e9: {  	_ =	swait.ge [sflag:s19], $0x4000  }
0x2ea: {  	[sflag:s19] =	ssyncset.done $0x0  }
0x2eb: {  	[sflag:s19] =	ssyncadd.s32 $0xFFFFC000  }
0x2ec: {  	[spmem:s3] =	stream.indirect.scatter.add.f32 [tilespmem:s18], [sflag:$0x4], $0x80, s20, s15, $0xb8;
	[tilespmem:$0x1D000] =	vst v63  }
0x2ed: {  	_ =	swait.ge [sflag:s21], $0x4000  }
0x2ee: {  	[sflag:s21] =	ssyncset.done $0x0  }
0x2ef: {  	[sflag:s21] =	ssyncadd.s32 $0xFFFFC000  }
0x2f0: {  	[tilespmem:s16], [sflag:$0x1] =	stream.indirect.gather [hbm4b:s2+s15], $0x80, s22, s15, $0xb8;
	[tilespmem:$0x1D000] =	vst v63  }
0x2f1: {  	_ =	swait.ge [sflag:s17], $0x4000  }
0x2f2: {  	[sflag:s17] =	ssyncset.done $0x0  }
0x2f3: {  	[sflag:s17] =	ssyncadd.s32 $0xFFFFC000  }
0x2f4: {  	[spmem:s3] =	stream.indirect.scatter.add.f32 [tilespmem:s16], [sflag:$0x3], $0x80, s23, s15, $0xb8;
	[tilespmem:$0x1D000] =	vst v63  }
0x2f5: {  	_ =	swait.ge [sflag:s24], $0x4000  }
0x2f6: {  	[sflag:s24] =	ssyncset.done $0x0  }
0x2f7: {  	[sflag:s24] =	ssyncadd.s32 $0xFFFFC000  }
0x2f8: {  	[tilespmem:s18], [sflag:$0x2] =	stream.indirect.gather [hbm4b:s2+s15], $0x80, s25, s15, $0xb8;
	[tilespmem:$0x1D000] =	vst v63  }
0x2f9: {  	_ =	swait.ge [sflag:s19], $0x4000  }
0x2fa: {  	[sflag:s19] =	ssyncset.done $0x0  }
0x2fb: {  	[sflag:s19] =	ssyncadd.s32 $0xFFFFC000  }
0x2fc: {  	[spmem:s3] =	stream.indirect.scatter.add.f32 [tilespmem:s18], [sflag:$0x4], $0x80, s26, s15, $0xb8;
	[tilespmem:$0x1D000] =	vst v63  }
0x2fd: {  	_ =	swait.ge [sflag:s21], $0x4000  }
0x2fe: {  	[sflag:s21] =	ssyncset.done $0x0  }
0x2ff: {  	[sflag:s21] =	ssyncadd.s32 $0xFFFFC000  }
0x300: {  	[tilespmem:s16], [sflag:$0x1] =	stream.indirect.gather [hbm4b:s2+s15], $0x80, s28, s15, $0xb8;
	[tilespmem:$0x1D000] =	vst v63  }
0x301: {  	_ =	swait.ge [sflag:s17], $0x4000  }
0x302: {  	[sflag:s17] =	ssyncset.done $0x0  }
0x303: {  	[sflag:s17] =	ssyncadd.s32 $0xFFFFC000  }
0x304: {  	[spmem:s3] =	stream.indirect.scatter.add.f32 [tilespmem:s16], [sflag:$0x3], $0x80, s29, s15, $0xb8;
	[tilespmem:$0x1D000] =	vst v63  }
0x305: {  	_ =	swait.ge [sflag:s24], $0x4000  }
0x306: {  	[sflag:s24] =	ssyncset.done $0x0  }
0x307: {  	[sflag:s24] =	ssyncadd.s32 $0xFFFFC000  }
0x308: {  	[tilespmem:s18], [sflag:$0x2] =	stream.indirect.gather [hbm4b:s2+s15], $0x80, s30, s15, $0xb8;
	[tilespmem:$0x1D000] =	vst v63  }
0x309: {  	_ =	swait.ge [sflag:s19], $0x4000  }
0x30a: {  	[sflag:s19] =	ssyncset.done $0x0  }
0x30b: {  	[sflag:s19] =	ssyncadd.s32 $0xFFFFC000  }
0x30c: {  	[spmem:s3] =	stream.indirect.scatter.add.f32 [tilespmem:s18], [sflag:$0x4], $0x80, s31, s15, $0xb8;
	[tilespmem:$0x1D000] =	vst v63  }
0x30d: {  	_ =	swait.ge [sflag:s21], $0x4000  }
0x30e: {  	[sflag:s21] =	ssyncset.done $0x0  }
0x30f: {  	[sflag:s21] =	ssyncadd.s32 $0xFFFFC000  }
0x310: {  	[tilespmem:s16], [sflag:$0x1] =	stream.indirect.gather [hbm4b:s2+s15], $0x80, s1, s15, $0xb8;
	[tilespmem:$0x1D000] =	vst v63  }
0x311: {  	_ =	swait.ge [sflag:s17], $0x4000  }
0x312: {  	[sflag:s17] =	ssyncset.done $0x0  }
0x313: {  	[sflag:s17] =	ssyncadd.s32 $0xFFFFC000  }
0x314: {  	[spmem:s3] =	stream.indirect.scatter.add.f32 [tilespmem:s16], [sflag:$0x3], $0x80, s0, s15, $0xb8;
	[tilespmem:$0x1D000] =	vst v63  }
0x315: {  	_ =	swait.ge [sflag:s24], $0x4000  }
0x316: {  	[sflag:s24] =	ssyncset.done $0x0  }
0x317: {  	[sflag:s24] =	ssyncadd.s32 $0xFFFFC000  }
0x318: {  	[tilespmem:s18], [sflag:$0x2] =	stream.indirect.gather [hbm4b:s2+s15], $0x80, s6, s15, $0xb8;
	[tilespmem:$0x1D000] =	vst v63  }
0x319: {  	_ =	swait.ge [sflag:s19], $0x4000  }
0x31a: {  	[sflag:s19] =	ssyncset.done $0x0  }
0x31b: {  	[sflag:s19] =	ssyncadd.s32 $0xFFFFC000  }
0x31c: {  	[spmem:s3] =	stream.indirect.scatter.add.f32 [tilespmem:s18], [sflag:$0x4], $0x80, s8, s15, $0xb8;
	[tilespmem:$0x1D000] =	vst v63  }
0x31d: {  	_ =	swait.ge [sflag:s21], $0x4000  }
0x31e: {  	[sflag:s21] =	ssyncset.done $0x0  }
0x31f: {  	s29 =	simm.s32 $0x400;
	[sflag:s21] =	ssyncadd.s32 $0xFFFFC000  }
0x320: {  	[tilespmem:s16], [sflag:$0x1] =	stream.indirect.gather [hbm4b:s2+s15], $0x80, s29, s15, $0xb8;
	[tilespmem:$0x1D000] =	vst v63  }
0x321: {  	_ =	swait.ge [sflag:s17], $0x4000  }
0x322: {  	[sflag:s17] =	ssyncset.done $0x0  }
0x323: {  	s30 =	simm.s32 $0xC00;
	[sflag:s17] =	ssyncadd.s32 $0xFFFFC000  }
0x324: {  	[spmem:s3] =	stream.indirect.scatter.add.f32 [tilespmem:s16], [sflag:$0x3], $0x80, s30, s15, $0xb8;
	[tilespmem:$0x1D000] =	vst v63  }
0x325: {  	_ =	swait.ge [sflag:s24], $0x4000  }
0x326: {  	[sflag:s24] =	ssyncset.done $0x0  }
0x327: {  	s31 =	simm.s32 $0x480;
	[sflag:s24] =	ssyncadd.s32 $0xFFFFC000  }
0x328: {  	[tilespmem:s18], [sflag:$0x2] =	stream.indirect.gather [hbm4b:s2+s15], $0x80, s31, s15, $0xb8;
	[tilespmem:$0x1D000] =	vst v63  }
0x329: {  	_ =	swait.ge [sflag:s19], $0x4000  }
0x32a: {  	[sflag:s19] =	ssyncset.done $0x0  }
0x32b: {  	s1 =	simm.s32 $0xC80;
	[sflag:s19] =	ssyncadd.s32 $0xFFFFC000  }
0x32c: {  	[spmem:s3] =	stream.indirect.scatter.add.f32 [tilespmem:s18], [sflag:$0x4], $0x80, s1, s15, $0xb8;
	[tilespmem:$0x1D000] =	vst v63  }
0x32d: {  	_ =	swait.ge [sflag:s21], $0x4000  }
0x32e: {  	[sflag:s21] =	ssyncset.done $0x0  }
0x32f: {  	s6 =	simm.s32 $0x500;
	[sflag:s21] =	ssyncadd.s32 $0xFFFFC000  }
0x330: {  	[tilespmem:s16], [sflag:$0x1] =	stream.indirect.gather [hbm4b:s2+s15], $0x80, s6, s15, $0xb8;
	[tilespmem:$0x1D000] =	vst v63  }
0x331: {  	_ =	swait.ge [sflag:s17], $0x4000  }
0x332: {  	[sflag:s17] =	ssyncset.done $0x0  }
0x333: {  	s7 =	simm.s32 $0xD00;
	[sflag:s17] =	ssyncadd.s32 $0xFFFFC000  }
0x334: {  	[spmem:s3] =	stream.indirect.scatter.add.f32 [tilespmem:s16], [sflag:$0x3], $0x80, s7, s15, $0xb8;
	[tilespmem:$0x1D000] =	vst v63  }
0x335: {  	_ =	swait.ge [sflag:s24], $0x4000  }
0x336: {  	[sflag:s24] =	ssyncset.done $0x0  }
0x337: {  	s8 =	simm.s32 $0x580;
	[sflag:s24] =	ssyncadd.s32 $0xFFFFC000  }
0x338: {  	[tilespmem:s18], [sflag:$0x2] =	stream.indirect.gather [hbm4b:s2+s15], $0x80, s8, s15, $0xb8;
	[tilespmem:$0x1D000] =	vst v63  }
0x339: {  	_ =	swait.ge [sflag:s19], $0x4000  }
0x33a: {  	[sflag:s19] =	ssyncset.done $0x0  }
0x33b: {  	s9 =	simm.s32 $0xD80;
	[sflag:s19] =	ssyncadd.s32 $0xFFFFC000  }
0x33c: {  	[spmem:s3] =	stream.indirect.scatter.add.f32 [tilespmem:s18], [sflag:$0x4], $0x80, s9, s15, $0xb8;
	[tilespmem:$0x1D000] =	vst v63  }
0x33d: {  	_ =	swait.ge [sflag:s21], $0x4000  }
0x33e: {  	[sflag:s21] =	ssyncset.done $0x0  }
0x33f: {  	s12 =	simm.s32 $0x600;
	[sflag:s21] =	ssyncadd.s32 $0xFFFFC000  }
0x340: {  	[tilespmem:s16], [sflag:$0x1] =	stream.indirect.gather [hbm4b:s2+s15], $0x80, s12, s15, $0xb8;
	[tilespmem:$0x1D000] =	vst v63  }
0x341: {  	_ =	swait.ge [sflag:s17], $0x4000  }
0x342: {  	[sflag:s17] =	ssyncset.done $0x0  }
0x343: {  	s23 =	simm.s32 $0xE00;
	[sflag:s17] =	ssyncadd.s32 $0xFFFFC000  }
0x344: {  	[spmem:s3] =	stream.indirect.scatter.add.f32 [tilespmem:s16], [sflag:$0x3], $0x80, s23, s15, $0xb8;
	[tilespmem:$0x1D000] =	vst v63  }
0x345: {  	_ =	swait.ge [sflag:s24], $0x4000  }
0x346: {  	[sflag:s24] =	ssyncset.done $0x0  }
0x347: {  	s25 =	simm.s32 $0x680;
	[sflag:s24] =	ssyncadd.s32 $0xFFFFC000  }
0x348: {  	[tilespmem:s18], [sflag:$0x2] =	stream.indirect.gather [hbm4b:s2+s15], $0x80, s25, s15, $0xb8;
	[tilespmem:$0x1D000] =	vst v63  }
0x349: {  	_ =	swait.ge [sflag:s19], $0x4000  }
0x34a: {  	[sflag:s19] =	ssyncset.done $0x0  }
0x34b: {  	s26 =	simm.s32 $0xE80;
	[sflag:s19] =	ssyncadd.s32 $0xFFFFC000  }
0x34c: {  	[spmem:s3] =	stream.indirect.scatter.add.f32 [tilespmem:s18], [sflag:$0x4], $0x80, s26, s15, $0xb8;
	[tilespmem:$0x1D000] =	vst v63  }
0x34d: {  	_ =	swait.ge [sflag:s21], $0x4000  }
0x34e: {  	[sflag:s21] =	ssyncset.done $0x0  }
0x34f: {  	s28 =	simm.s32 $0x700;
	[sflag:s21] =	ssyncadd.s32 $0xFFFFC000  }
0x350: {  	[tilespmem:s16], [sflag:$0x1] =	stream.indirect.gather [hbm4b:s2+s15], $0x80, s28, s15, $0xb8;
	[tilespmem:$0x1D000] =	vst v63  }
0x351: {  	_ =	swait.ge [sflag:s17], $0x4000  }
0x352: {  	[sflag:s17] =	ssyncset.done $0x0  }
0x353: {  	s29 =	simm.s32 $0xF00;
	[sflag:s17] =	ssyncadd.s32 $0xFFFFC000  }
0x354: {  	[spmem:s3] =	stream.indirect.scatter.add.f32 [tilespmem:s16], [sflag:$0x3], $0x80, s29, s15, $0xb8;
	[tilespmem:$0x1D000] =	vst v63  }
0x355: {  	_ =	swait.ge [sflag:s24], $0x4000  }
0x356: {  	[sflag:s24] =	ssyncset.done $0x0  }
0x357: {  	s30 =	simm.s32 $0x780;
	[sflag:s24] =	ssyncadd.s32 $0xFFFFC000  }
0x358: {  	[tilespmem:s18], [sflag:$0x2] =	stream.indirect.gather [hbm4b:s2+s15], $0x80, s30, s15, $0xb8;
	[tilespmem:$0x1D000] =	vst v63  }
0x359: {  	_ =	swait.ge [sflag:s19], $0x4000  }
0x35a: {  	[sflag:s19] =	ssyncset.done $0x0  }
0x35b: {  	s31 =	simm.s32 $0xF80;
	[sflag:s19] =	ssyncadd.s32 $0xFFFFC000  }
0x35c: {  	[spmem:s3] =	stream.indirect.scatter.add.f32 [tilespmem:s18], [sflag:$0x4], $0x80, s31, s15, $0xb8;
	[tilespmem:$0x1D000] =	vst v63  }
0x35d: {  	_ =	swait.ge [sflag:s21], $0x4000  }
.Ltmp6:
0x35e: {  	[sflag:s21] =	ssyncset.done $0x0;
	(pc) =	sbr.rel .LBB2_8-.Ltmp6, $4  }
0x35f: {  	[sflag:s21] =	ssyncadd.s32 $0xFFFFC000  }
0x360: {  	_ =	swait.ge [sflag:s24], $0x4000  }
0x361: {  	[sflag:s24] =	ssyncset.done $0x0  }
0x362: {  	s0 =	rddreg [dreg:$0x9];
	[sflag:s24] =	ssyncadd.s32 $0xFFFFC000  }
.LBB2_9:
0x363: {  	_ =	sfence.sel $0x180000  }
0x364: {  	[bflag:$0x0] =	sbarrier.arrive $0xFFFF  }
0x365: {  	_ =	strace $0x9000004A  }
0x366: {  	s0 =	stileid.u32;
	[bflag:$0x2] =	sbarrier.arrive $0xFFFF  }
0x367: {  	p0 =	sne.s32 s0, $0x0;
	s0 =	rddreg [dreg:$0x3]  }
0x368: {  	s0 =	sadd.s32 @!p0 $0x100000, s0  }
0x369: {  	[sflag:s0] =	ssyncadd.tile.s32 @!p0 $0x1;
	_ =	shalt  }
.Lfunc_end2:
_tile_overlayer_lowered:
.L_overlay_start_2:
0x36a: {  	(tag) =	ssettag $0x2  }
0x36b: {  	s0 =	rddreg [dreg:$0x0];
	s2 =	stileid.u32  }
0x36c: {  	s1 =	rddreg [dreg:$0x1];
	p0 =	sne.s32 s2, $0x0  }
0x36d: {  	s3 =	rddreg [dreg:$0x2];
	[bflag:$0x3] =	sbarrier.arrive $0xFFFF;
	s2 =	simm.s32 @!p0 $0x1C05  }
0x36e: {  	[timem:s3], [sflag:s2] =	dma.local @!p0 [hbm:s0], s1  }
0x36f: {  	s0 =	simm.s32 @!p0 $0x5  }
0x370: {  	_ =	swait.ge @!p0 [sflag:s0], s1  }
0x371: {  	s1 =	ssub.s32 @!p0 $0x0, s1;
	[sflag:s0] =	ssyncset.done @!p0 $0x0  }
0x372: {  	[sflag:s0] =	ssyncadd.s32 @!p0 s1  }
0x373: {  	[bflag:$0x3] =	sbarrier.arrive $0xFFFF  }
0x374: {  	_ =	shalt  }

// kernel: kernel.16.cloned.1.call-start
scs
__scs_entry_jumppad:
0x0: {  	(pc) =	sbr.rel $0x88, $3  }
0x1: {  	(tag) =	ssettag $0x0;
	lr =	simm.s32 $0x1  }
0x2: {  	[smem:$0x3F97] =	sst lr;
	_ =	strace $0xD0000000  }
0x3: {  	_ = 	snop  }
0x4: {  	_ = 	snop  }
0x5: {  	_ = 	snop  }
0x6: {  	_ = 	snop  }
0x7: {  	_ = 	snop  }
__scs_overlays_trampoline_lowered:
0x8: {  	[smem:$0x3FA6] =	sst s0  }
0x9: {  	[smem:$0x3FA7] =	sst s1  }
0xa: {  	[smem:$0x3FA8] =	sst s2  }
0xb: {  	[smem:$0x3FA9] =	sst s3  }
0xc: {  	[smem:$0x3FAA] =	sst s4  }
0xd: {  	[smem:$0x3FAB] =	sst s5  }
0xe: {  	[smem:$0x3FAC] =	sst s6  }
0xf: {  	[smem:$0x3FAD] =	sst s7  }
0x10: {  	[smem:$0x3FAE] =	sst s8  }
0x11: {  	[smem:$0x3FAF] =	sst s9;
	s0 =	simm.s32 @!p0 $0x0  }
0x12: {  	s1 =	sld [smem:$0x3F95];
	s0 =	simm.s32 @p0 $0x1  }
0x13: {  	[smem:$0x3FB0] =	sst s0;
	s0 =	simm.s32 @!p1 $0x0  }
0x14: {  	s2 =	sld [smem:$0x3F94];
	s0 =	simm.s32 @p1 $0x1  }
0x15: {  	[smem:$0x3FB1] =	sst s0;
	s0 =	simm.s32 @!p2 $0x0  }
0x16: {  	s3 =	sld [smem:$0x3FDB];
	s0 =	simm.s32 @p2 $0x1  }
0x17: {  	s4 =	simm.s32 $0x1BF5;
	[smem:$0x3FB3] =	sst s0  }
0x18: {  	s0 =	sld [smem:$0x3F96];
	_ =	swait.ge [sflag:s4], $0x0  }
0x19: {  	s7 =	sld [smem:$0x3F97]  }
0x1a: {  	s8 =	sadd.s32 $0xFFFFE003, lr  }
0x1b: {  	s9 =	sadd.s32 $0xFFFFFEF7, lr;
	s5 =	simm.s32 $0xFFFFFFFF;
	p2 =	slt.u32 s8, $0xFFFFF086  }
0x1c: {  	p1 =	slt.u32 s9, $0xF7A;
	s5 =	simm.s32 @!p2 $0x0  }
0x1d: {  	s5 =	simm.s32 @p1 $0x1;
	p0 =	seq.s32 s7, s2  }
0x1e: {  	s7 =	smul.u32 @!p0 $0xF7A, s2;
	p2 =	seq.s32 @!p0 s5, $0x0  }
0x1f: {  	s9 =	smul.u32 $0xF7A, s1;
	s8 =	simm.s32 @!p0 $0x1BF5;
	p2 =	por !p2, p0  }
0x20: {  	[sflag:s8] =	ssyncset.s32 @!p0 $0xFFFFF086;
	s6 =	sadd.s32 @!p0 s3, s7;
	s7 =	simm.s32 @!p0 $0x108  }
0x21: {  	s3 =	sadd.s32 s3, s9;
	s6 =	sadd.s32 @!p0 $0x88, s6;
	s7 =	simm.s32 @p2 $0x1082  }
0x22: {  	[simem:s7], [sflag:s8] =	dma.local @!p0 [hbm:s6], $0xF7A  }
0x23: {  	s9 =	sor.u32 $0xD0000000, s2;
	s6 =	simm.s32 $0x108;
	_ =	swait.ge @!p0 [sflag:s8], $0x0  }
0x24: {  	s3 =	sadd.s32 $0x88, s3;
	s6 =	simm.s32 @!p1 $0x1082;
	[sflag:s4] =	ssyncset.s32 $0xFFFFF086  }
0x25: {  	[simem:s6], [sflag:s4] =	dma.local [hbm:s3], $0xF7A  }
0x26: {  	[smem:$0x3F97] =	sst s1;
	(tag) =	ssettag s2;
	_ =	strace s9  }
0x27: {  	s1 =	sld [smem:$0x3FA7]  }
0x28: {  	s2 =	sld [smem:$0x3FA8]  }
0x29: {  	s4 =	sld [smem:$0x3FAA]  }
0x2a: {  	p0 =	seq.s32 s5, $0x0;
	s5 =	sld [smem:$0x3FAB]  }
0x2b: {  	s6 =	sld [smem:$0x3FAC]  }
0x2c: {  	s7 =	sld [smem:$0x3FAD]  }
0x2d: {  	s3 =	simm.s32 $0x108;
	s8 =	sld [smem:$0x3FAE]  }
0x2e: {  	s3 =	simm.s32 @!p0 $0x1082;
	s9 =	sld [smem:$0x3FAF]  }
0x2f: {  	lr =	sadd.s32 s0, s3;
	s0 =	sld [smem:$0x3FA6]  }
0x30: {  	s3 =	sld [smem:$0x3FA9]  }
0x31: {  	[smem:$0x3FB2] =	sst s10  }
0x32: {  	s10 =	sld [smem:$0x3FB0];
	_ =	sdelay $0x3  }
0x33: {  	p0 =	seq.s32 s10, $0x1;
	s10 =	sld [smem:$0x3FB2];
	_ =	sdelay $0x3  }
0x34: {  	[smem:$0x3FB2] =	sst s10  }
0x35: {  	s10 =	sld [smem:$0x3FB1];
	_ =	sdelay $0x3  }
0x36: {  	p1 =	seq.s32 s10, $0x1;
	s10 =	sld [smem:$0x3FB2];
	_ =	sdelay $0x3  }
0x37: {  	[smem:$0x3FB2] =	sst s10  }
0x38: {  	s10 =	sld [smem:$0x3FB3]  }
0x39: {  	_ = 	snop;
	(pc) =	sbr.ind lr, $3  }
0x3a: {  	_ = 	snop  }
0x3b: {  	_ = 	snop  }
0x3c: {  	p2 =	seq.s32 s10, $0x1;
	s10 =	sld [smem:$0x3FB2]  }
0x3d: {  	_ =	shalt  }
0x3e: {  	_ =	shalt  }
0x3f: {  	_ =	shalt  }
0x40: {  	_ =	shalt  }
0x41: {  	_ =	shalt  }
0x42: {  	_ =	shalt  }
0x43: {  	_ =	shalt  }
0x44: {  	_ =	shalt  }
0x45: {  	_ =	shalt  }
0x46: {  	_ =	shalt  }
0x47: {  	_ =	shalt  }
0x48: {  	_ =	shalt  }
0x49: {  	_ =	shalt  }
0x4a: {  	_ =	shalt  }
0x4b: {  	_ =	shalt  }
0x4c: {  	_ =	shalt  }
0x4d: {  	_ =	shalt  }
0x4e: {  	_ =	shalt  }
0x4f: {  	_ =	shalt  }
0x50: {  	_ =	shalt  }
0x51: {  	_ =	shalt  }
0x52: {  	_ =	shalt  }
0x53: {  	_ =	shalt  }
0x54: {  	_ =	shalt  }
0x55: {  	_ =	shalt  }
0x56: {  	_ =	shalt  }
0x57: {  	_ =	shalt  }
0x58: {  	_ =	shalt  }
0x59: {  	_ =	shalt  }
0x5a: {  	_ =	shalt  }
0x5b: {  	_ =	shalt  }
0x5c: {  	_ =	shalt  }
0x5d: {  	_ =	shalt  }
0x5e: {  	_ =	shalt  }
0x5f: {  	_ =	shalt  }
0x60: {  	_ =	shalt  }
0x61: {  	_ =	shalt  }
0x62: {  	_ =	shalt  }
0x63: {  	_ =	shalt  }
0x64: {  	_ =	shalt  }
0x65: {  	_ =	shalt  }
0x66: {  	_ =	shalt  }
0x67: {  	_ =	shalt  }
0x68: {  	_ =	shalt  }
0x69: {  	_ =	shalt  }
0x6a: {  	_ =	shalt  }
0x6b: {  	_ =	shalt  }
0x6c: {  	_ =	shalt  }
0x6d: {  	_ =	shalt  }
0x6e: {  	_ =	shalt  }
0x6f: {  	_ =	shalt  }
0x70: {  	_ =	shalt  }
0x71: {  	_ =	shalt  }
0x72: {  	_ =	shalt  }
0x73: {  	_ =	shalt  }
0x74: {  	_ =	shalt  }
0x75: {  	_ =	shalt  }
0x76: {  	_ =	shalt  }
0x77: {  	_ =	shalt  }
0x78: {  	_ =	shalt  }
0x79: {  	_ =	shalt  }
0x7a: {  	_ =	shalt  }
0x7b: {  	_ =	shalt  }
0x7c: {  	_ =	shalt  }
0x7d: {  	_ =	shalt  }
0x7e: {  	_ =	shalt  }
0x7f: {  	_ =	shalt  }
0x80: {  	_ =	shalt  }
0x81: {  	_ =	shalt  }
0x82: {  	_ =	shalt  }
0x83: {  	_ =	shalt  }
0x84: {  	_ =	shalt  }
0x85: {  	_ =	shalt  }
0x86: {  	_ =	shalt  }
0x87: {  	_ =	shalt  }
.Lfunc_end0:
.L_simem_size_0:
called_computation.2_lowered:
.L_overlay_start_0:
0x88: {  	s2 =	sld [smem:$0x3FD9]  }
0x89: {  	s3 =	sld [smem:$0x3FFE];
	_ =	sdelay $0x1  }
0x8a: {  	s1 =	srdreg.scid  }
0x8b: {  	s0 =	sand.u32 $0x1, s1  }
0x8c: {  	s17 =	sshll.u32 s0, $0xA;
	s2 =	sadd.s32 s3, s2  }
0x8d: {  	s2 =	sadd.s32 s2, s17  }
0x8e: {  	[smem:$0x3FBE] =	sst s2  }
0x8f: {  	_ = 	snop  }
0x90: {  	s2 =	sld [smem:$0x3FD0];
	(tm) =	ssettm $0x1  }
0x91: {  	s18 =	sld [smem:$0x3FFB];
	_ =	sdelay $0x3  }
0x92: {  	_ =	strace s18  }
0x93: {  	s3 =	sld [smem:$0x3FFC];
	_ =	sdelay $0x3  }
0x94: {  	_ =	strace s3  }
0x95: {  	s3 =	sld [smem:$0x3FFD];
	_ =	sdelay $0x3  }
0x96: {  	_ =	strace s3  }
0x97: {  	_ =	strace $0x8FFFFFFF  }
0x98: {  	s19 =	sld [smem:$0x3FDB];
	_ =	sdelay $0x1  }
0x99: {  	s4 =	simm.s32 $_scs_section_size  }
0x9a: {  	s5 =	simm.s32 $_size__tile_overlayer_lowered;
	s6 =	simm.s32 $_tile_overlayer_lowered  }
0x9b: {  	s22 =	simm.s32 $0x1BFF;
	s21 =	sshll.u32 s6, $0x1;
	s3 =	sadd.s32 s4, s19  }
0x9c: {  	s7 =	simm.s32 $0x0;
	s20 =	sshll.u32 s5, $0x1;
	s5 =	sadd.s32 s21, s3  }
0x9d: {  	[timem:s7], [sflag:s22] =	dma.local [hbm:s5], s20  }
0x9e: {  	_ =	swait.ge [sflag:s22], s20  }
0x9f: {  	s4 =	ssub.s32 $0x0, s20;
	[sflag:s22] =	ssyncset.done $0x0  }
0xa0: {  	[sflag:s22] =	ssyncadd.s32 s4;
	_ =	sdelay $0x1  }
0xa1: {  	s23 =	simm.s32 $0x1B8B  }
0xa2: {  	_ =	swait.ge [sflag:s23], $0x1  }
0xa3: {  	[sflag:s23] =	ssyncset.done $0x0  }
0xa4: {  	s25 =	simm.s32 $0x1B8E;
	s24 =	sld [smem:$0x3FFE];
	[sflag:s23] =	ssyncadd.s32 $0xFFFFFFFF  }
0xa5: {  	s26 =	simm.s32 $execute0_lowered;
	[smem:$0x3FD2] =	sst s25  }
0xa6: {  	s5 =	sshll.u32 s26, $0x1;
	_ =	strace $0x8000004C;
	[dreg:$0x1] =	wrdreg $0xFFFFFFFF  }
0xa7: {  	s28 =	simm.s32 $_size_execute0_lowered;
	s3 =	sadd.s32 s3, s5;
	[dreg:$0x0] =	wrdreg $0x0  }
0xa8: {  	s5 =	sshll.u32 s28, $0x1;
	[dreg:$0x2] =	wrdreg s3  }
0xa9: {  	[dreg:$0x3] =	wrdreg s5  }
0xaa: {  	[dreg:$0x4] =	wrdreg $0xC0  }
0xab: {  	_ =	task [dreg:s7], $0x5FFFF  }
0xac: {  	[dreg:$0x1] =	wrdreg $0xFFFFFFFF  }
0xad: {  	[dreg:$0x0] =	wrdreg $0x60  }
0xae: {  	[dreg:$0x2] =	wrdreg s24  }
0xaf: {  	[dreg:$0x3] =	wrdreg s2  }
0xb0: {  	[dreg:$0x4] =	wrdreg $0x90000  }
0xb1: {  	[dreg:$0x5] =	wrdreg $0x9  }
0xb2: {  	_ =	task.clear_ibuf [dreg:s7], $0x6FFFF;
	_ =	strace $0x9000004C  }
0xb3: {  	s29 =	simm.s32 $0x9;
	_ =	strace $0x8000004E  }
0xb4: {  	_ =	swait.ge [sflag:s29], $0x1  }
0xb5: {  	[sflag:s29] =	ssyncadd.s32 $0xFFFFFFFF  }
0xb6: {  	_ =	strace $0x9000004E  }
0xb7: {  	_ =	sfence  }
0xb8: {  	s30 =	sld [smem:$0x0];
	_ =	sdelay $0x2  }
0xb9: {  	s31 =	sshll.u32 s1, $0xD;
	s1 =	sshrl.u32 s1, $0x2  }
0xba: {  	s3 =	sand.u32 $0x4000, s31;
	s1 =	sadd.s32 s1, s30  }
0xbb: {  	s0 =	sor.u32 s3, s0;
	s1 =	sshll.u32 s1, $0x11  }
0xbc: {  	s0 =	sor.u32 s1, s0  }
0xbd: {  	s0 =	sadd.s32 $0x8F2B, s0  }
0xbe: {  	[sflag:s0] =	ssyncadd.remote.s32 $0x1  }
0xbf: {  	_ =	sfence.sel $0xFFFF  }
0xc0: {  	[dreg:$0x0] =	wrdreg $0xFFFFFFFF;
	(pc) =	sbr.abs _section_cstart, $3  }
0xc1: {  	[dreg:$0x1] =	wrdreg $0xFFFFFFFF  }
0xc2: {  	_ =	task.clear_ibuf [dreg:s7], $0x2FFFF;
	_ =	strace $0x9FFFFFFF  }
0xc3: {  	(tm) =	ssettm $0x7FFFFFFF  }
tec
execute0_lowered:
.L_overlay_start_1:
0x0: {  	(tag) =	ssettag $0x1  }
0x1: {  	s0 =	rddreg [dreg:$0x0]  }
0x2: {  	s10 =	stileid.u32;
	s2 =	rddreg [dreg:$0x1]  }
0x3: {  	s1 =	srdreg.scid;
	s3 =	rddreg [dreg:$0x2]  }
0x4: {  	s4 =	simm.s32 $0x0;
	s13 =	simm.s32 $0x5;
	s14 =	simm.s32 $0x800  }
0x5: {  	s15 =	simm.s32 $0x80;
	s16 =	simm.s32 $0x1000;
	s17 =	simm.s32 $0x1  }
0x6: {  	s18 =	simm.s32 $0x5000;
	s19 =	simm.s32 $0x2;
	s20 =	simm.s32 $0x880  }
0x7: {  	s21 =	simm.s32 $0x3;
	s22 =	simm.s32 $0x100;
	s5 =	smul.u32 $0xA00, s10  }
0x8: {  	s24 =	simm.s32 $0x4;
	s1 =	sand.u32 $0x1, s1;
	s7 =	smul.u32 $0x14000, s10  }
0x9: {  	[smem:$0x7FF] =	sst s4;
	s28 =	smul.u32 $0x50000, s10;
	s9 =	sadd.s32 $0xE000, s0  }
0xa: {  	s10 =	sshll.u32 s10, $0x6;
	s6 =	smul.u32 $0x140000, s1;
	_ =	strace $0x8000004D  }
0xb: {  	[dreg:$0x4] =	wrdreg s9;
	s29 =	ssub.s32 $0x2, s1;
	s9 =	sor.u32 $0x1C05, s10  }
0xc: {  	p0 =	seq.s32 s1, $0x1;
	s8 =	sadd.s32 s5, s0;
	s5 =	sadd.s32 $0x6A800, s0  }
0xd: {  	s30 =	sshrl.u32 s29, $0x1;
	s6 =	sadd.s32 s7, s6;
	s7 =	sshrl.u32 s28, $0x2  }
.Ltmp0:
0xe: {  	s6 =	sshrl.u32 s6, $0x3;
	s7 =	sadd.s32 s7, s3;
	(pc) =	sbr.rel .LBB2_1-.Ltmp0, $4  }
0xf: {  	[dreg:$0x5] =	wrdreg s9;
	s0 =	sadd.s32 s6, s0;
	s12 =	sshrl.u32 s7, $0x3  }
0x10: {  	s6 =	ssub.s32 s29, s30;
	s0 =	sadd.s32 $0x91A00, s0;
	[dreg:$0x8] =	wrdreg s12  }
0x11: {  	s10 =	sadd.s32 $0x4000, s8;
	s31 =	smax.u32 s6, $0x1;
	[dreg:$0x6] =	wrdreg s0  }
0x12: {  	s11 =	sadd.s32 $0x60800, s8;
	[dreg:$0x7] =	wrdreg s31;
	s0 =	simm.s32 $0x0  }
.LBB2_7:
0x13: {  	s7 =	sadd.s32 s9, s11;
	[sflag:s24] =	ssyncadd.s32 $0xFFFFC000  }
0x14: {  	[tilespmem:s4], [sflag:$0x5] =	stream.linear.gather [hbm4b:s7+s4], $0x800, $0x38;
	[tilespmem:$0x1D000] =	vst v63  }
0x15: {  	_ =	swait.ge [sflag:s13], $0x800  }
0x16: {  	[sflag:s13] =	ssyncset.done $0x0  }
0x17: {  	s12 =	sadd.s32 s9, s10;
	[sflag:s13] =	ssyncadd.s32 $0xFFFFF800  }
0x18: {  	[tilespmem:s14], [sflag:$0x5] =	stream.linear.gather [hbm4b:s12+s4], $0x800, $0x38;
	[tilespmem:$0x1D000] =	vst v63  }
0x19: {  	_ =	swait.ge [sflag:s13], $0x800  }
0x1a: {  	[sflag:s13] =	ssyncset.done $0x0  }
0x1b: {  	[sflag:s13] =	ssyncadd.s32 $0xFFFFF800  }
0x1c: {  	[tilespmem:s16], [sflag:$0x1] =	stream.indirect.gather [hbm4b:s5+s15], $0x80, s4, s15, $0xb8;
	[tilespmem:$0x1D000] =	vst v63  }
0x1d: {  	_ =	swait.ge [sflag:s17], $0x4000  }
0x1e: {  	[sflag:s17] =	ssyncset.done $0x0  }
0x1f: {  	[sflag:s17] =	ssyncadd.s32 $0xFFFFC000  }
0x20: {  	[spmem:s3] =	stream.indirect.scatter.add.f32 [tilespmem:s16], [sflag:$0x3], $0x80, s14, s15, $0xb8;
	[tilespmem:$0x1D000] =	vst v63  }
0x21: {  	_ = 	snop  }
0x22: {  	[tilespmem:s18], [sflag:$0x2] =	stream.indirect.gather [hbm4b:s5+s15], $0x80, s15, s15, $0xb8;
	[tilespmem:$0x1D000] =	vst v63  }
0x23: {  	_ =	swait.ge [sflag:s19], $0x4000  }
0x24: {  	[sflag:s19] =	ssyncset.done $0x0  }
0x25: {  	[sflag:s19] =	ssyncadd.s32 $0xFFFFC000  }
0x26: {  	[spmem:s3] =	stream.indirect.scatter.add.f32 [tilespmem:s18], [sflag:$0x4], $0x80, s20, s15, $0xb8;
	[tilespmem:$0x1D000] =	vst v63  }
0x27: {  	_ =	swait.ge [sflag:s21], $0x4000  }
0x28: {  	[sflag:s21] =	ssyncset.done $0x0  }
0x29: {  	[sflag:s21] =	ssyncadd.s32 $0xFFFFC000  }
0x2a: {  	[tilespmem:s16], [sflag:$0x1] =	stream.indirect.gather [hbm4b:s5+s15], $0x80, s22, s15, $0xb8;
	[tilespmem:$0x1D000] =	vst v63  }
0x2b: {  	_ =	swait.ge [sflag:s17], $0x4000  }
0x2c: {  	[sflag:s17] =	ssyncset.done $0x0  }
0x2d: {  	[sflag:s17] =	ssyncadd.s32 $0xFFFFC000  }
0x2e: {  	[spmem:s3] =	stream.indirect.scatter.add.f32 [tilespmem:s16], [sflag:$0x3], $0x80, s23, s15, $0xb8;
	[tilespmem:$0x1D000] =	vst v63  }
0x2f: {  	_ =	swait.ge [sflag:s24], $0x4000  }
0x30: {  	[sflag:s24] =	ssyncset.done $0x0  }
0x31: {  	[sflag:s24] =	ssyncadd.s32 $0xFFFFC000  }
0x32: {  	[tilespmem:s18], [sflag:$0x2] =	stream.indirect.gather [hbm4b:s5+s15], $0x80, s25, s15, $0xb8;
	[tilespmem:$0x1D000] =	vst v63  }
0x33: {  	_ =	swait.ge [sflag:s19], $0x4000  }
0x34: {  	[sflag:s19] =	ssyncset.done $0x0  }
0x35: {  	[sflag:s19] =	ssyncadd.s32 $0xFFFFC000  }
0x36: {  	[spmem:s3] =	stream.indirect.scatter.add.f32 [tilespmem:s18], [sflag:$0x4], $0x80, s26, s15, $0xb8;
	[tilespmem:$0x1D000] =	vst v63  }
0x37: {  	_ =	swait.ge [sflag:s21], $0x4000  }
0x38: {  	[sflag:s21] =	ssyncset.done $0x0  }
0x39: {  	[sflag:s21] =	ssyncadd.s32 $0xFFFFC000  }
0x3a: {  	[tilespmem:s16], [sflag:$0x1] =	stream.indirect.gather [hbm4b:s5+s15], $0x80, s28, s15, $0xb8;
	[tilespmem:$0x1D000] =	vst v63  }
0x3b: {  	_ =	swait.ge [sflag:s17], $0x4000  }
0x3c: {  	[sflag:s17] =	ssyncset.done $0x0  }
0x3d: {  	[sflag:s17] =	ssyncadd.s32 $0xFFFFC000  }
0x3e: {  	[spmem:s3] =	stream.indirect.scatter.add.f32 [tilespmem:s16], [sflag:$0x3], $0x80, s29, s15, $0xb8;
	[tilespmem:$0x1D000] =	vst v63  }
0x3f: {  	_ =	swait.ge [sflag:s24], $0x4000  }
0x40: {  	[sflag:s24] =	ssyncset.done $0x0  }
0x41: {  	[sflag:s24] =	ssyncadd.s32 $0xFFFFC000  }
0x42: {  	[tilespmem:s18], [sflag:$0x2] =	stream.indirect.gather [hbm4b:s5+s15], $0x80, s30, s15, $0xb8;
	[tilespmem:$0x1D000] =	vst v63  }
0x43: {  	_ =	swait.ge [sflag:s19], $0x4000  }
0x44: {  	[sflag:s19] =	ssyncset.done $0x0  }
0x45: {  	[sflag:s19] =	ssyncadd.s32 $0xFFFFC000  }
0x46: {  	[spmem:s3] =	stream.indirect.scatter.add.f32 [tilespmem:s18], [sflag:$0x4], $0x80, s31, s15, $0xb8;
	[tilespmem:$0x1D000] =	vst v63  }
0x47: {  	_ =	swait.ge [sflag:s21], $0x4000  }
0x48: {  	[sflag:s21] =	ssyncset.done $0x0  }
0x49: {  	[sflag:s21] =	ssyncadd.s32 $0xFFFFC000  }
0x4a: {  	[tilespmem:s16], [sflag:$0x1] =	stream.indirect.gather [hbm4b:s5+s15], $0x80, s1, s15, $0xb8;
	[tilespmem:$0x1D000] =	vst v63  }
0x4b: {  	_ =	swait.ge [sflag:s17], $0x4000  }
0x4c: {  	[sflag:s17] =	ssyncset.done $0x0  }
0x4d: {  	[sflag:s17] =	ssyncadd.s32 $0xFFFFC000  }
0x4e: {  	[spmem:s3] =	stream.indirect.scatter.add.f32 [tilespmem:s16], [sflag:$0x3], $0x80, s0, s15, $0xb8;
	[tilespmem:$0x1D000] =	vst v63  }
0x4f: {  	_ =	swait.ge [sflag:s24], $0x4000  }
0x50: {  	[sflag:s24] =	ssyncset.done $0x0  }
0x51: {  	[sflag:s24] =	ssyncadd.s32 $0xFFFFC000  }
0x52: {  	[tilespmem:s18], [sflag:$0x2] =	stream.indirect.gather [hbm4b:s5+s15], $0x80, s6, s15, $0xb8;
	[tilespmem:$0x1D000] =	vst v63  }
0x53: {  	_ =	swait.ge [sflag:s19], $0x4000  }
0x54: {  	[sflag:s19] =	ssyncset.done $0x0  }
0x55: {  	[sflag:s19] =	ssyncadd.s32 $0xFFFFC000  }
0x56: {  	[spmem:s3] =	stream.indirect.scatter.add.f32 [tilespmem:s18], [sflag:$0x4], $0x80, s8, s15, $0xb8;
	[tilespmem:$0x1D000] =	vst v63  }
0x57: {  	_ =	swait.ge [sflag:s21], $0x4000  }
0x58: {  	[sflag:s21] =	ssyncset.done $0x0  }
0x59: {  	s29 =	simm.s32 $0x400;
	[sflag:s21] =	ssyncadd.s32 $0xFFFFC000  }
0x5a: {  	[tilespmem:s16], [sflag:$0x1] =	stream.indirect.gather [hbm4b:s5+s15], $0x80, s29, s15, $0xb8;
	[tilespmem:$0x1D000] =	vst v63  }
0x5b: {  	_ =	swait.ge [sflag:s17], $0x4000  }
0x5c: {  	[sflag:s17] =	ssyncset.done $0x0  }
0x5d: {  	s30 =	simm.s32 $0xC00;
	[sflag:s17] =	ssyncadd.s32 $0xFFFFC000  }
0x5e: {  	[spmem:s3] =	stream.indirect.scatter.add.f32 [tilespmem:s16], [sflag:$0x3], $0x80, s30, s15, $0xb8;
	[tilespmem:$0x1D000] =	vst v63  }
0x5f: {  	_ =	swait.ge [sflag:s24], $0x4000  }
0x60: {  	[sflag:s24] =	ssyncset.done $0x0  }
0x61: {  	s31 =	simm.s32 $0x480;
	[sflag:s24] =	ssyncadd.s32 $0xFFFFC000  }
0x62: {  	[tilespmem:s18], [sflag:$0x2] =	stream.indirect.gather [hbm4b:s5+s15], $0x80, s31, s15, $0xb8;
	[tilespmem:$0x1D000] =	vst v63  }
0x63: {  	_ =	swait.ge [sflag:s19], $0x4000  }
0x64: {  	[sflag:s19] =	ssyncset.done $0x0  }
0x65: {  	s1 =	simm.s32 $0xC80;
	[sflag:s19] =	ssyncadd.s32 $0xFFFFC000  }
0x66: {  	[spmem:s3] =	stream.indirect.scatter.add.f32 [tilespmem:s18], [sflag:$0x4], $0x80, s1, s15, $0xb8;
	[tilespmem:$0x1D000] =	vst v63  }
0x67: {  	_ =	swait.ge [sflag:s21], $0x4000  }
0x68: {  	[sflag:s21] =	ssyncset.done $0x0  }
0x69: {  	s6 =	simm.s32 $0x500;
	[sflag:s21] =	ssyncadd.s32 $0xFFFFC000  }
0x6a: {  	[tilespmem:s16], [sflag:$0x1] =	stream.indirect.gather [hbm4b:s5+s15], $0x80, s6, s15, $0xb8;
	[tilespmem:$0x1D000] =	vst v63  }
0x6b: {  	_ =	swait.ge [sflag:s17], $0x4000  }
0x6c: {  	[sflag:s17] =	ssyncset.done $0x0  }
0x6d: {  	s7 =	simm.s32 $0xD00;
	[sflag:s17] =	ssyncadd.s32 $0xFFFFC000  }
0x6e: {  	[spmem:s3] =	stream.indirect.scatter.add.f32 [tilespmem:s16], [sflag:$0x3], $0x80, s7, s15, $0xb8;
	[tilespmem:$0x1D000] =	vst v63  }
0x6f: {  	_ =	swait.ge [sflag:s24], $0x4000  }
0x70: {  	[sflag:s24] =	ssyncset.done $0x0  }
0x71: {  	s8 =	simm.s32 $0x580;
	[sflag:s24] =	ssyncadd.s32 $0xFFFFC000  }
0x72: {  	[tilespmem:s18], [sflag:$0x2] =	stream.indirect.gather [hbm4b:s5+s15], $0x80, s8, s15, $0xb8;
	[tilespmem:$0x1D000] =	vst v63  }
0x73: {  	_ =	swait.ge [sflag:s19], $0x4000  }
0x74: {  	[sflag:s19] =	ssyncset.done $0x0  }
0x75: {  	s9 =	simm.s32 $0xD80;
	[sflag:s19] =	ssyncadd.s32 $0xFFFFC000  }
0x76: {  	[spmem:s3] =	stream.indirect.scatter.add.f32 [tilespmem:s18], [sflag:$0x4], $0x80, s9, s15, $0xb8;
	[tilespmem:$0x1D000] =	vst v63  }
0x77: {  	_ =	swait.ge [sflag:s21], $0x4000  }
0x78: {  	[sflag:s21] =	ssyncset.done $0x0  }
0x79: {  	s12 =	simm.s32 $0x600;
	[sflag:s21] =	ssyncadd.s32 $0xFFFFC000  }
0x7a: {  	[tilespmem:s16], [sflag:$0x1] =	stream.indirect.gather [hbm4b:s5+s15], $0x80, s12, s15, $0xb8;
	[tilespmem:$0x1D000] =	vst v63  }
0x7b: {  	_ =	swait.ge [sflag:s17], $0x4000  }
0x7c: {  	[sflag:s17] =	ssyncset.done $0x0  }
0x7d: {  	s23 =	simm.s32 $0xE00;
	[sflag:s17] =	ssyncadd.s32 $0xFFFFC000  }
0x7e: {  	[spmem:s3] =	stream.indirect.scatter.add.f32 [tilespmem:s16], [sflag:$0x3], $0x80, s23, s15, $0xb8;
	[tilespmem:$0x1D000] =	vst v63  }
0x7f: {  	_ =	swait.ge [sflag:s24], $0x4000  }
0x80: {  	[sflag:s24] =	ssyncset.done $0x0  }
0x81: {  	s25 =	simm.s32 $0x680;
	[sflag:s24] =	ssyncadd.s32 $0xFFFFC000  }
0x82: {  	[tilespmem:s18], [sflag:$0x2] =	stream.indirect.gather [hbm4b:s5+s15], $0x80, s25, s15, $0xb8;
	[tilespmem:$0x1D000] =	vst v63  }
0x83: {  	_ =	swait.ge [sflag:s19], $0x4000  }
0x84: {  	[sflag:s19] =	ssyncset.done $0x0  }
0x85: {  	s26 =	simm.s32 $0xE80;
	[sflag:s19] =	ssyncadd.s32 $0xFFFFC000  }
0x86: {  	[spmem:s3] =	stream.indirect.scatter.add.f32 [tilespmem:s18], [sflag:$0x4], $0x80, s26, s15, $0xb8;
	[tilespmem:$0x1D000] =	vst v63  }
0x87: {  	_ =	swait.ge [sflag:s21], $0x4000  }
0x88: {  	[sflag:s21] =	ssyncset.done $0x0  }
0x89: {  	s28 =	simm.s32 $0x700;
	[sflag:s21] =	ssyncadd.s32 $0xFFFFC000  }
0x8a: {  	[tilespmem:s16], [sflag:$0x1] =	stream.indirect.gather [hbm4b:s5+s15], $0x80, s28, s15, $0xb8;
	[tilespmem:$0x1D000] =	vst v63  }
0x8b: {  	_ =	swait.ge [sflag:s17], $0x4000  }
0x8c: {  	[sflag:s17] =	ssyncset.done $0x0  }
0x8d: {  	s29 =	simm.s32 $0xF00;
	[sflag:s17] =	ssyncadd.s32 $0xFFFFC000  }
0x8e: {  	[spmem:s3] =	stream.indirect.scatter.add.f32 [tilespmem:s16], [sflag:$0x3], $0x80, s29, s15, $0xb8;
	[tilespmem:$0x1D000] =	vst v63  }
0x8f: {  	_ =	swait.ge [sflag:s24], $0x4000  }
0x90: {  	[sflag:s24] =	ssyncset.done $0x0  }
0x91: {  	s30 =	simm.s32 $0x780;
	[sflag:s24] =	ssyncadd.s32 $0xFFFFC000  }
0x92: {  	[tilespmem:s18], [sflag:$0x2] =	stream.indirect.gather [hbm4b:s5+s15], $0x80, s30, s15, $0xb8;
	[tilespmem:$0x1D000] =	vst v63  }
0x93: {  	_ =	swait.ge [sflag:s19], $0x4000  }
0x94: {  	[sflag:s19] =	ssyncset.done $0x0  }
0x95: {  	s31 =	simm.s32 $0xF80;
	[sflag:s19] =	ssyncadd.s32 $0xFFFFC000  }
0x96: {  	[spmem:s3] =	stream.indirect.scatter.add.f32 [tilespmem:s18], [sflag:$0x4], $0x80, s31, s15, $0xb8;
	[tilespmem:$0x1D000] =	vst v63  }
0x97: {  	_ =	swait.ge [sflag:s21], $0x4000  }
0x98: {  	[sflag:s21] =	ssyncset.done $0x0  }
0x99: {  	[sflag:s21] =	ssyncadd.s32 $0xFFFFC000  }
0x9a: {  	_ =	swait.ge [sflag:s24], $0x4000  }
0x9b: {  	[sflag:s24] =	ssyncset.done $0x0  }
0x9c: {  	s0 =	rddreg [dreg:$0x9];
	[sflag:s24] =	ssyncadd.s32 $0xFFFFC000  }
.LBB2_8:
0x9d: {  	[bflag:$0x0] =	sbarrier.arrive $0xFFFF  }
0x9e: {  	s9 =	rddreg [dreg:$0x5]  }
0x9f: {  	s7 =	rddreg [dreg:$0x6]  }
0xa0: {  	s12 =	rddreg [dreg:$0x8]  }
0xa1: {  	[hbm:s7], [sflag:s9] =	dma.local [spmem:s12], $0x2800  }
0xa2: {  	_ =	swait.ge [sflag:s13], $0x2800  }
0xa3: {  	s0 =	sadd.s32 $0x1, s0;
	s31 =	rddreg [dreg:$0x7]  }
0xa4: {  	p1 =	sne.s32 s0, s31  }
.Ltmp1:
0xa5: {  	_ = 	snop;
	(pc) =	sbr.rel @!p1 .LBB2_9-.Ltmp1, $3  }
0xa6: {  	_ =	sdelay $0x1  }
0xa7: {  	[sflag:s13] =	ssyncset.done $0x0  }
0xa8: {  	[sflag:s13] =	ssyncadd.s32 $0xFFFFD800  }
.LBB2_1:
0xa9: {  	[dreg:$0x9] =	wrdreg s0  }
0xaa: {  	s7 =	rddreg [dreg:$0x4]  }
0xab: {  	[spmem:s12], [sflag:s9] =	dma.local [hbm:s7], $0x2800  }
.Ltmp2:
0xac: {  	_ =	swait.ge [sflag:s13], $0x2800;
	(pc) =	sbr.rel @!p0 .LBB2_2-.Ltmp2, $4  }
0xad: {  	[sflag:s13] =	ssyncset.done $0x0  }
0xae: {  	[sflag:s13] =	ssyncadd.s32 $0xFFFFD800  }
0xaf: {  	[bflag:$0x0] =	sbarrier.arrive $0xFFFF  }
0xb0: {  	s7 =	sadd.s32 $0x0, s11  }
0xb1: {  	[tilespmem:s4], [sflag:$0x5] =	stream.linear.gather [hbm4b:s7+s4], $0x800, $0x38;
	[tilespmem:$0x1D000] =	vst v63  }
0xb2: {  	_ =	swait.ge [sflag:s13], $0x800  }
0xb3: {  	[sflag:s13] =	ssyncset.done $0x0  }
0xb4: {  	s8 =	sadd.s32 $0x0, s10;
	[sflag:s13] =	ssyncadd.s32 $0xFFFFF800  }
0xb5: {  	[tilespmem:s14], [sflag:$0x5] =	stream.linear.gather [hbm4b:s8+s4], $0x800, $0x38;
	[tilespmem:$0x1D000] =	vst v63  }
0xb6: {  	_ =	swait.ge [sflag:s13], $0x800  }
0xb7: {  	[sflag:s13] =	ssyncset.done $0x0  }
0xb8: {  	[sflag:s13] =	ssyncadd.s32 $0xFFFFF800  }
0xb9: {  	[tilespmem:s16], [sflag:$0x1] =	stream.indirect.gather [hbm4b:s5+s15], $0x80, s4, s15, $0xb8;
	[tilespmem:$0x1D000] =	vst v63  }
0xba: {  	_ =	swait.ge [sflag:s17], $0x4000  }
0xbb: {  	[sflag:s17] =	ssyncset.done $0x0  }
0xbc: {  	[sflag:s17] =	ssyncadd.s32 $0xFFFFC000  }
0xbd: {  	[spmem:s3] =	stream.indirect.scatter.add.f32 [tilespmem:s16], [sflag:$0x3], $0x80, s14, s15, $0xb8;
	[tilespmem:$0x1D000] =	vst v63  }
0xbe: {  	_ = 	snop  }
0xbf: {  	[tilespmem:s18], [sflag:$0x2] =	stream.indirect.gather [hbm4b:s5+s15], $0x80, s15, s15, $0xb8;
	[tilespmem:$0x1D000] =	vst v63  }
0xc0: {  	_ =	swait.ge [sflag:s19], $0x4000  }
0xc1: {  	[sflag:s19] =	ssyncset.done $0x0  }
0xc2: {  	[sflag:s19] =	ssyncadd.s32 $0xFFFFC000  }
0xc3: {  	[spmem:s3] =	stream.indirect.scatter.add.f32 [tilespmem:s18], [sflag:$0x4], $0x80, s20, s15, $0xb8;
	[tilespmem:$0x1D000] =	vst v63  }
0xc4: {  	_ =	swait.ge [sflag:s21], $0x4000  }
0xc5: {  	[sflag:s21] =	ssyncset.done $0x0  }
0xc6: {  	[sflag:s21] =	ssyncadd.s32 $0xFFFFC000  }
0xc7: {  	[tilespmem:s16], [sflag:$0x1] =	stream.indirect.gather [hbm4b:s5+s15], $0x80, s22, s15, $0xb8;
	[tilespmem:$0x1D000] =	vst v63  }
0xc8: {  	_ =	swait.ge [sflag:s17], $0x4000  }
0xc9: {  	[sflag:s17] =	ssyncset.done $0x0  }
0xca: {  	s23 =	simm.s32 $0x900;
	[sflag:s17] =	ssyncadd.s32 $0xFFFFC000  }
0xcb: {  	[spmem:s3] =	stream.indirect.scatter.add.f32 [tilespmem:s16], [sflag:$0x3], $0x80, s23, s15, $0xb8;
	[tilespmem:$0x1D000] =	vst v63  }
0xcc: {  	_ =	swait.ge [sflag:s24], $0x4000  }
0xcd: {  	[sflag:s24] =	ssyncset.done $0x0  }
0xce: {  	s25 =	simm.s32 $0x180;
	[sflag:s24] =	ssyncadd.s32 $0xFFFFC000  }
0xcf: {  	[tilespmem:s18], [sflag:$0x2] =	stream.indirect.gather [hbm4b:s5+s15], $0x80, s25, s15, $0xb8;
	[tilespmem:$0x1D000] =	vst v63  }
0xd0: {  	_ =	swait.ge [sflag:s19], $0x4000  }
0xd1: {  	[sflag:s19] =	ssyncset.done $0x0  }
0xd2: {  	s26 =	simm.s32 $0x980;
	[sflag:s19] =	ssyncadd.s32 $0xFFFFC000  }
0xd3: {  	[spmem:s3] =	stream.indirect.scatter.add.f32 [tilespmem:s18], [sflag:$0x4], $0x80, s26, s15, $0xb8;
	[tilespmem:$0x1D000] =	vst v63  }
0xd4: {  	_ =	swait.ge [sflag:s21], $0x4000  }
0xd5: {  	[sflag:s21] =	ssyncset.done $0x0  }
0xd6: {  	s28 =	simm.s32 $0x200;
	[sflag:s21] =	ssyncadd.s32 $0xFFFFC000  }
0xd7: {  	[tilespmem:s16], [sflag:$0x1] =	stream.indirect.gather [hbm4b:s5+s15], $0x80, s28, s15, $0xb8;
	[tilespmem:$0x1D000] =	vst v63  }
0xd8: {  	_ =	swait.ge [sflag:s17], $0x4000  }
0xd9: {  	[sflag:s17] =	ssyncset.done $0x0  }
0xda: {  	s29 =	simm.s32 $0xA00;
	[sflag:s17] =	ssyncadd.s32 $0xFFFFC000  }
0xdb: {  	[spmem:s3] =	stream.indirect.scatter.add.f32 [tilespmem:s16], [sflag:$0x3], $0x80, s29, s15, $0xb8;
	[tilespmem:$0x1D000] =	vst v63  }
0xdc: {  	_ =	swait.ge [sflag:s24], $0x4000  }
0xdd: {  	[sflag:s24] =	ssyncset.done $0x0  }
0xde: {  	s30 =	simm.s32 $0x280;
	[sflag:s24] =	ssyncadd.s32 $0xFFFFC000  }
0xdf: {  	[tilespmem:s18], [sflag:$0x2] =	stream.indirect.gather [hbm4b:s5+s15], $0x80, s30, s15, $0xb8;
	[tilespmem:$0x1D000] =	vst v63  }
0xe0: {  	_ =	swait.ge [sflag:s19], $0x4000  }
0xe1: {  	[sflag:s19] =	ssyncset.done $0x0  }
0xe2: {  	s31 =	simm.s32 $0xA80;
	[sflag:s19] =	ssyncadd.s32 $0xFFFFC000  }
0xe3: {  	[spmem:s3] =	stream.indirect.scatter.add.f32 [tilespmem:s18], [sflag:$0x4], $0x80, s31, s15, $0xb8;
	[tilespmem:$0x1D000] =	vst v63  }
0xe4: {  	_ =	swait.ge [sflag:s21], $0x4000  }
0xe5: {  	[sflag:s21] =	ssyncset.done $0x0  }
0xe6: {  	s1 =	simm.s32 $0x300;
	[sflag:s21] =	ssyncadd.s32 $0xFFFFC000  }
0xe7: {  	[tilespmem:s16], [sflag:$0x1] =	stream.indirect.gather [hbm4b:s5+s15], $0x80, s1, s15, $0xb8;
	[tilespmem:$0x1D000] =	vst v63  }
0xe8: {  	_ =	swait.ge [sflag:s17], $0x4000  }
0xe9: {  	[sflag:s17] =	ssyncset.done $0x0  }
0xea: {  	s0 =	simm.s32 $0xB00;
	[sflag:s17] =	ssyncadd.s32 $0xFFFFC000  }
0xeb: {  	[spmem:s3] =	stream.indirect.scatter.add.f32 [tilespmem:s16], [sflag:$0x3], $0x80, s0, s15, $0xb8;
	[tilespmem:$0x1D000] =	vst v63  }
0xec: {  	_ =	swait.ge [sflag:s24], $0x4000  }
0xed: {  	[sflag:s24] =	ssyncset.done $0x0  }
0xee: {  	s6 =	simm.s32 $0x380;
	[sflag:s24] =	ssyncadd.s32 $0xFFFFC000  }
0xef: {  	[tilespmem:s18], [sflag:$0x2] =	stream.indirect.gather [hbm4b:s5+s15], $0x80, s6, s15, $0xb8;
	[tilespmem:$0x1D000] =	vst v63  }
0xf0: {  	_ =	swait.ge [sflag:s19], $0x4000  }
0xf1: {  	[sflag:s19] =	ssyncset.done $0x0  }
0xf2: {  	s8 =	simm.s32 $0xB80;
	[sflag:s19] =	ssyncadd.s32 $0xFFFFC000  }
0xf3: {  	[spmem:s3] =	stream.indirect.scatter.add.f32 [tilespmem:s18], [sflag:$0x4], $0x80, s8, s15, $0xb8;
	[tilespmem:$0x1D000] =	vst v63  }
0xf4: {  	_ =	swait.ge [sflag:s21], $0x4000  }
0xf5: {  	[sflag:s21] =	ssyncset.done $0x0  }
0xf6: {  	s9 =	simm.s32 $0x400;
	[sflag:s21] =	ssyncadd.s32 $0xFFFFC000  }
0xf7: {  	[tilespmem:s16], [sflag:$0x1] =	stream.indirect.gather [hbm4b:s5+s15], $0x80, s9, s15, $0xb8;
	[tilespmem:$0x1D000] =	vst v63  }
0xf8: {  	_ =	swait.ge [sflag:s17], $0x4000  }
0xf9: {  	[sflag:s17] =	ssyncset.done $0x0  }
0xfa: {  	s12 =	simm.s32 $0xC00;
	[sflag:s17] =	ssyncadd.s32 $0xFFFFC000  }
0xfb: {  	[spmem:s3] =	stream.indirect.scatter.add.f32 [tilespmem:s16], [sflag:$0x3], $0x80, s12, s15, $0xb8;
	[tilespmem:$0x1D000] =	vst v63  }
0xfc: {  	_ =	swait.ge [sflag:s24], $0x4000  }
0xfd: {  	[sflag:s24] =	ssyncset.done $0x0  }
0xfe: {  	s20 =	simm.s32 $0x480;
	[sflag:s24] =	ssyncadd.s32 $0xFFFFC000  }
0xff: {  	[tilespmem:s18], [sflag:$0x2] =	stream.indirect.gather [hbm4b:s5+s15], $0x80, s20, s15, $0xb8;
	[tilespmem:$0x1D000] =	vst v63  }
0x100: {  	_ =	swait.ge [sflag:s19], $0x4000  }
0x101: {  	[sflag:s19] =	ssyncset.done $0x0  }
0x102: {  	s22 =	simm.s32 $0xC80;
	[sflag:s19] =	ssyncadd.s32 $0xFFFFC000  }
0x103: {  	[spmem:s3] =	stream.indirect.scatter.add.f32 [tilespmem:s18], [sflag:$0x4], $0x80, s22, s15, $0xb8;
	[tilespmem:$0x1D000] =	vst v63  }
0x104: {  	_ =	swait.ge [sflag:s21], $0x4000  }
0x105: {  	[sflag:s21] =	ssyncset.done $0x0  }
0x106: {  	s9 =	simm.s32 $0x500;
	[sflag:s21] =	ssyncadd.s32 $0xFFFFC000  }
0x107: {  	[tilespmem:s16], [sflag:$0x1] =	stream.indirect.gather [hbm4b:s5+s15], $0x80, s9, s15, $0xb8;
	[tilespmem:$0x1D000] =	vst v63  }
0x108: {  	_ =	swait.ge [sflag:s17], $0x4000  }
0x109: {  	[sflag:s17] =	ssyncset.done $0x0  }
0x10a: {  	s12 =	simm.s32 $0xD00;
	[sflag:s17] =	ssyncadd.s32 $0xFFFFC000  }
0x10b: {  	[spmem:s3] =	stream.indirect.scatter.add.f32 [tilespmem:s16], [sflag:$0x3], $0x80, s12, s15, $0xb8;
	[tilespmem:$0x1D000] =	vst v63  }
0x10c: {  	_ =	swait.ge [sflag:s24], $0x4000  }
0x10d: {  	[sflag:s24] =	ssyncset.done $0x0  }
0x10e: {  	s20 =	simm.s32 $0x580;
	[sflag:s24] =	ssyncadd.s32 $0xFFFFC000  }
0x10f: {  	[tilespmem:s18], [sflag:$0x2] =	stream.indirect.gather [hbm4b:s5+s15], $0x80, s20, s15, $0xb8;
	[tilespmem:$0x1D000] =	vst v63  }
0x110: {  	_ =	swait.ge [sflag:s19], $0x4000  }
0x111: {  	[sflag:s19] =	ssyncset.done $0x0  }
0x112: {  	s22 =	simm.s32 $0xD80;
	[sflag:s19] =	ssyncadd.s32 $0xFFFFC000  }
0x113: {  	[spmem:s3] =	stream.indirect.scatter.add.f32 [tilespmem:s18], [sflag:$0x4], $0x80, s22, s15, $0xb8;
	[tilespmem:$0x1D000] =	vst v63  }
0x114: {  	_ =	swait.ge [sflag:s21], $0x4000  }
0x115: {  	[sflag:s21] =	ssyncset.done $0x0  }
0x116: {  	s9 =	simm.s32 $0x600;
	[sflag:s21] =	ssyncadd.s32 $0xFFFFC000  }
0x117: {  	[tilespmem:s16], [sflag:$0x1] =	stream.indirect.gather [hbm4b:s5+s15], $0x80, s9, s15, $0xb8;
	[tilespmem:$0x1D000] =	vst v63  }
0x118: {  	_ =	swait.ge [sflag:s17], $0x4000  }
0x119: {  	[sflag:s17] =	ssyncset.done $0x0  }
0x11a: {  	s12 =	simm.s32 $0xE00;
	[sflag:s17] =	ssyncadd.s32 $0xFFFFC000  }
0x11b: {  	[spmem:s3] =	stream.indirect.scatter.add.f32 [tilespmem:s16], [sflag:$0x3], $0x80, s12, s15, $0xb8;
	[tilespmem:$0x1D000] =	vst v63  }
0x11c: {  	_ =	swait.ge [sflag:s24], $0x4000  }
0x11d: {  	[sflag:s24] =	ssyncset.done $0x0  }
0x11e: {  	s20 =	simm.s32 $0x680;
	[sflag:s24] =	ssyncadd.s32 $0xFFFFC000  }
0x11f: {  	[tilespmem:s18], [sflag:$0x2] =	stream.indirect.gather [hbm4b:s5+s15], $0x80, s20, s15, $0xb8;
	[tilespmem:$0x1D000] =	vst v63  }
0x120: {  	_ =	swait.ge [sflag:s19], $0x4000  }
0x121: {  	[sflag:s19] =	ssyncset.done $0x0  }
0x122: {  	s22 =	simm.s32 $0xE80;
	[sflag:s19] =	ssyncadd.s32 $0xFFFFC000  }
0x123: {  	[spmem:s3] =	stream.indirect.scatter.add.f32 [tilespmem:s18], [sflag:$0x4], $0x80, s22, s15, $0xb8;
	[tilespmem:$0x1D000] =	vst v63  }
0x124: {  	_ =	swait.ge [sflag:s21], $0x4000  }
0x125: {  	[sflag:s21] =	ssyncset.done $0x0  }
0x126: {  	s9 =	simm.s32 $0x700;
	[sflag:s21] =	ssyncadd.s32 $0xFFFFC000  }
0x127: {  	[tilespmem:s16], [sflag:$0x1] =	stream.indirect.gather [hbm4b:s5+s15], $0x80, s9, s15, $0xb8;
	[tilespmem:$0x1D000] =	vst v63  }
0x128: {  	_ =	swait.ge [sflag:s17], $0x4000  }
0x129: {  	[sflag:s17] =	ssyncset.done $0x0  }
0x12a: {  	s12 =	simm.s32 $0xF00;
	[sflag:s17] =	ssyncadd.s32 $0xFFFFC000  }
0x12b: {  	[spmem:s3] =	stream.indirect.scatter.add.f32 [tilespmem:s16], [sflag:$0x3], $0x80, s12, s15, $0xb8;
	[tilespmem:$0x1D000] =	vst v63  }
0x12c: {  	_ =	swait.ge [sflag:s24], $0x4000  }
0x12d: {  	[sflag:s24] =	ssyncset.done $0x0  }
0x12e: {  	s20 =	simm.s32 $0x780;
	[sflag:s24] =	ssyncadd.s32 $0xFFFFC000  }
0x12f: {  	[tilespmem:s18], [sflag:$0x2] =	stream.indirect.gather [hbm4b:s5+s15], $0x80, s20, s15, $0xb8;
	[tilespmem:$0x1D000] =	vst v63  }
0x130: {  	_ =	swait.ge [sflag:s19], $0x4000  }
0x131: {  	[sflag:s19] =	ssyncset.done $0x0  }
0x132: {  	s22 =	simm.s32 $0xF80;
	[sflag:s19] =	ssyncadd.s32 $0xFFFFC000  }
0x133: {  	[spmem:s3] =	stream.indirect.scatter.add.f32 [tilespmem:s18], [sflag:$0x4], $0x80, s22, s15, $0xb8;
	[tilespmem:$0x1D000] =	vst v63  }
0x134: {  	_ =	swait.ge [sflag:s21], $0x4000  }
0x135: {  	[sflag:s21] =	ssyncset.done $0x0  }
0x136: {  	[sflag:s21] =	ssyncadd.s32 $0xFFFFC000  }
0x137: {  	_ =	swait.ge [sflag:s24], $0x4000  }
0x138: {  	s9 =	simm.s32 $0x100;
	s12 =	simm.s32 $0x200;
	[sflag:s24] =	ssyncset.done $0x0  }
.LBB2_6:
0x139: {  	s20 =	sadd.s32 s9, s11  }
0x13a: {  	[sflag:s24] =	ssyncadd.s32 $0xFFFFC000;
	s22 =	smov.u32 s12;
	s7 =	sadd.s32 $0x100, s12  }
0x13b: {  	[tilespmem:s4], [sflag:$0x5] =	stream.linear.gather [hbm4b:s20+s4], $0x800, $0x38;
	[tilespmem:$0x1D000] =	vst v63  }
0x13c: {  	s20 =	simm.s32 $0x880  }
0x13d: {  	p1 =	sne.s32 s12, $0x900;
	_ =	swait.ge [sflag:s13], $0x800  }
0x13e: {  	s12 =	sadd.s32 s9, s10;
	[sflag:s13] =	ssyncset.done $0x0  }
0x13f: {  	s9 =	smov.u32 s22;
	s22 =	simm.s32 $0x100;
	[sflag:s13] =	ssyncadd.s32 $0xFFFFF800  }
0x140: {  	[tilespmem:s14], [sflag:$0x5] =	stream.linear.gather [hbm4b:s12+s4], $0x800, $0x38;
	[tilespmem:$0x1D000] =	vst v63  }
0x141: {  	_ =	swait.ge [sflag:s13], $0x800  }
0x142: {  	[sflag:s13] =	ssyncset.done $0x0  }
0x143: {  	[sflag:s13] =	ssyncadd.s32 $0xFFFFF800  }
0x144: {  	[tilespmem:s16], [sflag:$0x1] =	stream.indirect.gather [hbm4b:s5+s15], $0x80, s4, s15, $0xb8;
	[tilespmem:$0x1D000] =	vst v63  }
0x145: {  	_ =	swait.ge [sflag:s17], $0x4000  }
0x146: {  	[sflag:s17] =	ssyncset.done $0x0  }
0x147: {  	[sflag:s17] =	ssyncadd.s32 $0xFFFFC000  }
0x148: {  	[spmem:s3] =	stream.indirect.scatter.add.f32 [tilespmem:s16], [sflag:$0x3], $0x80, s14, s15, $0xb8;
	[tilespmem:$0x1D000] =	vst v63  }
0x149: {  	_ = 	snop  }
0x14a: {  	[tilespmem:s18], [sflag:$0x2] =	stream.indirect.gather [hbm4b:s5+s15], $0x80, s15, s15, $0xb8;
	[tilespmem:$0x1D000] =	vst v63  }
0x14b: {  	_ =	swait.ge [sflag:s19], $0x4000  }
0x14c: {  	[sflag:s19] =	ssyncset.done $0x0  }
0x14d: {  	[sflag:s19] =	ssyncadd.s32 $0xFFFFC000  }
0x14e: {  	[spmem:s3] =	stream.indirect.scatter.add.f32 [tilespmem:s18], [sflag:$0x4], $0x80, s20, s15, $0xb8;
	[tilespmem:$0x1D000] =	vst v63  }
0x14f: {  	_ =	swait.ge [sflag:s21], $0x4000  }
0x150: {  	[sflag:s21] =	ssyncset.done $0x0  }
0x151: {  	[sflag:s21] =	ssyncadd.s32 $0xFFFFC000  }
0x152: {  	[tilespmem:s16], [sflag:$0x1] =	stream.indirect.gather [hbm4b:s5+s15], $0x80, s22, s15, $0xb8;
	[tilespmem:$0x1D000] =	vst v63  }
0x153: {  	_ =	swait.ge [sflag:s17], $0x4000  }
0x154: {  	[sflag:s17] =	ssyncset.done $0x0  }
0x155: {  	[sflag:s17] =	ssyncadd.s32 $0xFFFFC000  }
0x156: {  	[spmem:s3] =	stream.indirect.scatter.add.f32 [tilespmem:s16], [sflag:$0x3], $0x80, s23, s15, $0xb8;
	[tilespmem:$0x1D000] =	vst v63  }
0x157: {  	_ =	swait.ge [sflag:s24], $0x4000  }
0x158: {  	[sflag:s24] =	ssyncset.done $0x0  }
0x159: {  	[sflag:s24] =	ssyncadd.s32 $0xFFFFC000  }
0x15a: {  	[tilespmem:s18], [sflag:$0x2] =	stream.indirect.gather [hbm4b:s5+s15], $0x80, s25, s15, $0xb8;
	[tilespmem:$0x1D000] =	vst v63  }
0x15b: {  	_ =	swait.ge [sflag:s19], $0x4000  }
0x15c: {  	[sflag:s19] =	ssyncset.done $0x0  }
0x15d: {  	[sflag:s19] =	ssyncadd.s32 $0xFFFFC000  }
0x15e: {  	[spmem:s3] =	stream.indirect.scatter.add.f32 [tilespmem:s18], [sflag:$0x4], $0x80, s26, s15, $0xb8;
	[tilespmem:$0x1D000] =	vst v63  }
0x15f: {  	_ =	swait.ge [sflag:s21], $0x4000  }
0x160: {  	[sflag:s21] =	ssyncset.done $0x0  }
0x161: {  	[sflag:s21] =	ssyncadd.s32 $0xFFFFC000  }
0x162: {  	[tilespmem:s16], [sflag:$0x1] =	stream.indirect.gather [hbm4b:s5+s15], $0x80, s28, s15, $0xb8;
	[tilespmem:$0x1D000] =	vst v63  }
0x163: {  	_ =	swait.ge [sflag:s17], $0x4000  }
0x164: {  	[sflag:s17] =	ssyncset.done $0x0  }
0x165: {  	[sflag:s17] =	ssyncadd.s32 $0xFFFFC000  }
0x166: {  	[spmem:s3] =	stream.indirect.scatter.add.f32 [tilespmem:s16], [sflag:$0x3], $0x80, s29, s15, $0xb8;
	[tilespmem:$0x1D000] =	vst v63  }
0x167: {  	_ =	swait.ge [sflag:s24], $0x4000  }
0x168: {  	[sflag:s24] =	ssyncset.done $0x0  }
0x169: {  	[sflag:s24] =	ssyncadd.s32 $0xFFFFC000  }
0x16a: {  	[tilespmem:s18], [sflag:$0x2] =	stream.indirect.gather [hbm4b:s5+s15], $0x80, s30, s15, $0xb8;
	[tilespmem:$0x1D000] =	vst v63  }
0x16b: {  	_ =	swait.ge [sflag:s19], $0x4000  }
0x16c: {  	[sflag:s19] =	ssyncset.done $0x0  }
0x16d: {  	[sflag:s19] =	ssyncadd.s32 $0xFFFFC000  }
0x16e: {  	[spmem:s3] =	stream.indirect.scatter.add.f32 [tilespmem:s18], [sflag:$0x4], $0x80, s31, s15, $0xb8;
	[tilespmem:$0x1D000] =	vst v63  }
0x16f: {  	_ =	swait.ge [sflag:s21], $0x4000  }
0x170: {  	[sflag:s21] =	ssyncset.done $0x0  }
0x171: {  	[sflag:s21] =	ssyncadd.s32 $0xFFFFC000  }
0x172: {  	[tilespmem:s16], [sflag:$0x1] =	stream.indirect.gather [hbm4b:s5+s15], $0x80, s1, s15, $0xb8;
	[tilespmem:$0x1D000] =	vst v63  }
0x173: {  	_ =	swait.ge [sflag:s17], $0x4000  }
0x174: {  	[sflag:s17] =	ssyncset.done $0x0  }
0x175: {  	[sflag:s17] =	ssyncadd.s32 $0xFFFFC000  }
0x176: {  	[spmem:s3] =	stream.indirect.scatter.add.f32 [tilespmem:s16], [sflag:$0x3], $0x80, s0, s15, $0xb8;
	[tilespmem:$0x1D000] =	vst v63  }
0x177: {  	_ =	swait.ge [sflag:s24], $0x4000  }
0x178: {  	[sflag:s24] =	ssyncset.done $0x0  }
0x179: {  	[sflag:s24] =	ssyncadd.s32 $0xFFFFC000  }
0x17a: {  	[tilespmem:s18], [sflag:$0x2] =	stream.indirect.gather [hbm4b:s5+s15], $0x80, s6, s15, $0xb8;
	[tilespmem:$0x1D000] =	vst v63  }
0x17b: {  	_ =	swait.ge [sflag:s19], $0x4000  }
0x17c: {  	[sflag:s19] =	ssyncset.done $0x0  }
0x17d: {  	[sflag:s19] =	ssyncadd.s32 $0xFFFFC000  }
0x17e: {  	[spmem:s3] =	stream.indirect.scatter.add.f32 [tilespmem:s18], [sflag:$0x4], $0x80, s8, s15, $0xb8;
	[tilespmem:$0x1D000] =	vst v63  }
0x17f: {  	_ =	swait.ge [sflag:s21], $0x4000  }
0x180: {  	[sflag:s21] =	ssyncset.done $0x0  }
0x181: {  	s12 =	simm.s32 $0x400;
	[sflag:s21] =	ssyncadd.s32 $0xFFFFC000  }
0x182: {  	[tilespmem:s16], [sflag:$0x1] =	stream.indirect.gather [hbm4b:s5+s15], $0x80, s12, s15, $0xb8;
	[tilespmem:$0x1D000] =	vst v63  }
0x183: {  	_ =	swait.ge [sflag:s17], $0x4000  }
0x184: {  	[sflag:s17] =	ssyncset.done $0x0  }
0x185: {  	s12 =	simm.s32 $0xC00;
	[sflag:s17] =	ssyncadd.s32 $0xFFFFC000  }
0x186: {  	[spmem:s3] =	stream.indirect.scatter.add.f32 [tilespmem:s16], [sflag:$0x3], $0x80, s12, s15, $0xb8;
	[tilespmem:$0x1D000] =	vst v63  }
0x187: {  	_ =	swait.ge [sflag:s24], $0x4000  }
0x188: {  	[sflag:s24] =	ssyncset.done $0x0  }
0x189: {  	s12 =	simm.s32 $0x480;
	[sflag:s24] =	ssyncadd.s32 $0xFFFFC000  }
0x18a: {  	[tilespmem:s18], [sflag:$0x2] =	stream.indirect.gather [hbm4b:s5+s15], $0x80, s12, s15, $0xb8;
	[tilespmem:$0x1D000] =	vst v63  }
0x18b: {  	_ =	swait.ge [sflag:s19], $0x4000  }
0x18c: {  	[sflag:s19] =	ssyncset.done $0x0  }
0x18d: {  	s12 =	simm.s32 $0xC80;
	[sflag:s19] =	ssyncadd.s32 $0xFFFFC000  }
0x18e: {  	[spmem:s3] =	stream.indirect.scatter.add.f32 [tilespmem:s18], [sflag:$0x4], $0x80, s12, s15, $0xb8;
	[tilespmem:$0x1D000] =	vst v63  }
0x18f: {  	_ =	swait.ge [sflag:s21], $0x4000  }
0x190: {  	[sflag:s21] =	ssyncset.done $0x0  }
0x191: {  	s12 =	simm.s32 $0x500;
	[sflag:s21] =	ssyncadd.s32 $0xFFFFC000  }
0x192: {  	[tilespmem:s16], [sflag:$0x1] =	stream.indirect.gather [hbm4b:s5+s15], $0x80, s12, s15, $0xb8;
	[tilespmem:$0x1D000] =	vst v63  }
0x193: {  	_ =	swait.ge [sflag:s17], $0x4000  }
0x194: {  	[sflag:s17] =	ssyncset.done $0x0  }
0x195: {  	s12 =	simm.s32 $0xD00;
	[sflag:s17] =	ssyncadd.s32 $0xFFFFC000  }
0x196: {  	[spmem:s3] =	stream.indirect.scatter.add.f32 [tilespmem:s16], [sflag:$0x3], $0x80, s12, s15, $0xb8;
	[tilespmem:$0x1D000] =	vst v63  }
0x197: {  	_ =	swait.ge [sflag:s24], $0x4000  }
0x198: {  	[sflag:s24] =	ssyncset.done $0x0  }
0x199: {  	s12 =	simm.s32 $0x580;
	[sflag:s24] =	ssyncadd.s32 $0xFFFFC000  }
0x19a: {  	[tilespmem:s18], [sflag:$0x2] =	stream.indirect.gather [hbm4b:s5+s15], $0x80, s12, s15, $0xb8;
	[tilespmem:$0x1D000] =	vst v63  }
0x19b: {  	_ =	swait.ge [sflag:s19], $0x4000  }
0x19c: {  	[sflag:s19] =	ssyncset.done $0x0  }
0x19d: {  	s12 =	simm.s32 $0xD80;
	[sflag:s19] =	ssyncadd.s32 $0xFFFFC000  }
0x19e: {  	[spmem:s3] =	stream.indirect.scatter.add.f32 [tilespmem:s18], [sflag:$0x4], $0x80, s12, s15, $0xb8;
	[tilespmem:$0x1D000] =	vst v63  }
0x19f: {  	_ =	swait.ge [sflag:s21], $0x4000  }
0x1a0: {  	[sflag:s21] =	ssyncset.done $0x0  }
0x1a1: {  	s12 =	simm.s32 $0x600;
	[sflag:s21] =	ssyncadd.s32 $0xFFFFC000  }
0x1a2: {  	[tilespmem:s16], [sflag:$0x1] =	stream.indirect.gather [hbm4b:s5+s15], $0x80, s12, s15, $0xb8;
	[tilespmem:$0x1D000] =	vst v63  }
0x1a3: {  	_ =	swait.ge [sflag:s17], $0x4000  }
0x1a4: {  	[sflag:s17] =	ssyncset.done $0x0  }
0x1a5: {  	s12 =	simm.s32 $0xE00;
	[sflag:s17] =	ssyncadd.s32 $0xFFFFC000  }
0x1a6: {  	[spmem:s3] =	stream.indirect.scatter.add.f32 [tilespmem:s16], [sflag:$0x3], $0x80, s12, s15, $0xb8;
	[tilespmem:$0x1D000] =	vst v63  }
0x1a7: {  	_ =	swait.ge [sflag:s24], $0x4000  }
0x1a8: {  	[sflag:s24] =	ssyncset.done $0x0  }
0x1a9: {  	s12 =	simm.s32 $0x680;
	[sflag:s24] =	ssyncadd.s32 $0xFFFFC000  }
0x1aa: {  	[tilespmem:s18], [sflag:$0x2] =	stream.indirect.gather [hbm4b:s5+s15], $0x80, s12, s15, $0xb8;
	[tilespmem:$0x1D000] =	vst v63  }
0x1ab: {  	_ =	swait.ge [sflag:s19], $0x4000  }
0x1ac: {  	[sflag:s19] =	ssyncset.done $0x0  }
0x1ad: {  	s12 =	simm.s32 $0xE80;
	[sflag:s19] =	ssyncadd.s32 $0xFFFFC000  }
0x1ae: {  	[spmem:s3] =	stream.indirect.scatter.add.f32 [tilespmem:s18], [sflag:$0x4], $0x80, s12, s15, $0xb8;
	[tilespmem:$0x1D000] =	vst v63  }
0x1af: {  	_ =	swait.ge [sflag:s21], $0x4000  }
0x1b0: {  	[sflag:s21] =	ssyncset.done $0x0  }
0x1b1: {  	s12 =	simm.s32 $0x700;
	[sflag:s21] =	ssyncadd.s32 $0xFFFFC000  }
0x1b2: {  	[tilespmem:s16], [sflag:$0x1] =	stream.indirect.gather [hbm4b:s5+s15], $0x80, s12, s15, $0xb8;
	[tilespmem:$0x1D000] =	vst v63  }
0x1b3: {  	_ =	swait.ge [sflag:s17], $0x4000  }
0x1b4: {  	[sflag:s17] =	ssyncset.done $0x0  }
0x1b5: {  	s12 =	simm.s32 $0xF00;
	[sflag:s17] =	ssyncadd.s32 $0xFFFFC000  }
0x1b6: {  	[spmem:s3] =	stream.indirect.scatter.add.f32 [tilespmem:s16], [sflag:$0x3], $0x80, s12, s15, $0xb8;
	[tilespmem:$0x1D000] =	vst v63  }
0x1b7: {  	_ =	swait.ge [sflag:s24], $0x4000  }
0x1b8: {  	[sflag:s24] =	ssyncset.done $0x0  }
0x1b9: {  	s12 =	simm.s32 $0x780;
	[sflag:s24] =	ssyncadd.s32 $0xFFFFC000  }
0x1ba: {  	[tilespmem:s18], [sflag:$0x2] =	stream.indirect.gather [hbm4b:s5+s15], $0x80, s12, s15, $0xb8;
	[tilespmem:$0x1D000] =	vst v63  }
0x1bb: {  	_ =	swait.ge [sflag:s19], $0x4000  }
0x1bc: {  	[sflag:s19] =	ssyncset.done $0x0  }
0x1bd: {  	s12 =	simm.s32 $0xF80;
	[sflag:s19] =	ssyncadd.s32 $0xFFFFC000  }
0x1be: {  	[spmem:s3] =	stream.indirect.scatter.add.f32 [tilespmem:s18], [sflag:$0x4], $0x80, s12, s15, $0xb8;
	[tilespmem:$0x1D000] =	vst v63  }
.Ltmp3:
0x1bf: {  	_ =	swait.ge [sflag:s21], $0x4000;
	(pc) =	sbr.rel @p1 .LBB2_6-.Ltmp3, $4  }
0x1c0: {  	[sflag:s21] =	ssyncset.done $0x0  }
0x1c1: {  	[sflag:s21] =	ssyncadd.s32 $0xFFFFC000  }
0x1c2: {  	_ =	swait.ge [sflag:s24], $0x4000  }
0x1c3: {  	s12 =	smov.u32 s7;
	[sflag:s24] =	ssyncset.done $0x0  }
.Ltmp4:
0x1c4: {  	_ = 	snop;
	(pc) =	sbr.rel .LBB2_7-.Ltmp4, $1  }
0x1c5: {  	_ =	sdelay $0x3  }
.LBB2_2:
0x1c6: {  	[tilespmem:s4], [sflag:$0x5] =	stream.linear.gather [hbm4b:s7+s4], $0x800, $0x38;
	[tilespmem:$0x1D000] =	vst v63  }
0x1c7: {  	_ =	swait.ge [sflag:s13], $0x800  }
0x1c8: {  	[sflag:s13] =	ssyncset.done $0x0  }
0x1c9: {  	s8 =	sadd.s32 $0x0, s10;
	[sflag:s13] =	ssyncadd.s32 $0xFFFFF800  }
0x1ca: {  	[tilespmem:s14], [sflag:$0x5] =	stream.linear.gather [hbm4b:s8+s4], $0x800, $0x38;
	[tilespmem:$0x1D000] =	vst v63  }
0x1cb: {  	_ =	swait.ge [sflag:s13], $0x800  }
0x1cc: {  	[sflag:s13] =	ssyncset.done $0x0  }
0x1cd: {  	[sflag:s13] =	ssyncadd.s32 $0xFFFFF800  }
0x1ce: {  	[tilespmem:s16], [sflag:$0x1] =	stream.indirect.gather [hbm4b:s2+s15], $0x80, s4, s15, $0xb8;
	[tilespmem:$0x1D000] =	vst v63  }
0x1cf: {  	_ =	swait.ge [sflag:s17], $0x4000  }
0x1d0: {  	[sflag:s17] =	ssyncset.done $0x0  }
0x1d1: {  	[sflag:s17] =	ssyncadd.s32 $0xFFFFC000  }
0x1d2: {  	[spmem:s3] =	stream.indirect.scatter.add.f32 [tilespmem:s16], [sflag:$0x3], $0x80, s14, s15, $0xb8;
	[tilespmem:$0x1D000] =	vst v63  }
0x1d3: {  	_ = 	snop  }
0x1d4: {  	[tilespmem:s18], [sflag:$0x2] =	stream.indirect.gather [hbm4b:s2+s15], $0x80, s15, s15, $0xb8;
	[tilespmem:$0x1D000] =	vst v63  }
0x1d5: {  	_ =	swait.ge [sflag:s19], $0x4000  }
0x1d6: {  	[sflag:s19] =	ssyncset.done $0x0  }
0x1d7: {  	[sflag:s19] =	ssyncadd.s32 $0xFFFFC000  }
0x1d8: {  	[spmem:s3] =	stream.indirect.scatter.add.f32 [tilespmem:s18], [sflag:$0x4], $0x80, s20, s15, $0xb8;
	[tilespmem:$0x1D000] =	vst v63  }
0x1d9: {  	_ =	swait.ge [sflag:s21], $0x4000  }
0x1da: {  	[sflag:s21] =	ssyncset.done $0x0  }
0x1db: {  	[sflag:s21] =	ssyncadd.s32 $0xFFFFC000  }
0x1dc: {  	[tilespmem:s16], [sflag:$0x1] =	stream.indirect.gather [hbm4b:s2+s15], $0x80, s22, s15, $0xb8;
	[tilespmem:$0x1D000] =	vst v63  }
0x1dd: {  	_ =	swait.ge [sflag:s17], $0x4000  }
0x1de: {  	[sflag:s17] =	ssyncset.done $0x0  }
0x1df: {  	s23 =	simm.s32 $0x900;
	[sflag:s17] =	ssyncadd.s32 $0xFFFFC000  }
0x1e0: {  	[spmem:s3] =	stream.indirect.scatter.add.f32 [tilespmem:s16], [sflag:$0x3], $0x80, s23, s15, $0xb8;
	[tilespmem:$0x1D000] =	vst v63  }
0x1e1: {  	_ =	swait.ge [sflag:s24], $0x4000  }
0x1e2: {  	[sflag:s24] =	ssyncset.done $0x0  }
0x1e3: {  	s25 =	simm.s32 $0x180;
	[sflag:s24] =	ssyncadd.s32 $0xFFFFC000  }
0x1e4: {  	[tilespmem:s18], [sflag:$0x2] =	stream.indirect.gather [hbm4b:s2+s15], $0x80, s25, s15, $0xb8;
	[tilespmem:$0x1D000] =	vst v63  }
0x1e5: {  	_ =	swait.ge [sflag:s19], $0x4000  }
0x1e6: {  	[sflag:s19] =	ssyncset.done $0x0  }
0x1e7: {  	s26 =	simm.s32 $0x980;
	[sflag:s19] =	ssyncadd.s32 $0xFFFFC000  }
0x1e8: {  	[spmem:s3] =	stream.indirect.scatter.add.f32 [tilespmem:s18], [sflag:$0x4], $0x80, s26, s15, $0xb8;
	[tilespmem:$0x1D000] =	vst v63  }
0x1e9: {  	_ =	swait.ge [sflag:s21], $0x4000  }
0x1ea: {  	[sflag:s21] =	ssyncset.done $0x0  }
0x1eb: {  	s28 =	simm.s32 $0x200;
	[sflag:s21] =	ssyncadd.s32 $0xFFFFC000  }
0x1ec: {  	[tilespmem:s16], [sflag:$0x1] =	stream.indirect.gather [hbm4b:s2+s15], $0x80, s28, s15, $0xb8;
	[tilespmem:$0x1D000] =	vst v63  }
0x1ed: {  	_ =	swait.ge [sflag:s17], $0x4000  }
0x1ee: {  	[sflag:s17] =	ssyncset.done $0x0  }
0x1ef: {  	s29 =	simm.s32 $0xA00;
	[sflag:s17] =	ssyncadd.s32 $0xFFFFC000  }
0x1f0: {  	[spmem:s3] =	stream.indirect.scatter.add.f32 [tilespmem:s16], [sflag:$0x3], $0x80, s29, s15, $0xb8;
	[tilespmem:$0x1D000] =	vst v63  }
0x1f1: {  	_ =	swait.ge [sflag:s24], $0x4000  }
0x1f2: {  	[sflag:s24] =	ssyncset.done $0x0  }
0x1f3: {  	s30 =	simm.s32 $0x280;
	[sflag:s24] =	ssyncadd.s32 $0xFFFFC000  }
0x1f4: {  	[tilespmem:s18], [sflag:$0x2] =	stream.indirect.gather [hbm4b:s2+s15], $0x80, s30, s15, $0xb8;
	[tilespmem:$0x1D000] =	vst v63  }
0x1f5: {  	_ =	swait.ge [sflag:s19], $0x4000  }
0x1f6: {  	[sflag:s19] =	ssyncset.done $0x0  }
0x1f7: {  	s31 =	simm.s32 $0xA80;
	[sflag:s19] =	ssyncadd.s32 $0xFFFFC000  }
0x1f8: {  	[spmem:s3] =	stream.indirect.scatter.add.f32 [tilespmem:s18], [sflag:$0x4], $0x80, s31, s15, $0xb8;
	[tilespmem:$0x1D000] =	vst v63  }
0x1f9: {  	_ =	swait.ge [sflag:s21], $0x4000  }
0x1fa: {  	[sflag:s21] =	ssyncset.done $0x0  }
0x1fb: {  	s1 =	simm.s32 $0x300;
	[sflag:s21] =	ssyncadd.s32 $0xFFFFC000  }
0x1fc: {  	[tilespmem:s16], [sflag:$0x1] =	stream.indirect.gather [hbm4b:s2+s15], $0x80, s1, s15, $0xb8;
	[tilespmem:$0x1D000] =	vst v63  }
0x1fd: {  	_ =	swait.ge [sflag:s17], $0x4000  }
0x1fe: {  	[sflag:s17] =	ssyncset.done $0x0  }
0x1ff: {  	s0 =	simm.s32 $0xB00;
	[sflag:s17] =	ssyncadd.s32 $0xFFFFC000  }
0x200: {  	[spmem:s3] =	stream.indirect.scatter.add.f32 [tilespmem:s16], [sflag:$0x3], $0x80, s0, s15, $0xb8;
	[tilespmem:$0x1D000] =	vst v63  }
0x201: {  	_ =	swait.ge [sflag:s24], $0x4000  }
0x202: {  	[sflag:s24] =	ssyncset.done $0x0  }
0x203: {  	s6 =	simm.s32 $0x380;
	[sflag:s24] =	ssyncadd.s32 $0xFFFFC000  }
0x204: {  	[tilespmem:s18], [sflag:$0x2] =	stream.indirect.gather [hbm4b:s2+s15], $0x80, s6, s15, $0xb8;
	[tilespmem:$0x1D000] =	vst v63  }
0x205: {  	_ =	swait.ge [sflag:s19], $0x4000  }
0x206: {  	[sflag:s19] =	ssyncset.done $0x0  }
0x207: {  	s8 =	simm.s32 $0xB80;
	[sflag:s19] =	ssyncadd.s32 $0xFFFFC000  }
0x208: {  	[spmem:s3] =	stream.indirect.scatter.add.f32 [tilespmem:s18], [sflag:$0x4], $0x80, s8, s15, $0xb8;
	[tilespmem:$0x1D000] =	vst v63  }
0x209: {  	_ =	swait.ge [sflag:s21], $0x4000  }
0x20a: {  	[sflag:s21] =	ssyncset.done $0x0  }
0x20b: {  	s9 =	simm.s32 $0x400;
	[sflag:s21] =	ssyncadd.s32 $0xFFFFC000  }
0x20c: {  	[tilespmem:s16], [sflag:$0x1] =	stream.indirect.gather [hbm4b:s2+s15], $0x80, s9, s15, $0xb8;
	[tilespmem:$0x1D000] =	vst v63  }
0x20d: {  	_ =	swait.ge [sflag:s17], $0x4000  }
0x20e: {  	[sflag:s17] =	ssyncset.done $0x0  }
0x20f: {  	s12 =	simm.s32 $0xC00;
	[sflag:s17] =	ssyncadd.s32 $0xFFFFC000  }
0x210: {  	[spmem:s3] =	stream.indirect.scatter.add.f32 [tilespmem:s16], [sflag:$0x3], $0x80, s12, s15, $0xb8;
	[tilespmem:$0x1D000] =	vst v63  }
0x211: {  	_ =	swait.ge [sflag:s24], $0x4000  }
0x212: {  	[sflag:s24] =	ssyncset.done $0x0  }
0x213: {  	s20 =	simm.s32 $0x480;
	[sflag:s24] =	ssyncadd.s32 $0xFFFFC000  }
0x214: {  	[tilespmem:s18], [sflag:$0x2] =	stream.indirect.gather [hbm4b:s2+s15], $0x80, s20, s15, $0xb8;
	[tilespmem:$0x1D000] =	vst v63  }
0x215: {  	_ =	swait.ge [sflag:s19], $0x4000  }
0x216: {  	[sflag:s19] =	ssyncset.done $0x0  }
0x217: {  	s22 =	simm.s32 $0xC80;
	[sflag:s19] =	ssyncadd.s32 $0xFFFFC000  }
0x218: {  	[spmem:s3] =	stream.indirect.scatter.add.f32 [tilespmem:s18], [sflag:$0x4], $0x80, s22, s15, $0xb8;
	[tilespmem:$0x1D000] =	vst v63  }
0x219: {  	_ =	swait.ge [sflag:s21], $0x4000  }
0x21a: {  	[sflag:s21] =	ssyncset.done $0x0  }
0x21b: {  	s9 =	simm.s32 $0x500;
	[sflag:s21] =	ssyncadd.s32 $0xFFFFC000  }
0x21c: {  	[tilespmem:s16], [sflag:$0x1] =	stream.indirect.gather [hbm4b:s2+s15], $0x80, s9, s15, $0xb8;
	[tilespmem:$0x1D000] =	vst v63  }
0x21d: {  	_ =	swait.ge [sflag:s17], $0x4000  }
0x21e: {  	[sflag:s17] =	ssyncset.done $0x0  }
0x21f: {  	s12 =	simm.s32 $0xD00;
	[sflag:s17] =	ssyncadd.s32 $0xFFFFC000  }
0x220: {  	[spmem:s3] =	stream.indirect.scatter.add.f32 [tilespmem:s16], [sflag:$0x3], $0x80, s12, s15, $0xb8;
	[tilespmem:$0x1D000] =	vst v63  }
0x221: {  	_ =	swait.ge [sflag:s24], $0x4000  }
0x222: {  	[sflag:s24] =	ssyncset.done $0x0  }
0x223: {  	s20 =	simm.s32 $0x580;
	[sflag:s24] =	ssyncadd.s32 $0xFFFFC000  }
0x224: {  	[tilespmem:s18], [sflag:$0x2] =	stream.indirect.gather [hbm4b:s2+s15], $0x80, s20, s15, $0xb8;
	[tilespmem:$0x1D000] =	vst v63  }
0x225: {  	_ =	swait.ge [sflag:s19], $0x4000  }
0x226: {  	[sflag:s19] =	ssyncset.done $0x0  }
0x227: {  	s22 =	simm.s32 $0xD80;
	[sflag:s19] =	ssyncadd.s32 $0xFFFFC000  }
0x228: {  	[spmem:s3] =	stream.indirect.scatter.add.f32 [tilespmem:s18], [sflag:$0x4], $0x80, s22, s15, $0xb8;
	[tilespmem:$0x1D000] =	vst v63  }
0x229: {  	_ =	swait.ge [sflag:s21], $0x4000  }
0x22a: {  	[sflag:s21] =	ssyncset.done $0x0  }
0x22b: {  	s9 =	simm.s32 $0x600;
	[sflag:s21] =	ssyncadd.s32 $0xFFFFC000  }
0x22c: {  	[tilespmem:s16], [sflag:$0x1] =	stream.indirect.gather [hbm4b:s2+s15], $0x80, s9, s15, $0xb8;
	[tilespmem:$0x1D000] =	vst v63  }
0x22d: {  	_ =	swait.ge [sflag:s17], $0x4000  }
0x22e: {  	[sflag:s17] =	ssyncset.done $0x0  }
0x22f: {  	s12 =	simm.s32 $0xE00;
	[sflag:s17] =	ssyncadd.s32 $0xFFFFC000  }
0x230: {  	[spmem:s3] =	stream.indirect.scatter.add.f32 [tilespmem:s16], [sflag:$0x3], $0x80, s12, s15, $0xb8;
	[tilespmem:$0x1D000] =	vst v63  }
0x231: {  	_ =	swait.ge [sflag:s24], $0x4000  }
0x232: {  	[sflag:s24] =	ssyncset.done $0x0  }
0x233: {  	s20 =	simm.s32 $0x680;
	[sflag:s24] =	ssyncadd.s32 $0xFFFFC000  }
0x234: {  	[tilespmem:s18], [sflag:$0x2] =	stream.indirect.gather [hbm4b:s2+s15], $0x80, s20, s15, $0xb8;
	[tilespmem:$0x1D000] =	vst v63  }
0x235: {  	_ =	swait.ge [sflag:s19], $0x4000  }
0x236: {  	[sflag:s19] =	ssyncset.done $0x0  }
0x237: {  	s22 =	simm.s32 $0xE80;
	[sflag:s19] =	ssyncadd.s32 $0xFFFFC000  }
0x238: {  	[spmem:s3] =	stream.indirect.scatter.add.f32 [tilespmem:s18], [sflag:$0x4], $0x80, s22, s15, $0xb8;
	[tilespmem:$0x1D000] =	vst v63  }
0x239: {  	_ =	swait.ge [sflag:s21], $0x4000  }
0x23a: {  	[sflag:s21] =	ssyncset.done $0x0  }
0x23b: {  	s9 =	simm.s32 $0x700;
	[sflag:s21] =	ssyncadd.s32 $0xFFFFC000  }
0x23c: {  	[tilespmem:s16], [sflag:$0x1] =	stream.indirect.gather [hbm4b:s2+s15], $0x80, s9, s15, $0xb8;
	[tilespmem:$0x1D000] =	vst v63  }
0x23d: {  	_ =	swait.ge [sflag:s17], $0x4000  }
0x23e: {  	[sflag:s17] =	ssyncset.done $0x0  }
0x23f: {  	s12 =	simm.s32 $0xF00;
	[sflag:s17] =	ssyncadd.s32 $0xFFFFC000  }
0x240: {  	[spmem:s3] =	stream.indirect.scatter.add.f32 [tilespmem:s16], [sflag:$0x3], $0x80, s12, s15, $0xb8;
	[tilespmem:$0x1D000] =	vst v63  }
0x241: {  	_ =	swait.ge [sflag:s24], $0x4000  }
0x242: {  	[sflag:s24] =	ssyncset.done $0x0  }
0x243: {  	s20 =	simm.s32 $0x780;
	[sflag:s24] =	ssyncadd.s32 $0xFFFFC000  }
0x244: {  	[tilespmem:s18], [sflag:$0x2] =	stream.indirect.gather [hbm4b:s2+s15], $0x80, s20, s15, $0xb8;
	[tilespmem:$0x1D000] =	vst v63  }
0x245: {  	_ =	swait.ge [sflag:s19], $0x4000  }
0x246: {  	[sflag:s19] =	ssyncset.done $0x0  }
0x247: {  	s22 =	simm.s32 $0xF80;
	[sflag:s19] =	ssyncadd.s32 $0xFFFFC000  }
0x248: {  	[spmem:s3] =	stream.indirect.scatter.add.f32 [tilespmem:s18], [sflag:$0x4], $0x80, s22, s15, $0xb8;
	[tilespmem:$0x1D000] =	vst v63  }
0x249: {  	_ =	swait.ge [sflag:s21], $0x4000  }
0x24a: {  	[sflag:s21] =	ssyncset.done $0x0  }
0x24b: {  	[sflag:s21] =	ssyncadd.s32 $0xFFFFC000  }
0x24c: {  	_ =	swait.ge [sflag:s24], $0x4000  }
0x24d: {  	s7 =	simm.s32 $0x200;
	s9 =	simm.s32 $0x100;
	[sflag:s24] =	ssyncset.done $0x0  }
.LBB2_3:
0x24e: {  	s20 =	sadd.s32 s9, s11  }
0x24f: {  	[sflag:s24] =	ssyncadd.s32 $0xFFFFC000;
	s22 =	smov.u32 s7;
	s12 =	sadd.s32 $0x100, s7  }
0x250: {  	[tilespmem:s4], [sflag:$0x5] =	stream.linear.gather [hbm4b:s20+s4], $0x800, $0x38;
	[tilespmem:$0x1D000] =	vst v63  }
0x251: {  	s20 =	simm.s32 $0x880  }
0x252: {  	p1 =	seq.s32 s7, $0x900;
	_ =	swait.ge [sflag:s13], $0x800  }
0x253: {  	s7 =	sadd.s32 s9, s10;
	[sflag:s13] =	ssyncset.done $0x0  }
0x254: {  	s9 =	smov.u32 s22;
	s22 =	simm.s32 $0x100;
	[sflag:s13] =	ssyncadd.s32 $0xFFFFF800  }
0x255: {  	[tilespmem:s14], [sflag:$0x5] =	stream.linear.gather [hbm4b:s7+s4], $0x800, $0x38;
	[tilespmem:$0x1D000] =	vst v63  }
0x256: {  	_ =	swait.ge [sflag:s13], $0x800  }
0x257: {  	[sflag:s13] =	ssyncset.done $0x0  }
0x258: {  	[sflag:s13] =	ssyncadd.s32 $0xFFFFF800  }
0x259: {  	[tilespmem:s16], [sflag:$0x1] =	stream.indirect.gather [hbm4b:s2+s15], $0x80, s4, s15, $0xb8;
	[tilespmem:$0x1D000] =	vst v63  }
0x25a: {  	_ =	swait.ge [sflag:s17], $0x4000  }
0x25b: {  	[sflag:s17] =	ssyncset.done $0x0  }
0x25c: {  	[sflag:s17] =	ssyncadd.s32 $0xFFFFC000  }
0x25d: {  	[spmem:s3] =	stream.indirect.scatter.add.f32 [tilespmem:s16], [sflag:$0x3], $0x80, s14, s15, $0xb8;
	[tilespmem:$0x1D000] =	vst v63  }
0x25e: {  	_ = 	snop  }
0x25f: {  	[tilespmem:s18], [sflag:$0x2] =	stream.indirect.gather [hbm4b:s2+s15], $0x80, s15, s15, $0xb8;
	[tilespmem:$0x1D000] =	vst v63  }
0x260: {  	_ =	swait.ge [sflag:s19], $0x4000  }
0x261: {  	[sflag:s19] =	ssyncset.done $0x0  }
0x262: {  	[sflag:s19] =	ssyncadd.s32 $0xFFFFC000  }
0x263: {  	[spmem:s3] =	stream.indirect.scatter.add.f32 [tilespmem:s18], [sflag:$0x4], $0x80, s20, s15, $0xb8;
	[tilespmem:$0x1D000] =	vst v63  }
0x264: {  	_ =	swait.ge [sflag:s21], $0x4000  }
0x265: {  	[sflag:s21] =	ssyncset.done $0x0  }
0x266: {  	[sflag:s21] =	ssyncadd.s32 $0xFFFFC000  }
0x267: {  	[tilespmem:s16], [sflag:$0x1] =	stream.indirect.gather [hbm4b:s2+s15], $0x80, s22, s15, $0xb8;
	[tilespmem:$0x1D000] =	vst v63  }
0x268: {  	_ =	swait.ge [sflag:s17], $0x4000  }
0x269: {  	[sflag:s17] =	ssyncset.done $0x0  }
0x26a: {  	[sflag:s17] =	ssyncadd.s32 $0xFFFFC000  }
0x26b: {  	[spmem:s3] =	stream.indirect.scatter.add.f32 [tilespmem:s16], [sflag:$0x3], $0x80, s23, s15, $0xb8;
	[tilespmem:$0x1D000] =	vst v63  }
0x26c: {  	_ =	swait.ge [sflag:s24], $0x4000  }
0x26d: {  	[sflag:s24] =	ssyncset.done $0x0  }
0x26e: {  	[sflag:s24] =	ssyncadd.s32 $0xFFFFC000  }
0x26f: {  	[tilespmem:s18], [sflag:$0x2] =	stream.indirect.gather [hbm4b:s2+s15], $0x80, s25, s15, $0xb8;
	[tilespmem:$0x1D000] =	vst v63  }
0x270: {  	_ =	swait.ge [sflag:s19], $0x4000  }
0x271: {  	[sflag:s19] =	ssyncset.done $0x0  }
0x272: {  	[sflag:s19] =	ssyncadd.s32 $0xFFFFC000  }
0x273: {  	[spmem:s3] =	stream.indirect.scatter.add.f32 [tilespmem:s18], [sflag:$0x4], $0x80, s26, s15, $0xb8;
	[tilespmem:$0x1D000] =	vst v63  }
0x274: {  	_ =	swait.ge [sflag:s21], $0x4000  }
0x275: {  	[sflag:s21] =	ssyncset.done $0x0  }
0x276: {  	[sflag:s21] =	ssyncadd.s32 $0xFFFFC000  }
0x277: {  	[tilespmem:s16], [sflag:$0x1] =	stream.indirect.gather [hbm4b:s2+s15], $0x80, s28, s15, $0xb8;
	[tilespmem:$0x1D000] =	vst v63  }
0x278: {  	_ =	swait.ge [sflag:s17], $0x4000  }
0x279: {  	[sflag:s17] =	ssyncset.done $0x0  }
0x27a: {  	[sflag:s17] =	ssyncadd.s32 $0xFFFFC000  }
0x27b: {  	[spmem:s3] =	stream.indirect.scatter.add.f32 [tilespmem:s16], [sflag:$0x3], $0x80, s29, s15, $0xb8;
	[tilespmem:$0x1D000] =	vst v63  }
0x27c: {  	_ =	swait.ge [sflag:s24], $0x4000  }
0x27d: {  	[sflag:s24] =	ssyncset.done $0x0  }
0x27e: {  	[sflag:s24] =	ssyncadd.s32 $0xFFFFC000  }
0x27f: {  	[tilespmem:s18], [sflag:$0x2] =	stream.indirect.gather [hbm4b:s2+s15], $0x80, s30, s15, $0xb8;
	[tilespmem:$0x1D000] =	vst v63  }
0x280: {  	_ =	swait.ge [sflag:s19], $0x4000  }
0x281: {  	[sflag:s19] =	ssyncset.done $0x0  }
0x282: {  	[sflag:s19] =	ssyncadd.s32 $0xFFFFC000  }
0x283: {  	[spmem:s3] =	stream.indirect.scatter.add.f32 [tilespmem:s18], [sflag:$0x4], $0x80, s31, s15, $0xb8;
	[tilespmem:$0x1D000] =	vst v63  }
0x284: {  	_ =	swait.ge [sflag:s21], $0x4000  }
0x285: {  	[sflag:s21] =	ssyncset.done $0x0  }
0x286: {  	[sflag:s21] =	ssyncadd.s32 $0xFFFFC000  }
0x287: {  	[tilespmem:s16], [sflag:$0x1] =	stream.indirect.gather [hbm4b:s2+s15], $0x80, s1, s15, $0xb8;
	[tilespmem:$0x1D000] =	vst v63  }
0x288: {  	_ =	swait.ge [sflag:s17], $0x4000  }
0x289: {  	[sflag:s17] =	ssyncset.done $0x0  }
0x28a: {  	[sflag:s17] =	ssyncadd.s32 $0xFFFFC000  }
0x28b: {  	[spmem:s3] =	stream.indirect.scatter.add.f32 [tilespmem:s16], [sflag:$0x3], $0x80, s0, s15, $0xb8;
	[tilespmem:$0x1D000] =	vst v63  }
0x28c: {  	_ =	swait.ge [sflag:s24], $0x4000  }
0x28d: {  	[sflag:s24] =	ssyncset.done $0x0  }
0x28e: {  	[sflag:s24] =	ssyncadd.s32 $0xFFFFC000  }
0x28f: {  	[tilespmem:s18], [sflag:$0x2] =	stream.indirect.gather [hbm4b:s2+s15], $0x80, s6, s15, $0xb8;
	[tilespmem:$0x1D000] =	vst v63  }
0x290: {  	_ =	swait.ge [sflag:s19], $0x4000  }
0x291: {  	[sflag:s19] =	ssyncset.done $0x0  }
0x292: {  	[sflag:s19] =	ssyncadd.s32 $0xFFFFC000  }
0x293: {  	[spmem:s3] =	stream.indirect.scatter.add.f32 [tilespmem:s18], [sflag:$0x4], $0x80, s8, s15, $0xb8;
	[tilespmem:$0x1D000] =	vst v63  }
0x294: {  	_ =	swait.ge [sflag:s21], $0x4000  }
0x295: {  	[sflag:s21] =	ssyncset.done $0x0  }
0x296: {  	s7 =	simm.s32 $0x400;
	[sflag:s21] =	ssyncadd.s32 $0xFFFFC000  }
0x297: {  	[tilespmem:s16], [sflag:$0x1] =	stream.indirect.gather [hbm4b:s2+s15], $0x80, s7, s15, $0xb8;
	[tilespmem:$0x1D000] =	vst v63  }
0x298: {  	_ =	swait.ge [sflag:s17], $0x4000  }
0x299: {  	[sflag:s17] =	ssyncset.done $0x0  }
0x29a: {  	s7 =	simm.s32 $0xC00;
	[sflag:s17] =	ssyncadd.s32 $0xFFFFC000  }
0x29b: {  	[spmem:s3] =	stream.indirect.scatter.add.f32 [tilespmem:s16], [sflag:$0x3], $0x80, s7, s15, $0xb8;
	[tilespmem:$0x1D000] =	vst v63  }
0x29c: {  	_ =	swait.ge [sflag:s24], $0x4000  }
0x29d: {  	[sflag:s24] =	ssyncset.done $0x0  }
0x29e: {  	s7 =	simm.s32 $0x480;
	[sflag:s24] =	ssyncadd.s32 $0xFFFFC000  }
0x29f: {  	[tilespmem:s18], [sflag:$0x2] =	stream.indirect.gather [hbm4b:s2+s15], $0x80, s7, s15, $0xb8;
	[tilespmem:$0x1D000] =	vst v63  }
0x2a0: {  	_ =	swait.ge [sflag:s19], $0x4000  }
0x2a1: {  	[sflag:s19] =	ssyncset.done $0x0  }
0x2a2: {  	s7 =	simm.s32 $0xC80;
	[sflag:s19] =	ssyncadd.s32 $0xFFFFC000  }
0x2a3: {  	[spmem:s3] =	stream.indirect.scatter.add.f32 [tilespmem:s18], [sflag:$0x4], $0x80, s7, s15, $0xb8;
	[tilespmem:$0x1D000] =	vst v63  }
0x2a4: {  	_ =	swait.ge [sflag:s21], $0x4000  }
0x2a5: {  	[sflag:s21] =	ssyncset.done $0x0  }
0x2a6: {  	s7 =	simm.s32 $0x500;
	[sflag:s21] =	ssyncadd.s32 $0xFFFFC000  }
0x2a7: {  	[tilespmem:s16], [sflag:$0x1] =	stream.indirect.gather [hbm4b:s2+s15], $0x80, s7, s15, $0xb8;
	[tilespmem:$0x1D000] =	vst v63  }
0x2a8: {  	_ =	swait.ge [sflag:s17], $0x4000  }
0x2a9: {  	[sflag:s17] =	ssyncset.done $0x0  }
0x2aa: {  	s7 =	simm.s32 $0xD00;
	[sflag:s17] =	ssyncadd.s32 $0xFFFFC000  }
0x2ab: {  	[spmem:s3] =	stream.indirect.scatter.add.f32 [tilespmem:s16], [sflag:$0x3], $0x80, s7, s15, $0xb8;
	[tilespmem:$0x1D000] =	vst v63  }
0x2ac: {  	_ =	swait.ge [sflag:s24], $0x4000  }
0x2ad: {  	[sflag:s24] =	ssyncset.done $0x0  }
0x2ae: {  	s7 =	simm.s32 $0x580;
	[sflag:s24] =	ssyncadd.s32 $0xFFFFC000  }
0x2af: {  	[tilespmem:s18], [sflag:$0x2] =	stream.indirect.gather [hbm4b:s2+s15], $0x80, s7, s15, $0xb8;
	[tilespmem:$0x1D000] =	vst v63  }
0x2b0: {  	_ =	swait.ge [sflag:s19], $0x4000  }
0x2b1: {  	[sflag:s19] =	ssyncset.done $0x0  }
0x2b2: {  	s7 =	simm.s32 $0xD80;
	[sflag:s19] =	ssyncadd.s32 $0xFFFFC000  }
0x2b3: {  	[spmem:s3] =	stream.indirect.scatter.add.f32 [tilespmem:s18], [sflag:$0x4], $0x80, s7, s15, $0xb8;
	[tilespmem:$0x1D000] =	vst v63  }
0x2b4: {  	_ =	swait.ge [sflag:s21], $0x4000  }
0x2b5: {  	[sflag:s21] =	ssyncset.done $0x0  }
0x2b6: {  	s7 =	simm.s32 $0x600;
	[sflag:s21] =	ssyncadd.s32 $0xFFFFC000  }
0x2b7: {  	[tilespmem:s16], [sflag:$0x1] =	stream.indirect.gather [hbm4b:s2+s15], $0x80, s7, s15, $0xb8;
	[tilespmem:$0x1D000] =	vst v63  }
0x2b8: {  	_ =	swait.ge [sflag:s17], $0x4000  }
0x2b9: {  	[sflag:s17] =	ssyncset.done $0x0  }
0x2ba: {  	s7 =	simm.s32 $0xE00;
	[sflag:s17] =	ssyncadd.s32 $0xFFFFC000  }
0x2bb: {  	[spmem:s3] =	stream.indirect.scatter.add.f32 [tilespmem:s16], [sflag:$0x3], $0x80, s7, s15, $0xb8;
	[tilespmem:$0x1D000] =	vst v63  }
0x2bc: {  	_ =	swait.ge [sflag:s24], $0x4000  }
0x2bd: {  	[sflag:s24] =	ssyncset.done $0x0  }
0x2be: {  	s7 =	simm.s32 $0x680;
	[sflag:s24] =	ssyncadd.s32 $0xFFFFC000  }
0x2bf: {  	[tilespmem:s18], [sflag:$0x2] =	stream.indirect.gather [hbm4b:s2+s15], $0x80, s7, s15, $0xb8;
	[tilespmem:$0x1D000] =	vst v63  }
0x2c0: {  	_ =	swait.ge [sflag:s19], $0x4000  }
0x2c1: {  	[sflag:s19] =	ssyncset.done $0x0  }
0x2c2: {  	s7 =	simm.s32 $0xE80;
	[sflag:s19] =	ssyncadd.s32 $0xFFFFC000  }
0x2c3: {  	[spmem:s3] =	stream.indirect.scatter.add.f32 [tilespmem:s18], [sflag:$0x4], $0x80, s7, s15, $0xb8;
	[tilespmem:$0x1D000] =	vst v63  }
0x2c4: {  	_ =	swait.ge [sflag:s21], $0x4000  }
0x2c5: {  	[sflag:s21] =	ssyncset.done $0x0  }
0x2c6: {  	s7 =	simm.s32 $0x700;
	[sflag:s21] =	ssyncadd.s32 $0xFFFFC000  }
0x2c7: {  	[tilespmem:s16], [sflag:$0x1] =	stream.indirect.gather [hbm4b:s2+s15], $0x80, s7, s15, $0xb8;
	[tilespmem:$0x1D000] =	vst v63  }
0x2c8: {  	_ =	swait.ge [sflag:s17], $0x4000  }
0x2c9: {  	[sflag:s17] =	ssyncset.done $0x0  }
0x2ca: {  	s7 =	simm.s32 $0xF00;
	[sflag:s17] =	ssyncadd.s32 $0xFFFFC000  }
0x2cb: {  	[spmem:s3] =	stream.indirect.scatter.add.f32 [tilespmem:s16], [sflag:$0x3], $0x80, s7, s15, $0xb8;
	[tilespmem:$0x1D000] =	vst v63  }
0x2cc: {  	_ =	swait.ge [sflag:s24], $0x4000  }
0x2cd: {  	[sflag:s24] =	ssyncset.done $0x0  }
0x2ce: {  	s7 =	simm.s32 $0x780;
	[sflag:s24] =	ssyncadd.s32 $0xFFFFC000  }
0x2cf: {  	[tilespmem:s18], [sflag:$0x2] =	stream.indirect.gather [hbm4b:s2+s15], $0x80, s7, s15, $0xb8;
	[tilespmem:$0x1D000] =	vst v63  }
0x2d0: {  	_ =	swait.ge [sflag:s19], $0x4000  }
0x2d1: {  	[sflag:s19] =	ssyncset.done $0x0  }
0x2d2: {  	s7 =	simm.s32 $0xF80;
	[sflag:s19] =	ssyncadd.s32 $0xFFFFC000  }
0x2d3: {  	[spmem:s3] =	stream.indirect.scatter.add.f32 [tilespmem:s18], [sflag:$0x4], $0x80, s7, s15, $0xb8;
	[tilespmem:$0x1D000] =	vst v63  }
.Ltmp5:
0x2d4: {  	_ =	swait.ge [sflag:s21], $0x4000;
	(pc) =	sbr.rel @!p1 .LBB2_3-.Ltmp5, $4  }
0x2d5: {  	[sflag:s21] =	ssyncset.done $0x0  }
0x2d6: {  	[sflag:s21] =	ssyncadd.s32 $0xFFFFC000  }
0x2d7: {  	_ =	swait.ge [sflag:s24], $0x4000  }
0x2d8: {  	s7 =	smov.u32 s12;
	[sflag:s24] =	ssyncset.done $0x0  }
0x2d9: {  	s7 =	sadd.s32 s9, s11;
	[sflag:s24] =	ssyncadd.s32 $0xFFFFC000  }
0x2da: {  	[tilespmem:s4], [sflag:$0x5] =	stream.linear.gather [hbm4b:s7+s4], $0x800, $0x38;
	[tilespmem:$0x1D000] =	vst v63  }
0x2db: {  	_ =	swait.ge [sflag:s13], $0x800  }
0x2dc: {  	[sflag:s13] =	ssyncset.done $0x0  }
0x2dd: {  	s12 =	sadd.s32 s9, s10;
	[sflag:s13] =	ssyncadd.s32 $0xFFFFF800  }
0x2de: {  	[tilespmem:s14], [sflag:$0x5] =	stream.linear.gather [hbm4b:s12+s4], $0x800, $0x38;
	[tilespmem:$0x1D000] =	vst v63  }
0x2df: {  	_ =	swait.ge [sflag:s13], $0x800  }
0x2e0: {  	[sflag:s13] =	ssyncset.done $0x0  }
0x2e1: {  	[sflag:s13] =	ssyncadd.s32 $0xFFFFF800  }
0x2e2: {  	[tilespmem:s16], [sflag:$0x1] =	stream.indirect.gather [hbm4b:s2+s15], $0x80, s4, s15, $0xb8;
	[tilespmem:$0x1D000] =	vst v63  }
0x2e3: {  	_ =	swait.ge [sflag:s17], $0x4000  }
0x2e4: {  	[sflag:s17] =	ssyncset.done $0x0  }
0x2e5: {  	[sflag:s17] =	ssyncadd.s32 $0xFFFFC000  }
0x2e6: {  	[spmem:s3] =	stream.indirect.scatter.add.f32 [tilespmem:s16], [sflag:$0x3], $0x80, s14, s15, $0xb8;
	[tilespmem:$0x1D000] =	vst v63  }
0x2e7: {  	_ = 	snop  }
0x2e8: {  	[tilespmem:s18], [sflag:$0x2] =	stream.indirect.gather [hbm4b:s2+s15], $0x80, s15, s15, $0xb8;
	[tilespmem:$0x1D000] =	vst v63  }
0x2e9: {  	_ =	swait.ge [sflag:s19], $0x4000  }
0x2ea: {  	[sflag:s19] =	ssyncset.done $0x0  }
0x2eb: {  	[sflag:s19] =	ssyncadd.s32 $0xFFFFC000  }
0x2ec: {  	[spmem:s3] =	stream.indirect.scatter.add.f32 [tilespmem:s18], [sflag:$0x4], $0x80, s20, s15, $0xb8;
	[tilespmem:$0x1D000] =	vst v63  }
0x2ed: {  	_ =	swait.ge [sflag:s21], $0x4000  }
0x2ee: {  	[sflag:s21] =	ssyncset.done $0x0  }
0x2ef: {  	[sflag:s21] =	ssyncadd.s32 $0xFFFFC000  }
0x2f0: {  	[tilespmem:s16], [sflag:$0x1] =	stream.indirect.gather [hbm4b:s2+s15], $0x80, s22, s15, $0xb8;
	[tilespmem:$0x1D000] =	vst v63  }
0x2f1: {  	_ =	swait.ge [sflag:s17], $0x4000  }
0x2f2: {  	[sflag:s17] =	ssyncset.done $0x0  }
0x2f3: {  	[sflag:s17] =	ssyncadd.s32 $0xFFFFC000  }
0x2f4: {  	[spmem:s3] =	stream.indirect.scatter.add.f32 [tilespmem:s16], [sflag:$0x3], $0x80, s23, s15, $0xb8;
	[tilespmem:$0x1D000] =	vst v63  }
0x2f5: {  	_ =	swait.ge [sflag:s24], $0x4000  }
0x2f6: {  	[sflag:s24] =	ssyncset.done $0x0  }
0x2f7: {  	[sflag:s24] =	ssyncadd.s32 $0xFFFFC000  }
0x2f8: {  	[tilespmem:s18], [sflag:$0x2] =	stream.indirect.gather [hbm4b:s2+s15], $0x80, s25, s15, $0xb8;
	[tilespmem:$0x1D000] =	vst v63  }
0x2f9: {  	_ =	swait.ge [sflag:s19], $0x4000  }
0x2fa: {  	[sflag:s19] =	ssyncset.done $0x0  }
0x2fb: {  	[sflag:s19] =	ssyncadd.s32 $0xFFFFC000  }
0x2fc: {  	[spmem:s3] =	stream.indirect.scatter.add.f32 [tilespmem:s18], [sflag:$0x4], $0x80, s26, s15, $0xb8;
	[tilespmem:$0x1D000] =	vst v63  }
0x2fd: {  	_ =	swait.ge [sflag:s21], $0x4000  }
0x2fe: {  	[sflag:s21] =	ssyncset.done $0x0  }
0x2ff: {  	[sflag:s21] =	ssyncadd.s32 $0xFFFFC000  }
0x300: {  	[tilespmem:s16], [sflag:$0x1] =	stream.indirect.gather [hbm4b:s2+s15], $0x80, s28, s15, $0xb8;
	[tilespmem:$0x1D000] =	vst v63  }
0x301: {  	_ =	swait.ge [sflag:s17], $0x4000  }
0x302: {  	[sflag:s17] =	ssyncset.done $0x0  }
0x303: {  	[sflag:s17] =	ssyncadd.s32 $0xFFFFC000  }
0x304: {  	[spmem:s3] =	stream.indirect.scatter.add.f32 [tilespmem:s16], [sflag:$0x3], $0x80, s29, s15, $0xb8;
	[tilespmem:$0x1D000] =	vst v63  }
0x305: {  	_ =	swait.ge [sflag:s24], $0x4000  }
0x306: {  	[sflag:s24] =	ssyncset.done $0x0  }
0x307: {  	[sflag:s24] =	ssyncadd.s32 $0xFFFFC000  }
0x308: {  	[tilespmem:s18], [sflag:$0x2] =	stream.indirect.gather [hbm4b:s2+s15], $0x80, s30, s15, $0xb8;
	[tilespmem:$0x1D000] =	vst v63  }
0x309: {  	_ =	swait.ge [sflag:s19], $0x4000  }
0x30a: {  	[sflag:s19] =	ssyncset.done $0x0  }
0x30b: {  	[sflag:s19] =	ssyncadd.s32 $0xFFFFC000  }
0x30c: {  	[spmem:s3] =	stream.indirect.scatter.add.f32 [tilespmem:s18], [sflag:$0x4], $0x80, s31, s15, $0xb8;
	[tilespmem:$0x1D000] =	vst v63  }
0x30d: {  	_ =	swait.ge [sflag:s21], $0x4000  }
0x30e: {  	[sflag:s21] =	ssyncset.done $0x0  }
0x30f: {  	[sflag:s21] =	ssyncadd.s32 $0xFFFFC000  }
0x310: {  	[tilespmem:s16], [sflag:$0x1] =	stream.indirect.gather [hbm4b:s2+s15], $0x80, s1, s15, $0xb8;
	[tilespmem:$0x1D000] =	vst v63  }
0x311: {  	_ =	swait.ge [sflag:s17], $0x4000  }
0x312: {  	[sflag:s17] =	ssyncset.done $0x0  }
0x313: {  	[sflag:s17] =	ssyncadd.s32 $0xFFFFC000  }
0x314: {  	[spmem:s3] =	stream.indirect.scatter.add.f32 [tilespmem:s16], [sflag:$0x3], $0x80, s0, s15, $0xb8;
	[tilespmem:$0x1D000] =	vst v63  }
0x315: {  	_ =	swait.ge [sflag:s24], $0x4000  }
0x316: {  	[sflag:s24] =	ssyncset.done $0x0  }
0x317: {  	[sflag:s24] =	ssyncadd.s32 $0xFFFFC000  }
0x318: {  	[tilespmem:s18], [sflag:$0x2] =	stream.indirect.gather [hbm4b:s2+s15], $0x80, s6, s15, $0xb8;
	[tilespmem:$0x1D000] =	vst v63  }
0x319: {  	_ =	swait.ge [sflag:s19], $0x4000  }
0x31a: {  	[sflag:s19] =	ssyncset.done $0x0  }
0x31b: {  	[sflag:s19] =	ssyncadd.s32 $0xFFFFC000  }
0x31c: {  	[spmem:s3] =	stream.indirect.scatter.add.f32 [tilespmem:s18], [sflag:$0x4], $0x80, s8, s15, $0xb8;
	[tilespmem:$0x1D000] =	vst v63  }
0x31d: {  	_ =	swait.ge [sflag:s21], $0x4000  }
0x31e: {  	[sflag:s21] =	ssyncset.done $0x0  }
0x31f: {  	s29 =	simm.s32 $0x400;
	[sflag:s21] =	ssyncadd.s32 $0xFFFFC000  }
0x320: {  	[tilespmem:s16], [sflag:$0x1] =	stream.indirect.gather [hbm4b:s2+s15], $0x80, s29, s15, $0xb8;
	[tilespmem:$0x1D000] =	vst v63  }
0x321: {  	_ =	swait.ge [sflag:s17], $0x4000  }
0x322: {  	[sflag:s17] =	ssyncset.done $0x0  }
0x323: {  	s30 =	simm.s32 $0xC00;
	[sflag:s17] =	ssyncadd.s32 $0xFFFFC000  }
0x324: {  	[spmem:s3] =	stream.indirect.scatter.add.f32 [tilespmem:s16], [sflag:$0x3], $0x80, s30, s15, $0xb8;
	[tilespmem:$0x1D000] =	vst v63  }
0x325: {  	_ =	swait.ge [sflag:s24], $0x4000  }
0x326: {  	[sflag:s24] =	ssyncset.done $0x0  }
0x327: {  	s31 =	simm.s32 $0x480;
	[sflag:s24] =	ssyncadd.s32 $0xFFFFC000  }
0x328: {  	[tilespmem:s18], [sflag:$0x2] =	stream.indirect.gather [hbm4b:s2+s15], $0x80, s31, s15, $0xb8;
	[tilespmem:$0x1D000] =	vst v63  }
0x329: {  	_ =	swait.ge [sflag:s19], $0x4000  }
0x32a: {  	[sflag:s19] =	ssyncset.done $0x0  }
0x32b: {  	s1 =	simm.s32 $0xC80;
	[sflag:s19] =	ssyncadd.s32 $0xFFFFC000  }
0x32c: {  	[spmem:s3] =	stream.indirect.scatter.add.f32 [tilespmem:s18], [sflag:$0x4], $0x80, s1, s15, $0xb8;
	[tilespmem:$0x1D000] =	vst v63  }
0x32d: {  	_ =	swait.ge [sflag:s21], $0x4000  }
0x32e: {  	[sflag:s21] =	ssyncset.done $0x0  }
0x32f: {  	s6 =	simm.s32 $0x500;
	[sflag:s21] =	ssyncadd.s32 $0xFFFFC000  }
0x330: {  	[tilespmem:s16], [sflag:$0x1] =	stream.indirect.gather [hbm4b:s2+s15], $0x80, s6, s15, $0xb8;
	[tilespmem:$0x1D000] =	vst v63  }
0x331: {  	_ =	swait.ge [sflag:s17], $0x4000  }
0x332: {  	[sflag:s17] =	ssyncset.done $0x0  }
0x333: {  	s7 =	simm.s32 $0xD00;
	[sflag:s17] =	ssyncadd.s32 $0xFFFFC000  }
0x334: {  	[spmem:s3] =	stream.indirect.scatter.add.f32 [tilespmem:s16], [sflag:$0x3], $0x80, s7, s15, $0xb8;
	[tilespmem:$0x1D000] =	vst v63  }
0x335: {  	_ =	swait.ge [sflag:s24], $0x4000  }
0x336: {  	[sflag:s24] =	ssyncset.done $0x0  }
0x337: {  	s8 =	simm.s32 $0x580;
	[sflag:s24] =	ssyncadd.s32 $0xFFFFC000  }
0x338: {  	[tilespmem:s18], [sflag:$0x2] =	stream.indirect.gather [hbm4b:s2+s15], $0x80, s8, s15, $0xb8;
	[tilespmem:$0x1D000] =	vst v63  }
0x339: {  	_ =	swait.ge [sflag:s19], $0x4000  }
0x33a: {  	[sflag:s19] =	ssyncset.done $0x0  }
0x33b: {  	s9 =	simm.s32 $0xD80;
	[sflag:s19] =	ssyncadd.s32 $0xFFFFC000  }
0x33c: {  	[spmem:s3] =	stream.indirect.scatter.add.f32 [tilespmem:s18], [sflag:$0x4], $0x80, s9, s15, $0xb8;
	[tilespmem:$0x1D000] =	vst v63  }
0x33d: {  	_ =	swait.ge [sflag:s21], $0x4000  }
0x33e: {  	[sflag:s21] =	ssyncset.done $0x0  }
0x33f: {  	s12 =	simm.s32 $0x600;
	[sflag:s21] =	ssyncadd.s32 $0xFFFFC000  }
0x340: {  	[tilespmem:s16], [sflag:$0x1] =	stream.indirect.gather [hbm4b:s2+s15], $0x80, s12, s15, $0xb8;
	[tilespmem:$0x1D000] =	vst v63  }
0x341: {  	_ =	swait.ge [sflag:s17], $0x4000  }
0x342: {  	[sflag:s17] =	ssyncset.done $0x0  }
0x343: {  	s23 =	simm.s32 $0xE00;
	[sflag:s17] =	ssyncadd.s32 $0xFFFFC000  }
0x344: {  	[spmem:s3] =	stream.indirect.scatter.add.f32 [tilespmem:s16], [sflag:$0x3], $0x80, s23, s15, $0xb8;
	[tilespmem:$0x1D000] =	vst v63  }
0x345: {  	_ =	swait.ge [sflag:s24], $0x4000  }
0x346: {  	[sflag:s24] =	ssyncset.done $0x0  }
0x347: {  	s25 =	simm.s32 $0x680;
	[sflag:s24] =	ssyncadd.s32 $0xFFFFC000  }
0x348: {  	[tilespmem:s18], [sflag:$0x2] =	stream.indirect.gather [hbm4b:s2+s15], $0x80, s25, s15, $0xb8;
	[tilespmem:$0x1D000] =	vst v63  }
0x349: {  	_ =	swait.ge [sflag:s19], $0x4000  }
0x34a: {  	[sflag:s19] =	ssyncset.done $0x0  }
0x34b: {  	s26 =	simm.s32 $0xE80;
	[sflag:s19] =	ssyncadd.s32 $0xFFFFC000  }
0x34c: {  	[spmem:s3] =	stream.indirect.scatter.add.f32 [tilespmem:s18], [sflag:$0x4], $0x80, s26, s15, $0xb8;
	[tilespmem:$0x1D000] =	vst v63  }
0x34d: {  	_ =	swait.ge [sflag:s21], $0x4000  }
0x34e: {  	[sflag:s21] =	ssyncset.done $0x0  }
0x34f: {  	s28 =	simm.s32 $0x700;
	[sflag:s21] =	ssyncadd.s32 $0xFFFFC000  }
0x350: {  	[tilespmem:s16], [sflag:$0x1] =	stream.indirect.gather [hbm4b:s2+s15], $0x80, s28, s15, $0xb8;
	[tilespmem:$0x1D000] =	vst v63  }
0x351: {  	_ =	swait.ge [sflag:s17], $0x4000  }
0x352: {  	[sflag:s17] =	ssyncset.done $0x0  }
0x353: {  	s29 =	simm.s32 $0xF00;
	[sflag:s17] =	ssyncadd.s32 $0xFFFFC000  }
0x354: {  	[spmem:s3] =	stream.indirect.scatter.add.f32 [tilespmem:s16], [sflag:$0x3], $0x80, s29, s15, $0xb8;
	[tilespmem:$0x1D000] =	vst v63  }
0x355: {  	_ =	swait.ge [sflag:s24], $0x4000  }
0x356: {  	[sflag:s24] =	ssyncset.done $0x0  }
0x357: {  	s30 =	simm.s32 $0x780;
	[sflag:s24] =	ssyncadd.s32 $0xFFFFC000  }
0x358: {  	[tilespmem:s18], [sflag:$0x2] =	stream.indirect.gather [hbm4b:s2+s15], $0x80, s30, s15, $0xb8;
	[tilespmem:$0x1D000] =	vst v63  }
0x359: {  	_ =	swait.ge [sflag:s19], $0x4000  }
0x35a: {  	[sflag:s19] =	ssyncset.done $0x0  }
0x35b: {  	s31 =	simm.s32 $0xF80;
	[sflag:s19] =	ssyncadd.s32 $0xFFFFC000  }
0x35c: {  	[spmem:s3] =	stream.indirect.scatter.add.f32 [tilespmem:s18], [sflag:$0x4], $0x80, s31, s15, $0xb8;
	[tilespmem:$0x1D000] =	vst v63  }
0x35d: {  	_ =	swait.ge [sflag:s21], $0x4000  }
.Ltmp6:
0x35e: {  	[sflag:s21] =	ssyncset.done $0x0;
	(pc) =	sbr.rel .LBB2_8-.Ltmp6, $4  }
0x35f: {  	[sflag:s21] =	ssyncadd.s32 $0xFFFFC000  }
0x360: {  	_ =	swait.ge [sflag:s24], $0x4000  }
0x361: {  	[sflag:s24] =	ssyncset.done $0x0  }
0x362: {  	s0 =	rddreg [dreg:$0x9];
	[sflag:s24] =	ssyncadd.s32 $0xFFFFC000  }
.LBB2_9:
0x363: {  	_ =	sfence.sel $0x180000  }
0x364: {  	[bflag:$0x0] =	sbarrier.arrive $0xFFFF  }
0x365: {  	_ =	strace $0x9000004D  }
0x366: {  	s0 =	stileid.u32;
	[bflag:$0x2] =	sbarrier.arrive $0xFFFF  }
0x367: {  	p0 =	sne.s32 s0, $0x0;
	s0 =	rddreg [dreg:$0x3]  }
0x368: {  	s0 =	sadd.s32 @!p0 $0x100000, s0  }
0x369: {  	[sflag:s0] =	ssyncadd.tile.s32 @!p0 $0x1;
	_ =	shalt  }
.Lfunc_end2:
_tile_overlayer_lowered:
.L_overlay_start_2:
0x36a: {  	(tag) =	ssettag $0x2  }
0x36b: {  	s0 =	rddreg [dreg:$0x0];
	s2 =	stileid.u32  }
0x36c: {  	s1 =	rddreg [dreg:$0x1];
	p0 =	sne.s32 s2, $0x0  }
0x36d: {  	s3 =	rddreg [dreg:$0x2];
	[bflag:$0x3] =	sbarrier.arrive $0xFFFF;
	s2 =	simm.s32 @!p0 $0x1C05  }
0x36e: {  	[timem:s3], [sflag:s2] =	dma.local @!p0 [hbm:s0], s1  }
0x36f: {  	s0 =	simm.s32 @!p0 $0x5  }
0x370: {  	_ =	swait.ge @!p0 [sflag:s0], s1  }
0x371: {  	s1 =	ssub.s32 @!p0 $0x0, s1;
	[sflag:s0] =	ssyncset.done @!p0 $0x0  }
0x372: {  	[sflag:s0] =	ssyncadd.s32 @!p0 s1  }
0x373: {  	[bflag:$0x3] =	sbarrier.arrive $0xFFFF  }
0x374: {  	_ =	shalt  }

// kernel: kernel.19.cloned.1.call-start
scs
__scs_entry_jumppad:
0x0: {  	(pc) =	sbr.rel $0x88, $3  }
0x1: {  	(tag) =	ssettag $0x0;
	lr =	simm.s32 $0x1  }
0x2: {  	[smem:$0x3F97] =	sst lr;
	_ =	strace $0xD0000000  }
0x3: {  	_ = 	snop  }
0x4: {  	_ = 	snop  }
0x5: {  	_ = 	snop  }
0x6: {  	_ = 	snop  }
0x7: {  	_ = 	snop  }
__scs_overlays_trampoline_lowered:
0x8: {  	[smem:$0x3FA6] =	sst s0  }
0x9: {  	[smem:$0x3FA7] =	sst s1  }
0xa: {  	[smem:$0x3FA8] =	sst s2  }
0xb: {  	[smem:$0x3FA9] =	sst s3  }
0xc: {  	[smem:$0x3FAA] =	sst s4  }
0xd: {  	[smem:$0x3FAB] =	sst s5  }
0xe: {  	[smem:$0x3FAC] =	sst s6  }
0xf: {  	[smem:$0x3FAD] =	sst s7  }
0x10: {  	[smem:$0x3FAE] =	sst s8  }
0x11: {  	[smem:$0x3FAF] =	sst s9;
	s0 =	simm.s32 @!p0 $0x0  }
0x12: {  	s1 =	sld [smem:$0x3F95];
	s0 =	simm.s32 @p0 $0x1  }
0x13: {  	[smem:$0x3FB0] =	sst s0;
	s0 =	simm.s32 @!p1 $0x0  }
0x14: {  	s2 =	sld [smem:$0x3F94];
	s0 =	simm.s32 @p1 $0x1  }
0x15: {  	[smem:$0x3FB1] =	sst s0;
	s0 =	simm.s32 @!p2 $0x0  }
0x16: {  	s3 =	sld [smem:$0x3FDB];
	s0 =	simm.s32 @p2 $0x1  }
0x17: {  	s4 =	simm.s32 $0x1BF5;
	[smem:$0x3FB3] =	sst s0  }
0x18: {  	s0 =	sld [smem:$0x3F96];
	_ =	swait.ge [sflag:s4], $0x0  }
0x19: {  	s7 =	sld [smem:$0x3F97]  }
0x1a: {  	s8 =	sadd.s32 $0xFFFFE003, lr  }
0x1b: {  	s9 =	sadd.s32 $0xFFFFFEF7, lr;
	s5 =	simm.s32 $0xFFFFFFFF;
	p2 =	slt.u32 s8, $0xFFFFF086  }
0x1c: {  	p1 =	slt.u32 s9, $0xF7A;
	s5 =	simm.s32 @!p2 $0x0  }
0x1d: {  	s5 =	simm.s32 @p1 $0x1;
	p0 =	seq.s32 s7, s2  }
0x1e: {  	s7 =	smul.u32 @!p0 $0xF7A, s2;
	p2 =	seq.s32 @!p0 s5, $0x0  }
0x1f: {  	s9 =	smul.u32 $0xF7A, s1;
	s8 =	simm.s32 @!p0 $0x1BF5;
	p2 =	por !p2, p0  }
0x20: {  	[sflag:s8] =	ssyncset.s32 @!p0 $0xFFFFF086;
	s6 =	sadd.s32 @!p0 s3, s7;
	s7 =	simm.s32 @!p0 $0x108  }
0x21: {  	s3 =	sadd.s32 s3, s9;
	s6 =	sadd.s32 @!p0 $0x88, s6;
	s7 =	simm.s32 @p2 $0x1082  }
0x22: {  	[simem:s7], [sflag:s8] =	dma.local @!p0 [hbm:s6], $0xF7A  }
0x23: {  	s9 =	sor.u32 $0xD0000000, s2;
	s6 =	simm.s32 $0x108;
	_ =	swait.ge @!p0 [sflag:s8], $0x0  }
0x24: {  	s3 =	sadd.s32 $0x88, s3;
	s6 =	simm.s32 @!p1 $0x1082;
	[sflag:s4] =	ssyncset.s32 $0xFFFFF086  }
0x25: {  	[simem:s6], [sflag:s4] =	dma.local [hbm:s3], $0xF7A  }
0x26: {  	[smem:$0x3F97] =	sst s1;
	(tag) =	ssettag s2;
	_ =	strace s9  }
0x27: {  	s1 =	sld [smem:$0x3FA7]  }
0x28: {  	s2 =	sld [smem:$0x3FA8]  }
0x29: {  	s4 =	sld [smem:$0x3FAA]  }
0x2a: {  	p0 =	seq.s32 s5, $0x0;
	s5 =	sld [smem:$0x3FAB]  }
0x2b: {  	s6 =	sld [smem:$0x3FAC]  }
0x2c: {  	s7 =	sld [smem:$0x3FAD]  }
0x2d: {  	s3 =	simm.s32 $0x108;
	s8 =	sld [smem:$0x3FAE]  }
0x2e: {  	s3 =	simm.s32 @!p0 $0x1082;
	s9 =	sld [smem:$0x3FAF]  }
0x2f: {  	lr =	sadd.s32 s0, s3;
	s0 =	sld [smem:$0x3FA6]  }
0x30: {  	s3 =	sld [smem:$0x3FA9]  }
0x31: {  	[smem:$0x3FB2] =	sst s10  }
0x32: {  	s10 =	sld [smem:$0x3FB0];
	_ =	sdelay $0x3  }
0x33: {  	p0 =	seq.s32 s10, $0x1;
	s10 =	sld [smem:$0x3FB2];
	_ =	sdelay $0x3  }
0x34: {  	[smem:$0x3FB2] =	sst s10  }
0x35: {  	s10 =	sld [smem:$0x3FB1];
	_ =	sdelay $0x3  }
0x36: {  	p1 =	seq.s32 s10, $0x1;
	s10 =	sld [smem:$0x3FB2];
	_ =	sdelay $0x3  }
0x37: {  	[smem:$0x3FB2] =	sst s10  }
0x38: {  	s10 =	sld [smem:$0x3FB3]  }
0x39: {  	_ = 	snop;
	(pc) =	sbr.ind lr, $3  }
0x3a: {  	_ = 	snop  }
0x3b: {  	_ = 	snop  }
0x3c: {  	p2 =	seq.s32 s10, $0x1;
	s10 =	sld [smem:$0x3FB2]  }
0x3d: {  	_ =	shalt  }
0x3e: {  	_ =	shalt  }
0x3f: {  	_ =	shalt  }
0x40: {  	_ =	shalt  }
0x41: {  	_ =	shalt  }
0x42: {  	_ =	shalt  }
0x43: {  	_ =	shalt  }
0x44: {  	_ =	shalt  }
0x45: {  	_ =	shalt  }
0x46: {  	_ =	shalt  }
0x47: {  	_ =	shalt  }
0x48: {  	_ =	shalt  }
0x49: {  	_ =	shalt  }
0x4a: {  	_ =	shalt  }
0x4b: {  	_ =	shalt  }
0x4c: {  	_ =	shalt  }
0x4d: {  	_ =	shalt  }
0x4e: {  	_ =	shalt  }
0x4f: {  	_ =	shalt  }
0x50: {  	_ =	shalt  }
0x51: {  	_ =	shalt  }
0x52: {  	_ =	shalt  }
0x53: {  	_ =	shalt  }
0x54: {  	_ =	shalt  }
0x55: {  	_ =	shalt  }
0x56: {  	_ =	shalt  }
0x57: {  	_ =	shalt  }
0x58: {  	_ =	shalt  }
0x59: {  	_ =	shalt  }
0x5a: {  	_ =	shalt  }
0x5b: {  	_ =	shalt  }
0x5c: {  	_ =	shalt  }
0x5d: {  	_ =	shalt  }
0x5e: {  	_ =	shalt  }
0x5f: {  	_ =	shalt  }
0x60: {  	_ =	shalt  }
0x61: {  	_ =	shalt  }
0x62: {  	_ =	shalt  }
0x63: {  	_ =	shalt  }
0x64: {  	_ =	shalt  }
0x65: {  	_ =	shalt  }
0x66: {  	_ =	shalt  }
0x67: {  	_ =	shalt  }
0x68: {  	_ =	shalt  }
0x69: {  	_ =	shalt  }
0x6a: {  	_ =	shalt  }
0x6b: {  	_ =	shalt  }
0x6c: {  	_ =	shalt  }
0x6d: {  	_ =	shalt  }
0x6e: {  	_ =	shalt  }
0x6f: {  	_ =	shalt  }
0x70: {  	_ =	shalt  }
0x71: {  	_ =	shalt  }
0x72: {  	_ =	shalt  }
0x73: {  	_ =	shalt  }
0x74: {  	_ =	shalt  }
0x75: {  	_ =	shalt  }
0x76: {  	_ =	shalt  }
0x77: {  	_ =	shalt  }
0x78: {  	_ =	shalt  }
0x79: {  	_ =	shalt  }
0x7a: {  	_ =	shalt  }
0x7b: {  	_ =	shalt  }
0x7c: {  	_ =	shalt  }
0x7d: {  	_ =	shalt  }
0x7e: {  	_ =	shalt  }
0x7f: {  	_ =	shalt  }
0x80: {  	_ =	shalt  }
0x81: {  	_ =	shalt  }
0x82: {  	_ =	shalt  }
0x83: {  	_ =	shalt  }
0x84: {  	_ =	shalt  }
0x85: {  	_ =	shalt  }
0x86: {  	_ =	shalt  }
0x87: {  	_ =	shalt  }
.Lfunc_end0:
.L_simem_size_0:
called_computation.3_lowered:
.L_overlay_start_0:
0x88: {  	s2 =	sld [smem:$0x3FD9]  }
0x89: {  	s3 =	sld [smem:$0x3FFE];
	_ =	sdelay $0x1  }
0x8a: {  	s1 =	srdreg.scid  }
0x8b: {  	s0 =	sand.u32 $0x1, s1  }
0x8c: {  	s17 =	sshll.u32 s0, $0xA;
	s2 =	sadd.s32 s3, s2  }
0x8d: {  	s2 =	sadd.s32 s2, s17  }
0x8e: {  	[smem:$0x3FBE] =	sst s2  }
0x8f: {  	_ = 	snop  }
0x90: {  	s2 =	sld [smem:$0x3FD0];
	(tm) =	ssettm $0x1  }
0x91: {  	s18 =	sld [smem:$0x3FFB];
	_ =	sdelay $0x3  }
0x92: {  	_ =	strace s18  }
0x93: {  	s3 =	sld [smem:$0x3FFC];
	_ =	sdelay $0x3  }
0x94: {  	_ =	strace s3  }
0x95: {  	s3 =	sld [smem:$0x3FFD];
	_ =	sdelay $0x3  }
0x96: {  	_ =	strace s3  }
0x97: {  	_ =	strace $0x8FFFFFFF  }
0x98: {  	s19 =	sld [smem:$0x3FDB];
	_ =	sdelay $0x1  }
0x99: {  	s4 =	simm.s32 $_scs_section_size  }
0x9a: {  	s5 =	simm.s32 $_size__tile_overlayer_lowered;
	s6 =	simm.s32 $_tile_overlayer_lowered  }
0x9b: {  	s22 =	simm.s32 $0x1BFF;
	s21 =	sshll.u32 s6, $0x1;
	s3 =	sadd.s32 s4, s19  }
0x9c: {  	s7 =	simm.s32 $0x0;
	s20 =	sshll.u32 s5, $0x1;
	s5 =	sadd.s32 s21, s3  }
0x9d: {  	[timem:s7], [sflag:s22] =	dma.local [hbm:s5], s20  }
0x9e: {  	_ =	swait.ge [sflag:s22], s20  }
0x9f: {  	s4 =	ssub.s32 $0x0, s20;
	[sflag:s22] =	ssyncset.done $0x0  }
0xa0: {  	[sflag:s22] =	ssyncadd.s32 s4;
	_ =	sdelay $0x1  }
0xa1: {  	s23 =	simm.s32 $0x1B8B  }
0xa2: {  	_ =	swait.ge [sflag:s23], $0x1  }
0xa3: {  	[sflag:s23] =	ssyncset.done $0x0  }
0xa4: {  	s25 =	simm.s32 $0x1B8E;
	s24 =	sld [smem:$0x3FFE];
	[sflag:s23] =	ssyncadd.s32 $0xFFFFFFFF  }
0xa5: {  	s26 =	simm.s32 $execute0_lowered;
	[smem:$0x3FD2] =	sst s25  }
0xa6: {  	s5 =	sshll.u32 s26, $0x1;
	_ =	strace $0x8000004F;
	[dreg:$0x1] =	wrdreg $0xFFFFFFFF  }
0xa7: {  	s28 =	simm.s32 $_size_execute0_lowered;
	s3 =	sadd.s32 s3, s5;
	[dreg:$0x0] =	wrdreg $0x0  }
0xa8: {  	s5 =	sshll.u32 s28, $0x1;
	[dreg:$0x2] =	wrdreg s3  }
0xa9: {  	[dreg:$0x3] =	wrdreg s5  }
0xaa: {  	[dreg:$0x4] =	wrdreg $0xC0  }
0xab: {  	_ =	task [dreg:s7], $0x5FFFF  }
0xac: {  	[dreg:$0x1] =	wrdreg $0xFFFFFFFF  }
0xad: {  	[dreg:$0x0] =	wrdreg $0x60  }
0xae: {  	[dreg:$0x2] =	wrdreg s24  }
0xaf: {  	[dreg:$0x3] =	wrdreg s2  }
0xb0: {  	[dreg:$0x4] =	wrdreg $0x90000  }
0xb1: {  	[dreg:$0x5] =	wrdreg $0x9  }
0xb2: {  	_ =	task.clear_ibuf [dreg:s7], $0x6FFFF;
	_ =	strace $0x9000004F  }
0xb3: {  	s29 =	simm.s32 $0x9;
	_ =	strace $0x80000051  }
0xb4: {  	_ =	swait.ge [sflag:s29], $0x1  }
0xb5: {  	[sflag:s29] =	ssyncadd.s32 $0xFFFFFFFF  }
0xb6: {  	_ =	strace $0x90000051  }
0xb7: {  	_ =	sfence  }
0xb8: {  	s30 =	sld [smem:$0x0];
	_ =	sdelay $0x2  }
0xb9: {  	s31 =	sshll.u32 s1, $0xD;
	s1 =	sshrl.u32 s1, $0x2  }
0xba: {  	s3 =	sand.u32 $0x4000, s31;
	s1 =	sadd.s32 s1, s30  }
0xbb: {  	s0 =	sor.u32 s3, s0;
	s1 =	sshll.u32 s1, $0x11  }
0xbc: {  	s0 =	sor.u32 s1, s0  }
0xbd: {  	s0 =	sadd.s32 $0x8F2B, s0  }
0xbe: {  	[sflag:s0] =	ssyncadd.remote.s32 $0x1  }
0xbf: {  	_ =	sfence.sel $0xFFFF  }
0xc0: {  	[dreg:$0x0] =	wrdreg $0xFFFFFFFF;
	(pc) =	sbr.abs _section_cstart, $3  }
0xc1: {  	[dreg:$0x1] =	wrdreg $0xFFFFFFFF  }
0xc2: {  	_ =	task.clear_ibuf [dreg:s7], $0x2FFFF;
	_ =	strace $0x9FFFFFFF  }
0xc3: {  	(tm) =	ssettm $0x7FFFFFFF  }
tec
execute0_lowered:
.L_overlay_start_1:
0x0: {  	(tag) =	ssettag $0x1  }
0x1: {  	s0 =	rddreg [dreg:$0x0]  }
0x2: {  	s10 =	stileid.u32;
	s2 =	rddreg [dreg:$0x1]  }
0x3: {  	s1 =	srdreg.scid;
	s3 =	rddreg [dreg:$0x2]  }
0x4: {  	s4 =	simm.s32 $0x0;
	s13 =	simm.s32 $0x5;
	s14 =	simm.s32 $0x800  }
0x5: {  	s15 =	simm.s32 $0x80;
	s16 =	simm.s32 $0x1000;
	s17 =	simm.s32 $0x1  }
0x6: {  	s18 =	simm.s32 $0x5000;
	s19 =	simm.s32 $0x2;
	s20 =	simm.s32 $0x880  }
0x7: {  	s21 =	simm.s32 $0x3;
	s22 =	simm.s32 $0x100;
	s5 =	smul.u32 $0xA00, s10  }
0x8: {  	s24 =	simm.s32 $0x4;
	s1 =	sand.u32 $0x1, s1;
	s7 =	smul.u32 $0x14000, s10  }
0x9: {  	[smem:$0x7FF] =	sst s4;
	s28 =	smul.u32 $0x50000, s10;
	s9 =	sadd.s32 $0xE000, s0  }
0xa: {  	s10 =	sshll.u32 s10, $0x6;
	s6 =	smul.u32 $0x140000, s1;
	_ =	strace $0x80000050  }
0xb: {  	[dreg:$0x4] =	wrdreg s9;
	s29 =	ssub.s32 $0x2, s1;
	s9 =	sor.u32 $0x1C05, s10  }
0xc: {  	p0 =	seq.s32 s1, $0x1;
	s8 =	sadd.s32 s5, s0;
	s5 =	sadd.s32 $0x6A800, s0  }
0xd: {  	s30 =	sshrl.u32 s29, $0x1;
	s6 =	sadd.s32 s7, s6;
	s7 =	sshrl.u32 s28, $0x2  }
.Ltmp0:
0xe: {  	s6 =	sshrl.u32 s6, $0x3;
	s7 =	sadd.s32 s7, s3;
	(pc) =	sbr.rel .LBB2_1-.Ltmp0, $4  }
0xf: {  	[dreg:$0x5] =	wrdreg s9;
	s0 =	sadd.s32 s6, s0;
	s12 =	sshrl.u32 s7, $0x3  }
0x10: {  	s6 =	ssub.s32 s29, s30;
	s0 =	sadd.s32 $0x91A00, s0;
	[dreg:$0x8] =	wrdreg s12  }
0x11: {  	s10 =	sadd.s32 $0x4000, s8;
	s31 =	smax.u32 s6, $0x1;
	[dreg:$0x6] =	wrdreg s0  }
0x12: {  	s11 =	sadd.s32 $0x60800, s8;
	[dreg:$0x7] =	wrdreg s31;
	s0 =	simm.s32 $0x0  }
.LBB2_7:
0x13: {  	s7 =	sadd.s32 s9, s11;
	[sflag:s24] =	ssyncadd.s32 $0xFFFFC000  }
0x14: {  	[tilespmem:s4], [sflag:$0x5] =	stream.linear.gather [hbm4b:s7+s4], $0x800, $0x38;
	[tilespmem:$0x1D000] =	vst v63  }
0x15: {  	_ =	swait.ge [sflag:s13], $0x800  }
0x16: {  	[sflag:s13] =	ssyncset.done $0x0  }
0x17: {  	s12 =	sadd.s32 s9, s10;
	[sflag:s13] =	ssyncadd.s32 $0xFFFFF800  }
0x18: {  	[tilespmem:s14], [sflag:$0x5] =	stream.linear.gather [hbm4b:s12+s4], $0x800, $0x38;
	[tilespmem:$0x1D000] =	vst v63  }
0x19: {  	_ =	swait.ge [sflag:s13], $0x800  }
0x1a: {  	[sflag:s13] =	ssyncset.done $0x0  }
0x1b: {  	[sflag:s13] =	ssyncadd.s32 $0xFFFFF800  }
0x1c: {  	[tilespmem:s16], [sflag:$0x1] =	stream.indirect.gather [hbm4b:s5+s15], $0x80, s4, s15, $0xb8;
	[tilespmem:$0x1D000] =	vst v63  }
0x1d: {  	_ =	swait.ge [sflag:s17], $0x4000  }
0x1e: {  	[sflag:s17] =	ssyncset.done $0x0  }
0x1f: {  	[sflag:s17] =	ssyncadd.s32 $0xFFFFC000  }
0x20: {  	[spmem:s3] =	stream.indirect.scatter.add.f32 [tilespmem:s16], [sflag:$0x3], $0x80, s14, s15, $0xb8;
	[tilespmem:$0x1D000] =	vst v63  }
0x21: {  	_ = 	snop  }
0x22: {  	[tilespmem:s18], [sflag:$0x2] =	stream.indirect.gather [hbm4b:s5+s15], $0x80, s15, s15, $0xb8;
	[tilespmem:$0x1D000] =	vst v63  }
0x23: {  	_ =	swait.ge [sflag:s19], $0x4000  }
0x24: {  	[sflag:s19] =	ssyncset.done $0x0  }
0x25: {  	[sflag:s19] =	ssyncadd.s32 $0xFFFFC000  }
0x26: {  	[spmem:s3] =	stream.indirect.scatter.add.f32 [tilespmem:s18], [sflag:$0x4], $0x80, s20, s15, $0xb8;
	[tilespmem:$0x1D000] =	vst v63  }
0x27: {  	_ =	swait.ge [sflag:s21], $0x4000  }
0x28: {  	[sflag:s21] =	ssyncset.done $0x0  }
0x29: {  	[sflag:s21] =	ssyncadd.s32 $0xFFFFC000  }
0x2a: {  	[tilespmem:s16], [sflag:$0x1] =	stream.indirect.gather [hbm4b:s5+s15], $0x80, s22, s15, $0xb8;
	[tilespmem:$0x1D000] =	vst v63  }
0x2b: {  	_ =	swait.ge [sflag:s17], $0x4000  }
0x2c: {  	[sflag:s17] =	ssyncset.done $0x0  }
0x2d: {  	[sflag:s17] =	ssyncadd.s32 $0xFFFFC000  }
0x2e: {  	[spmem:s3] =	stream.indirect.scatter.add.f32 [tilespmem:s16], [sflag:$0x3], $0x80, s23, s15, $0xb8;
	[tilespmem:$0x1D000] =	vst v63  }
0x2f: {  	_ =	swait.ge [sflag:s24], $0x4000  }
0x30: {  	[sflag:s24] =	ssyncset.done $0x0  }
0x31: {  	[sflag:s24] =	ssyncadd.s32 $0xFFFFC000  }
0x32: {  	[tilespmem:s18], [sflag:$0x2] =	stream.indirect.gather [hbm4b:s5+s15], $0x80, s25, s15, $0xb8;
	[tilespmem:$0x1D000] =	vst v63  }
0x33: {  	_ =	swait.ge [sflag:s19], $0x4000  }
0x34: {  	[sflag:s19] =	ssyncset.done $0x0  }
0x35: {  	[sflag:s19] =	ssyncadd.s32 $0xFFFFC000  }
0x36: {  	[spmem:s3] =	stream.indirect.scatter.add.f32 [tilespmem:s18], [sflag:$0x4], $0x80, s26, s15, $0xb8;
	[tilespmem:$0x1D000] =	vst v63  }
0x37: {  	_ =	swait.ge [sflag:s21], $0x4000  }
0x38: {  	[sflag:s21] =	ssyncset.done $0x0  }
0x39: {  	[sflag:s21] =	ssyncadd.s32 $0xFFFFC000  }
0x3a: {  	[tilespmem:s16], [sflag:$0x1] =	stream.indirect.gather [hbm4b:s5+s15], $0x80, s28, s15, $0xb8;
	[tilespmem:$0x1D000] =	vst v63  }
0x3b: {  	_ =	swait.ge [sflag:s17], $0x4000  }
0x3c: {  	[sflag:s17] =	ssyncset.done $0x0  }
0x3d: {  	[sflag:s17] =	ssyncadd.s32 $0xFFFFC000  }
0x3e: {  	[spmem:s3] =	stream.indirect.scatter.add.f32 [tilespmem:s16], [sflag:$0x3], $0x80, s29, s15, $0xb8;
	[tilespmem:$0x1D000] =	vst v63  }
0x3f: {  	_ =	swait.ge [sflag:s24], $0x4000  }
0x40: {  	[sflag:s24] =	ssyncset.done $0x0  }
0x41: {  	[sflag:s24] =	ssyncadd.s32 $0xFFFFC000  }
0x42: {  	[tilespmem:s18], [sflag:$0x2] =	stream.indirect.gather [hbm4b:s5+s15], $0x80, s30, s15, $0xb8;
	[tilespmem:$0x1D000] =	vst v63  }
0x43: {  	_ =	swait.ge [sflag:s19], $0x4000  }
0x44: {  	[sflag:s19] =	ssyncset.done $0x0  }
0x45: {  	[sflag:s19] =	ssyncadd.s32 $0xFFFFC000  }
0x46: {  	[spmem:s3] =	stream.indirect.scatter.add.f32 [tilespmem:s18], [sflag:$0x4], $0x80, s31, s15, $0xb8;
	[tilespmem:$0x1D000] =	vst v63  }
0x47: {  	_ =	swait.ge [sflag:s21], $0x4000  }
0x48: {  	[sflag:s21] =	ssyncset.done $0x0  }
0x49: {  	[sflag:s21] =	ssyncadd.s32 $0xFFFFC000  }
0x4a: {  	[tilespmem:s16], [sflag:$0x1] =	stream.indirect.gather [hbm4b:s5+s15], $0x80, s1, s15, $0xb8;
	[tilespmem:$0x1D000] =	vst v63  }
0x4b: {  	_ =	swait.ge [sflag:s17], $0x4000  }
0x4c: {  	[sflag:s17] =	ssyncset.done $0x0  }
0x4d: {  	[sflag:s17] =	ssyncadd.s32 $0xFFFFC000  }
0x4e: {  	[spmem:s3] =	stream.indirect.scatter.add.f32 [tilespmem:s16], [sflag:$0x3], $0x80, s0, s15, $0xb8;
	[tilespmem:$0x1D000] =	vst v63  }
0x4f: {  	_ =	swait.ge [sflag:s24], $0x4000  }
0x50: {  	[sflag:s24] =	ssyncset.done $0x0  }
0x51: {  	[sflag:s24] =	ssyncadd.s32 $0xFFFFC000  }
0x52: {  	[tilespmem:s18], [sflag:$0x2] =	stream.indirect.gather [hbm4b:s5+s15], $0x80, s6, s15, $0xb8;
	[tilespmem:$0x1D000] =	vst v63  }
0x53: {  	_ =	swait.ge [sflag:s19], $0x4000  }
0x54: {  	[sflag:s19] =	ssyncset.done $0x0  }
0x55: {  	[sflag:s19] =	ssyncadd.s32 $0xFFFFC000  }
0x56: {  	[spmem:s3] =	stream.indirect.scatter.add.f32 [tilespmem:s18], [sflag:$0x4], $0x80, s8, s15, $0xb8;
	[tilespmem:$0x1D000] =	vst v63  }
0x57: {  	_ =	swait.ge [sflag:s21], $0x4000  }
0x58: {  	[sflag:s21] =	ssyncset.done $0x0  }
0x59: {  	s29 =	simm.s32 $0x400;
	[sflag:s21] =	ssyncadd.s32 $0xFFFFC000  }
0x5a: {  	[tilespmem:s16], [sflag:$0x1] =	stream.indirect.gather [hbm4b:s5+s15], $0x80, s29, s15, $0xb8;
	[tilespmem:$0x1D000] =	vst v63  }
0x5b: {  	_ =	swait.ge [sflag:s17], $0x4000  }
0x5c: {  	[sflag:s17] =	ssyncset.done $0x0  }
0x5d: {  	s30 =	simm.s32 $0xC00;
	[sflag:s17] =	ssyncadd.s32 $0xFFFFC000  }
0x5e: {  	[spmem:s3] =	stream.indirect.scatter.add.f32 [tilespmem:s16], [sflag:$0x3], $0x80, s30, s15, $0xb8;
	[tilespmem:$0x1D000] =	vst v63  }
0x5f: {  	_ =	swait.ge [sflag:s24], $0x4000  }
0x60: {  	[sflag:s24] =	ssyncset.done $0x0  }
0x61: {  	s31 =	simm.s32 $0x480;
	[sflag:s24] =	ssyncadd.s32 $0xFFFFC000  }
0x62: {  	[tilespmem:s18], [sflag:$0x2] =	stream.indirect.gather [hbm4b:s5+s15], $0x80, s31, s15, $0xb8;
	[tilespmem:$0x1D000] =	vst v63  }
0x63: {  	_ =	swait.ge [sflag:s19], $0x4000  }
0x64: {  	[sflag:s19] =	ssyncset.done $0x0  }
0x65: {  	s1 =	simm.s32 $0xC80;
	[sflag:s19] =	ssyncadd.s32 $0xFFFFC000  }
0x66: {  	[spmem:s3] =	stream.indirect.scatter.add.f32 [tilespmem:s18], [sflag:$0x4], $0x80, s1, s15, $0xb8;
	[tilespmem:$0x1D000] =	vst v63  }
0x67: {  	_ =	swait.ge [sflag:s21], $0x4000  }
0x68: {  	[sflag:s21] =	ssyncset.done $0x0  }
0x69: {  	s6 =	simm.s32 $0x500;
	[sflag:s21] =	ssyncadd.s32 $0xFFFFC000  }
0x6a: {  	[tilespmem:s16], [sflag:$0x1] =	stream.indirect.gather [hbm4b:s5+s15], $0x80, s6, s15, $0xb8;
	[tilespmem:$0x1D000] =	vst v63  }
0x6b: {  	_ =	swait.ge [sflag:s17], $0x4000  }
0x6c: {  	[sflag:s17] =	ssyncset.done $0x0  }
0x6d: {  	s7 =	simm.s32 $0xD00;
	[sflag:s17] =	ssyncadd.s32 $0xFFFFC000  }
0x6e: {  	[spmem:s3] =	stream.indirect.scatter.add.f32 [tilespmem:s16], [sflag:$0x3], $0x80, s7, s15, $0xb8;
	[tilespmem:$0x1D000] =	vst v63  }
0x6f: {  	_ =	swait.ge [sflag:s24], $0x4000  }
0x70: {  	[sflag:s24] =	ssyncset.done $0x0  }
0x71: {  	s8 =	simm.s32 $0x580;
	[sflag:s24] =	ssyncadd.s32 $0xFFFFC000  }
0x72: {  	[tilespmem:s18], [sflag:$0x2] =	stream.indirect.gather [hbm4b:s5+s15], $0x80, s8, s15, $0xb8;
	[tilespmem:$0x1D000] =	vst v63  }
0x73: {  	_ =	swait.ge [sflag:s19], $0x4000  }
0x74: {  	[sflag:s19] =	ssyncset.done $0x0  }
0x75: {  	s9 =	simm.s32 $0xD80;
	[sflag:s19] =	ssyncadd.s32 $0xFFFFC000  }
0x76: {  	[spmem:s3] =	stream.indirect.scatter.add.f32 [tilespmem:s18], [sflag:$0x4], $0x80, s9, s15, $0xb8;
	[tilespmem:$0x1D000] =	vst v63  }
0x77: {  	_ =	swait.ge [sflag:s21], $0x4000  }
0x78: {  	[sflag:s21] =	ssyncset.done $0x0  }
0x79: {  	s12 =	simm.s32 $0x600;
	[sflag:s21] =	ssyncadd.s32 $0xFFFFC000  }
0x7a: {  	[tilespmem:s16], [sflag:$0x1] =	stream.indirect.gather [hbm4b:s5+s15], $0x80, s12, s15, $0xb8;
	[tilespmem:$0x1D000] =	vst v63  }
0x7b: {  	_ =	swait.ge [sflag:s17], $0x4000  }
0x7c: {  	[sflag:s17] =	ssyncset.done $0x0  }
0x7d: {  	s23 =	simm.s32 $0xE00;
	[sflag:s17] =	ssyncadd.s32 $0xFFFFC000  }
0x7e: {  	[spmem:s3] =	stream.indirect.scatter.add.f32 [tilespmem:s16], [sflag:$0x3], $0x80, s23, s15, $0xb8;
	[tilespmem:$0x1D000] =	vst v63  }
0x7f: {  	_ =	swait.ge [sflag:s24], $0x4000  }
0x80: {  	[sflag:s24] =	ssyncset.done $0x0  }
0x81: {  	s25 =	simm.s32 $0x680;
	[sflag:s24] =	ssyncadd.s32 $0xFFFFC000  }
0x82: {  	[tilespmem:s18], [sflag:$0x2] =	stream.indirect.gather [hbm4b:s5+s15], $0x80, s25, s15, $0xb8;
	[tilespmem:$0x1D000] =	vst v63  }
0x83: {  	_ =	swait.ge [sflag:s19], $0x4000  }
0x84: {  	[sflag:s19] =	ssyncset.done $0x0  }
0x85: {  	s26 =	simm.s32 $0xE80;
	[sflag:s19] =	ssyncadd.s32 $0xFFFFC000  }
0x86: {  	[spmem:s3] =	stream.indirect.scatter.add.f32 [tilespmem:s18], [sflag:$0x4], $0x80, s26, s15, $0xb8;
	[tilespmem:$0x1D000] =	vst v63  }
0x87: {  	_ =	swait.ge [sflag:s21], $0x4000  }
0x88: {  	[sflag:s21] =	ssyncset.done $0x0  }
0x89: {  	s28 =	simm.s32 $0x700;
	[sflag:s21] =	ssyncadd.s32 $0xFFFFC000  }
0x8a: {  	[tilespmem:s16], [sflag:$0x1] =	stream.indirect.gather [hbm4b:s5+s15], $0x80, s28, s15, $0xb8;
	[tilespmem:$0x1D000] =	vst v63  }
0x8b: {  	_ =	swait.ge [sflag:s17], $0x4000  }
0x8c: {  	[sflag:s17] =	ssyncset.done $0x0  }
0x8d: {  	s29 =	simm.s32 $0xF00;
	[sflag:s17] =	ssyncadd.s32 $0xFFFFC000  }
0x8e: {  	[spmem:s3] =	stream.indirect.scatter.add.f32 [tilespmem:s16], [sflag:$0x3], $0x80, s29, s15, $0xb8;
	[tilespmem:$0x1D000] =	vst v63  }
0x8f: {  	_ =	swait.ge [sflag:s24], $0x4000  }
0x90: {  	[sflag:s24] =	ssyncset.done $0x0  }
0x91: {  	s30 =	simm.s32 $0x780;
	[sflag:s24] =	ssyncadd.s32 $0xFFFFC000  }
0x92: {  	[tilespmem:s18], [sflag:$0x2] =	stream.indirect.gather [hbm4b:s5+s15], $0x80, s30, s15, $0xb8;
	[tilespmem:$0x1D000] =	vst v63  }
0x93: {  	_ =	swait.ge [sflag:s19], $0x4000  }
0x94: {  	[sflag:s19] =	ssyncset.done $0x0  }
0x95: {  	s31 =	simm.s32 $0xF80;
	[sflag:s19] =	ssyncadd.s32 $0xFFFFC000  }
0x96: {  	[spmem:s3] =	stream.indirect.scatter.add.f32 [tilespmem:s18], [sflag:$0x4], $0x80, s31, s15, $0xb8;
	[tilespmem:$0x1D000] =	vst v63  }
0x97: {  	_ =	swait.ge [sflag:s21], $0x4000  }
0x98: {  	[sflag:s21] =	ssyncset.done $0x0  }
0x99: {  	[sflag:s21] =	ssyncadd.s32 $0xFFFFC000  }
0x9a: {  	_ =	swait.ge [sflag:s24], $0x4000  }
0x9b: {  	[sflag:s24] =	ssyncset.done $0x0  }
0x9c: {  	s0 =	rddreg [dreg:$0x9];
	[sflag:s24] =	ssyncadd.s32 $0xFFFFC000  }
.LBB2_8:
0x9d: {  	[bflag:$0x0] =	sbarrier.arrive $0xFFFF  }
0x9e: {  	s9 =	rddreg [dreg:$0x5]  }
0x9f: {  	s7 =	rddreg [dreg:$0x6]  }
0xa0: {  	s12 =	rddreg [dreg:$0x8]  }
0xa1: {  	[hbm:s7], [sflag:s9] =	dma.local [spmem:s12], $0x2800  }
0xa2: {  	_ =	swait.ge [sflag:s13], $0x2800  }
0xa3: {  	s0 =	sadd.s32 $0x1, s0;
	s31 =	rddreg [dreg:$0x7]  }
0xa4: {  	p1 =	sne.s32 s0, s31  }
.Ltmp1:
0xa5: {  	_ = 	snop;
	(pc) =	sbr.rel @!p1 .LBB2_9-.Ltmp1, $3  }
0xa6: {  	_ =	sdelay $0x1  }
0xa7: {  	[sflag:s13] =	ssyncset.done $0x0  }
0xa8: {  	[sflag:s13] =	ssyncadd.s32 $0xFFFFD800  }
.LBB2_1:
0xa9: {  	[dreg:$0x9] =	wrdreg s0  }
0xaa: {  	s7 =	rddreg [dreg:$0x4]  }
0xab: {  	[spmem:s12], [sflag:s9] =	dma.local [hbm:s7], $0x2800  }
.Ltmp2:
0xac: {  	_ =	swait.ge [sflag:s13], $0x2800;
	(pc) =	sbr.rel @!p0 .LBB2_2-.Ltmp2, $4  }
0xad: {  	[sflag:s13] =	ssyncset.done $0x0  }
0xae: {  	[sflag:s13] =	ssyncadd.s32 $0xFFFFD800  }
0xaf: {  	[bflag:$0x0] =	sbarrier.arrive $0xFFFF  }
0xb0: {  	s7 =	sadd.s32 $0x0, s11  }
0xb1: {  	[tilespmem:s4], [sflag:$0x5] =	stream.linear.gather [hbm4b:s7+s4], $0x800, $0x38;
	[tilespmem:$0x1D000] =	vst v63  }
0xb2: {  	_ =	swait.ge [sflag:s13], $0x800  }
0xb3: {  	[sflag:s13] =	ssyncset.done $0x0  }
0xb4: {  	s8 =	sadd.s32 $0x0, s10;
	[sflag:s13] =	ssyncadd.s32 $0xFFFFF800  }
0xb5: {  	[tilespmem:s14], [sflag:$0x5] =	stream.linear.gather [hbm4b:s8+s4], $0x800, $0x38;
	[tilespmem:$0x1D000] =	vst v63  }
0xb6: {  	_ =	swait.ge [sflag:s13], $0x800  }
0xb7: {  	[sflag:s13] =	ssyncset.done $0x0  }
0xb8: {  	[sflag:s13] =	ssyncadd.s32 $0xFFFFF800  }
0xb9: {  	[tilespmem:s16], [sflag:$0x1] =	stream.indirect.gather [hbm4b:s5+s15], $0x80, s4, s15, $0xb8;
	[tilespmem:$0x1D000] =	vst v63  }
0xba: {  	_ =	swait.ge [sflag:s17], $0x4000  }
0xbb: {  	[sflag:s17] =	ssyncset.done $0x0  }
0xbc: {  	[sflag:s17] =	ssyncadd.s32 $0xFFFFC000  }
0xbd: {  	[spmem:s3] =	stream.indirect.scatter.add.f32 [tilespmem:s16], [sflag:$0x3], $0x80, s14, s15, $0xb8;
	[tilespmem:$0x1D000] =	vst v63  }
0xbe: {  	_ = 	snop  }
0xbf: {  	[tilespmem:s18], [sflag:$0x2] =	stream.indirect.gather [hbm4b:s5+s15], $0x80, s15, s15, $0xb8;
	[tilespmem:$0x1D000] =	vst v63  }
0xc0: {  	_ =	swait.ge [sflag:s19], $0x4000  }
0xc1: {  	[sflag:s19] =	ssyncset.done $0x0  }
0xc2: {  	[sflag:s19] =	ssyncadd.s32 $0xFFFFC000  }
0xc3: {  	[spmem:s3] =	stream.indirect.scatter.add.f32 [tilespmem:s18], [sflag:$0x4], $0x80, s20, s15, $0xb8;
	[tilespmem:$0x1D000] =	vst v63  }
0xc4: {  	_ =	swait.ge [sflag:s21], $0x4000  }
0xc5: {  	[sflag:s21] =	ssyncset.done $0x0  }
0xc6: {  	[sflag:s21] =	ssyncadd.s32 $0xFFFFC000  }
0xc7: {  	[tilespmem:s16], [sflag:$0x1] =	stream.indirect.gather [hbm4b:s5+s15], $0x80, s22, s15, $0xb8;
	[tilespmem:$0x1D000] =	vst v63  }
0xc8: {  	_ =	swait.ge [sflag:s17], $0x4000  }
0xc9: {  	[sflag:s17] =	ssyncset.done $0x0  }
0xca: {  	s23 =	simm.s32 $0x900;
	[sflag:s17] =	ssyncadd.s32 $0xFFFFC000  }
0xcb: {  	[spmem:s3] =	stream.indirect.scatter.add.f32 [tilespmem:s16], [sflag:$0x3], $0x80, s23, s15, $0xb8;
	[tilespmem:$0x1D000] =	vst v63  }
0xcc: {  	_ =	swait.ge [sflag:s24], $0x4000  }
0xcd: {  	[sflag:s24] =	ssyncset.done $0x0  }
0xce: {  	s25 =	simm.s32 $0x180;
	[sflag:s24] =	ssyncadd.s32 $0xFFFFC000  }
0xcf: {  	[tilespmem:s18], [sflag:$0x2] =	stream.indirect.gather [hbm4b:s5+s15], $0x80, s25, s15, $0xb8;
	[tilespmem:$0x1D000] =	vst v63  }
0xd0: {  	_ =	swait.ge [sflag:s19], $0x4000  }
0xd1: {  	[sflag:s19] =	ssyncset.done $0x0  }
0xd2: {  	s26 =	simm.s32 $0x980;
	[sflag:s19] =	ssyncadd.s32 $0xFFFFC000  }
0xd3: {  	[spmem:s3] =	stream.indirect.scatter.add.f32 [tilespmem:s18], [sflag:$0x4], $0x80, s26, s15, $0xb8;
	[tilespmem:$0x1D000] =	vst v63  }
0xd4: {  	_ =	swait.ge [sflag:s21], $0x4000  }
0xd5: {  	[sflag:s21] =	ssyncset.done $0x0  }
0xd6: {  	s28 =	simm.s32 $0x200;
	[sflag:s21] =	ssyncadd.s32 $0xFFFFC000  }
0xd7: {  	[tilespmem:s16], [sflag:$0x1] =	stream.indirect.gather [hbm4b:s5+s15], $0x80, s28, s15, $0xb8;
	[tilespmem:$0x1D000] =	vst v63  }
0xd8: {  	_ =	swait.ge [sflag:s17], $0x4000  }
0xd9: {  	[sflag:s17] =	ssyncset.done $0x0  }
0xda: {  	s29 =	simm.s32 $0xA00;
	[sflag:s17] =	ssyncadd.s32 $0xFFFFC000  }
0xdb: {  	[spmem:s3] =	stream.indirect.scatter.add.f32 [tilespmem:s16], [sflag:$0x3], $0x80, s29, s15, $0xb8;
	[tilespmem:$0x1D000] =	vst v63  }
0xdc: {  	_ =	swait.ge [sflag:s24], $0x4000  }
0xdd: {  	[sflag:s24] =	ssyncset.done $0x0  }
0xde: {  	s30 =	simm.s32 $0x280;
	[sflag:s24] =	ssyncadd.s32 $0xFFFFC000  }
0xdf: {  	[tilespmem:s18], [sflag:$0x2] =	stream.indirect.gather [hbm4b:s5+s15], $0x80, s30, s15, $0xb8;
	[tilespmem:$0x1D000] =	vst v63  }
0xe0: {  	_ =	swait.ge [sflag:s19], $0x4000  }
0xe1: {  	[sflag:s19] =	ssyncset.done $0x0  }
0xe2: {  	s31 =	simm.s32 $0xA80;
	[sflag:s19] =	ssyncadd.s32 $0xFFFFC000  }
0xe3: {  	[spmem:s3] =	stream.indirect.scatter.add.f32 [tilespmem:s18], [sflag:$0x4], $0x80, s31, s15, $0xb8;
	[tilespmem:$0x1D000] =	vst v63  }
0xe4: {  	_ =	swait.ge [sflag:s21], $0x4000  }
0xe5: {  	[sflag:s21] =	ssyncset.done $0x0  }
0xe6: {  	s1 =	simm.s32 $0x300;
	[sflag:s21] =	ssyncadd.s32 $0xFFFFC000  }
0xe7: {  	[tilespmem:s16], [sflag:$0x1] =	stream.indirect.gather [hbm4b:s5+s15], $0x80, s1, s15, $0xb8;
	[tilespmem:$0x1D000] =	vst v63  }
0xe8: {  	_ =	swait.ge [sflag:s17], $0x4000  }
0xe9: {  	[sflag:s17] =	ssyncset.done $0x0  }
0xea: {  	s0 =	simm.s32 $0xB00;
	[sflag:s17] =	ssyncadd.s32 $0xFFFFC000  }
0xeb: {  	[spmem:s3] =	stream.indirect.scatter.add.f32 [tilespmem:s16], [sflag:$0x3], $0x80, s0, s15, $0xb8;
	[tilespmem:$0x1D000] =	vst v63  }
0xec: {  	_ =	swait.ge [sflag:s24], $0x4000  }
0xed: {  	[sflag:s24] =	ssyncset.done $0x0  }
0xee: {  	s6 =	simm.s32 $0x380;
	[sflag:s24] =	ssyncadd.s32 $0xFFFFC000  }
0xef: {  	[tilespmem:s18], [sflag:$0x2] =	stream.indirect.gather [hbm4b:s5+s15], $0x80, s6, s15, $0xb8;
	[tilespmem:$0x1D000] =	vst v63  }
0xf0: {  	_ =	swait.ge [sflag:s19], $0x4000  }
0xf1: {  	[sflag:s19] =	ssyncset.done $0x0  }
0xf2: {  	s8 =	simm.s32 $0xB80;
	[sflag:s19] =	ssyncadd.s32 $0xFFFFC000  }
0xf3: {  	[spmem:s3] =	stream.indirect.scatter.add.f32 [tilespmem:s18], [sflag:$0x4], $0x80, s8, s15, $0xb8;
	[tilespmem:$0x1D000] =	vst v63  }
0xf4: {  	_ =	swait.ge [sflag:s21], $0x4000  }
0xf5: {  	[sflag:s21] =	ssyncset.done $0x0  }
0xf6: {  	s9 =	simm.s32 $0x400;
	[sflag:s21] =	ssyncadd.s32 $0xFFFFC000  }
0xf7: {  	[tilespmem:s16], [sflag:$0x1] =	stream.indirect.gather [hbm4b:s5+s15], $0x80, s9, s15, $0xb8;
	[tilespmem:$0x1D000] =	vst v63  }
0xf8: {  	_ =	swait.ge [sflag:s17], $0x4000  }
0xf9: {  	[sflag:s17] =	ssyncset.done $0x0  }
0xfa: {  	s12 =	simm.s32 $0xC00;
	[sflag:s17] =	ssyncadd.s32 $0xFFFFC000  }
0xfb: {  	[spmem:s3] =	stream.indirect.scatter.add.f32 [tilespmem:s16], [sflag:$0x3], $0x80, s12, s15, $0xb8;
	[tilespmem:$0x1D000] =	vst v63  }
0xfc: {  	_ =	swait.ge [sflag:s24], $0x4000  }
0xfd: {  	[sflag:s24] =	ssyncset.done $0x0  }
0xfe: {  	s20 =	simm.s32 $0x480;
	[sflag:s24] =	ssyncadd.s32 $0xFFFFC000  }
0xff: {  	[tilespmem:s18], [sflag:$0x2] =	stream.indirect.gather [hbm4b:s5+s15], $0x80, s20, s15, $0xb8;
	[tilespmem:$0x1D000] =	vst v63  }
0x100: {  	_ =	swait.ge [sflag:s19], $0x4000  }
0x101: {  	[sflag:s19] =	ssyncset.done $0x0  }
0x102: {  	s22 =	simm.s32 $0xC80;
	[sflag:s19] =	ssyncadd.s32 $0xFFFFC000  }
0x103: {  	[spmem:s3] =	stream.indirect.scatter.add.f32 [tilespmem:s18], [sflag:$0x4], $0x80, s22, s15, $0xb8;
	[tilespmem:$0x1D000] =	vst v63  }
0x104: {  	_ =	swait.ge [sflag:s21], $0x4000  }
0x105: {  	[sflag:s21] =	ssyncset.done $0x0  }
0x106: {  	s9 =	simm.s32 $0x500;
	[sflag:s21] =	ssyncadd.s32 $0xFFFFC000  }
0x107: {  	[tilespmem:s16], [sflag:$0x1] =	stream.indirect.gather [hbm4b:s5+s15], $0x80, s9, s15, $0xb8;
	[tilespmem:$0x1D000] =	vst v63  }
0x108: {  	_ =	swait.ge [sflag:s17], $0x4000  }
0x109: {  	[sflag:s17] =	ssyncset.done $0x0  }
0x10a: {  	s12 =	simm.s32 $0xD00;
	[sflag:s17] =	ssyncadd.s32 $0xFFFFC000  }
0x10b: {  	[spmem:s3] =	stream.indirect.scatter.add.f32 [tilespmem:s16], [sflag:$0x3], $0x80, s12, s15, $0xb8;
	[tilespmem:$0x1D000] =	vst v63  }
0x10c: {  	_ =	swait.ge [sflag:s24], $0x4000  }
0x10d: {  	[sflag:s24] =	ssyncset.done $0x0  }
0x10e: {  	s20 =	simm.s32 $0x580;
	[sflag:s24] =	ssyncadd.s32 $0xFFFFC000  }
0x10f: {  	[tilespmem:s18], [sflag:$0x2] =	stream.indirect.gather [hbm4b:s5+s15], $0x80, s20, s15, $0xb8;
	[tilespmem:$0x1D000] =	vst v63  }
0x110: {  	_ =	swait.ge [sflag:s19], $0x4000  }
0x111: {  	[sflag:s19] =	ssyncset.done $0x0  }
0x112: {  	s22 =	simm.s32 $0xD80;
	[sflag:s19] =	ssyncadd.s32 $0xFFFFC000  }
0x113: {  	[spmem:s3] =	stream.indirect.scatter.add.f32 [tilespmem:s18], [sflag:$0x4], $0x80, s22, s15, $0xb8;
	[tilespmem:$0x1D000] =	vst v63  }
0x114: {  	_ =	swait.ge [sflag:s21], $0x4000  }
0x115: {  	[sflag:s21] =	ssyncset.done $0x0  }
0x116: {  	s9 =	simm.s32 $0x600;
	[sflag:s21] =	ssyncadd.s32 $0xFFFFC000  }
0x117: {  	[tilespmem:s16], [sflag:$0x1] =	stream.indirect.gather [hbm4b:s5+s15], $0x80, s9, s15, $0xb8;
	[tilespmem:$0x1D000] =	vst v63  }
0x118: {  	_ =	swait.ge [sflag:s17], $0x4000  }
0x119: {  	[sflag:s17] =	ssyncset.done $0x0  }
0x11a: {  	s12 =	simm.s32 $0xE00;
	[sflag:s17] =	ssyncadd.s32 $0xFFFFC000  }
0x11b: {  	[spmem:s3] =	stream.indirect.scatter.add.f32 [tilespmem:s16], [sflag:$0x3], $0x80, s12, s15, $0xb8;
	[tilespmem:$0x1D000] =	vst v63  }
0x11c: {  	_ =	swait.ge [sflag:s24], $0x4000  }
0x11d: {  	[sflag:s24] =	ssyncset.done $0x0  }
0x11e: {  	s20 =	simm.s32 $0x680;
	[sflag:s24] =	ssyncadd.s32 $0xFFFFC000  }
0x11f: {  	[tilespmem:s18], [sflag:$0x2] =	stream.indirect.gather [hbm4b:s5+s15], $0x80, s20, s15, $0xb8;
	[tilespmem:$0x1D000] =	vst v63  }
0x120: {  	_ =	swait.ge [sflag:s19], $0x4000  }
0x121: {  	[sflag:s19] =	ssyncset.done $0x0  }
0x122: {  	s22 =	simm.s32 $0xE80;
	[sflag:s19] =	ssyncadd.s32 $0xFFFFC000  }
0x123: {  	[spmem:s3] =	stream.indirect.scatter.add.f32 [tilespmem:s18], [sflag:$0x4], $0x80, s22, s15, $0xb8;
	[tilespmem:$0x1D000] =	vst v63  }
0x124: {  	_ =	swait.ge [sflag:s21], $0x4000  }
0x125: {  	[sflag:s21] =	ssyncset.done $0x0  }
0x126: {  	s9 =	simm.s32 $0x700;
	[sflag:s21] =	ssyncadd.s32 $0xFFFFC000  }
0x127: {  	[tilespmem:s16], [sflag:$0x1] =	stream.indirect.gather [hbm4b:s5+s15], $0x80, s9, s15, $0xb8;
	[tilespmem:$0x1D000] =	vst v63  }
0x128: {  	_ =	swait.ge [sflag:s17], $0x4000  }
0x129: {  	[sflag:s17] =	ssyncset.done $0x0  }
0x12a: {  	s12 =	simm.s32 $0xF00;
	[sflag:s17] =	ssyncadd.s32 $0xFFFFC000  }
0x12b: {  	[spmem:s3] =	stream.indirect.scatter.add.f32 [tilespmem:s16], [sflag:$0x3], $0x80, s12, s15, $0xb8;
	[tilespmem:$0x1D000] =	vst v63  }
0x12c: {  	_ =	swait.ge [sflag:s24], $0x4000  }
0x12d: {  	[sflag:s24] =	ssyncset.done $0x0  }
0x12e: {  	s20 =	simm.s32 $0x780;
	[sflag:s24] =	ssyncadd.s32 $0xFFFFC000  }
0x12f: {  	[tilespmem:s18], [sflag:$0x2] =	stream.indirect.gather [hbm4b:s5+s15], $0x80, s20, s15, $0xb8;
	[tilespmem:$0x1D000] =	vst v63  }
0x130: {  	_ =	swait.ge [sflag:s19], $0x4000  }
0x131: {  	[sflag:s19] =	ssyncset.done $0x0  }
0x132: {  	s22 =	simm.s32 $0xF80;
	[sflag:s19] =	ssyncadd.s32 $0xFFFFC000  }
0x133: {  	[spmem:s3] =	stream.indirect.scatter.add.f32 [tilespmem:s18], [sflag:$0x4], $0x80, s22, s15, $0xb8;
	[tilespmem:$0x1D000] =	vst v63  }
0x134: {  	_ =	swait.ge [sflag:s21], $0x4000  }
0x135: {  	[sflag:s21] =	ssyncset.done $0x0  }
0x136: {  	[sflag:s21] =	ssyncadd.s32 $0xFFFFC000  }
0x137: {  	_ =	swait.ge [sflag:s24], $0x4000  }
0x138: {  	s9 =	simm.s32 $0x100;
	s12 =	simm.s32 $0x200;
	[sflag:s24] =	ssyncset.done $0x0  }
.LBB2_6:
0x139: {  	s20 =	sadd.s32 s9, s11  }
0x13a: {  	[sflag:s24] =	ssyncadd.s32 $0xFFFFC000;
	s22 =	smov.u32 s12;
	s7 =	sadd.s32 $0x100, s12  }
0x13b: {  	[tilespmem:s4], [sflag:$0x5] =	stream.linear.gather [hbm4b:s20+s4], $0x800, $0x38;
	[tilespmem:$0x1D000] =	vst v63  }
0x13c: {  	s20 =	simm.s32 $0x880  }
0x13d: {  	p1 =	sne.s32 s12, $0x900;
	_ =	swait.ge [sflag:s13], $0x800  }
0x13e: {  	s12 =	sadd.s32 s9, s10;
	[sflag:s13] =	ssyncset.done $0x0  }
0x13f: {  	s9 =	smov.u32 s22;
	s22 =	simm.s32 $0x100;
	[sflag:s13] =	ssyncadd.s32 $0xFFFFF800  }
0x140: {  	[tilespmem:s14], [sflag:$0x5] =	stream.linear.gather [hbm4b:s12+s4], $0x800, $0x38;
	[tilespmem:$0x1D000] =	vst v63  }
0x141: {  	_ =	swait.ge [sflag:s13], $0x800  }
0x142: {  	[sflag:s13] =	ssyncset.done $0x0  }
0x143: {  	[sflag:s13] =	ssyncadd.s32 $0xFFFFF800  }
0x144: {  	[tilespmem:s16], [sflag:$0x1] =	stream.indirect.gather [hbm4b:s5+s15], $0x80, s4, s15, $0xb8;
	[tilespmem:$0x1D000] =	vst v63  }
0x145: {  	_ =	swait.ge [sflag:s17], $0x4000  }
0x146: {  	[sflag:s17] =	ssyncset.done $0x0  }
0x147: {  	[sflag:s17] =	ssyncadd.s32 $0xFFFFC000  }
0x148: {  	[spmem:s3] =	stream.indirect.scatter.add.f32 [tilespmem:s16], [sflag:$0x3], $0x80, s14, s15, $0xb8;
	[tilespmem:$0x1D000] =	vst v63  }
0x149: {  	_ = 	snop  }
0x14a: {  	[tilespmem:s18], [sflag:$0x2] =	stream.indirect.gather [hbm4b:s5+s15], $0x80, s15, s15, $0xb8;
	[tilespmem:$0x1D000] =	vst v63  }
0x14b: {  	_ =	swait.ge [sflag:s19], $0x4000  }
0x14c: {  	[sflag:s19] =	ssyncset.done $0x0  }
0x14d: {  	[sflag:s19] =	ssyncadd.s32 $0xFFFFC000  }
0x14e: {  	[spmem:s3] =	stream.indirect.scatter.add.f32 [tilespmem:s18], [sflag:$0x4], $0x80, s20, s15, $0xb8;
	[tilespmem:$0x1D000] =	vst v63  }
0x14f: {  	_ =	swait.ge [sflag:s21], $0x4000  }
0x150: {  	[sflag:s21] =	ssyncset.done $0x0  }
0x151: {  	[sflag:s21] =	ssyncadd.s32 $0xFFFFC000  }
0x152: {  	[tilespmem:s16], [sflag:$0x1] =	stream.indirect.gather [hbm4b:s5+s15], $0x80, s22, s15, $0xb8;
	[tilespmem:$0x1D000] =	vst v63  }
0x153: {  	_ =	swait.ge [sflag:s17], $0x4000  }
0x154: {  	[sflag:s17] =	ssyncset.done $0x0  }
0x155: {  	[sflag:s17] =	ssyncadd.s32 $0xFFFFC000  }
0x156: {  	[spmem:s3] =	stream.indirect.scatter.add.f32 [tilespmem:s16], [sflag:$0x3], $0x80, s23, s15, $0xb8;
	[tilespmem:$0x1D000] =	vst v63  }
0x157: {  	_ =	swait.ge [sflag:s24], $0x4000  }
0x158: {  	[sflag:s24] =	ssyncset.done $0x0  }
0x159: {  	[sflag:s24] =	ssyncadd.s32 $0xFFFFC000  }
0x15a: {  	[tilespmem:s18], [sflag:$0x2] =	stream.indirect.gather [hbm4b:s5+s15], $0x80, s25, s15, $0xb8;
	[tilespmem:$0x1D000] =	vst v63  }
0x15b: {  	_ =	swait.ge [sflag:s19], $0x4000  }
0x15c: {  	[sflag:s19] =	ssyncset.done $0x0  }
0x15d: {  	[sflag:s19] =	ssyncadd.s32 $0xFFFFC000  }
0x15e: {  	[spmem:s3] =	stream.indirect.scatter.add.f32 [tilespmem:s18], [sflag:$0x4], $0x80, s26, s15, $0xb8;
	[tilespmem:$0x1D000] =	vst v63  }
0x15f: {  	_ =	swait.ge [sflag:s21], $0x4000  }
0x160: {  	[sflag:s21] =	ssyncset.done $0x0  }
0x161: {  	[sflag:s21] =	ssyncadd.s32 $0xFFFFC000  }
0x162: {  	[tilespmem:s16], [sflag:$0x1] =	stream.indirect.gather [hbm4b:s5+s15], $0x80, s28, s15, $0xb8;
	[tilespmem:$0x1D000] =	vst v63  }
0x163: {  	_ =	swait.ge [sflag:s17], $0x4000  }
0x164: {  	[sflag:s17] =	ssyncset.done $0x0  }
0x165: {  	[sflag:s17] =	ssyncadd.s32 $0xFFFFC000  }
0x166: {  	[spmem:s3] =	stream.indirect.scatter.add.f32 [tilespmem:s16], [sflag:$0x3], $0x80, s29, s15, $0xb8;
	[tilespmem:$0x1D000] =	vst v63  }
0x167: {  	_ =	swait.ge [sflag:s24], $0x4000  }
0x168: {  	[sflag:s24] =	ssyncset.done $0x0  }
0x169: {  	[sflag:s24] =	ssyncadd.s32 $0xFFFFC000  }
0x16a: {  	[tilespmem:s18], [sflag:$0x2] =	stream.indirect.gather [hbm4b:s5+s15], $0x80, s30, s15, $0xb8;
	[tilespmem:$0x1D000] =	vst v63  }
0x16b: {  	_ =	swait.ge [sflag:s19], $0x4000  }
0x16c: {  	[sflag:s19] =	ssyncset.done $0x0  }
0x16d: {  	[sflag:s19] =	ssyncadd.s32 $0xFFFFC000  }
0x16e: {  	[spmem:s3] =	stream.indirect.scatter.add.f32 [tilespmem:s18], [sflag:$0x4], $0x80, s31, s15, $0xb8;
	[tilespmem:$0x1D000] =	vst v63  }
0x16f: {  	_ =	swait.ge [sflag:s21], $0x4000  }
0x170: {  	[sflag:s21] =	ssyncset.done $0x0  }
0x171: {  	[sflag:s21] =	ssyncadd.s32 $0xFFFFC000  }
0x172: {  	[tilespmem:s16], [sflag:$0x1] =	stream.indirect.gather [hbm4b:s5+s15], $0x80, s1, s15, $0xb8;
	[tilespmem:$0x1D000] =	vst v63  }
0x173: {  	_ =	swait.ge [sflag:s17], $0x4000  }
0x174: {  	[sflag:s17] =	ssyncset.done $0x0  }
0x175: {  	[sflag:s17] =	ssyncadd.s32 $0xFFFFC000  }
0x176: {  	[spmem:s3] =	stream.indirect.scatter.add.f32 [tilespmem:s16], [sflag:$0x3], $0x80, s0, s15, $0xb8;
	[tilespmem:$0x1D000] =	vst v63  }
0x177: {  	_ =	swait.ge [sflag:s24], $0x4000  }
0x178: {  	[sflag:s24] =	ssyncset.done $0x0  }
0x179: {  	[sflag:s24] =	ssyncadd.s32 $0xFFFFC000  }
0x17a: {  	[tilespmem:s18], [sflag:$0x2] =	stream.indirect.gather [hbm4b:s5+s15], $0x80, s6, s15, $0xb8;
	[tilespmem:$0x1D000] =	vst v63  }
0x17b: {  	_ =	swait.ge [sflag:s19], $0x4000  }
0x17c: {  	[sflag:s19] =	ssyncset.done $0x0  }
0x17d: {  	[sflag:s19] =	ssyncadd.s32 $0xFFFFC000  }
0x17e: {  	[spmem:s3] =	stream.indirect.scatter.add.f32 [tilespmem:s18], [sflag:$0x4], $0x80, s8, s15, $0xb8;
	[tilespmem:$0x1D000] =	vst v63  }
0x17f: {  	_ =	swait.ge [sflag:s21], $0x4000  }
0x180: {  	[sflag:s21] =	ssyncset.done $0x0  }
0x181: {  	s12 =	simm.s32 $0x400;
	[sflag:s21] =	ssyncadd.s32 $0xFFFFC000  }
0x182: {  	[tilespmem:s16], [sflag:$0x1] =	stream.indirect.gather [hbm4b:s5+s15], $0x80, s12, s15, $0xb8;
	[tilespmem:$0x1D000] =	vst v63  }
0x183: {  	_ =	swait.ge [sflag:s17], $0x4000  }
0x184: {  	[sflag:s17] =	ssyncset.done $0x0  }
0x185: {  	s12 =	simm.s32 $0xC00;
	[sflag:s17] =	ssyncadd.s32 $0xFFFFC000  }
0x186: {  	[spmem:s3] =	stream.indirect.scatter.add.f32 [tilespmem:s16], [sflag:$0x3], $0x80, s12, s15, $0xb8;
	[tilespmem:$0x1D000] =	vst v63  }
0x187: {  	_ =	swait.ge [sflag:s24], $0x4000  }
0x188: {  	[sflag:s24] =	ssyncset.done $0x0  }
0x189: {  	s12 =	simm.s32 $0x480;
	[sflag:s24] =	ssyncadd.s32 $0xFFFFC000  }
0x18a: {  	[tilespmem:s18], [sflag:$0x2] =	stream.indirect.gather [hbm4b:s5+s15], $0x80, s12, s15, $0xb8;
	[tilespmem:$0x1D000] =	vst v63  }
0x18b: {  	_ =	swait.ge [sflag:s19], $0x4000  }
0x18c: {  	[sflag:s19] =	ssyncset.done $0x0  }
0x18d: {  	s12 =	simm.s32 $0xC80;
	[sflag:s19] =	ssyncadd.s32 $0xFFFFC000  }
0x18e: {  	[spmem:s3] =	stream.indirect.scatter.add.f32 [tilespmem:s18], [sflag:$0x4], $0x80, s12, s15, $0xb8;
	[tilespmem:$0x1D000] =	vst v63  }
0x18f: {  	_ =	swait.ge [sflag:s21], $0x4000  }
0x190: {  	[sflag:s21] =	ssyncset.done $0x0  }
0x191: {  	s12 =	simm.s32 $0x500;
	[sflag:s21] =	ssyncadd.s32 $0xFFFFC000  }
0x192: {  	[tilespmem:s16], [sflag:$0x1] =	stream.indirect.gather [hbm4b:s5+s15], $0x80, s12, s15, $0xb8;
	[tilespmem:$0x1D000] =	vst v63  }
0x193: {  	_ =	swait.ge [sflag:s17], $0x4000  }
0x194: {  	[sflag:s17] =	ssyncset.done $0x0  }
0x195: {  	s12 =	simm.s32 $0xD00;
	[sflag:s17] =	ssyncadd.s32 $0xFFFFC000  }
0x196: {  	[spmem:s3] =	stream.indirect.scatter.add.f32 [tilespmem:s16], [sflag:$0x3], $0x80, s12, s15, $0xb8;
	[tilespmem:$0x1D000] =	vst v63  }
0x197: {  	_ =	swait.ge [sflag:s24], $0x4000  }
0x198: {  	[sflag:s24] =	ssyncset.done $0x0  }
0x199: {  	s12 =	simm.s32 $0x580;
	[sflag:s24] =	ssyncadd.s32 $0xFFFFC000  }
0x19a: {  	[tilespmem:s18], [sflag:$0x2] =	stream.indirect.gather [hbm4b:s5+s15], $0x80, s12, s15, $0xb8;
	[tilespmem:$0x1D000] =	vst v63  }
0x19b: {  	_ =	swait.ge [sflag:s19], $0x4000  }
0x19c: {  	[sflag:s19] =	ssyncset.done $0x0  }
0x19d: {  	s12 =	simm.s32 $0xD80;
	[sflag:s19] =	ssyncadd.s32 $0xFFFFC000  }
0x19e: {  	[spmem:s3] =	stream.indirect.scatter.add.f32 [tilespmem:s18], [sflag:$0x4], $0x80, s12, s15, $0xb8;
	[tilespmem:$0x1D000] =	vst v63  }
0x19f: {  	_ =	swait.ge [sflag:s21], $0x4000  }
0x1a0: {  	[sflag:s21] =	ssyncset.done $0x0  }
0x1a1: {  	s12 =	simm.s32 $0x600;
	[sflag:s21] =	ssyncadd.s32 $0xFFFFC000  }
0x1a2: {  	[tilespmem:s16], [sflag:$0x1] =	stream.indirect.gather [hbm4b:s5+s15], $0x80, s12, s15, $0xb8;
	[tilespmem:$0x1D000] =	vst v63  }
0x1a3: {  	_ =	swait.ge [sflag:s17], $0x4000  }
0x1a4: {  	[sflag:s17] =	ssyncset.done $0x0  }
0x1a5: {  	s12 =	simm.s32 $0xE00;
	[sflag:s17] =	ssyncadd.s32 $0xFFFFC000  }
0x1a6: {  	[spmem:s3] =	stream.indirect.scatter.add.f32 [tilespmem:s16], [sflag:$0x3], $0x80, s12, s15, $0xb8;
	[tilespmem:$0x1D000] =	vst v63  }
0x1a7: {  	_ =	swait.ge [sflag:s24], $0x4000  }
0x1a8: {  	[sflag:s24] =	ssyncset.done $0x0  }
0x1a9: {  	s12 =	simm.s32 $0x680;
	[sflag:s24] =	ssyncadd.s32 $0xFFFFC000  }
0x1aa: {  	[tilespmem:s18], [sflag:$0x2] =	stream.indirect.gather [hbm4b:s5+s15], $0x80, s12, s15, $0xb8;
	[tilespmem:$0x1D000] =	vst v63  }
0x1ab: {  	_ =	swait.ge [sflag:s19], $0x4000  }
0x1ac: {  	[sflag:s19] =	ssyncset.done $0x0  }
0x1ad: {  	s12 =	simm.s32 $0xE80;
	[sflag:s19] =	ssyncadd.s32 $0xFFFFC000  }
0x1ae: {  	[spmem:s3] =	stream.indirect.scatter.add.f32 [tilespmem:s18], [sflag:$0x4], $0x80, s12, s15, $0xb8;
	[tilespmem:$0x1D000] =	vst v63  }
0x1af: {  	_ =	swait.ge [sflag:s21], $0x4000  }
0x1b0: {  	[sflag:s21] =	ssyncset.done $0x0  }
0x1b1: {  	s12 =	simm.s32 $0x700;
	[sflag:s21] =	ssyncadd.s32 $0xFFFFC000  }
0x1b2: {  	[tilespmem:s16], [sflag:$0x1] =	stream.indirect.gather [hbm4b:s5+s15], $0x80, s12, s15, $0xb8;
	[tilespmem:$0x1D000] =	vst v63  }
0x1b3: {  	_ =	swait.ge [sflag:s17], $0x4000  }
0x1b4: {  	[sflag:s17] =	ssyncset.done $0x0  }
0x1b5: {  	s12 =	simm.s32 $0xF00;
	[sflag:s17] =	ssyncadd.s32 $0xFFFFC000  }
0x1b6: {  	[spmem:s3] =	stream.indirect.scatter.add.f32 [tilespmem:s16], [sflag:$0x3], $0x80, s12, s15, $0xb8;
	[tilespmem:$0x1D000] =	vst v63  }
0x1b7: {  	_ =	swait.ge [sflag:s24], $0x4000  }
0x1b8: {  	[sflag:s24] =	ssyncset.done $0x0  }
0x1b9: {  	s12 =	simm.s32 $0x780;
	[sflag:s24] =	ssyncadd.s32 $0xFFFFC000  }
0x1ba: {  	[tilespmem:s18], [sflag:$0x2] =	stream.indirect.gather [hbm4b:s5+s15], $0x80, s12, s15, $0xb8;
	[tilespmem:$0x1D000] =	vst v63  }
0x1bb: {  	_ =	swait.ge [sflag:s19], $0x4000  }
0x1bc: {  	[sflag:s19] =	ssyncset.done $0x0  }
0x1bd: {  	s12 =	simm.s32 $0xF80;
	[sflag:s19] =	ssyncadd.s32 $0xFFFFC000  }
0x1be: {  	[spmem:s3] =	stream.indirect.scatter.add.f32 [tilespmem:s18], [sflag:$0x4], $0x80, s12, s15, $0xb8;
	[tilespmem:$0x1D000] =	vst v63  }
.Ltmp3:
0x1bf: {  	_ =	swait.ge [sflag:s21], $0x4000;
	(pc) =	sbr.rel @p1 .LBB2_6-.Ltmp3, $4  }
0x1c0: {  	[sflag:s21] =	ssyncset.done $0x0  }
0x1c1: {  	[sflag:s21] =	ssyncadd.s32 $0xFFFFC000  }
0x1c2: {  	_ =	swait.ge [sflag:s24], $0x4000  }
0x1c3: {  	s12 =	smov.u32 s7;
	[sflag:s24] =	ssyncset.done $0x0  }
.Ltmp4:
0x1c4: {  	_ = 	snop;
	(pc) =	sbr.rel .LBB2_7-.Ltmp4, $1  }
0x1c5: {  	_ =	sdelay $0x3  }
.LBB2_2:
0x1c6: {  	[tilespmem:s4], [sflag:$0x5] =	stream.linear.gather [hbm4b:s7+s4], $0x800, $0x38;
	[tilespmem:$0x1D000] =	vst v63  }
0x1c7: {  	_ =	swait.ge [sflag:s13], $0x800  }
0x1c8: {  	[sflag:s13] =	ssyncset.done $0x0  }
0x1c9: {  	s8 =	sadd.s32 $0x0, s10;
	[sflag:s13] =	ssyncadd.s32 $0xFFFFF800  }
0x1ca: {  	[tilespmem:s14], [sflag:$0x5] =	stream.linear.gather [hbm4b:s8+s4], $0x800, $0x38;
	[tilespmem:$0x1D000] =	vst v63  }
0x1cb: {  	_ =	swait.ge [sflag:s13], $0x800  }
0x1cc: {  	[sflag:s13] =	ssyncset.done $0x0  }
0x1cd: {  	[sflag:s13] =	ssyncadd.s32 $0xFFFFF800  }
0x1ce: {  	[tilespmem:s16], [sflag:$0x1] =	stream.indirect.gather [hbm4b:s2+s15], $0x80, s4, s15, $0xb8;
	[tilespmem:$0x1D000] =	vst v63  }
0x1cf: {  	_ =	swait.ge [sflag:s17], $0x4000  }
0x1d0: {  	[sflag:s17] =	ssyncset.done $0x0  }
0x1d1: {  	[sflag:s17] =	ssyncadd.s32 $0xFFFFC000  }
0x1d2: {  	[spmem:s3] =	stream.indirect.scatter.add.f32 [tilespmem:s16], [sflag:$0x3], $0x80, s14, s15, $0xb8;
	[tilespmem:$0x1D000] =	vst v63  }
0x1d3: {  	_ = 	snop  }
0x1d4: {  	[tilespmem:s18], [sflag:$0x2] =	stream.indirect.gather [hbm4b:s2+s15], $0x80, s15, s15, $0xb8;
	[tilespmem:$0x1D000] =	vst v63  }
0x1d5: {  	_ =	swait.ge [sflag:s19], $0x4000  }
0x1d6: {  	[sflag:s19] =	ssyncset.done $0x0  }
0x1d7: {  	[sflag:s19] =	ssyncadd.s32 $0xFFFFC000  }
0x1d8: {  	[spmem:s3] =	stream.indirect.scatter.add.f32 [tilespmem:s18], [sflag:$0x4], $0x80, s20, s15, $0xb8;
	[tilespmem:$0x1D000] =	vst v63  }
0x1d9: {  	_ =	swait.ge [sflag:s21], $0x4000  }
0x1da: {  	[sflag:s21] =	ssyncset.done $0x0  }
0x1db: {  	[sflag:s21] =	ssyncadd.s32 $0xFFFFC000  }
0x1dc: {  	[tilespmem:s16], [sflag:$0x1] =	stream.indirect.gather [hbm4b:s2+s15], $0x80, s22, s15, $0xb8;
	[tilespmem:$0x1D000] =	vst v63  }
0x1dd: {  	_ =	swait.ge [sflag:s17], $0x4000  }
0x1de: {  	[sflag:s17] =	ssyncset.done $0x0  }
0x1df: {  	s23 =	simm.s32 $0x900;
	[sflag:s17] =	ssyncadd.s32 $0xFFFFC000  }
0x1e0: {  	[spmem:s3] =	stream.indirect.scatter.add.f32 [tilespmem:s16], [sflag:$0x3], $0x80, s23, s15, $0xb8;
	[tilespmem:$0x1D000] =	vst v63  }
0x1e1: {  	_ =	swait.ge [sflag:s24], $0x4000  }
0x1e2: {  	[sflag:s24] =	ssyncset.done $0x0  }
0x1e3: {  	s25 =	simm.s32 $0x180;
	[sflag:s24] =	ssyncadd.s32 $0xFFFFC000  }
0x1e4: {  	[tilespmem:s18], [sflag:$0x2] =	stream.indirect.gather [hbm4b:s2+s15], $0x80, s25, s15, $0xb8;
	[tilespmem:$0x1D000] =	vst v63  }
0x1e5: {  	_ =	swait.ge [sflag:s19], $0x4000  }
0x1e6: {  	[sflag:s19] =	ssyncset.done $0x0  }
0x1e7: {  	s26 =	simm.s32 $0x980;
	[sflag:s19] =	ssyncadd.s32 $0xFFFFC000  }
0x1e8: {  	[spmem:s3] =	stream.indirect.scatter.add.f32 [tilespmem:s18], [sflag:$0x4], $0x80, s26, s15, $0xb8;
	[tilespmem:$0x1D000] =	vst v63  }
0x1e9: {  	_ =	swait.ge [sflag:s21], $0x4000  }
0x1ea: {  	[sflag:s21] =	ssyncset.done $0x0  }
0x1eb: {  	s28 =	simm.s32 $0x200;
	[sflag:s21] =	ssyncadd.s32 $0xFFFFC000  }
0x1ec: {  	[tilespmem:s16], [sflag:$0x1] =	stream.indirect.gather [hbm4b:s2+s15], $0x80, s28, s15, $0xb8;
	[tilespmem:$0x1D000] =	vst v63  }
0x1ed: {  	_ =	swait.ge [sflag:s17], $0x4000  }
0x1ee: {  	[sflag:s17] =	ssyncset.done $0x0  }
0x1ef: {  	s29 =	simm.s32 $0xA00;
	[sflag:s17] =	ssyncadd.s32 $0xFFFFC000  }
0x1f0: {  	[spmem:s3] =	stream.indirect.scatter.add.f32 [tilespmem:s16], [sflag:$0x3], $0x80, s29, s15, $0xb8;
	[tilespmem:$0x1D000] =	vst v63  }
0x1f1: {  	_ =	swait.ge [sflag:s24], $0x4000  }
0x1f2: {  	[sflag:s24] =	ssyncset.done $0x0  }
0x1f3: {  	s30 =	simm.s32 $0x280;
	[sflag:s24] =	ssyncadd.s32 $0xFFFFC000  }
0x1f4: {  	[tilespmem:s18], [sflag:$0x2] =	stream.indirect.gather [hbm4b:s2+s15], $0x80, s30, s15, $0xb8;
	[tilespmem:$0x1D000] =	vst v63  }
0x1f5: {  	_ =	swait.ge [sflag:s19], $0x4000  }
0x1f6: {  	[sflag:s19] =	ssyncset.done $0x0  }
0x1f7: {  	s31 =	simm.s32 $0xA80;
	[sflag:s19] =	ssyncadd.s32 $0xFFFFC000  }
0x1f8: {  	[spmem:s3] =	stream.indirect.scatter.add.f32 [tilespmem:s18], [sflag:$0x4], $0x80, s31, s15, $0xb8;
	[tilespmem:$0x1D000] =	vst v63  }
0x1f9: {  	_ =	swait.ge [sflag:s21], $0x4000  }
0x1fa: {  	[sflag:s21] =	ssyncset.done $0x0  }
0x1fb: {  	s1 =	simm.s32 $0x300;
	[sflag:s21] =	ssyncadd.s32 $0xFFFFC000  }
0x1fc: {  	[tilespmem:s16], [sflag:$0x1] =	stream.indirect.gather [hbm4b:s2+s15], $0x80, s1, s15, $0xb8;
	[tilespmem:$0x1D000] =	vst v63  }
0x1fd: {  	_ =	swait.ge [sflag:s17], $0x4000  }
0x1fe: {  	[sflag:s17] =	ssyncset.done $0x0  }
0x1ff: {  	s0 =	simm.s32 $0xB00;
	[sflag:s17] =	ssyncadd.s32 $0xFFFFC000  }
0x200: {  	[spmem:s3] =	stream.indirect.scatter.add.f32 [tilespmem:s16], [sflag:$0x3], $0x80, s0, s15, $0xb8;
	[tilespmem:$0x1D000] =	vst v63  }
0x201: {  	_ =	swait.ge [sflag:s24], $0x4000  }
0x202: {  	[sflag:s24] =	ssyncset.done $0x0  }
0x203: {  	s6 =	simm.s32 $0x380;
	[sflag:s24] =	ssyncadd.s32 $0xFFFFC000  }
0x204: {  	[tilespmem:s18], [sflag:$0x2] =	stream.indirect.gather [hbm4b:s2+s15], $0x80, s6, s15, $0xb8;
	[tilespmem:$0x1D000] =	vst v63  }
0x205: {  	_ =	swait.ge [sflag:s19], $0x4000  }
0x206: {  	[sflag:s19] =	ssyncset.done $0x0  }
0x207: {  	s8 =	simm.s32 $0xB80;
	[sflag:s19] =	ssyncadd.s32 $0xFFFFC000  }
0x208: {  	[spmem:s3] =	stream.indirect.scatter.add.f32 [tilespmem:s18], [sflag:$0x4], $0x80, s8, s15, $0xb8;
	[tilespmem:$0x1D000] =	vst v63  }
0x209: {  	_ =	swait.ge [sflag:s21], $0x4000  }
0x20a: {  	[sflag:s21] =	ssyncset.done $0x0  }
0x20b: {  	s9 =	simm.s32 $0x400;
	[sflag:s21] =	ssyncadd.s32 $0xFFFFC000  }
0x20c: {  	[tilespmem:s16], [sflag:$0x1] =	stream.indirect.gather [hbm4b:s2+s15], $0x80, s9, s15, $0xb8;
	[tilespmem:$0x1D000] =	vst v63  }
0x20d: {  	_ =	swait.ge [sflag:s17], $0x4000  }
0x20e: {  	[sflag:s17] =	ssyncset.done $0x0  }
0x20f: {  	s12 =	simm.s32 $0xC00;
	[sflag:s17] =	ssyncadd.s32 $0xFFFFC000  }
0x210: {  	[spmem:s3] =	stream.indirect.scatter.add.f32 [tilespmem:s16], [sflag:$0x3], $0x80, s12, s15, $0xb8;
	[tilespmem:$0x1D000] =	vst v63  }
0x211: {  	_ =	swait.ge [sflag:s24], $0x4000  }
0x212: {  	[sflag:s24] =	ssyncset.done $0x0  }
0x213: {  	s20 =	simm.s32 $0x480;
	[sflag:s24] =	ssyncadd.s32 $0xFFFFC000  }
0x214: {  	[tilespmem:s18], [sflag:$0x2] =	stream.indirect.gather [hbm4b:s2+s15], $0x80, s20, s15, $0xb8;
	[tilespmem:$0x1D000] =	vst v63  }
0x215: {  	_ =	swait.ge [sflag:s19], $0x4000  }
0x216: {  	[sflag:s19] =	ssyncset.done $0x0  }
0x217: {  	s22 =	simm.s32 $0xC80;
	[sflag:s19] =	ssyncadd.s32 $0xFFFFC000  }
0x218: {  	[spmem:s3] =	stream.indirect.scatter.add.f32 [tilespmem:s18], [sflag:$0x4], $0x80, s22, s15, $0xb8;
	[tilespmem:$0x1D000] =	vst v63  }
0x219: {  	_ =	swait.ge [sflag:s21], $0x4000  }
0x21a: {  	[sflag:s21] =	ssyncset.done $0x0  }
0x21b: {  	s9 =	simm.s32 $0x500;
	[sflag:s21] =	ssyncadd.s32 $0xFFFFC000  }
0x21c: {  	[tilespmem:s16], [sflag:$0x1] =	stream.indirect.gather [hbm4b:s2+s15], $0x80, s9, s15, $0xb8;
	[tilespmem:$0x1D000] =	vst v63  }
0x21d: {  	_ =	swait.ge [sflag:s17], $0x4000  }
0x21e: {  	[sflag:s17] =	ssyncset.done $0x0  }
0x21f: {  	s12 =	simm.s32 $0xD00;
	[sflag:s17] =	ssyncadd.s32 $0xFFFFC000  }
0x220: {  	[spmem:s3] =	stream.indirect.scatter.add.f32 [tilespmem:s16], [sflag:$0x3], $0x80, s12, s15, $0xb8;
	[tilespmem:$0x1D000] =	vst v63  }
0x221: {  	_ =	swait.ge [sflag:s24], $0x4000  }
0x222: {  	[sflag:s24] =	ssyncset.done $0x0  }
0x223: {  	s20 =	simm.s32 $0x580;
	[sflag:s24] =	ssyncadd.s32 $0xFFFFC000  }
0x224: {  	[tilespmem:s18], [sflag:$0x2] =	stream.indirect.gather [hbm4b:s2+s15], $0x80, s20, s15, $0xb8;
	[tilespmem:$0x1D000] =	vst v63  }
0x225: {  	_ =	swait.ge [sflag:s19], $0x4000  }
0x226: {  	[sflag:s19] =	ssyncset.done $0x0  }
0x227: {  	s22 =	simm.s32 $0xD80;
	[sflag:s19] =	ssyncadd.s32 $0xFFFFC000  }
0x228: {  	[spmem:s3] =	stream.indirect.scatter.add.f32 [tilespmem:s18], [sflag:$0x4], $0x80, s22, s15, $0xb8;
	[tilespmem:$0x1D000] =	vst v63  }
0x229: {  	_ =	swait.ge [sflag:s21], $0x4000  }
0x22a: {  	[sflag:s21] =	ssyncset.done $0x0  }
0x22b: {  	s9 =	simm.s32 $0x600;
	[sflag:s21] =	ssyncadd.s32 $0xFFFFC000  }
0x22c: {  	[tilespmem:s16], [sflag:$0x1] =	stream.indirect.gather [hbm4b:s2+s15], $0x80, s9, s15, $0xb8;
	[tilespmem:$0x1D000] =	vst v63  }
0x22d: {  	_ =	swait.ge [sflag:s17], $0x4000  }
0x22e: {  	[sflag:s17] =	ssyncset.done $0x0  }
0x22f: {  	s12 =	simm.s32 $0xE00;
	[sflag:s17] =	ssyncadd.s32 $0xFFFFC000  }
0x230: {  	[spmem:s3] =	stream.indirect.scatter.add.f32 [tilespmem:s16], [sflag:$0x3], $0x80, s12, s15, $0xb8;
	[tilespmem:$0x1D000] =	vst v63  }
0x231: {  	_ =	swait.ge [sflag:s24], $0x4000  }
0x232: {  	[sflag:s24] =	ssyncset.done $0x0  }
0x233: {  	s20 =	simm.s32 $0x680;
	[sflag:s24] =	ssyncadd.s32 $0xFFFFC000  }
0x234: {  	[tilespmem:s18], [sflag:$0x2] =	stream.indirect.gather [hbm4b:s2+s15], $0x80, s20, s15, $0xb8;
	[tilespmem:$0x1D000] =	vst v63  }
0x235: {  	_ =	swait.ge [sflag:s19], $0x4000  }
0x236: {  	[sflag:s19] =	ssyncset.done $0x0  }
0x237: {  	s22 =	simm.s32 $0xE80;
	[sflag:s19] =	ssyncadd.s32 $0xFFFFC000  }
0x238: {  	[spmem:s3] =	stream.indirect.scatter.add.f32 [tilespmem:s18], [sflag:$0x4], $0x80, s22, s15, $0xb8;
	[tilespmem:$0x1D000] =	vst v63  }
0x239: {  	_ =	swait.ge [sflag:s21], $0x4000  }
0x23a: {  	[sflag:s21] =	ssyncset.done $0x0  }
0x23b: {  	s9 =	simm.s32 $0x700;
	[sflag:s21] =	ssyncadd.s32 $0xFFFFC000  }
0x23c: {  	[tilespmem:s16], [sflag:$0x1] =	stream.indirect.gather [hbm4b:s2+s15], $0x80, s9, s15, $0xb8;
	[tilespmem:$0x1D000] =	vst v63  }
0x23d: {  	_ =	swait.ge [sflag:s17], $0x4000  }
0x23e: {  	[sflag:s17] =	ssyncset.done $0x0  }
0x23f: {  	s12 =	simm.s32 $0xF00;
	[sflag:s17] =	ssyncadd.s32 $0xFFFFC000  }
0x240: {  	[spmem:s3] =	stream.indirect.scatter.add.f32 [tilespmem:s16], [sflag:$0x3], $0x80, s12, s15, $0xb8;
	[tilespmem:$0x1D000] =	vst v63  }
0x241: {  	_ =	swait.ge [sflag:s24], $0x4000  }
0x242: {  	[sflag:s24] =	ssyncset.done $0x0  }
0x243: {  	s20 =	simm.s32 $0x780;
	[sflag:s24] =	ssyncadd.s32 $0xFFFFC000  }
0x244: {  	[tilespmem:s18], [sflag:$0x2] =	stream.indirect.gather [hbm4b:s2+s15], $0x80, s20, s15, $0xb8;
	[tilespmem:$0x1D000] =	vst v63  }
0x245: {  	_ =	swait.ge [sflag:s19], $0x4000  }
0x246: {  	[sflag:s19] =	ssyncset.done $0x0  }
0x247: {  	s22 =	simm.s32 $0xF80;
	[sflag:s19] =	ssyncadd.s32 $0xFFFFC000  }
0x248: {  	[spmem:s3] =	stream.indirect.scatter.add.f32 [tilespmem:s18], [sflag:$0x4], $0x80, s22, s15, $0xb8;
	[tilespmem:$0x1D000] =	vst v63  }
0x249: {  	_ =	swait.ge [sflag:s21], $0x4000  }
0x24a: {  	[sflag:s21] =	ssyncset.done $0x0  }
0x24b: {  	[sflag:s21] =	ssyncadd.s32 $0xFFFFC000  }
0x24c: {  	_ =	swait.ge [sflag:s24], $0x4000  }
0x24d: {  	s7 =	simm.s32 $0x200;
	s9 =	simm.s32 $0x100;
	[sflag:s24] =	ssyncset.done $0x0  }
.LBB2_3:
0x24e: {  	s20 =	sadd.s32 s9, s11  }
0x24f: {  	[sflag:s24] =	ssyncadd.s32 $0xFFFFC000;
	s22 =	smov.u32 s7;
	s12 =	sadd.s32 $0x100, s7  }
0x250: {  	[tilespmem:s4], [sflag:$0x5] =	stream.linear.gather [hbm4b:s20+s4], $0x800, $0x38;
	[tilespmem:$0x1D000] =	vst v63  }
0x251: {  	s20 =	simm.s32 $0x880  }
0x252: {  	p1 =	seq.s32 s7, $0x900;
	_ =	swait.ge [sflag:s13], $0x800  }
0x253: {  	s7 =	sadd.s32 s9, s10;
	[sflag:s13] =	ssyncset.done $0x0  }
0x254: {  	s9 =	smov.u32 s22;
	s22 =	simm.s32 $0x100;
	[sflag:s13] =	ssyncadd.s32 $0xFFFFF800  }
0x255: {  	[tilespmem:s14], [sflag:$0x5] =	stream.linear.gather [hbm4b:s7+s4], $0x800, $0x38;
	[tilespmem:$0x1D000] =	vst v63  }
0x256: {  	_ =	swait.ge [sflag:s13], $0x800  }
0x257: {  	[sflag:s13] =	ssyncset.done $0x0  }
0x258: {  	[sflag:s13] =	ssyncadd.s32 $0xFFFFF800  }
0x259: {  	[tilespmem:s16], [sflag:$0x1] =	stream.indirect.gather [hbm4b:s2+s15], $0x80, s4, s15, $0xb8;
	[tilespmem:$0x1D000] =	vst v63  }
0x25a: {  	_ =	swait.ge [sflag:s17], $0x4000  }
0x25b: {  	[sflag:s17] =	ssyncset.done $0x0  }
0x25c: {  	[sflag:s17] =	ssyncadd.s32 $0xFFFFC000  }
0x25d: {  	[spmem:s3] =	stream.indirect.scatter.add.f32 [tilespmem:s16], [sflag:$0x3], $0x80, s14, s15, $0xb8;
	[tilespmem:$0x1D000] =	vst v63  }
0x25e: {  	_ = 	snop  }
0x25f: {  	[tilespmem:s18], [sflag:$0x2] =	stream.indirect.gather [hbm4b:s2+s15], $0x80, s15, s15, $0xb8;
	[tilespmem:$0x1D000] =	vst v63  }
0x260: {  	_ =	swait.ge [sflag:s19], $0x4000  }
0x261: {  	[sflag:s19] =	ssyncset.done $0x0  }
0x262: {  	[sflag:s19] =	ssyncadd.s32 $0xFFFFC000  }
0x263: {  	[spmem:s3] =	stream.indirect.scatter.add.f32 [tilespmem:s18], [sflag:$0x4], $0x80, s20, s15, $0xb8;
	[tilespmem:$0x1D000] =	vst v63  }
0x264: {  	_ =	swait.ge [sflag:s21], $0x4000  }
0x265: {  	[sflag:s21] =	ssyncset.done $0x0  }
0x266: {  	[sflag:s21] =	ssyncadd.s32 $0xFFFFC000  }
0x267: {  	[tilespmem:s16], [sflag:$0x1] =	stream.indirect.gather [hbm4b:s2+s15], $0x80, s22, s15, $0xb8;
	[tilespmem:$0x1D000] =	vst v63  }
0x268: {  	_ =	swait.ge [sflag:s17], $0x4000  }
0x269: {  	[sflag:s17] =	ssyncset.done $0x0  }
0x26a: {  	[sflag:s17] =	ssyncadd.s32 $0xFFFFC000  }
0x26b: {  	[spmem:s3] =	stream.indirect.scatter.add.f32 [tilespmem:s16], [sflag:$0x3], $0x80, s23, s15, $0xb8;
	[tilespmem:$0x1D000] =	vst v63  }
0x26c: {  	_ =	swait.ge [sflag:s24], $0x4000  }
0x26d: {  	[sflag:s24] =	ssyncset.done $0x0  }
0x26e: {  	[sflag:s24] =	ssyncadd.s32 $0xFFFFC000  }
0x26f: {  	[tilespmem:s18], [sflag:$0x2] =	stream.indirect.gather [hbm4b:s2+s15], $0x80, s25, s15, $0xb8;
	[tilespmem:$0x1D000] =	vst v63  }
0x270: {  	_ =	swait.ge [sflag:s19], $0x4000  }
0x271: {  	[sflag:s19] =	ssyncset.done $0x0  }
0x272: {  	[sflag:s19] =	ssyncadd.s32 $0xFFFFC000  }
0x273: {  	[spmem:s3] =	stream.indirect.scatter.add.f32 [tilespmem:s18], [sflag:$0x4], $0x80, s26, s15, $0xb8;
	[tilespmem:$0x1D000] =	vst v63  }
0x274: {  	_ =	swait.ge [sflag:s21], $0x4000  }
0x275: {  	[sflag:s21] =	ssyncset.done $0x0  }
0x276: {  	[sflag:s21] =	ssyncadd.s32 $0xFFFFC000  }
0x277: {  	[tilespmem:s16], [sflag:$0x1] =	stream.indirect.gather [hbm4b:s2+s15], $0x80, s28, s15, $0xb8;
	[tilespmem:$0x1D000] =	vst v63  }
0x278: {  	_ =	swait.ge [sflag:s17], $0x4000  }
0x279: {  	[sflag:s17] =	ssyncset.done $0x0  }
0x27a: {  	[sflag:s17] =	ssyncadd.s32 $0xFFFFC000  }
0x27b: {  	[spmem:s3] =	stream.indirect.scatter.add.f32 [tilespmem:s16], [sflag:$0x3], $0x80, s29, s15, $0xb8;
	[tilespmem:$0x1D000] =	vst v63  }
0x27c: {  	_ =	swait.ge [sflag:s24], $0x4000  }
0x27d: {  	[sflag:s24] =	ssyncset.done $0x0  }
0x27e: {  	[sflag:s24] =	ssyncadd.s32 $0xFFFFC000  }
0x27f: {  	[tilespmem:s18], [sflag:$0x2] =	stream.indirect.gather [hbm4b:s2+s15], $0x80, s30, s15, $0xb8;
	[tilespmem:$0x1D000] =	vst v63  }
0x280: {  	_ =	swait.ge [sflag:s19], $0x4000  }
0x281: {  	[sflag:s19] =	ssyncset.done $0x0  }
0x282: {  	[sflag:s19] =	ssyncadd.s32 $0xFFFFC000  }
0x283: {  	[spmem:s3] =	stream.indirect.scatter.add.f32 [tilespmem:s18], [sflag:$0x4], $0x80, s31, s15, $0xb8;
	[tilespmem:$0x1D000] =	vst v63  }
0x284: {  	_ =	swait.ge [sflag:s21], $0x4000  }
0x285: {  	[sflag:s21] =	ssyncset.done $0x0  }
0x286: {  	[sflag:s21] =	ssyncadd.s32 $0xFFFFC000  }
0x287: {  	[tilespmem:s16], [sflag:$0x1] =	stream.indirect.gather [hbm4b:s2+s15], $0x80, s1, s15, $0xb8;
	[tilespmem:$0x1D000] =	vst v63  }
0x288: {  	_ =	swait.ge [sflag:s17], $0x4000  }
0x289: {  	[sflag:s17] =	ssyncset.done $0x0  }
0x28a: {  	[sflag:s17] =	ssyncadd.s32 $0xFFFFC000  }
0x28b: {  	[spmem:s3] =	stream.indirect.scatter.add.f32 [tilespmem:s16], [sflag:$0x3], $0x80, s0, s15, $0xb8;
	[tilespmem:$0x1D000] =	vst v63  }
0x28c: {  	_ =	swait.ge [sflag:s24], $0x4000  }
0x28d: {  	[sflag:s24] =	ssyncset.done $0x0  }
0x28e: {  	[sflag:s24] =	ssyncadd.s32 $0xFFFFC000  }
0x28f: {  	[tilespmem:s18], [sflag:$0x2] =	stream.indirect.gather [hbm4b:s2+s15], $0x80, s6, s15, $0xb8;
	[tilespmem:$0x1D000] =	vst v63  }
0x290: {  	_ =	swait.ge [sflag:s19], $0x4000  }
0x291: {  	[sflag:s19] =	ssyncset.done $0x0  }
0x292: {  	[sflag:s19] =	ssyncadd.s32 $0xFFFFC000  }
0x293: {  	[spmem:s3] =	stream.indirect.scatter.add.f32 [tilespmem:s18], [sflag:$0x4], $0x80, s8, s15, $0xb8;
	[tilespmem:$0x1D000] =	vst v63  }
0x294: {  	_ =	swait.ge [sflag:s21], $0x4000  }
0x295: {  	[sflag:s21] =	ssyncset.done $0x0  }
0x296: {  	s7 =	simm.s32 $0x400;
	[sflag:s21] =	ssyncadd.s32 $0xFFFFC000  }
0x297: {  	[tilespmem:s16], [sflag:$0x1] =	stream.indirect.gather [hbm4b:s2+s15], $0x80, s7, s15, $0xb8;
	[tilespmem:$0x1D000] =	vst v63  }
0x298: {  	_ =	swait.ge [sflag:s17], $0x4000  }
0x299: {  	[sflag:s17] =	ssyncset.done $0x0  }
0x29a: {  	s7 =	simm.s32 $0xC00;
	[sflag:s17] =	ssyncadd.s32 $0xFFFFC000  }
0x29b: {  	[spmem:s3] =	stream.indirect.scatter.add.f32 [tilespmem:s16], [sflag:$0x3], $0x80, s7, s15, $0xb8;
	[tilespmem:$0x1D000] =	vst v63  }
0x29c: {  	_ =	swait.ge [sflag:s24], $0x4000  }
0x29d: {  	[sflag:s24] =	ssyncset.done $0x0  }
0x29e: {  	s7 =	simm.s32 $0x480;
	[sflag:s24] =	ssyncadd.s32 $0xFFFFC000  }
0x29f: {  	[tilespmem:s18], [sflag:$0x2] =	stream.indirect.gather [hbm4b:s2+s15], $0x80, s7, s15, $0xb8;
	[tilespmem:$0x1D000] =	vst v63  }
0x2a0: {  	_ =	swait.ge [sflag:s19], $0x4000  }
0x2a1: {  	[sflag:s19] =	ssyncset.done $0x0  }
0x2a2: {  	s7 =	simm.s32 $0xC80;
	[sflag:s19] =	ssyncadd.s32 $0xFFFFC000  }
0x2a3: {  	[spmem:s3] =	stream.indirect.scatter.add.f32 [tilespmem:s18], [sflag:$0x4], $0x80, s7, s15, $0xb8;
	[tilespmem:$0x1D000] =	vst v63  }
0x2a4: {  	_ =	swait.ge [sflag:s21], $0x4000  }
0x2a5: {  	[sflag:s21] =	ssyncset.done $0x0  }
0x2a6: {  	s7 =	simm.s32 $0x500;
	[sflag:s21] =	ssyncadd.s32 $0xFFFFC000  }
0x2a7: {  	[tilespmem:s16], [sflag:$0x1] =	stream.indirect.gather [hbm4b:s2+s15], $0x80, s7, s15, $0xb8;
	[tilespmem:$0x1D000] =	vst v63  }
0x2a8: {  	_ =	swait.ge [sflag:s17], $0x4000  }
0x2a9: {  	[sflag:s17] =	ssyncset.done $0x0  }
0x2aa: {  	s7 =	simm.s32 $0xD00;
	[sflag:s17] =	ssyncadd.s32 $0xFFFFC000  }
0x2ab: {  	[spmem:s3] =	stream.indirect.scatter.add.f32 [tilespmem:s16], [sflag:$0x3], $0x80, s7, s15, $0xb8;
	[tilespmem:$0x1D000] =	vst v63  }
0x2ac: {  	_ =	swait.ge [sflag:s24], $0x4000  }
0x2ad: {  	[sflag:s24] =	ssyncset.done $0x0  }
0x2ae: {  	s7 =	simm.s32 $0x580;
	[sflag:s24] =	ssyncadd.s32 $0xFFFFC000  }
0x2af: {  	[tilespmem:s18], [sflag:$0x2] =	stream.indirect.gather [hbm4b:s2+s15], $0x80, s7, s15, $0xb8;
	[tilespmem:$0x1D000] =	vst v63  }
0x2b0: {  	_ =	swait.ge [sflag:s19], $0x4000  }
0x2b1: {  	[sflag:s19] =	ssyncset.done $0x0  }
0x2b2: {  	s7 =	simm.s32 $0xD80;
	[sflag:s19] =	ssyncadd.s32 $0xFFFFC000  }
0x2b3: {  	[spmem:s3] =	stream.indirect.scatter.add.f32 [tilespmem:s18], [sflag:$0x4], $0x80, s7, s15, $0xb8;
	[tilespmem:$0x1D000] =	vst v63  }
0x2b4: {  	_ =	swait.ge [sflag:s21], $0x4000  }
0x2b5: {  	[sflag:s21] =	ssyncset.done $0x0  }
0x2b6: {  	s7 =	simm.s32 $0x600;
	[sflag:s21] =	ssyncadd.s32 $0xFFFFC000  }
0x2b7: {  	[tilespmem:s16], [sflag:$0x1] =	stream.indirect.gather [hbm4b:s2+s15], $0x80, s7, s15, $0xb8;
	[tilespmem:$0x1D000] =	vst v63  }
0x2b8: {  	_ =	swait.ge [sflag:s17], $0x4000  }
0x2b9: {  	[sflag:s17] =	ssyncset.done $0x0  }
0x2ba: {  	s7 =	simm.s32 $0xE00;
	[sflag:s17] =	ssyncadd.s32 $0xFFFFC000  }
0x2bb: {  	[spmem:s3] =	stream.indirect.scatter.add.f32 [tilespmem:s16], [sflag:$0x3], $0x80, s7, s15, $0xb8;
	[tilespmem:$0x1D000] =	vst v63  }
0x2bc: {  	_ =	swait.ge [sflag:s24], $0x4000  }
0x2bd: {  	[sflag:s24] =	ssyncset.done $0x0  }
0x2be: {  	s7 =	simm.s32 $0x680;
	[sflag:s24] =	ssyncadd.s32 $0xFFFFC000  }
0x2bf: {  	[tilespmem:s18], [sflag:$0x2] =	stream.indirect.gather [hbm4b:s2+s15], $0x80, s7, s15, $0xb8;
	[tilespmem:$0x1D000] =	vst v63  }
0x2c0: {  	_ =	swait.ge [sflag:s19], $0x4000  }
0x2c1: {  	[sflag:s19] =	ssyncset.done $0x0  }
0x2c2: {  	s7 =	simm.s32 $0xE80;
	[sflag:s19] =	ssyncadd.s32 $0xFFFFC000  }
0x2c3: {  	[spmem:s3] =	stream.indirect.scatter.add.f32 [tilespmem:s18], [sflag:$0x4], $0x80, s7, s15, $0xb8;
	[tilespmem:$0x1D000] =	vst v63  }
0x2c4: {  	_ =	swait.ge [sflag:s21], $0x4000  }
0x2c5: {  	[sflag:s21] =	ssyncset.done $0x0  }
0x2c6: {  	s7 =	simm.s32 $0x700;
	[sflag:s21] =	ssyncadd.s32 $0xFFFFC000  }
0x2c7: {  	[tilespmem:s16], [sflag:$0x1] =	stream.indirect.gather [hbm4b:s2+s15], $0x80, s7, s15, $0xb8;
	[tilespmem:$0x1D000] =	vst v63  }
0x2c8: {  	_ =	swait.ge [sflag:s17], $0x4000  }
0x2c9: {  	[sflag:s17] =	ssyncset.done $0x0  }
0x2ca: {  	s7 =	simm.s32 $0xF00;
	[sflag:s17] =	ssyncadd.s32 $0xFFFFC000  }
0x2cb: {  	[spmem:s3] =	stream.indirect.scatter.add.f32 [tilespmem:s16], [sflag:$0x3], $0x80, s7, s15, $0xb8;
	[tilespmem:$0x1D000] =	vst v63  }
0x2cc: {  	_ =	swait.ge [sflag:s24], $0x4000  }
0x2cd: {  	[sflag:s24] =	ssyncset.done $0x0  }
0x2ce: {  	s7 =	simm.s32 $0x780;
	[sflag:s24] =	ssyncadd.s32 $0xFFFFC000  }
0x2cf: {  	[tilespmem:s18], [sflag:$0x2] =	stream.indirect.gather [hbm4b:s2+s15], $0x80, s7, s15, $0xb8;
	[tilespmem:$0x1D000] =	vst v63  }
0x2d0: {  	_ =	swait.ge [sflag:s19], $0x4000  }
0x2d1: {  	[sflag:s19] =	ssyncset.done $0x0  }
0x2d2: {  	s7 =	simm.s32 $0xF80;
	[sflag:s19] =	ssyncadd.s32 $0xFFFFC000  }
0x2d3: {  	[spmem:s3] =	stream.indirect.scatter.add.f32 [tilespmem:s18], [sflag:$0x4], $0x80, s7, s15, $0xb8;
	[tilespmem:$0x1D000] =	vst v63  }
.Ltmp5:
0x2d4: {  	_ =	swait.ge [sflag:s21], $0x4000;
	(pc) =	sbr.rel @!p1 .LBB2_3-.Ltmp5, $4  }
0x2d5: {  	[sflag:s21] =	ssyncset.done $0x0  }
0x2d6: {  	[sflag:s21] =	ssyncadd.s32 $0xFFFFC000  }
0x2d7: {  	_ =	swait.ge [sflag:s24], $0x4000  }
0x2d8: {  	s7 =	smov.u32 s12;
	[sflag:s24] =	ssyncset.done $0x0  }
0x2d9: {  	s7 =	sadd.s32 s9, s11;
	[sflag:s24] =	ssyncadd.s32 $0xFFFFC000  }
0x2da: {  	[tilespmem:s4], [sflag:$0x5] =	stream.linear.gather [hbm4b:s7+s4], $0x800, $0x38;
	[tilespmem:$0x1D000] =	vst v63  }
0x2db: {  	_ =	swait.ge [sflag:s13], $0x800  }
0x2dc: {  	[sflag:s13] =	ssyncset.done $0x0  }
0x2dd: {  	s12 =	sadd.s32 s9, s10;
	[sflag:s13] =	ssyncadd.s32 $0xFFFFF800  }
0x2de: {  	[tilespmem:s14], [sflag:$0x5] =	stream.linear.gather [hbm4b:s12+s4], $0x800, $0x38;
	[tilespmem:$0x1D000] =	vst v63  }
0x2df: {  	_ =	swait.ge [sflag:s13], $0x800  }
0x2e0: {  	[sflag:s13] =	ssyncset.done $0x0  }
0x2e1: {  	[sflag:s13] =	ssyncadd.s32 $0xFFFFF800  }
0x2e2: {  	[tilespmem:s16], [sflag:$0x1] =	stream.indirect.gather [hbm4b:s2+s15], $0x80, s4, s15, $0xb8;
	[tilespmem:$0x1D000] =	vst v63  }
0x2e3: {  	_ =	swait.ge [sflag:s17], $0x4000  }
0x2e4: {  	[sflag:s17] =	ssyncset.done $0x0  }
0x2e5: {  	[sflag:s17] =	ssyncadd.s32 $0xFFFFC000  }
0x2e6: {  	[spmem:s3] =	stream.indirect.scatter.add.f32 [tilespmem:s16], [sflag:$0x3], $0x80, s14, s15, $0xb8;
	[tilespmem:$0x1D000] =	vst v63  }
0x2e7: {  	_ = 	snop  }
0x2e8: {  	[tilespmem:s18], [sflag:$0x2] =	stream.indirect.gather [hbm4b:s2+s15], $0x80, s15, s15, $0xb8;
	[tilespmem:$0x1D000] =	vst v63  }
0x2e9: {  	_ =	swait.ge [sflag:s19], $0x4000  }
0x2ea: {  	[sflag:s19] =	ssyncset.done $0x0  }
0x2eb: {  	[sflag:s19] =	ssyncadd.s32 $0xFFFFC000  }
0x2ec: {  	[spmem:s3] =	stream.indirect.scatter.add.f32 [tilespmem:s18], [sflag:$0x4], $0x80, s20, s15, $0xb8;
	[tilespmem:$0x1D000] =	vst v63  }
0x2ed: {  	_ =	swait.ge [sflag:s21], $0x4000  }
0x2ee: {  	[sflag:s21] =	ssyncset.done $0x0  }
0x2ef: {  	[sflag:s21] =	ssyncadd.s32 $0xFFFFC000  }
0x2f0: {  	[tilespmem:s16], [sflag:$0x1] =	stream.indirect.gather [hbm4b:s2+s15], $0x80, s22, s15, $0xb8;
	[tilespmem:$0x1D000] =	vst v63  }
0x2f1: {  	_ =	swait.ge [sflag:s17], $0x4000  }
0x2f2: {  	[sflag:s17] =	ssyncset.done $0x0  }
0x2f3: {  	[sflag:s17] =	ssyncadd.s32 $0xFFFFC000  }
0x2f4: {  	[spmem:s3] =	stream.indirect.scatter.add.f32 [tilespmem:s16], [sflag:$0x3], $0x80, s23, s15, $0xb8;
	[tilespmem:$0x1D000] =	vst v63  }
0x2f5: {  	_ =	swait.ge [sflag:s24], $0x4000  }
0x2f6: {  	[sflag:s24] =	ssyncset.done $0x0  }
0x2f7: {  	[sflag:s24] =	ssyncadd.s32 $0xFFFFC000  }
0x2f8: {  	[tilespmem:s18], [sflag:$0x2] =	stream.indirect.gather [hbm4b:s2+s15], $0x80, s25, s15, $0xb8;
	[tilespmem:$0x1D000] =	vst v63  }
0x2f9: {  	_ =	swait.ge [sflag:s19], $0x4000  }
0x2fa: {  	[sflag:s19] =	ssyncset.done $0x0  }
0x2fb: {  	[sflag:s19] =	ssyncadd.s32 $0xFFFFC000  }
0x2fc: {  	[spmem:s3] =	stream.indirect.scatter.add.f32 [tilespmem:s18], [sflag:$0x4], $0x80, s26, s15, $0xb8;
	[tilespmem:$0x1D000] =	vst v63  }
0x2fd: {  	_ =	swait.ge [sflag:s21], $0x4000  }
0x2fe: {  	[sflag:s21] =	ssyncset.done $0x0  }
0x2ff: {  	[sflag:s21] =	ssyncadd.s32 $0xFFFFC000  }
0x300: {  	[tilespmem:s16], [sflag:$0x1] =	stream.indirect.gather [hbm4b:s2+s15], $0x80, s28, s15, $0xb8;
	[tilespmem:$0x1D000] =	vst v63  }
0x301: {  	_ =	swait.ge [sflag:s17], $0x4000  }
0x302: {  	[sflag:s17] =	ssyncset.done $0x0  }
0x303: {  	[sflag:s17] =	ssyncadd.s32 $0xFFFFC000  }
0x304: {  	[spmem:s3] =	stream.indirect.scatter.add.f32 [tilespmem:s16], [sflag:$0x3], $0x80, s29, s15, $0xb8;
	[tilespmem:$0x1D000] =	vst v63  }
0x305: {  	_ =	swait.ge [sflag:s24], $0x4000  }
0x306: {  	[sflag:s24] =	ssyncset.done $0x0  }
0x307: {  	[sflag:s24] =	ssyncadd.s32 $0xFFFFC000  }
0x308: {  	[tilespmem:s18], [sflag:$0x2] =	stream.indirect.gather [hbm4b:s2+s15], $0x80, s30, s15, $0xb8;
	[tilespmem:$0x1D000] =	vst v63  }
0x309: {  	_ =	swait.ge [sflag:s19], $0x4000  }
0x30a: {  	[sflag:s19] =	ssyncset.done $0x0  }
0x30b: {  	[sflag:s19] =	ssyncadd.s32 $0xFFFFC000  }
0x30c: {  	[spmem:s3] =	stream.indirect.scatter.add.f32 [tilespmem:s18], [sflag:$0x4], $0x80, s31, s15, $0xb8;
	[tilespmem:$0x1D000] =	vst v63  }
0x30d: {  	_ =	swait.ge [sflag:s21], $0x4000  }
0x30e: {  	[sflag:s21] =	ssyncset.done $0x0  }
0x30f: {  	[sflag:s21] =	ssyncadd.s32 $0xFFFFC000  }
0x310: {  	[tilespmem:s16], [sflag:$0x1] =	stream.indirect.gather [hbm4b:s2+s15], $0x80, s1, s15, $0xb8;
	[tilespmem:$0x1D000] =	vst v63  }
0x311: {  	_ =	swait.ge [sflag:s17], $0x4000  }
0x312: {  	[sflag:s17] =	ssyncset.done $0x0  }
0x313: {  	[sflag:s17] =	ssyncadd.s32 $0xFFFFC000  }
0x314: {  	[spmem:s3] =	stream.indirect.scatter.add.f32 [tilespmem:s16], [sflag:$0x3], $0x80, s0, s15, $0xb8;
	[tilespmem:$0x1D000] =	vst v63  }
0x315: {  	_ =	swait.ge [sflag:s24], $0x4000  }
0x316: {  	[sflag:s24] =	ssyncset.done $0x0  }
0x317: {  	[sflag:s24] =	ssyncadd.s32 $0xFFFFC000  }
0x318: {  	[tilespmem:s18], [sflag:$0x2] =	stream.indirect.gather [hbm4b:s2+s15], $0x80, s6, s15, $0xb8;
	[tilespmem:$0x1D000] =	vst v63  }
0x319: {  	_ =	swait.ge [sflag:s19], $0x4000  }
0x31a: {  	[sflag:s19] =	ssyncset.done $0x0  }
0x31b: {  	[sflag:s19] =	ssyncadd.s32 $0xFFFFC000  }
0x31c: {  	[spmem:s3] =	stream.indirect.scatter.add.f32 [tilespmem:s18], [sflag:$0x4], $0x80, s8, s15, $0xb8;
	[tilespmem:$0x1D000] =	vst v63  }
0x31d: {  	_ =	swait.ge [sflag:s21], $0x4000  }
0x31e: {  	[sflag:s21] =	ssyncset.done $0x0  }
0x31f: {  	s29 =	simm.s32 $0x400;
	[sflag:s21] =	ssyncadd.s32 $0xFFFFC000  }
0x320: {  	[tilespmem:s16], [sflag:$0x1] =	stream.indirect.gather [hbm4b:s2+s15], $0x80, s29, s15, $0xb8;
	[tilespmem:$0x1D000] =	vst v63  }
0x321: {  	_ =	swait.ge [sflag:s17], $0x4000  }
0x322: {  	[sflag:s17] =	ssyncset.done $0x0  }
0x323: {  	s30 =	simm.s32 $0xC00;
	[sflag:s17] =	ssyncadd.s32 $0xFFFFC000  }
0x324: {  	[spmem:s3] =	stream.indirect.scatter.add.f32 [tilespmem:s16], [sflag:$0x3], $0x80, s30, s15, $0xb8;
	[tilespmem:$0x1D000] =	vst v63  }
0x325: {  	_ =	swait.ge [sflag:s24], $0x4000  }
0x326: {  	[sflag:s24] =	ssyncset.done $0x0  }
0x327: {  	s31 =	simm.s32 $0x480;
	[sflag:s24] =	ssyncadd.s32 $0xFFFFC000  }
0x328: {  	[tilespmem:s18], [sflag:$0x2] =	stream.indirect.gather [hbm4b:s2+s15], $0x80, s31, s15, $0xb8;
	[tilespmem:$0x1D000] =	vst v63  }
0x329: {  	_ =	swait.ge [sflag:s19], $0x4000  }
0x32a: {  	[sflag:s19] =	ssyncset.done $0x0  }
0x32b: {  	s1 =	simm.s32 $0xC80;
	[sflag:s19] =	ssyncadd.s32 $0xFFFFC000  }
0x32c: {  	[spmem:s3] =	stream.indirect.scatter.add.f32 [tilespmem:s18], [sflag:$0x4], $0x80, s1, s15, $0xb8;
	[tilespmem:$0x1D000] =	vst v63  }
0x32d: {  	_ =	swait.ge [sflag:s21], $0x4000  }
0x32e: {  	[sflag:s21] =	ssyncset.done $0x0  }
0x32f: {  	s6 =	simm.s32 $0x500;
	[sflag:s21] =	ssyncadd.s32 $0xFFFFC000  }
0x330: {  	[tilespmem:s16], [sflag:$0x1] =	stream.indirect.gather [hbm4b:s2+s15], $0x80, s6, s15, $0xb8;
	[tilespmem:$0x1D000] =	vst v63  }
0x331: {  	_ =	swait.ge [sflag:s17], $0x4000  }
0x332: {  	[sflag:s17] =	ssyncset.done $0x0  }
0x333: {  	s7 =	simm.s32 $0xD00;
	[sflag:s17] =	ssyncadd.s32 $0xFFFFC000  }
0x334: {  	[spmem:s3] =	stream.indirect.scatter.add.f32 [tilespmem:s16], [sflag:$0x3], $0x80, s7, s15, $0xb8;
	[tilespmem:$0x1D000] =	vst v63  }
0x335: {  	_ =	swait.ge [sflag:s24], $0x4000  }
0x336: {  	[sflag:s24] =	ssyncset.done $0x0  }
0x337: {  	s8 =	simm.s32 $0x580;
	[sflag:s24] =	ssyncadd.s32 $0xFFFFC000  }
0x338: {  	[tilespmem:s18], [sflag:$0x2] =	stream.indirect.gather [hbm4b:s2+s15], $0x80, s8, s15, $0xb8;
	[tilespmem:$0x1D000] =	vst v63  }
0x339: {  	_ =	swait.ge [sflag:s19], $0x4000  }
0x33a: {  	[sflag:s19] =	ssyncset.done $0x0  }
0x33b: {  	s9 =	simm.s32 $0xD80;
	[sflag:s19] =	ssyncadd.s32 $0xFFFFC000  }
0x33c: {  	[spmem:s3] =	stream.indirect.scatter.add.f32 [tilespmem:s18], [sflag:$0x4], $0x80, s9, s15, $0xb8;
	[tilespmem:$0x1D000] =	vst v63  }
0x33d: {  	_ =	swait.ge [sflag:s21], $0x4000  }
0x33e: {  	[sflag:s21] =	ssyncset.done $0x0  }
0x33f: {  	s12 =	simm.s32 $0x600;
	[sflag:s21] =	ssyncadd.s32 $0xFFFFC000  }
0x340: {  	[tilespmem:s16], [sflag:$0x1] =	stream.indirect.gather [hbm4b:s2+s15], $0x80, s12, s15, $0xb8;
	[tilespmem:$0x1D000] =	vst v63  }
0x341: {  	_ =	swait.ge [sflag:s17], $0x4000  }
0x342: {  	[sflag:s17] =	ssyncset.done $0x0  }
0x343: {  	s23 =	simm.s32 $0xE00;
	[sflag:s17] =	ssyncadd.s32 $0xFFFFC000  }
0x344: {  	[spmem:s3] =	stream.indirect.scatter.add.f32 [tilespmem:s16], [sflag:$0x3], $0x80, s23, s15, $0xb8;
	[tilespmem:$0x1D000] =	vst v63  }
0x345: {  	_ =	swait.ge [sflag:s24], $0x4000  }
0x346: {  	[sflag:s24] =	ssyncset.done $0x0  }
0x347: {  	s25 =	simm.s32 $0x680;
	[sflag:s24] =	ssyncadd.s32 $0xFFFFC000  }
0x348: {  	[tilespmem:s18], [sflag:$0x2] =	stream.indirect.gather [hbm4b:s2+s15], $0x80, s25, s15, $0xb8;
	[tilespmem:$0x1D000] =	vst v63  }
0x349: {  	_ =	swait.ge [sflag:s19], $0x4000  }
0x34a: {  	[sflag:s19] =	ssyncset.done $0x0  }
0x34b: {  	s26 =	simm.s32 $0xE80;
	[sflag:s19] =	ssyncadd.s32 $0xFFFFC000  }
0x34c: {  	[spmem:s3] =	stream.indirect.scatter.add.f32 [tilespmem:s18], [sflag:$0x4], $0x80, s26, s15, $0xb8;
	[tilespmem:$0x1D000] =	vst v63  }
0x34d: {  	_ =	swait.ge [sflag:s21], $0x4000  }
0x34e: {  	[sflag:s21] =	ssyncset.done $0x0  }
0x34f: {  	s28 =	simm.s32 $0x700;
	[sflag:s21] =	ssyncadd.s32 $0xFFFFC000  }
0x350: {  	[tilespmem:s16], [sflag:$0x1] =	stream.indirect.gather [hbm4b:s2+s15], $0x80, s28, s15, $0xb8;
	[tilespmem:$0x1D000] =	vst v63  }
0x351: {  	_ =	swait.ge [sflag:s17], $0x4000  }
0x352: {  	[sflag:s17] =	ssyncset.done $0x0  }
0x353: {  	s29 =	simm.s32 $0xF00;
	[sflag:s17] =	ssyncadd.s32 $0xFFFFC000  }
0x354: {  	[spmem:s3] =	stream.indirect.scatter.add.f32 [tilespmem:s16], [sflag:$0x3], $0x80, s29, s15, $0xb8;
	[tilespmem:$0x1D000] =	vst v63  }
0x355: {  	_ =	swait.ge [sflag:s24], $0x4000  }
0x356: {  	[sflag:s24] =	ssyncset.done $0x0  }
0x357: {  	s30 =	simm.s32 $0x780;
	[sflag:s24] =	ssyncadd.s32 $0xFFFFC000  }
0x358: {  	[tilespmem:s18], [sflag:$0x2] =	stream.indirect.gather [hbm4b:s2+s15], $0x80, s30, s15, $0xb8;
	[tilespmem:$0x1D000] =	vst v63  }
0x359: {  	_ =	swait.ge [sflag:s19], $0x4000  }
0x35a: {  	[sflag:s19] =	ssyncset.done $0x0  }
0x35b: {  	s31 =	simm.s32 $0xF80;
	[sflag:s19] =	ssyncadd.s32 $0xFFFFC000  }
0x35c: {  	[spmem:s3] =	stream.indirect.scatter.add.f32 [tilespmem:s18], [sflag:$0x4], $0x80, s31, s15, $0xb8;
	[tilespmem:$0x1D000] =	vst v63  }
0x35d: {  	_ =	swait.ge [sflag:s21], $0x4000  }
.Ltmp6:
0x35e: {  	[sflag:s21] =	ssyncset.done $0x0;
	(pc) =	sbr.rel .LBB2_8-.Ltmp6, $4  }
0x35f: {  	[sflag:s21] =	ssyncadd.s32 $0xFFFFC000  }
0x360: {  	_ =	swait.ge [sflag:s24], $0x4000  }
0x361: {  	[sflag:s24] =	ssyncset.done $0x0  }
0x362: {  	s0 =	rddreg [dreg:$0x9];
	[sflag:s24] =	ssyncadd.s32 $0xFFFFC000  }
.LBB2_9:
0x363: {  	_ =	sfence.sel $0x180000  }
0x364: {  	[bflag:$0x0] =	sbarrier.arrive $0xFFFF  }
0x365: {  	_ =	strace $0x90000050  }
0x366: {  	s0 =	stileid.u32;
	[bflag:$0x2] =	sbarrier.arrive $0xFFFF  }
0x367: {  	p0 =	sne.s32 s0, $0x0;
	s0 =	rddreg [dreg:$0x3]  }
0x368: {  	s0 =	sadd.s32 @!p0 $0x100000, s0  }
0x369: {  	[sflag:s0] =	ssyncadd.tile.s32 @!p0 $0x1;
	_ =	shalt  }
.Lfunc_end2:
_tile_overlayer_lowered:
.L_overlay_start_2:
0x36a: {  	(tag) =	ssettag $0x2  }
0x36b: {  	s0 =	rddreg [dreg:$0x0];
	s2 =	stileid.u32  }
0x36c: {  	s1 =	rddreg [dreg:$0x1];
	p0 =	sne.s32 s2, $0x0  }
0x36d: {  	s3 =	rddreg [dreg:$0x2];
	[bflag:$0x3] =	sbarrier.arrive $0xFFFF;
	s2 =	simm.s32 @!p0 $0x1C05  }
0x36e: {  	[timem:s3], [sflag:s2] =	dma.local @!p0 [hbm:s0], s1  }
0x36f: {  	s0 =	simm.s32 @!p0 $0x5  }
0x370: {  	_ =	swait.ge @!p0 [sflag:s0], s1  }
0x371: {  	s1 =	ssub.s32 @!p0 $0x0, s1;
	[sflag:s0] =	ssyncset.done @!p0 $0x0  }
0x372: {  	[sflag:s0] =	ssyncadd.s32 @!p0 s1  }
0x373: {  	[bflag:$0x3] =	sbarrier.arrive $0xFFFF  }
0x374: {  	_ =	shalt  }

</sc_bundles>
